<compile_context>
chip_gen: v7x
topology: tpu7x:2x2x1
jax: 0.10.2.dev20260603
libtpu: 0.0.44.dev20260713+nightly
codegen_flags: <defaults>
</compile_context>

<pallas_src>
import functools

import jax
import jax.numpy as jnp
from jax import lax
from jax.experimental import pallas as pl
from jax.experimental.pallas import tpu as pltpu
from jax.experimental.pallas import tpu_sc as plsc

N = 10000
E = 320000
D = 128
ED = 16
H = 4
OUT = 128

NC = 2
NS = 16
L = 16

ET1 = E // NS
ET2 = E // (NC * NS)
C = 80
K1 = ET1 // C
K2 = ET2 // C
NPT = 624
NTAIL = N - NS * NPT


def _sc_body(ei_h, xsd_h, ea_h, xm_h, ew_h, zs_h, z128_h,
             out_h,
             s_sh, out_sh,
             idx2, xs_r, xd_r, ea_c, elv, att_c, s_r, xm_r, ew_c,
             sem_idx, sem_lin, sem_g, sem_s):
    c = lax.axis_index("c")
    t = lax.axis_index("s")
    lane = jnp.arange(L, dtype=jnp.int32)

    pltpu.sync_copy(zs_h.at[pl.ds(0, NPT)], s_sh.at[pl.ds(t * NPT, NPT)])
    pltpu.sync_copy(z128_h.at[pl.ds(0, NPT)], out_sh.at[pl.ds(t * NPT, NPT)])

    @pl.when(t == 0)
    def _zero_tail():
        pltpu.sync_copy(zs_h.at[pl.ds(0, NTAIL)],
                        s_sh.at[pl.ds(NS * NPT, NTAIL)])
        pltpu.sync_copy(z128_h.at[pl.ds(0, NTAIL)],
                        out_sh.at[pl.ds(NS * NPT, NTAIL)])

    plsc.subcore_barrier()

    for _zi in range(C):
        elv[_zi, :] = jnp.zeros((L,), jnp.float32)

    def p1(k, carry):
        e0 = t * ET1 + k * C
        d1 = pltpu.async_copy(ei_h.at[:, pl.ds(e0, C)], idx2, sem_idx)
        d3 = pltpu.async_copy(ea_h.at[pl.ds(e0, C)], ea_c, sem_lin)
        d1.wait()
        g1 = pltpu.async_copy(xsd_h.at[idx2.at[0]], xs_r, sem_g)
        g2 = pltpu.async_copy(xsd_h.at[idx2.at[1]], xd_r, sem_g)
        g1.wait()
        g2.wait()
        d3.wait()
        for i in range(C // L):
            row = lane + (i * L)
            for h in range(H):
                col = jnp.full((L,), h, jnp.int32)
                col4 = jnp.full((L,), h + 4, jnp.int32)
                l = (plsc.load_gather(xs_r, [row, col])
                     + plsc.load_gather(xd_r, [row, col4])
                     + plsc.load_gather(ea_c, [row, col]))
                l = jnp.where(l >= 0.0, l, 0.2 * l)
                plsc.store_scatter(elv, [row, col], jnp.exp(l))
        pltpu.sync_copy(elv, s_sh.at[idx2.at[1]], add=True)
        return carry

    lax.fori_loop(0, K1, p1, 0)
    plsc.subcore_barrier()

    def p2(k, carry):
        e0 = c * (E // NC) + t * ET2 + k * C
        d1 = pltpu.async_copy(ei_h.at[:, pl.ds(e0, C)], idx2, sem_idx)
        d3 = pltpu.async_copy(ea_h.at[pl.ds(e0, C)], ea_c, sem_lin)
        d4 = pltpu.async_copy(ew_h.at[pl.ds(e0, C)], ew_c, sem_lin)
        d1.wait()
        g1 = pltpu.async_copy(xsd_h.at[idx2.at[0]], xs_r, sem_g)
        g2 = pltpu.async_copy(xsd_h.at[idx2.at[1]], xd_r, sem_g)
        g3 = pltpu.async_copy(xm_h.at[idx2.at[0]], xm_r, sem_g)
        g4 = pltpu.async_copy(s_sh.at[idx2.at[1]], s_r, sem_s)
        g1.wait()
        g2.wait()
        g3.wait()
        g4.wait()
        d3.wait()
        d4.wait()
        for i in range(C // L):
            row = lane + (i * L)
            for h in range(H):
                col = jnp.full((L,), h, jnp.int32)
                col4 = jnp.full((L,), h + 4, jnp.int32)
                l = (plsc.load_gather(xs_r, [row, col])
                     + plsc.load_gather(xd_r, [row, col4])
                     + plsc.load_gather(ea_c, [row, col]))
                l = jnp.where(l >= 0.0, l, 0.2 * l)
                el = jnp.exp(l)
                sv = plsc.load_gather(s_r, [row, col])
                plsc.store_scatter(att_c, [row, col], el / (sv + 1e-9))

        def pe(e, carry2):
            ef = jnp.full((L,), e, jnp.int32)
            for hh in range(H):
                av = plsc.load_gather(att_c, [ef, jnp.full((L,), hh, jnp.int32)])
                for jj in range(32 // L):
                    j = hh * (32 // L) + jj
                    w = xm_r[e, pl.ds(j * L, L)] + ew_c[e, pl.ds(j * L, L)]
                    xm_r[e, pl.ds(j * L, L)] = w * av
            return carry2

        lax.fori_loop(0, C, pe, 0, unroll=4)
        pltpu.sync_copy(xm_r, out_sh.at[idx2.at[1]], add=True)
        return carry

    lax.fori_loop(0, K2, p2, 0)
    plsc.subcore_barrier()

    pltpu.sync_copy(out_sh.at[pl.ds(t * NPT, NPT)],
                    out_h.at[c, pl.ds(t * NPT, NPT)])

    @pl.when(t == 0)
    def _copy_tail():
        pltpu.sync_copy(out_sh.at[pl.ds(NS * NPT, NTAIL)],
                        out_h.at[c, pl.ds(NS * NPT, NTAIL)])


def _sc_call(ei, xsd16, ea4, xm, ew):
    zs = jnp.zeros((NPT, 16), jnp.float32)
    z128 = jnp.zeros((NPT, OUT), jnp.float32)
    f = pl.kernel(
        _sc_body,
        out_type=jax.ShapeDtypeStruct((NC, N, OUT), jnp.float32),
        mesh=plsc.VectorSubcoreMesh(core_axis_name="c", subcore_axis_name="s",
                                    num_cores=NC),
        compiler_params=pltpu.CompilerParams(needs_layout_passes=False,
                                             use_tc_tiling_on_sc=False),
        scratch_types=[
            pltpu.VMEM_SHARED((N, 16), jnp.float32),
            pltpu.VMEM_SHARED((N, OUT), jnp.float32),
            pltpu.VMEM((2, C), jnp.int32),
            pltpu.VMEM((C, 16), jnp.float32),
            pltpu.VMEM((C, 16), jnp.float32),
            pltpu.VMEM((C, 4), jnp.float32),
            pltpu.VMEM((C, 16), jnp.float32),
            pltpu.VMEM((C, 4), jnp.float32),
            pltpu.VMEM((C, 16), jnp.float32),
            pltpu.VMEM((C, OUT), jnp.float32),
            pltpu.VMEM((C, OUT), jnp.float32),
            pltpu.SemaphoreType.DMA,
            pltpu.SemaphoreType.DMA,
            pltpu.SemaphoreType.DMA,
            pltpu.SemaphoreType.DMA,
        ],
    )
    return f(ei, xsd16, ea4, xm, ew, zs, z128)



_NB = 10
_NBLK = N // _NB


def _node_body(x_ref, w1t_ref, wsdt_ref, xm_ref, xsd_ref):
    xb = x_ref[...]
    xm_ref[...] = jnp.dot(xb, w1t_ref[...], preferred_element_type=jnp.float32)
    xsd_ref[...] = jnp.dot(xb, wsdt_ref[...], preferred_element_type=jnp.float32)


def _node_call(x, w1t, wsdt):
    return pl.pallas_call(
        _node_body,
        grid=(_NB,),
        in_specs=[
            pl.BlockSpec((_NBLK, D), lambda i: (i, 0)),
            pl.BlockSpec((D, D), lambda i: (0, 0)),
            pl.BlockSpec((D, 8), lambda i: (0, 0)),
        ],
        out_specs=[
            pl.BlockSpec((_NBLK, OUT), lambda i: (i, 0)),
            pl.BlockSpec((_NBLK, 8), lambda i: (i, 0)),
        ],
        out_shape=[
            jax.ShapeDtypeStruct((N, OUT), jnp.float32),
            jax.ShapeDtypeStruct((N, 8), jnp.float32),
        ],
    )(x, w1t, wsdt)


_EB = 80
_EBLK = E // _EB


def _edge_body(ea_ref, w2t_ref, aet_ref, ew_ref, ea4_ref):
    a = ea_ref[...]
    ew_ref[...] = jnp.dot(a, w2t_ref[...], preferred_element_type=jnp.float32)
    ea4_ref[...] = jnp.dot(a, aet_ref[...], preferred_element_type=jnp.float32)


def _edge_call(edge_attr, w2t, aet):
    return pl.pallas_call(
        _edge_body,
        grid=(_EB,),
        in_specs=[
            pl.BlockSpec((_EBLK, ED), lambda i: (i, 0)),
            pl.BlockSpec((ED, OUT), lambda i: (0, 0)),
            pl.BlockSpec((ED, 8), lambda i: (0, 0)),
        ],
        out_specs=[
            pl.BlockSpec((_EBLK, OUT), lambda i: (i, 0)),
            pl.BlockSpec((_EBLK, 8), lambda i: (i, 0)),
        ],
        out_shape=[
            jax.ShapeDtypeStruct((E, OUT), jnp.float32),
            jax.ShapeDtypeStruct((E, 8), jnp.float32),
        ],
    )(edge_attr, w2t, aet)


def _final_body(p_ref, b_ref, g_ref, bt_ref, o_ref):
    s = p_ref[0] + p_ref[1] + b_ref[...]
    m = jnp.mean(s, axis=-1, keepdims=True)
    v = jnp.mean((s - m) ** 2, axis=-1, keepdims=True)
    o_ref[...] = (s - m) * lax.rsqrt(v + 1e-5) * g_ref[...] + bt_ref[...]


def _final_call(parts, bias, gamma, beta):
    return pl.pallas_call(
        _final_body,
        grid=(_NB,),
        in_specs=[
            pl.BlockSpec((NC, _NBLK, OUT), lambda i: (0, i, 0)),
            pl.BlockSpec((1, OUT), lambda i: (0, 0)),
            pl.BlockSpec((1, OUT), lambda i: (0, 0)),
            pl.BlockSpec((1, OUT), lambda i: (0, 0)),
        ],
        out_specs=pl.BlockSpec((_NBLK, OUT), lambda i: (i, 0)),
        out_shape=jax.ShapeDtypeStruct((N, OUT), jnp.float32),
    )(parts, bias, gamma, beta)


def kernel(x, edge_index, edge_attr, W_msg, W_att, bias, gamma, beta):
    w1t = W_msg[:, :D].T
    w2t = W_msg[:, D:].T
    wsdt = jnp.concatenate([W_att[:, :D], W_att[:, D:2 * D]], axis=0).T
    aet = jnp.pad(W_att[:, 2 * D:], ((0, 4), (0, 0))).T

    xm, xsd = _node_call(x, w1t, wsdt)
    ew, ea8 = _edge_call(edge_attr, w2t, aet)
    xsd16 = jnp.pad(xsd, ((0, 0), (0, 8)))
    ea4 = ea8[:, :4]

    parts = _sc_call(edge_index, xsd16, ea4, xm, ew)
    return _final_call(parts, bias.reshape(1, OUT), gamma.reshape(1, OUT),
                       beta.reshape(1, OUT))

# --- scband reference (transcript-rebuilt; emitter-appended) ---
"""Pipeline reference for scband-edge-aware-gatlayer-32238024524456 (READ-ONLY COPY).

The authoritative reference and input builder live on the scoring server;
editing this copy changes nothing except your own understanding.
"""

import jax, jax.numpy as jnp
import numpy as np

N = 10000
E = 320000
D = 128
ED = 16
H = 4
HD = 32
OUT = H * HD

def _xavier(key, shape):
    fan_out, fan_in = shape
    a = float(np.sqrt(6.0 / (fan_in + fan_out)))
    return jax.random.uniform(key, shape, dtype=jnp.float32, minval=-a, maxval=a)

def setup_inputs(seed: int = 0) -> dict:
    key = jax.random.key(seed)
    k1, k2, k3, k4, k5 = jax.random.split(key, 5)
    x = jax.random.normal(k1, (N, D), dtype=jnp.float32)
    edge_index = jax.random.randint(k2, (2, E), 0, N, dtype=jnp.int32)
    edge_attr = jax.random.normal(k3, (E, ED), dtype=jnp.float32)
    W_msg = _xavier(k4, (OUT, D + ED))
    W_att = _xavier(k5, (H, 2 * D + ED))
    bias = jnp.zeros((OUT,), dtype=jnp.float32)
    gamma = jnp.ones((OUT,), dtype=jnp.float32)
    beta = jnp.zeros((OUT,), dtype=jnp.float32)
    return {"x": x, "edge_index": edge_index, "edge_attr": edge_attr,
            "W_msg": W_msg, "W_att": W_att, "bias": bias,
            "gamma": gamma, "beta": beta}

def reference(x, edge_index, edge_attr, W_msg, W_att, bias, gamma, beta):
    src = edge_index[0]
    dst = edge_index[1]
    # message: W_msg . [h_u ; x_uv]
    msg_input = jnp.concatenate([x[src], edge_attr], axis=-1)
    msgs = msg_input @ W_msg.T              # (E, OUT)
    msgs = msgs.reshape(-1, H, HD)          # (E, H, HD)
    # attention logits: a^T LeakyReLU(W_a . [h_u ; h_v ; x_uv])
    att_input = jnp.concatenate([x[src], x[dst], edge_attr], axis=-1)
    att_logits = att_input @ W_att.T        # (E, H)
    att_logits = jnp.where(att_logits >= 0, att_logits, 0.2 * att_logits)
    # per-dst-node sparse softmax
    max_per_node = jax.ops.segment_max(att_logits, dst, num_segments=N)
    shifted = att_logits - max_per_node[dst]
    exp_l = jnp.exp(shifted)
    sum_per_node = jax.ops.segment_sum(exp_l, dst, num_segments=N)
    att = exp_l / (sum_per_node[dst] + 1e-9)
    # weighted scatter-add aggregation (dropout p=0 -> identity)
    weighted = (msgs * att[:, :, None]).reshape(-1, OUT)
    out = jax.ops.segment_sum(weighted, dst, num_segments=N)  # (N, OUT)
    out = out + bias
    # LayerNorm
    mean = jnp.mean(out, axis=-1, keepdims=True)
    var = jnp.mean((out - mean) ** 2, axis=-1, keepdims=True)
    out = (out - mean) / jnp.sqrt(var + 1e-5) * gamma + beta
    return out

if __name__ == "__main__":
    import jax
    _d = setup_inputs()
    print(jax.jit(kernel)(*tuple(_d.values())))

</pallas_src>

<mosaic_0001>
#map = affine_map<(d0, d1) -> (0, 0)>
#map1 = affine_map<(d0, d1) -> (0, 0, 0)>
module attributes {stable_mosaic.version = 14 : i64} {
  func.func @_sc_body(%arg0: i32, %arg1: i32, %arg2: memref<2x320000xi32, #tpu.memory_space<hbm>>, %arg3: memref<10000x16xf32, #tpu.memory_space<hbm>>, %arg4: memref<320000x4xf32, #tpu.memory_space<hbm>>, %arg5: memref<10000x128xf32, #tpu.memory_space<hbm>>, %arg6: memref<320000x128xf32, #tpu.memory_space<hbm>>, %arg7: memref<624x16xf32, #tpu.memory_space<hbm>>, %arg8: memref<624x128xf32, #tpu.memory_space<hbm>>, %arg9: memref<2x10000x128xf32, #tpu.memory_space<hbm>>, %arg10: memref<10000x16xf32, #tpu.memory_space<vmem_shared>>, %arg11: memref<10000x128xf32, #tpu.memory_space<vmem_shared>>, %arg12: memref<2x80xi32, #tpu.memory_space<vmem>>, %arg13: memref<80x16xf32, #tpu.memory_space<vmem>>, %arg14: memref<80x16xf32, #tpu.memory_space<vmem>>, %arg15: memref<80x4xf32, #tpu.memory_space<vmem>>, %arg16: memref<80x16xf32, #tpu.memory_space<vmem>>, %arg17: memref<80x4xf32, #tpu.memory_space<vmem>>, %arg18: memref<80x16xf32, #tpu.memory_space<vmem>>, %arg19: memref<80x128xf32, #tpu.memory_space<vmem>>, %arg20: memref<80x128xf32, #tpu.memory_space<vmem>>, %arg21: memref<!tpu.dma_semaphore, #tpu.memory_space<semaphore_mem>>, %arg22: memref<!tpu.dma_semaphore, #tpu.memory_space<semaphore_mem>>, %arg23: memref<!tpu.dma_semaphore, #tpu.memory_space<semaphore_mem>>, %arg24: memref<!tpu.dma_semaphore, #tpu.memory_space<semaphore_mem>>) attributes {dimension_semantics = [#tpu.dimension_semantics<core_parallel>, #tpu.dimension_semantics<subcore_parallel>], iteration_bounds = array<i64: 2, 16>, scalar_prefetch = 0 : i64, scratch_operands = 15 : i64, tpu.core_type = #tpu.core_type<sc_vector_subcore>, window_params = [{transform_indices = #map}, {transform_indices = #map}, {transform_indices = #map}, {transform_indices = #map}, {transform_indices = #map}, {transform_indices = #map}, {transform_indices = #map}, {transform_indices = #map1}]} {
    %iota3A = tpu.iota {dimensions = array<i32: 0>} : vector<16xi32>
    %mul3A = arith.constant 624 : i32
    %mul3A_0 = arith.muli %arg1, %mul3A : i32
    "tpu.region"() ({
      %run_scoped3A = tpu.sem_alloc : memref<!tpu.dma_semaphore, #tpu.memory_space<semaphore_mem>>
      %dma_start3A = arith.constant 0 : i32
      %dma_start3A_505 = tpu.memref_slice %arg10[%mul3A_0, %dma_start3A] : memref<10000x16xf32, #tpu.memory_space<vmem_shared>> -> memref<624x16xf32, #tpu.memory_space<vmem_shared>>
      %dma_start3A_506 = arith.constant 0 : i32
      %dma_start3A_507 = arith.constant 0 : i32
      %dma_start3A_508 = tpu.memref_slice %arg7[%dma_start3A_506, %dma_start3A_507] : memref<624x16xf32, #tpu.memory_space<hbm>> -> memref<624x16xf32, #tpu.memory_space<hbm>>
      tpu.enqueue_dma source(%dma_start3A_508 : memref<624x16xf32, #tpu.memory_space<hbm>>) target(%dma_start3A_505 : memref<624x16xf32, #tpu.memory_space<vmem_shared>>) target_semaphore(%run_scoped3A : memref<!tpu.dma_semaphore, #tpu.memory_space<semaphore_mem>>)
      %dma_wait3A = arith.constant 0 : i32
      %dma_wait3A_509 = tpu.memref_slice %arg10[%mul3A_0, %dma_wait3A] : memref<10000x16xf32, #tpu.memory_space<vmem_shared>> -> memref<624x16xf32, #tpu.memory_space<vmem_shared>>
      %dma_wait3A_510 = arith.constant 0 : i32
      %dma_wait3A_511 = arith.constant 0 : i32
      %dma_wait3A_512 = tpu.memref_slice %arg7[%dma_wait3A_510, %dma_wait3A_511] : memref<624x16xf32, #tpu.memory_space<hbm>> -> memref<624x16xf32, #tpu.memory_space<hbm>>
      tpu.wait_dma2 semaphore(%run_scoped3A : memref<!tpu.dma_semaphore, #tpu.memory_space<semaphore_mem>>) src(%dma_wait3A_512 : memref<624x16xf32, #tpu.memory_space<hbm>>) dst(%dma_wait3A_509 : memref<624x16xf32, #tpu.memory_space<vmem_shared>>)
      tpu.yield
    }) : () -> ()
    %mul3A_1 = arith.constant 624 : i32
    %mul3A_2 = arith.muli %arg1, %mul3A_1 : i32
    "tpu.region"() ({
      %run_scoped3A = tpu.sem_alloc : memref<!tpu.dma_semaphore, #tpu.memory_space<semaphore_mem>>
      %dma_start3A = arith.constant 0 : i32
      %dma_start3A_505 = tpu.memref_slice %arg11[%mul3A_2, %dma_start3A] : memref<10000x128xf32, #tpu.memory_space<vmem_shared>> -> memref<624x128xf32, #tpu.memory_space<vmem_shared>>
      %dma_start3A_506 = arith.constant 0 : i32
      %dma_start3A_507 = arith.constant 0 : i32
      %dma_start3A_508 = tpu.memref_slice %arg8[%dma_start3A_506, %dma_start3A_507] : memref<624x128xf32, #tpu.memory_space<hbm>> -> memref<624x128xf32, #tpu.memory_space<hbm>>
      tpu.enqueue_dma source(%dma_start3A_508 : memref<624x128xf32, #tpu.memory_space<hbm>>) target(%dma_start3A_505 : memref<624x128xf32, #tpu.memory_space<vmem_shared>>) target_semaphore(%run_scoped3A : memref<!tpu.dma_semaphore, #tpu.memory_space<semaphore_mem>>)
      %dma_wait3A = arith.constant 0 : i32
      %dma_wait3A_509 = tpu.memref_slice %arg11[%mul3A_2, %dma_wait3A] : memref<10000x128xf32, #tpu.memory_space<vmem_shared>> -> memref<624x128xf32, #tpu.memory_space<vmem_shared>>
      %dma_wait3A_510 = arith.constant 0 : i32
      %dma_wait3A_511 = arith.constant 0 : i32
      %dma_wait3A_512 = tpu.memref_slice %arg8[%dma_wait3A_510, %dma_wait3A_511] : memref<624x128xf32, #tpu.memory_space<hbm>> -> memref<624x128xf32, #tpu.memory_space<hbm>>
      tpu.wait_dma2 semaphore(%run_scoped3A : memref<!tpu.dma_semaphore, #tpu.memory_space<semaphore_mem>>) src(%dma_wait3A_512 : memref<624x128xf32, #tpu.memory_space<hbm>>) dst(%dma_wait3A_509 : memref<624x128xf32, #tpu.memory_space<vmem_shared>>)
      tpu.yield
    }) : () -> ()
    %eq3A = arith.constant 0 : i32
    %eq3A_3 = arith.cmpi eq, %arg1, %eq3A : i32
    %convert_element_type3A = arith.extui %eq3A_3 : i1 to i32
    %cond3A = arith.constant 0 : i32
    %cond3A_4 = arith.cmpi ne, %convert_element_type3A, %cond3A : i32
    scf.if %cond3A_4 {
      "tpu.region"() ({
        %run_scoped3A = tpu.sem_alloc : memref<!tpu.dma_semaphore, #tpu.memory_space<semaphore_mem>>
        %dma_start3A = arith.constant 9984 : i32
        %dma_start3A_505 = arith.constant 0 : i32
        %dma_start3A_506 = tpu.memref_slice %arg10[%dma_start3A, %dma_start3A_505] : memref<10000x16xf32, #tpu.memory_space<vmem_shared>> -> memref<16x16xf32, #tpu.memory_space<vmem_shared>>
        %dma_start3A_507 = arith.constant 0 : i32
        %dma_start3A_508 = arith.constant 0 : i32
        %dma_start3A_509 = tpu.memref_slice %arg7[%dma_start3A_507, %dma_start3A_508] : memref<624x16xf32, #tpu.memory_space<hbm>> -> memref<16x16xf32, #tpu.memory_space<hbm>>
        tpu.enqueue_dma source(%dma_start3A_509 : memref<16x16xf32, #tpu.memory_space<hbm>>) target(%dma_start3A_506 : memref<16x16xf32, #tpu.memory_space<vmem_shared>>) target_semaphore(%run_scoped3A : memref<!tpu.dma_semaphore, #tpu.memory_space<semaphore_mem>>)
        %dma_wait3A = arith.constant 9984 : i32
        %dma_wait3A_510 = arith.constant 0 : i32
        %dma_wait3A_511 = tpu.memref_slice %arg10[%dma_wait3A, %dma_wait3A_510] : memref<10000x16xf32, #tpu.memory_space<vmem_shared>> -> memref<16x16xf32, #tpu.memory_space<vmem_shared>>
        %dma_wait3A_512 = arith.constant 0 : i32
        %dma_wait3A_513 = arith.constant 0 : i32
        %dma_wait3A_514 = tpu.memref_slice %arg7[%dma_wait3A_512, %dma_wait3A_513] : memref<624x16xf32, #tpu.memory_space<hbm>> -> memref<16x16xf32, #tpu.memory_space<hbm>>
        tpu.wait_dma2 semaphore(%run_scoped3A : memref<!tpu.dma_semaphore, #tpu.memory_space<semaphore_mem>>) src(%dma_wait3A_514 : memref<16x16xf32, #tpu.memory_space<hbm>>) dst(%dma_wait3A_511 : memref<16x16xf32, #tpu.memory_space<vmem_shared>>)
        tpu.yield
      }) : () -> ()
      "tpu.region"() ({
        %run_scoped3A = tpu.sem_alloc : memref<!tpu.dma_semaphore, #tpu.memory_space<semaphore_mem>>
        %dma_start3A = arith.constant 9984 : i32
        %dma_start3A_505 = arith.constant 0 : i32
        %dma_start3A_506 = tpu.memref_slice %arg11[%dma_start3A, %dma_start3A_505] : memref<10000x128xf32, #tpu.memory_space<vmem_shared>> -> memref<16x128xf32, #tpu.memory_space<vmem_shared>>
        %dma_start3A_507 = arith.constant 0 : i32
        %dma_start3A_508 = arith.constant 0 : i32
        %dma_start3A_509 = tpu.memref_slice %arg8[%dma_start3A_507, %dma_start3A_508] : memref<624x128xf32, #tpu.memory_space<hbm>> -> memref<16x128xf32, #tpu.memory_space<hbm>>
        tpu.enqueue_dma source(%dma_start3A_509 : memref<16x128xf32, #tpu.memory_space<hbm>>) target(%dma_start3A_506 : memref<16x128xf32, #tpu.memory_space<vmem_shared>>) target_semaphore(%run_scoped3A : memref<!tpu.dma_semaphore, #tpu.memory_space<semaphore_mem>>)
        %dma_wait3A = arith.constant 9984 : i32
        %dma_wait3A_510 = arith.constant 0 : i32
        %dma_wait3A_511 = tpu.memref_slice %arg11[%dma_wait3A, %dma_wait3A_510] : memref<10000x128xf32, #tpu.memory_space<vmem_shared>> -> memref<16x128xf32, #tpu.memory_space<vmem_shared>>
        %dma_wait3A_512 = arith.constant 0 : i32
        %dma_wait3A_513 = arith.constant 0 : i32
        %dma_wait3A_514 = tpu.memref_slice %arg8[%dma_wait3A_512, %dma_wait3A_513] : memref<624x128xf32, #tpu.memory_space<hbm>> -> memref<16x128xf32, #tpu.memory_space<hbm>>
        tpu.wait_dma2 semaphore(%run_scoped3A : memref<!tpu.dma_semaphore, #tpu.memory_space<semaphore_mem>>) src(%dma_wait3A_514 : memref<16x128xf32, #tpu.memory_space<hbm>>) dst(%dma_wait3A_511 : memref<16x128xf32, #tpu.memory_space<vmem_shared>>)
        tpu.yield
      }) : () -> ()
    } else {
    }
    %barrier3A = arith.constant 0 : index
    tpu.barrier barrier_id(%barrier3A)
    %broadcast_in_dim3A = arith.constant 0.000000e+00 : f32
    %broadcast_in_dim3A_5 = vector.broadcast %broadcast_in_dim3A : f32 to vector<16xf32>
    %swap3A = arith.constant 0 : i32
    %swap3A_6 = arith.index_cast %swap3A : i32 to index
    %swap3A_7 = arith.constant 0 : index
    %swap3A_8 = tpu.vector_load %arg16[%swap3A_6, %swap3A_7] {strides = array<i32>} : memref<80x16xf32, #tpu.memory_space<vmem>>, vector<16xf32>,
    tpu.vector_store %arg16[%swap3A_6, %swap3A_7], %broadcast_in_dim3A_5 {strides = array<i32>} : memref<80x16xf32, #tpu.memory_space<vmem>>, vector<16xf32>,
    %broadcast_in_dim3A_9 = arith.constant 0.000000e+00 : f32
    %broadcast_in_dim3A_10 = vector.broadcast %broadcast_in_dim3A_9 : f32 to vector<16xf32>
    %swap3A_11 = arith.constant 1 : i32
    %swap3A_12 = arith.index_cast %swap3A_11 : i32 to index
    %swap3A_13 = arith.constant 0 : index
    %swap3A_14 = tpu.vector_load %arg16[%swap3A_12, %swap3A_13] {strides = array<i32>} : memref<80x16xf32, #tpu.memory_space<vmem>>, vector<16xf32>,
    tpu.vector_store %arg16[%swap3A_12, %swap3A_13], %broadcast_in_dim3A_10 {strides = array<i32>} : memref<80x16xf32, #tpu.memory_space<vmem>>, vector<16xf32>,
    %broadcast_in_dim3A_15 = arith.constant 0.000000e+00 : f32
    %broadcast_in_dim3A_16 = vector.broadcast %broadcast_in_dim3A_15 : f32 to vector<16xf32>
    %swap3A_17 = arith.constant 2 : i32
    %swap3A_18 = arith.index_cast %swap3A_17 : i32 to index
    %swap3A_19 = arith.constant 0 : index
    %swap3A_20 = tpu.vector_load %arg16[%swap3A_18, %swap3A_19] {strides = array<i32>} : memref<80x16xf32, #tpu.memory_space<vmem>>, vector<16xf32>,
    tpu.vector_store %arg16[%swap3A_18, %swap3A_19], %broadcast_in_dim3A_16 {strides = array<i32>} : memref<80x16xf32, #tpu.memory_space<vmem>>, vector<16xf32>,
    %broadcast_in_dim3A_21 = arith.constant 0.000000e+00 : f32
    %broadcast_in_dim3A_22 = vector.broadcast %broadcast_in_dim3A_21 : f32 to vector<16xf32>
    %swap3A_23 = arith.constant 3 : i32
    %swap3A_24 = arith.index_cast %swap3A_23 : i32 to index
    %swap3A_25 = arith.constant 0 : index
    %swap3A_26 = tpu.vector_load %arg16[%swap3A_24, %swap3A_25] {strides = array<i32>} : memref<80x16xf32, #tpu.memory_space<vmem>>, vector<16xf32>,
    tpu.vector_store %arg16[%swap3A_24, %swap3A_25], %broadcast_in_dim3A_22 {strides = array<i32>} : memref<80x16xf32, #tpu.memory_space<vmem>>, vector<16xf32>,
    %broadcast_in_dim3A_27 = arith.constant 0.000000e+00 : f32
    %broadcast_in_dim3A_28 = vector.broadcast %broadcast_in_dim3A_27 : f32 to vector<16xf32>
    %swap3A_29 = arith.constant 4 : i32
    %swap3A_30 = arith.index_cast %swap3A_29 : i32 to index
    %swap3A_31 = arith.constant 0 : index
    %swap3A_32 = tpu.vector_load %arg16[%swap3A_30, %swap3A_31] {strides = array<i32>} : memref<80x16xf32, #tpu.memory_space<vmem>>, vector<16xf32>,
    tpu.vector_store %arg16[%swap3A_30, %swap3A_31], %broadcast_in_dim3A_28 {strides = array<i32>} : memref<80x16xf32, #tpu.memory_space<vmem>>, vector<16xf32>,
    %broadcast_in_dim3A_33 = arith.constant 0.000000e+00 : f32
    %broadcast_in_dim3A_34 = vector.broadcast %broadcast_in_dim3A_33 : f32 to vector<16xf32>
    %swap3A_35 = arith.constant 5 : i32
    %swap3A_36 = arith.index_cast %swap3A_35 : i32 to index
    %swap3A_37 = arith.constant 0 : index
    %swap3A_38 = tpu.vector_load %arg16[%swap3A_36, %swap3A_37] {strides = array<i32>} : memref<80x16xf32, #tpu.memory_space<vmem>>, vector<16xf32>,
    tpu.vector_store %arg16[%swap3A_36, %swap3A_37], %broadcast_in_dim3A_34 {strides = array<i32>} : memref<80x16xf32, #tpu.memory_space<vmem>>, vector<16xf32>,
    %broadcast_in_dim3A_39 = arith.constant 0.000000e+00 : f32
    %broadcast_in_dim3A_40 = vector.broadcast %broadcast_in_dim3A_39 : f32 to vector<16xf32>
    %swap3A_41 = arith.constant 6 : i32
    %swap3A_42 = arith.index_cast %swap3A_41 : i32 to index
    %swap3A_43 = arith.constant 0 : index
    %swap3A_44 = tpu.vector_load %arg16[%swap3A_42, %swap3A_43] {strides = array<i32>} : memref<80x16xf32, #tpu.memory_space<vmem>>, vector<16xf32>,
    tpu.vector_store %arg16[%swap3A_42, %swap3A_43], %broadcast_in_dim3A_40 {strides = array<i32>} : memref<80x16xf32, #tpu.memory_space<vmem>>, vector<16xf32>,
    %broadcast_in_dim3A_45 = arith.constant 0.000000e+00 : f32
    %broadcast_in_dim3A_46 = vector.broadcast %broadcast_in_dim3A_45 : f32 to vector<16xf32>
    %swap3A_47 = arith.constant 7 : i32
    %swap3A_48 = arith.index_cast %swap3A_47 : i32 to index
    %swap3A_49 = arith.constant 0 : index
    %swap3A_50 = tpu.vector_load %arg16[%swap3A_48, %swap3A_49] {strides = array<i32>} : memref<80x16xf32, #tpu.memory_space<vmem>>, vector<16xf32>,
    tpu.vector_store %arg16[%swap3A_48, %swap3A_49], %broadcast_in_dim3A_46 {strides = array<i32>} : memref<80x16xf32, #tpu.memory_space<vmem>>, vector<16xf32>,
    %broadcast_in_dim3A_51 = arith.constant 0.000000e+00 : f32
    %broadcast_in_dim3A_52 = vector.broadcast %broadcast_in_dim3A_51 : f32 to vector<16xf32>
    %swap3A_53 = arith.constant 8 : i32
    %swap3A_54 = arith.index_cast %swap3A_53 : i32 to index
    %swap3A_55 = arith.constant 0 : index
    %swap3A_56 = tpu.vector_load %arg16[%swap3A_54, %swap3A_55] {strides = array<i32>} : memref<80x16xf32, #tpu.memory_space<vmem>>, vector<16xf32>,
    tpu.vector_store %arg16[%swap3A_54, %swap3A_55], %broadcast_in_dim3A_52 {strides = array<i32>} : memref<80x16xf32, #tpu.memory_space<vmem>>, vector<16xf32>,
    %broadcast_in_dim3A_57 = arith.constant 0.000000e+00 : f32
    %broadcast_in_dim3A_58 = vector.broadcast %broadcast_in_dim3A_57 : f32 to vector<16xf32>
    %swap3A_59 = arith.constant 9 : i32
    %swap3A_60 = arith.index_cast %swap3A_59 : i32 to index
    %swap3A_61 = arith.constant 0 : index
    %swap3A_62 = tpu.vector_load %arg16[%swap3A_60, %swap3A_61] {strides = array<i32>} : memref<80x16xf32, #tpu.memory_space<vmem>>, vector<16xf32>,
    tpu.vector_store %arg16[%swap3A_60, %swap3A_61], %broadcast_in_dim3A_58 {strides = array<i32>} : memref<80x16xf32, #tpu.memory_space<vmem>>, vector<16xf32>,
    %broadcast_in_dim3A_63 = arith.constant 0.000000e+00 : f32
    %broadcast_in_dim3A_64 = vector.broadcast %broadcast_in_dim3A_63 : f32 to vector<16xf32>
    %swap3A_65 = arith.constant 10 : i32
    %swap3A_66 = arith.index_cast %swap3A_65 : i32 to index
    %swap3A_67 = arith.constant 0 : index
    %swap3A_68 = tpu.vector_load %arg16[%swap3A_66, %swap3A_67] {strides = array<i32>} : memref<80x16xf32, #tpu.memory_space<vmem>>, vector<16xf32>,
    tpu.vector_store %arg16[%swap3A_66, %swap3A_67], %broadcast_in_dim3A_64 {strides = array<i32>} : memref<80x16xf32, #tpu.memory_space<vmem>>, vector<16xf32>,
    %broadcast_in_dim3A_69 = arith.constant 0.000000e+00 : f32
    %broadcast_in_dim3A_70 = vector.broadcast %broadcast_in_dim3A_69 : f32 to vector<16xf32>
    %swap3A_71 = arith.constant 11 : i32
    %swap3A_72 = arith.index_cast %swap3A_71 : i32 to index
    %swap3A_73 = arith.constant 0 : index
    %swap3A_74 = tpu.vector_load %arg16[%swap3A_72, %swap3A_73] {strides = array<i32>} : memref<80x16xf32, #tpu.memory_space<vmem>>, vector<16xf32>,
    tpu.vector_store %arg16[%swap3A_72, %swap3A_73], %broadcast_in_dim3A_70 {strides = array<i32>} : memref<80x16xf32, #tpu.memory_space<vmem>>, vector<16xf32>,
    %broadcast_in_dim3A_75 = arith.constant 0.000000e+00 : f32
    %broadcast_in_dim3A_76 = vector.broadcast %broadcast_in_dim3A_75 : f32 to vector<16xf32>
    %swap3A_77 = arith.constant 12 : i32
    %swap3A_78 = arith.index_cast %swap3A_77 : i32 to index
    %swap3A_79 = arith.constant 0 : index
    %swap3A_80 = tpu.vector_load %arg16[%swap3A_78, %swap3A_79] {strides = array<i32>} : memref<80x16xf32, #tpu.memory_space<vmem>>, vector<16xf32>,
    tpu.vector_store %arg16[%swap3A_78, %swap3A_79], %broadcast_in_dim3A_76 {strides = array<i32>} : memref<80x16xf32, #tpu.memory_space<vmem>>, vector<16xf32>,
    %broadcast_in_dim3A_81 = arith.constant 0.000000e+00 : f32
    %broadcast_in_dim3A_82 = vector.broadcast %broadcast_in_dim3A_81 : f32 to vector<16xf32>
    %swap3A_83 = arith.constant 13 : i32
    %swap3A_84 = arith.index_cast %swap3A_83 : i32 to index
    %swap3A_85 = arith.constant 0 : index
    %swap3A_86 = tpu.vector_load %arg16[%swap3A_84, %swap3A_85] {strides = array<i32>} : memref<80x16xf32, #tpu.memory_space<vmem>>, vector<16xf32>,
    tpu.vector_store %arg16[%swap3A_84, %swap3A_85], %broadcast_in_dim3A_82 {strides = array<i32>} : memref<80x16xf32, #tpu.memory_space<vmem>>, vector<16xf32>,
    %broadcast_in_dim3A_87 = arith.constant 0.000000e+00 : f32
    %broadcast_in_dim3A_88 = vector.broadcast %broadcast_in_dim3A_87 : f32 to vector<16xf32>
    %swap3A_89 = arith.constant 14 : i32
    %swap3A_90 = arith.index_cast %swap3A_89 : i32 to index
    %swap3A_91 = arith.constant 0 : index
    %swap3A_92 = tpu.vector_load %arg16[%swap3A_90, %swap3A_91] {strides = array<i32>} : memref<80x16xf32, #tpu.memory_space<vmem>>, vector<16xf32>,
    tpu.vector_store %arg16[%swap3A_90, %swap3A_91], %broadcast_in_dim3A_88 {strides = array<i32>} : memref<80x16xf32, #tpu.memory_space<vmem>>, vector<16xf32>,
    %broadcast_in_dim3A_93 = arith.constant 0.000000e+00 : f32
    %broadcast_in_dim3A_94 = vector.broadcast %broadcast_in_dim3A_93 : f32 to vector<16xf32>
    %swap3A_95 = arith.constant 15 : i32
    %swap3A_96 = arith.index_cast %swap3A_95 : i32 to index
    %swap3A_97 = arith.constant 0 : index
    %swap3A_98 = tpu.vector_load %arg16[%swap3A_96, %swap3A_97] {strides = array<i32>} : memref<80x16xf32, #tpu.memory_space<vmem>>, vector<16xf32>,
    tpu.vector_store %arg16[%swap3A_96, %swap3A_97], %broadcast_in_dim3A_94 {strides = array<i32>} : memref<80x16xf32, #tpu.memory_space<vmem>>, vector<16xf32>,
    %broadcast_in_dim3A_99 = arith.constant 0.000000e+00 : f32
    %broadcast_in_dim3A_100 = vector.broadcast %broadcast_in_dim3A_99 : f32 to vector<16xf32>
    %swap3A_101 = arith.constant 16 : i32
    %swap3A_102 = arith.index_cast %swap3A_101 : i32 to index
    %swap3A_103 = arith.constant 0 : index
    %swap3A_104 = tpu.vector_load %arg16[%swap3A_102, %swap3A_103] {strides = array<i32>} : memref<80x16xf32, #tpu.memory_space<vmem>>, vector<16xf32>,
    tpu.vector_store %arg16[%swap3A_102, %swap3A_103], %broadcast_in_dim3A_100 {strides = array<i32>} : memref<80x16xf32, #tpu.memory_space<vmem>>, vector<16xf32>,
    %broadcast_in_dim3A_105 = arith.constant 0.000000e+00 : f32
    %broadcast_in_dim3A_106 = vector.broadcast %broadcast_in_dim3A_105 : f32 to vector<16xf32>
    %swap3A_107 = arith.constant 17 : i32
    %swap3A_108 = arith.index_cast %swap3A_107 : i32 to index
    %swap3A_109 = arith.constant 0 : index
    %swap3A_110 = tpu.vector_load %arg16[%swap3A_108, %swap3A_109] {strides = array<i32>} : memref<80x16xf32, #tpu.memory_space<vmem>>, vector<16xf32>,
    tpu.vector_store %arg16[%swap3A_108, %swap3A_109], %broadcast_in_dim3A_106 {strides = array<i32>} : memref<80x16xf32, #tpu.memory_space<vmem>>, vector<16xf32>,
    %broadcast_in_dim3A_111 = arith.constant 0.000000e+00 : f32
    %broadcast_in_dim3A_112 = vector.broadcast %broadcast_in_dim3A_111 : f32 to vector<16xf32>
    %swap3A_113 = arith.constant 18 : i32
    %swap3A_114 = arith.index_cast %swap3A_113 : i32 to index
    %swap3A_115 = arith.constant 0 : index
    %swap3A_116 = tpu.vector_load %arg16[%swap3A_114, %swap3A_115] {strides = array<i32>} : memref<80x16xf32, #tpu.memory_space<vmem>>, vector<16xf32>,
    tpu.vector_store %arg16[%swap3A_114, %swap3A_115], %broadcast_in_dim3A_112 {strides = array<i32>} : memref<80x16xf32, #tpu.memory_space<vmem>>, vector<16xf32>,
    %broadcast_in_dim3A_117 = arith.constant 0.000000e+00 : f32
    %broadcast_in_dim3A_118 = vector.broadcast %broadcast_in_dim3A_117 : f32 to vector<16xf32>
    %swap3A_119 = arith.constant 19 : i32
    %swap3A_120 = arith.index_cast %swap3A_119 : i32 to index
    %swap3A_121 = arith.constant 0 : index
    %swap3A_122 = tpu.vector_load %arg16[%swap3A_120, %swap3A_121] {strides = array<i32>} : memref<80x16xf32, #tpu.memory_space<vmem>>, vector<16xf32>,
    tpu.vector_store %arg16[%swap3A_120, %swap3A_121], %broadcast_in_dim3A_118 {strides = array<i32>} : memref<80x16xf32, #tpu.memory_space<vmem>>, vector<16xf32>,
    %broadcast_in_dim3A_123 = arith.constant 0.000000e+00 : f32
    %broadcast_in_dim3A_124 = vector.broadcast %broadcast_in_dim3A_123 : f32 to vector<16xf32>
    %swap3A_125 = arith.constant 20 : i32
    %swap3A_126 = arith.index_cast %swap3A_125 : i32 to index
    %swap3A_127 = arith.constant 0 : index
    %swap3A_128 = tpu.vector_load %arg16[%swap3A_126, %swap3A_127] {strides = array<i32>} : memref<80x16xf32, #tpu.memory_space<vmem>>, vector<16xf32>,
    tpu.vector_store %arg16[%swap3A_126, %swap3A_127], %broadcast_in_dim3A_124 {strides = array<i32>} : memref<80x16xf32, #tpu.memory_space<vmem>>, vector<16xf32>,
    %broadcast_in_dim3A_129 = arith.constant 0.000000e+00 : f32
    %broadcast_in_dim3A_130 = vector.broadcast %broadcast_in_dim3A_129 : f32 to vector<16xf32>
    %swap3A_131 = arith.constant 21 : i32
    %swap3A_132 = arith.index_cast %swap3A_131 : i32 to index
    %swap3A_133 = arith.constant 0 : index
    %swap3A_134 = tpu.vector_load %arg16[%swap3A_132, %swap3A_133] {strides = array<i32>} : memref<80x16xf32, #tpu.memory_space<vmem>>, vector<16xf32>,
    tpu.vector_store %arg16[%swap3A_132, %swap3A_133], %broadcast_in_dim3A_130 {strides = array<i32>} : memref<80x16xf32, #tpu.memory_space<vmem>>, vector<16xf32>,
    %broadcast_in_dim3A_135 = arith.constant 0.000000e+00 : f32
    %broadcast_in_dim3A_136 = vector.broadcast %broadcast_in_dim3A_135 : f32 to vector<16xf32>
    %swap3A_137 = arith.constant 22 : i32
    %swap3A_138 = arith.index_cast %swap3A_137 : i32 to index
    %swap3A_139 = arith.constant 0 : index
    %swap3A_140 = tpu.vector_load %arg16[%swap3A_138, %swap3A_139] {strides = array<i32>} : memref<80x16xf32, #tpu.memory_space<vmem>>, vector<16xf32>,
    tpu.vector_store %arg16[%swap3A_138, %swap3A_139], %broadcast_in_dim3A_136 {strides = array<i32>} : memref<80x16xf32, #tpu.memory_space<vmem>>, vector<16xf32>,
    %broadcast_in_dim3A_141 = arith.constant 0.000000e+00 : f32
    %broadcast_in_dim3A_142 = vector.broadcast %broadcast_in_dim3A_141 : f32 to vector<16xf32>
    %swap3A_143 = arith.constant 23 : i32
    %swap3A_144 = arith.index_cast %swap3A_143 : i32 to index
    %swap3A_145 = arith.constant 0 : index
    %swap3A_146 = tpu.vector_load %arg16[%swap3A_144, %swap3A_145] {strides = array<i32>} : memref<80x16xf32, #tpu.memory_space<vmem>>, vector<16xf32>,
    tpu.vector_store %arg16[%swap3A_144, %swap3A_145], %broadcast_in_dim3A_142 {strides = array<i32>} : memref<80x16xf32, #tpu.memory_space<vmem>>, vector<16xf32>,
    %broadcast_in_dim3A_147 = arith.constant 0.000000e+00 : f32
    %broadcast_in_dim3A_148 = vector.broadcast %broadcast_in_dim3A_147 : f32 to vector<16xf32>
    %swap3A_149 = arith.constant 24 : i32
    %swap3A_150 = arith.index_cast %swap3A_149 : i32 to index
    %swap3A_151 = arith.constant 0 : index
    %swap3A_152 = tpu.vector_load %arg16[%swap3A_150, %swap3A_151] {strides = array<i32>} : memref<80x16xf32, #tpu.memory_space<vmem>>, vector<16xf32>,
    tpu.vector_store %arg16[%swap3A_150, %swap3A_151], %broadcast_in_dim3A_148 {strides = array<i32>} : memref<80x16xf32, #tpu.memory_space<vmem>>, vector<16xf32>,
    %broadcast_in_dim3A_153 = arith.constant 0.000000e+00 : f32
    %broadcast_in_dim3A_154 = vector.broadcast %broadcast_in_dim3A_153 : f32 to vector<16xf32>
    %swap3A_155 = arith.constant 25 : i32
    %swap3A_156 = arith.index_cast %swap3A_155 : i32 to index
    %swap3A_157 = arith.constant 0 : index
    %swap3A_158 = tpu.vector_load %arg16[%swap3A_156, %swap3A_157] {strides = array<i32>} : memref<80x16xf32, #tpu.memory_space<vmem>>, vector<16xf32>,
    tpu.vector_store %arg16[%swap3A_156, %swap3A_157], %broadcast_in_dim3A_154 {strides = array<i32>} : memref<80x16xf32, #tpu.memory_space<vmem>>, vector<16xf32>,
    %broadcast_in_dim3A_159 = arith.constant 0.000000e+00 : f32
    %broadcast_in_dim3A_160 = vector.broadcast %broadcast_in_dim3A_159 : f32 to vector<16xf32>
    %swap3A_161 = arith.constant 26 : i32
    %swap3A_162 = arith.index_cast %swap3A_161 : i32 to index
    %swap3A_163 = arith.constant 0 : index
    %swap3A_164 = tpu.vector_load %arg16[%swap3A_162, %swap3A_163] {strides = array<i32>} : memref<80x16xf32, #tpu.memory_space<vmem>>, vector<16xf32>,
    tpu.vector_store %arg16[%swap3A_162, %swap3A_163], %broadcast_in_dim3A_160 {strides = array<i32>} : memref<80x16xf32, #tpu.memory_space<vmem>>, vector<16xf32>,
    %broadcast_in_dim3A_165 = arith.constant 0.000000e+00 : f32
    %broadcast_in_dim3A_166 = vector.broadcast %broadcast_in_dim3A_165 : f32 to vector<16xf32>
    %swap3A_167 = arith.constant 27 : i32
    %swap3A_168 = arith.index_cast %swap3A_167 : i32 to index
    %swap3A_169 = arith.constant 0 : index
    %swap3A_170 = tpu.vector_load %arg16[%swap3A_168, %swap3A_169] {strides = array<i32>} : memref<80x16xf32, #tpu.memory_space<vmem>>, vector<16xf32>,
    tpu.vector_store %arg16[%swap3A_168, %swap3A_169], %broadcast_in_dim3A_166 {strides = array<i32>} : memref<80x16xf32, #tpu.memory_space<vmem>>, vector<16xf32>,
    %broadcast_in_dim3A_171 = arith.constant 0.000000e+00 : f32
    %broadcast_in_dim3A_172 = vector.broadcast %broadcast_in_dim3A_171 : f32 to vector<16xf32>
    %swap3A_173 = arith.constant 28 : i32
    %swap3A_174 = arith.index_cast %swap3A_173 : i32 to index
    %swap3A_175 = arith.constant 0 : index
    %swap3A_176 = tpu.vector_load %arg16[%swap3A_174, %swap3A_175] {strides = array<i32>} : memref<80x16xf32, #tpu.memory_space<vmem>>, vector<16xf32>,
    tpu.vector_store %arg16[%swap3A_174, %swap3A_175], %broadcast_in_dim3A_172 {strides = array<i32>} : memref<80x16xf32, #tpu.memory_space<vmem>>, vector<16xf32>,
    %broadcast_in_dim3A_177 = arith.constant 0.000000e+00 : f32
    %broadcast_in_dim3A_178 = vector.broadcast %broadcast_in_dim3A_177 : f32 to vector<16xf32>
    %swap3A_179 = arith.constant 29 : i32
    %swap3A_180 = arith.index_cast %swap3A_179 : i32 to index
    %swap3A_181 = arith.constant 0 : index
    %swap3A_182 = tpu.vector_load %arg16[%swap3A_180, %swap3A_181] {strides = array<i32>} : memref<80x16xf32, #tpu.memory_space<vmem>>, vector<16xf32>,
    tpu.vector_store %arg16[%swap3A_180, %swap3A_181], %broadcast_in_dim3A_178 {strides = array<i32>} : memref<80x16xf32, #tpu.memory_space<vmem>>, vector<16xf32>,
    %broadcast_in_dim3A_183 = arith.constant 0.000000e+00 : f32
    %broadcast_in_dim3A_184 = vector.broadcast %broadcast_in_dim3A_183 : f32 to vector<16xf32>
    %swap3A_185 = arith.constant 30 : i32
    %swap3A_186 = arith.index_cast %swap3A_185 : i32 to index
    %swap3A_187 = arith.constant 0 : index
    %swap3A_188 = tpu.vector_load %arg16[%swap3A_186, %swap3A_187] {strides = array<i32>} : memref<80x16xf32, #tpu.memory_space<vmem>>, vector<16xf32>,
    tpu.vector_store %arg16[%swap3A_186, %swap3A_187], %broadcast_in_dim3A_184 {strides = array<i32>} : memref<80x16xf32, #tpu.memory_space<vmem>>, vector<16xf32>,
    %broadcast_in_dim3A_189 = arith.constant 0.000000e+00 : f32
    %broadcast_in_dim3A_190 = vector.broadcast %broadcast_in_dim3A_189 : f32 to vector<16xf32>
    %swap3A_191 = arith.constant 31 : i32
    %swap3A_192 = arith.index_cast %swap3A_191 : i32 to index
    %swap3A_193 = arith.constant 0 : index
    %swap3A_194 = tpu.vector_load %arg16[%swap3A_192, %swap3A_193] {strides = array<i32>} : memref<80x16xf32, #tpu.memory_space<vmem>>, vector<16xf32>,
    tpu.vector_store %arg16[%swap3A_192, %swap3A_193], %broadcast_in_dim3A_190 {strides = array<i32>} : memref<80x16xf32, #tpu.memory_space<vmem>>, vector<16xf32>,
    %broadcast_in_dim3A_195 = arith.constant 0.000000e+00 : f32
    %broadcast_in_dim3A_196 = vector.broadcast %broadcast_in_dim3A_195 : f32 to vector<16xf32>
    %swap3A_197 = arith.constant 32 : i32
    %swap3A_198 = arith.index_cast %swap3A_197 : i32 to index
    %swap3A_199 = arith.constant 0 : index
    %swap3A_200 = tpu.vector_load %arg16[%swap3A_198, %swap3A_199] {strides = array<i32>} : memref<80x16xf32, #tpu.memory_space<vmem>>, vector<16xf32>,
    tpu.vector_store %arg16[%swap3A_198, %swap3A_199], %broadcast_in_dim3A_196 {strides = array<i32>} : memref<80x16xf32, #tpu.memory_space<vmem>>, vector<16xf32>,
    %broadcast_in_dim3A_201 = arith.constant 0.000000e+00 : f32
    %broadcast_in_dim3A_202 = vector.broadcast %broadcast_in_dim3A_201 : f32 to vector<16xf32>
    %swap3A_203 = arith.constant 33 : i32
    %swap3A_204 = arith.index_cast %swap3A_203 : i32 to index
    %swap3A_205 = arith.constant 0 : index
    %swap3A_206 = tpu.vector_load %arg16[%swap3A_204, %swap3A_205] {strides = array<i32>} : memref<80x16xf32, #tpu.memory_space<vmem>>, vector<16xf32>,
    tpu.vector_store %arg16[%swap3A_204, %swap3A_205], %broadcast_in_dim3A_202 {strides = array<i32>} : memref<80x16xf32, #tpu.memory_space<vmem>>, vector<16xf32>,
    %broadcast_in_dim3A_207 = arith.constant 0.000000e+00 : f32
    %broadcast_in_dim3A_208 = vector.broadcast %broadcast_in_dim3A_207 : f32 to vector<16xf32>
    %swap3A_209 = arith.constant 34 : i32
    %swap3A_210 = arith.index_cast %swap3A_209 : i32 to index
    %swap3A_211 = arith.constant 0 : index
    %swap3A_212 = tpu.vector_load %arg16[%swap3A_210, %swap3A_211] {strides = array<i32>} : memref<80x16xf32, #tpu.memory_space<vmem>>, vector<16xf32>,
    tpu.vector_store %arg16[%swap3A_210, %swap3A_211], %broadcast_in_dim3A_208 {strides = array<i32>} : memref<80x16xf32, #tpu.memory_space<vmem>>, vector<16xf32>,
    %broadcast_in_dim3A_213 = arith.constant 0.000000e+00 : f32
    %broadcast_in_dim3A_214 = vector.broadcast %broadcast_in_dim3A_213 : f32 to vector<16xf32>
    %swap3A_215 = arith.constant 35 : i32
    %swap3A_216 = arith.index_cast %swap3A_215 : i32 to index
    %swap3A_217 = arith.constant 0 : index
    %swap3A_218 = tpu.vector_load %arg16[%swap3A_216, %swap3A_217] {strides = array<i32>} : memref<80x16xf32, #tpu.memory_space<vmem>>, vector<16xf32>,
    tpu.vector_store %arg16[%swap3A_216, %swap3A_217], %broadcast_in_dim3A_214 {strides = array<i32>} : memref<80x16xf32, #tpu.memory_space<vmem>>, vector<16xf32>,
    %broadcast_in_dim3A_219 = arith.constant 0.000000e+00 : f32
    %broadcast_in_dim3A_220 = vector.broadcast %broadcast_in_dim3A_219 : f32 to vector<16xf32>
    %swap3A_221 = arith.constant 36 : i32
    %swap3A_222 = arith.index_cast %swap3A_221 : i32 to index
    %swap3A_223 = arith.constant 0 : index
    %swap3A_224 = tpu.vector_load %arg16[%swap3A_222, %swap3A_223] {strides = array<i32>} : memref<80x16xf32, #tpu.memory_space<vmem>>, vector<16xf32>,
    tpu.vector_store %arg16[%swap3A_222, %swap3A_223], %broadcast_in_dim3A_220 {strides = array<i32>} : memref<80x16xf32, #tpu.memory_space<vmem>>, vector<16xf32>,
    %broadcast_in_dim3A_225 = arith.constant 0.000000e+00 : f32
    %broadcast_in_dim3A_226 = vector.broadcast %broadcast_in_dim3A_225 : f32 to vector<16xf32>
    %swap3A_227 = arith.constant 37 : i32
    %swap3A_228 = arith.index_cast %swap3A_227 : i32 to index
    %swap3A_229 = arith.constant 0 : index
    %swap3A_230 = tpu.vector_load %arg16[%swap3A_228, %swap3A_229] {strides = array<i32>} : memref<80x16xf32, #tpu.memory_space<vmem>>, vector<16xf32>,
    tpu.vector_store %arg16[%swap3A_228, %swap3A_229], %broadcast_in_dim3A_226 {strides = array<i32>} : memref<80x16xf32, #tpu.memory_space<vmem>>, vector<16xf32>,
    %broadcast_in_dim3A_231 = arith.constant 0.000000e+00 : f32
    %broadcast_in_dim3A_232 = vector.broadcast %broadcast_in_dim3A_231 : f32 to vector<16xf32>
    %swap3A_233 = arith.constant 38 : i32
    %swap3A_234 = arith.index_cast %swap3A_233 : i32 to index
    %swap3A_235 = arith.constant 0 : index
    %swap3A_236 = tpu.vector_load %arg16[%swap3A_234, %swap3A_235] {strides = array<i32>} : memref<80x16xf32, #tpu.memory_space<vmem>>, vector<16xf32>,
    tpu.vector_store %arg16[%swap3A_234, %swap3A_235], %broadcast_in_dim3A_232 {strides = array<i32>} : memref<80x16xf32, #tpu.memory_space<vmem>>, vector<16xf32>,
    %broadcast_in_dim3A_237 = arith.constant 0.000000e+00 : f32
    %broadcast_in_dim3A_238 = vector.broadcast %broadcast_in_dim3A_237 : f32 to vector<16xf32>
    %swap3A_239 = arith.constant 39 : i32
    %swap3A_240 = arith.index_cast %swap3A_239 : i32 to index
    %swap3A_241 = arith.constant 0 : index
    %swap3A_242 = tpu.vector_load %arg16[%swap3A_240, %swap3A_241] {strides = array<i32>} : memref<80x16xf32, #tpu.memory_space<vmem>>, vector<16xf32>,
    tpu.vector_store %arg16[%swap3A_240, %swap3A_241], %broadcast_in_dim3A_238 {strides = array<i32>} : memref<80x16xf32, #tpu.memory_space<vmem>>, vector<16xf32>,
    %broadcast_in_dim3A_243 = arith.constant 0.000000e+00 : f32
    %broadcast_in_dim3A_244 = vector.broadcast %broadcast_in_dim3A_243 : f32 to vector<16xf32>
    %swap3A_245 = arith.constant 40 : i32
    %swap3A_246 = arith.index_cast %swap3A_245 : i32 to index
    %swap3A_247 = arith.constant 0 : index
    %swap3A_248 = tpu.vector_load %arg16[%swap3A_246, %swap3A_247] {strides = array<i32>} : memref<80x16xf32, #tpu.memory_space<vmem>>, vector<16xf32>,
    tpu.vector_store %arg16[%swap3A_246, %swap3A_247], %broadcast_in_dim3A_244 {strides = array<i32>} : memref<80x16xf32, #tpu.memory_space<vmem>>, vector<16xf32>,
    %broadcast_in_dim3A_249 = arith.constant 0.000000e+00 : f32
    %broadcast_in_dim3A_250 = vector.broadcast %broadcast_in_dim3A_249 : f32 to vector<16xf32>
    %swap3A_251 = arith.constant 41 : i32
    %swap3A_252 = arith.index_cast %swap3A_251 : i32 to index
    %swap3A_253 = arith.constant 0 : index
    %swap3A_254 = tpu.vector_load %arg16[%swap3A_252, %swap3A_253] {strides = array<i32>} : memref<80x16xf32, #tpu.memory_space<vmem>>, vector<16xf32>,
    tpu.vector_store %arg16[%swap3A_252, %swap3A_253], %broadcast_in_dim3A_250 {strides = array<i32>} : memref<80x16xf32, #tpu.memory_space<vmem>>, vector<16xf32>,
    %broadcast_in_dim3A_255 = arith.constant 0.000000e+00 : f32
    %broadcast_in_dim3A_256 = vector.broadcast %broadcast_in_dim3A_255 : f32 to vector<16xf32>
    %swap3A_257 = arith.constant 42 : i32
    %swap3A_258 = arith.index_cast %swap3A_257 : i32 to index
    %swap3A_259 = arith.constant 0 : index
    %swap3A_260 = tpu.vector_load %arg16[%swap3A_258, %swap3A_259] {strides = array<i32>} : memref<80x16xf32, #tpu.memory_space<vmem>>, vector<16xf32>,
    tpu.vector_store %arg16[%swap3A_258, %swap3A_259], %broadcast_in_dim3A_256 {strides = array<i32>} : memref<80x16xf32, #tpu.memory_space<vmem>>, vector<16xf32>,
    %broadcast_in_dim3A_261 = arith.constant 0.000000e+00 : f32
    %broadcast_in_dim3A_262 = vector.broadcast %broadcast_in_dim3A_261 : f32 to vector<16xf32>
    %swap3A_263 = arith.constant 43 : i32
    %swap3A_264 = arith.index_cast %swap3A_263 : i32 to index
    %swap3A_265 = arith.constant 0 : index
    %swap3A_266 = tpu.vector_load %arg16[%swap3A_264, %swap3A_265] {strides = array<i32>} : memref<80x16xf32, #tpu.memory_space<vmem>>, vector<16xf32>,
    tpu.vector_store %arg16[%swap3A_264, %swap3A_265], %broadcast_in_dim3A_262 {strides = array<i32>} : memref<80x16xf32, #tpu.memory_space<vmem>>, vector<16xf32>,
    %broadcast_in_dim3A_267 = arith.constant 0.000000e+00 : f32
    %broadcast_in_dim3A_268 = vector.broadcast %broadcast_in_dim3A_267 : f32 to vector<16xf32>
    %swap3A_269 = arith.constant 44 : i32
    %swap3A_270 = arith.index_cast %swap3A_269 : i32 to index
    %swap3A_271 = arith.constant 0 : index
    %swap3A_272 = tpu.vector_load %arg16[%swap3A_270, %swap3A_271] {strides = array<i32>} : memref<80x16xf32, #tpu.memory_space<vmem>>, vector<16xf32>,
    tpu.vector_store %arg16[%swap3A_270, %swap3A_271], %broadcast_in_dim3A_268 {strides = array<i32>} : memref<80x16xf32, #tpu.memory_space<vmem>>, vector<16xf32>,
    %broadcast_in_dim3A_273 = arith.constant 0.000000e+00 : f32
    %broadcast_in_dim3A_274 = vector.broadcast %broadcast_in_dim3A_273 : f32 to vector<16xf32>
    %swap3A_275 = arith.constant 45 : i32
    %swap3A_276 = arith.index_cast %swap3A_275 : i32 to index
    %swap3A_277 = arith.constant 0 : index
    %swap3A_278 = tpu.vector_load %arg16[%swap3A_276, %swap3A_277] {strides = array<i32>} : memref<80x16xf32, #tpu.memory_space<vmem>>, vector<16xf32>,
    tpu.vector_store %arg16[%swap3A_276, %swap3A_277], %broadcast_in_dim3A_274 {strides = array<i32>} : memref<80x16xf32, #tpu.memory_space<vmem>>, vector<16xf32>,
    %broadcast_in_dim3A_279 = arith.constant 0.000000e+00 : f32
    %broadcast_in_dim3A_280 = vector.broadcast %broadcast_in_dim3A_279 : f32 to vector<16xf32>
    %swap3A_281 = arith.constant 46 : i32
    %swap3A_282 = arith.index_cast %swap3A_281 : i32 to index
    %swap3A_283 = arith.constant 0 : index
    %swap3A_284 = tpu.vector_load %arg16[%swap3A_282, %swap3A_283] {strides = array<i32>} : memref<80x16xf32, #tpu.memory_space<vmem>>, vector<16xf32>,
    tpu.vector_store %arg16[%swap3A_282, %swap3A_283], %broadcast_in_dim3A_280 {strides = array<i32>} : memref<80x16xf32, #tpu.memory_space<vmem>>, vector<16xf32>,
    %broadcast_in_dim3A_285 = arith.constant 0.000000e+00 : f32
    %broadcast_in_dim3A_286 = vector.broadcast %broadcast_in_dim3A_285 : f32 to vector<16xf32>
    %swap3A_287 = arith.constant 47 : i32
    %swap3A_288 = arith.index_cast %swap3A_287 : i32 to index
    %swap3A_289 = arith.constant 0 : index
    %swap3A_290 = tpu.vector_load %arg16[%swap3A_288, %swap3A_289] {strides = array<i32>} : memref<80x16xf32, #tpu.memory_space<vmem>>, vector<16xf32>,
    tpu.vector_store %arg16[%swap3A_288, %swap3A_289], %broadcast_in_dim3A_286 {strides = array<i32>} : memref<80x16xf32, #tpu.memory_space<vmem>>, vector<16xf32>,
    %broadcast_in_dim3A_291 = arith.constant 0.000000e+00 : f32
    %broadcast_in_dim3A_292 = vector.broadcast %broadcast_in_dim3A_291 : f32 to vector<16xf32>
    %swap3A_293 = arith.constant 48 : i32
    %swap3A_294 = arith.index_cast %swap3A_293 : i32 to index
    %swap3A_295 = arith.constant 0 : index
    %swap3A_296 = tpu.vector_load %arg16[%swap3A_294, %swap3A_295] {strides = array<i32>} : memref<80x16xf32, #tpu.memory_space<vmem>>, vector<16xf32>,
    tpu.vector_store %arg16[%swap3A_294, %swap3A_295], %broadcast_in_dim3A_292 {strides = array<i32>} : memref<80x16xf32, #tpu.memory_space<vmem>>, vector<16xf32>,
    %broadcast_in_dim3A_297 = arith.constant 0.000000e+00 : f32
    %broadcast_in_dim3A_298 = vector.broadcast %broadcast_in_dim3A_297 : f32 to vector<16xf32>
    %swap3A_299 = arith.constant 49 : i32
    %swap3A_300 = arith.index_cast %swap3A_299 : i32 to index
    %swap3A_301 = arith.constant 0 : index
    %swap3A_302 = tpu.vector_load %arg16[%swap3A_300, %swap3A_301] {strides = array<i32>} : memref<80x16xf32, #tpu.memory_space<vmem>>, vector<16xf32>,
    tpu.vector_store %arg16[%swap3A_300, %swap3A_301], %broadcast_in_dim3A_298 {strides = array<i32>} : memref<80x16xf32, #tpu.memory_space<vmem>>, vector<16xf32>,
    %broadcast_in_dim3A_303 = arith.constant 0.000000e+00 : f32
    %broadcast_in_dim3A_304 = vector.broadcast %broadcast_in_dim3A_303 : f32 to vector<16xf32>
    %swap3A_305 = arith.constant 50 : i32
    %swap3A_306 = arith.index_cast %swap3A_305 : i32 to index
    %swap3A_307 = arith.constant 0 : index
    %swap3A_308 = tpu.vector_load %arg16[%swap3A_306, %swap3A_307] {strides = array<i32>} : memref<80x16xf32, #tpu.memory_space<vmem>>, vector<16xf32>,
    tpu.vector_store %arg16[%swap3A_306, %swap3A_307], %broadcast_in_dim3A_304 {strides = array<i32>} : memref<80x16xf32, #tpu.memory_space<vmem>>, vector<16xf32>,
    %broadcast_in_dim3A_309 = arith.constant 0.000000e+00 : f32
    %broadcast_in_dim3A_310 = vector.broadcast %broadcast_in_dim3A_309 : f32 to vector<16xf32>
    %swap3A_311 = arith.constant 51 : i32
    %swap3A_312 = arith.index_cast %swap3A_311 : i32 to index
    %swap3A_313 = arith.constant 0 : index
    %swap3A_314 = tpu.vector_load %arg16[%swap3A_312, %swap3A_313] {strides = array<i32>} : memref<80x16xf32, #tpu.memory_space<vmem>>, vector<16xf32>,
    tpu.vector_store %arg16[%swap3A_312, %swap3A_313], %broadcast_in_dim3A_310 {strides = array<i32>} : memref<80x16xf32, #tpu.memory_space<vmem>>, vector<16xf32>,
    %broadcast_in_dim3A_315 = arith.constant 0.000000e+00 : f32
    %broadcast_in_dim3A_316 = vector.broadcast %broadcast_in_dim3A_315 : f32 to vector<16xf32>
    %swap3A_317 = arith.constant 52 : i32
    %swap3A_318 = arith.index_cast %swap3A_317 : i32 to index
    %swap3A_319 = arith.constant 0 : index
    %swap3A_320 = tpu.vector_load %arg16[%swap3A_318, %swap3A_319] {strides = array<i32>} : memref<80x16xf32, #tpu.memory_space<vmem>>, vector<16xf32>,
    tpu.vector_store %arg16[%swap3A_318, %swap3A_319], %broadcast_in_dim3A_316 {strides = array<i32>} : memref<80x16xf32, #tpu.memory_space<vmem>>, vector<16xf32>,
    %broadcast_in_dim3A_321 = arith.constant 0.000000e+00 : f32
    %broadcast_in_dim3A_322 = vector.broadcast %broadcast_in_dim3A_321 : f32 to vector<16xf32>
    %swap3A_323 = arith.constant 53 : i32
    %swap3A_324 = arith.index_cast %swap3A_323 : i32 to index
    %swap3A_325 = arith.constant 0 : index
    %swap3A_326 = tpu.vector_load %arg16[%swap3A_324, %swap3A_325] {strides = array<i32>} : memref<80x16xf32, #tpu.memory_space<vmem>>, vector<16xf32>,
    tpu.vector_store %arg16[%swap3A_324, %swap3A_325], %broadcast_in_dim3A_322 {strides = array<i32>} : memref<80x16xf32, #tpu.memory_space<vmem>>, vector<16xf32>,
    %broadcast_in_dim3A_327 = arith.constant 0.000000e+00 : f32
    %broadcast_in_dim3A_328 = vector.broadcast %broadcast_in_dim3A_327 : f32 to vector<16xf32>
    %swap3A_329 = arith.constant 54 : i32
    %swap3A_330 = arith.index_cast %swap3A_329 : i32 to index
    %swap3A_331 = arith.constant 0 : index
    %swap3A_332 = tpu.vector_load %arg16[%swap3A_330, %swap3A_331] {strides = array<i32>} : memref<80x16xf32, #tpu.memory_space<vmem>>, vector<16xf32>,
    tpu.vector_store %arg16[%swap3A_330, %swap3A_331], %broadcast_in_dim3A_328 {strides = array<i32>} : memref<80x16xf32, #tpu.memory_space<vmem>>, vector<16xf32>,
    %broadcast_in_dim3A_333 = arith.constant 0.000000e+00 : f32
    %broadcast_in_dim3A_334 = vector.broadcast %broadcast_in_dim3A_333 : f32 to vector<16xf32>
    %swap3A_335 = arith.constant 55 : i32
    %swap3A_336 = arith.index_cast %swap3A_335 : i32 to index
    %swap3A_337 = arith.constant 0 : index
    %swap3A_338 = tpu.vector_load %arg16[%swap3A_336, %swap3A_337] {strides = array<i32>} : memref<80x16xf32, #tpu.memory_space<vmem>>, vector<16xf32>,
    tpu.vector_store %arg16[%swap3A_336, %swap3A_337], %broadcast_in_dim3A_334 {strides = array<i32>} : memref<80x16xf32, #tpu.memory_space<vmem>>, vector<16xf32>,
    %broadcast_in_dim3A_339 = arith.constant 0.000000e+00 : f32
    %broadcast_in_dim3A_340 = vector.broadcast %broadcast_in_dim3A_339 : f32 to vector<16xf32>
    %swap3A_341 = arith.constant 56 : i32
    %swap3A_342 = arith.index_cast %swap3A_341 : i32 to index
    %swap3A_343 = arith.constant 0 : index
    %swap3A_344 = tpu.vector_load %arg16[%swap3A_342, %swap3A_343] {strides = array<i32>} : memref<80x16xf32, #tpu.memory_space<vmem>>, vector<16xf32>,
    tpu.vector_store %arg16[%swap3A_342, %swap3A_343], %broadcast_in_dim3A_340 {strides = array<i32>} : memref<80x16xf32, #tpu.memory_space<vmem>>, vector<16xf32>,
    %broadcast_in_dim3A_345 = arith.constant 0.000000e+00 : f32
    %broadcast_in_dim3A_346 = vector.broadcast %broadcast_in_dim3A_345 : f32 to vector<16xf32>
    %swap3A_347 = arith.constant 57 : i32
    %swap3A_348 = arith.index_cast %swap3A_347 : i32 to index
    %swap3A_349 = arith.constant 0 : index
    %swap3A_350 = tpu.vector_load %arg16[%swap3A_348, %swap3A_349] {strides = array<i32>} : memref<80x16xf32, #tpu.memory_space<vmem>>, vector<16xf32>,
    tpu.vector_store %arg16[%swap3A_348, %swap3A_349], %broadcast_in_dim3A_346 {strides = array<i32>} : memref<80x16xf32, #tpu.memory_space<vmem>>, vector<16xf32>,
    %broadcast_in_dim3A_351 = arith.constant 0.000000e+00 : f32
    %broadcast_in_dim3A_352 = vector.broadcast %broadcast_in_dim3A_351 : f32 to vector<16xf32>
    %swap3A_353 = arith.constant 58 : i32
    %swap3A_354 = arith.index_cast %swap3A_353 : i32 to index
    %swap3A_355 = arith.constant 0 : index
    %swap3A_356 = tpu.vector_load %arg16[%swap3A_354, %swap3A_355] {strides = array<i32>} : memref<80x16xf32, #tpu.memory_space<vmem>>, vector<16xf32>,
    tpu.vector_store %arg16[%swap3A_354, %swap3A_355], %broadcast_in_dim3A_352 {strides = array<i32>} : memref<80x16xf32, #tpu.memory_space<vmem>>, vector<16xf32>,
    %broadcast_in_dim3A_357 = arith.constant 0.000000e+00 : f32
    %broadcast_in_dim3A_358 = vector.broadcast %broadcast_in_dim3A_357 : f32 to vector<16xf32>
    %swap3A_359 = arith.constant 59 : i32
    %swap3A_360 = arith.index_cast %swap3A_359 : i32 to index
    %swap3A_361 = arith.constant 0 : index
    %swap3A_362 = tpu.vector_load %arg16[%swap3A_360, %swap3A_361] {strides = array<i32>} : memref<80x16xf32, #tpu.memory_space<vmem>>, vector<16xf32>,
    tpu.vector_store %arg16[%swap3A_360, %swap3A_361], %broadcast_in_dim3A_358 {strides = array<i32>} : memref<80x16xf32, #tpu.memory_space<vmem>>, vector<16xf32>,
    %broadcast_in_dim3A_363 = arith.constant 0.000000e+00 : f32
    %broadcast_in_dim3A_364 = vector.broadcast %broadcast_in_dim3A_363 : f32 to vector<16xf32>
    %swap3A_365 = arith.constant 60 : i32
    %swap3A_366 = arith.index_cast %swap3A_365 : i32 to index
    %swap3A_367 = arith.constant 0 : index
    %swap3A_368 = tpu.vector_load %arg16[%swap3A_366, %swap3A_367] {strides = array<i32>} : memref<80x16xf32, #tpu.memory_space<vmem>>, vector<16xf32>,
    tpu.vector_store %arg16[%swap3A_366, %swap3A_367], %broadcast_in_dim3A_364 {strides = array<i32>} : memref<80x16xf32, #tpu.memory_space<vmem>>, vector<16xf32>,
    %broadcast_in_dim3A_369 = arith.constant 0.000000e+00 : f32
    %broadcast_in_dim3A_370 = vector.broadcast %broadcast_in_dim3A_369 : f32 to vector<16xf32>
    %swap3A_371 = arith.constant 61 : i32
    %swap3A_372 = arith.index_cast %swap3A_371 : i32 to index
    %swap3A_373 = arith.constant 0 : index
    %swap3A_374 = tpu.vector_load %arg16[%swap3A_372, %swap3A_373] {strides = array<i32>} : memref<80x16xf32, #tpu.memory_space<vmem>>, vector<16xf32>,
    tpu.vector_store %arg16[%swap3A_372, %swap3A_373], %broadcast_in_dim3A_370 {strides = array<i32>} : memref<80x16xf32, #tpu.memory_space<vmem>>, vector<16xf32>,
    %broadcast_in_dim3A_375 = arith.constant 0.000000e+00 : f32
    %broadcast_in_dim3A_376 = vector.broadcast %broadcast_in_dim3A_375 : f32 to vector<16xf32>
    %swap3A_377 = arith.constant 62 : i32
    %swap3A_378 = arith.index_cast %swap3A_377 : i32 to index
    %swap3A_379 = arith.constant 0 : index
    %swap3A_380 = tpu.vector_load %arg16[%swap3A_378, %swap3A_379] {strides = array<i32>} : memref<80x16xf32, #tpu.memory_space<vmem>>, vector<16xf32>,
    tpu.vector_store %arg16[%swap3A_378, %swap3A_379], %broadcast_in_dim3A_376 {strides = array<i32>} : memref<80x16xf32, #tpu.memory_space<vmem>>, vector<16xf32>,
    %broadcast_in_dim3A_381 = arith.constant 0.000000e+00 : f32
    %broadcast_in_dim3A_382 = vector.broadcast %broadcast_in_dim3A_381 : f32 to vector<16xf32>
    %swap3A_383 = arith.constant 63 : i32
    %swap3A_384 = arith.index_cast %swap3A_383 : i32 to index
    %swap3A_385 = arith.constant 0 : index
    %swap3A_386 = tpu.vector_load %arg16[%swap3A_384, %swap3A_385] {strides = array<i32>} : memref<80x16xf32, #tpu.memory_space<vmem>>, vector<16xf32>,
    tpu.vector_store %arg16[%swap3A_384, %swap3A_385], %broadcast_in_dim3A_382 {strides = array<i32>} : memref<80x16xf32, #tpu.memory_space<vmem>>, vector<16xf32>,
    %broadcast_in_dim3A_387 = arith.constant 0.000000e+00 : f32
    %broadcast_in_dim3A_388 = vector.broadcast %broadcast_in_dim3A_387 : f32 to vector<16xf32>
    %swap3A_389 = arith.constant 64 : i32
    %swap3A_390 = arith.index_cast %swap3A_389 : i32 to index
    %swap3A_391 = arith.constant 0 : index
    %swap3A_392 = tpu.vector_load %arg16[%swap3A_390, %swap3A_391] {strides = array<i32>} : memref<80x16xf32, #tpu.memory_space<vmem>>, vector<16xf32>,
    tpu.vector_store %arg16[%swap3A_390, %swap3A_391], %broadcast_in_dim3A_388 {strides = array<i32>} : memref<80x16xf32, #tpu.memory_space<vmem>>, vector<16xf32>,
    %broadcast_in_dim3A_393 = arith.constant 0.000000e+00 : f32
    %broadcast_in_dim3A_394 = vector.broadcast %broadcast_in_dim3A_393 : f32 to vector<16xf32>
    %swap3A_395 = arith.constant 65 : i32
    %swap3A_396 = arith.index_cast %swap3A_395 : i32 to index
    %swap3A_397 = arith.constant 0 : index
    %swap3A_398 = tpu.vector_load %arg16[%swap3A_396, %swap3A_397] {strides = array<i32>} : memref<80x16xf32, #tpu.memory_space<vmem>>, vector<16xf32>,
    tpu.vector_store %arg16[%swap3A_396, %swap3A_397], %broadcast_in_dim3A_394 {strides = array<i32>} : memref<80x16xf32, #tpu.memory_space<vmem>>, vector<16xf32>,
    %broadcast_in_dim3A_399 = arith.constant 0.000000e+00 : f32
    %broadcast_in_dim3A_400 = vector.broadcast %broadcast_in_dim3A_399 : f32 to vector<16xf32>
    %swap3A_401 = arith.constant 66 : i32
    %swap3A_402 = arith.index_cast %swap3A_401 : i32 to index
    %swap3A_403 = arith.constant 0 : index
    %swap3A_404 = tpu.vector_load %arg16[%swap3A_402, %swap3A_403] {strides = array<i32>} : memref<80x16xf32, #tpu.memory_space<vmem>>, vector<16xf32>,
    tpu.vector_store %arg16[%swap3A_402, %swap3A_403], %broadcast_in_dim3A_400 {strides = array<i32>} : memref<80x16xf32, #tpu.memory_space<vmem>>, vector<16xf32>,
    %broadcast_in_dim3A_405 = arith.constant 0.000000e+00 : f32
    %broadcast_in_dim3A_406 = vector.broadcast %broadcast_in_dim3A_405 : f32 to vector<16xf32>
    %swap3A_407 = arith.constant 67 : i32
    %swap3A_408 = arith.index_cast %swap3A_407 : i32 to index
    %swap3A_409 = arith.constant 0 : index
    %swap3A_410 = tpu.vector_load %arg16[%swap3A_408, %swap3A_409] {strides = array<i32>} : memref<80x16xf32, #tpu.memory_space<vmem>>, vector<16xf32>,
    tpu.vector_store %arg16[%swap3A_408, %swap3A_409], %broadcast_in_dim3A_406 {strides = array<i32>} : memref<80x16xf32, #tpu.memory_space<vmem>>, vector<16xf32>,
    %broadcast_in_dim3A_411 = arith.constant 0.000000e+00 : f32
    %broadcast_in_dim3A_412 = vector.broadcast %broadcast_in_dim3A_411 : f32 to vector<16xf32>
    %swap3A_413 = arith.constant 68 : i32
    %swap3A_414 = arith.index_cast %swap3A_413 : i32 to index
    %swap3A_415 = arith.constant 0 : index
    %swap3A_416 = tpu.vector_load %arg16[%swap3A_414, %swap3A_415] {strides = array<i32>} : memref<80x16xf32, #tpu.memory_space<vmem>>, vector<16xf32>,
    tpu.vector_store %arg16[%swap3A_414, %swap3A_415], %broadcast_in_dim3A_412 {strides = array<i32>} : memref<80x16xf32, #tpu.memory_space<vmem>>, vector<16xf32>,
    %broadcast_in_dim3A_417 = arith.constant 0.000000e+00 : f32
    %broadcast_in_dim3A_418 = vector.broadcast %broadcast_in_dim3A_417 : f32 to vector<16xf32>
    %swap3A_419 = arith.constant 69 : i32
    %swap3A_420 = arith.index_cast %swap3A_419 : i32 to index
    %swap3A_421 = arith.constant 0 : index
    %swap3A_422 = tpu.vector_load %arg16[%swap3A_420, %swap3A_421] {strides = array<i32>} : memref<80x16xf32, #tpu.memory_space<vmem>>, vector<16xf32>,
    tpu.vector_store %arg16[%swap3A_420, %swap3A_421], %broadcast_in_dim3A_418 {strides = array<i32>} : memref<80x16xf32, #tpu.memory_space<vmem>>, vector<16xf32>,
    %broadcast_in_dim3A_423 = arith.constant 0.000000e+00 : f32
    %broadcast_in_dim3A_424 = vector.broadcast %broadcast_in_dim3A_423 : f32 to vector<16xf32>
    %swap3A_425 = arith.constant 70 : i32
    %swap3A_426 = arith.index_cast %swap3A_425 : i32 to index
    %swap3A_427 = arith.constant 0 : index
    %swap3A_428 = tpu.vector_load %arg16[%swap3A_426, %swap3A_427] {strides = array<i32>} : memref<80x16xf32, #tpu.memory_space<vmem>>, vector<16xf32>,
    tpu.vector_store %arg16[%swap3A_426, %swap3A_427], %broadcast_in_dim3A_424 {strides = array<i32>} : memref<80x16xf32, #tpu.memory_space<vmem>>, vector<16xf32>,
    %broadcast_in_dim3A_429 = arith.constant 0.000000e+00 : f32
    %broadcast_in_dim3A_430 = vector.broadcast %broadcast_in_dim3A_429 : f32 to vector<16xf32>
    %swap3A_431 = arith.constant 71 : i32
    %swap3A_432 = arith.index_cast %swap3A_431 : i32 to index
    %swap3A_433 = arith.constant 0 : index
    %swap3A_434 = tpu.vector_load %arg16[%swap3A_432, %swap3A_433] {strides = array<i32>} : memref<80x16xf32, #tpu.memory_space<vmem>>, vector<16xf32>,
    tpu.vector_store %arg16[%swap3A_432, %swap3A_433], %broadcast_in_dim3A_430 {strides = array<i32>} : memref<80x16xf32, #tpu.memory_space<vmem>>, vector<16xf32>,
    %broadcast_in_dim3A_435 = arith.constant 0.000000e+00 : f32
    %broadcast_in_dim3A_436 = vector.broadcast %broadcast_in_dim3A_435 : f32 to vector<16xf32>
    %swap3A_437 = arith.constant 72 : i32
    %swap3A_438 = arith.index_cast %swap3A_437 : i32 to index
    %swap3A_439 = arith.constant 0 : index
    %swap3A_440 = tpu.vector_load %arg16[%swap3A_438, %swap3A_439] {strides = array<i32>} : memref<80x16xf32, #tpu.memory_space<vmem>>, vector<16xf32>,
    tpu.vector_store %arg16[%swap3A_438, %swap3A_439], %broadcast_in_dim3A_436 {strides = array<i32>} : memref<80x16xf32, #tpu.memory_space<vmem>>, vector<16xf32>,
    %broadcast_in_dim3A_441 = arith.constant 0.000000e+00 : f32
    %broadcast_in_dim3A_442 = vector.broadcast %broadcast_in_dim3A_441 : f32 to vector<16xf32>
    %swap3A_443 = arith.constant 73 : i32
    %swap3A_444 = arith.index_cast %swap3A_443 : i32 to index
    %swap3A_445 = arith.constant 0 : index
    %swap3A_446 = tpu.vector_load %arg16[%swap3A_444, %swap3A_445] {strides = array<i32>} : memref<80x16xf32, #tpu.memory_space<vmem>>, vector<16xf32>,
    tpu.vector_store %arg16[%swap3A_444, %swap3A_445], %broadcast_in_dim3A_442 {strides = array<i32>} : memref<80x16xf32, #tpu.memory_space<vmem>>, vector<16xf32>,
    %broadcast_in_dim3A_447 = arith.constant 0.000000e+00 : f32
    %broadcast_in_dim3A_448 = vector.broadcast %broadcast_in_dim3A_447 : f32 to vector<16xf32>
    %swap3A_449 = arith.constant 74 : i32
    %swap3A_450 = arith.index_cast %swap3A_449 : i32 to index
    %swap3A_451 = arith.constant 0 : index
    %swap3A_452 = tpu.vector_load %arg16[%swap3A_450, %swap3A_451] {strides = array<i32>} : memref<80x16xf32, #tpu.memory_space<vmem>>, vector<16xf32>,
    tpu.vector_store %arg16[%swap3A_450, %swap3A_451], %broadcast_in_dim3A_448 {strides = array<i32>} : memref<80x16xf32, #tpu.memory_space<vmem>>, vector<16xf32>,
    %broadcast_in_dim3A_453 = arith.constant 0.000000e+00 : f32
    %broadcast_in_dim3A_454 = vector.broadcast %broadcast_in_dim3A_453 : f32 to vector<16xf32>
    %swap3A_455 = arith.constant 75 : i32
    %swap3A_456 = arith.index_cast %swap3A_455 : i32 to index
    %swap3A_457 = arith.constant 0 : index
    %swap3A_458 = tpu.vector_load %arg16[%swap3A_456, %swap3A_457] {strides = array<i32>} : memref<80x16xf32, #tpu.memory_space<vmem>>, vector<16xf32>,
    tpu.vector_store %arg16[%swap3A_456, %swap3A_457], %broadcast_in_dim3A_454 {strides = array<i32>} : memref<80x16xf32, #tpu.memory_space<vmem>>, vector<16xf32>,
    %broadcast_in_dim3A_459 = arith.constant 0.000000e+00 : f32
    %broadcast_in_dim3A_460 = vector.broadcast %broadcast_in_dim3A_459 : f32 to vector<16xf32>
    %swap3A_461 = arith.constant 76 : i32
    %swap3A_462 = arith.index_cast %swap3A_461 : i32 to index
    %swap3A_463 = arith.constant 0 : index
    %swap3A_464 = tpu.vector_load %arg16[%swap3A_462, %swap3A_463] {strides = array<i32>} : memref<80x16xf32, #tpu.memory_space<vmem>>, vector<16xf32>,
    tpu.vector_store %arg16[%swap3A_462, %swap3A_463], %broadcast_in_dim3A_460 {strides = array<i32>} : memref<80x16xf32, #tpu.memory_space<vmem>>, vector<16xf32>,
    %broadcast_in_dim3A_465 = arith.constant 0.000000e+00 : f32
    %broadcast_in_dim3A_466 = vector.broadcast %broadcast_in_dim3A_465 : f32 to vector<16xf32>
    %swap3A_467 = arith.constant 77 : i32
    %swap3A_468 = arith.index_cast %swap3A_467 : i32 to index
    %swap3A_469 = arith.constant 0 : index
    %swap3A_470 = tpu.vector_load %arg16[%swap3A_468, %swap3A_469] {strides = array<i32>} : memref<80x16xf32, #tpu.memory_space<vmem>>, vector<16xf32>,
    tpu.vector_store %arg16[%swap3A_468, %swap3A_469], %broadcast_in_dim3A_466 {strides = array<i32>} : memref<80x16xf32, #tpu.memory_space<vmem>>, vector<16xf32>,
    %broadcast_in_dim3A_471 = arith.constant 0.000000e+00 : f32
    %broadcast_in_dim3A_472 = vector.broadcast %broadcast_in_dim3A_471 : f32 to vector<16xf32>
    %swap3A_473 = arith.constant 78 : i32
    %swap3A_474 = arith.index_cast %swap3A_473 : i32 to index
    %swap3A_475 = arith.constant 0 : index
    %swap3A_476 = tpu.vector_load %arg16[%swap3A_474, %swap3A_475] {strides = array<i32>} : memref<80x16xf32, #tpu.memory_space<vmem>>, vector<16xf32>,
    tpu.vector_store %arg16[%swap3A_474, %swap3A_475], %broadcast_in_dim3A_472 {strides = array<i32>} : memref<80x16xf32, #tpu.memory_space<vmem>>, vector<16xf32>,
    %broadcast_in_dim3A_477 = arith.constant 0.000000e+00 : f32
    %broadcast_in_dim3A_478 = vector.broadcast %broadcast_in_dim3A_477 : f32 to vector<16xf32>
    %swap3A_479 = arith.constant 79 : i32
    %swap3A_480 = arith.index_cast %swap3A_479 : i32 to index
    %swap3A_481 = arith.constant 0 : index
    %swap3A_482 = tpu.vector_load %arg16[%swap3A_480, %swap3A_481] {strides = array<i32>} : memref<80x16xf32, #tpu.memory_space<vmem>>, vector<16xf32>,
    tpu.vector_store %arg16[%swap3A_480, %swap3A_481], %broadcast_in_dim3A_478 {strides = array<i32>} : memref<80x16xf32, #tpu.memory_space<vmem>>, vector<16xf32>,
    %scan3A = arith.constant 0 : i32
    %scan3A_483 = arith.constant 0 : i32
    %scan3A_484 = arith.constant 250 : i32
    %scan3A_485 = arith.addi %scan3A_483, %scan3A_484 : i32
    %scan3A_486 = arith.constant 1 : i32
    scf.for %scan3A_505 = %scan3A_483 to %scan3A_485 step %scan3A_486  : i32 {
      %mul3A_506 = arith.constant 20000 : i32
      %mul3A_507 = arith.muli %arg1, %mul3A_506 : i32
      %mul3A_508 = arith.constant 80 : i32
      %mul3A_509 = arith.muli %scan3A_505, %mul3A_508 : i32
      %add3A = arith.addi %mul3A_507, %mul3A_509 : i32
      %dma_start3A = arith.constant 0 : i32
      %dma_start3A_510 = tpu.memref_slice %arg2[%dma_start3A, %add3A] : memref<2x320000xi32, #tpu.memory_space<hbm>> -> memref<2x80xi32, #tpu.memory_space<hbm>>
      %dma_start3A_511 = arith.constant 0 : i32
      %dma_start3A_512 = tpu.memref_slice %arg2[%dma_start3A_511, %add3A] : memref<2x320000xi32, #tpu.memory_space<hbm>> -> memref<2x80xi32, #tpu.memory_space<hbm>>
      tpu.enqueue_dma source(%dma_start3A_512 : memref<2x80xi32, #tpu.memory_space<hbm>>) target(%arg12 : memref<2x80xi32, #tpu.memory_space<vmem>>) target_semaphore(%arg21 : memref<!tpu.dma_semaphore, #tpu.memory_space<semaphore_mem>>)
      %dma_start3A_513 = arith.constant 0 : i32
      %dma_start3A_514 = tpu.memref_slice %arg4[%add3A, %dma_start3A_513] : memref<320000x4xf32, #tpu.memory_space<hbm>> -> memref<80x4xf32, #tpu.memory_space<hbm>>
      %dma_start3A_515 = arith.constant 0 : i32
      %dma_start3A_516 = tpu.memref_slice %arg4[%add3A, %dma_start3A_515] : memref<320000x4xf32, #tpu.memory_space<hbm>> -> memref<80x4xf32, #tpu.memory_space<hbm>>
      tpu.enqueue_dma source(%dma_start3A_516 : memref<80x4xf32, #tpu.memory_space<hbm>>) target(%arg15 : memref<80x4xf32, #tpu.memory_space<vmem>>) target_semaphore(%arg22 : memref<!tpu.dma_semaphore, #tpu.memory_space<semaphore_mem>>)
      %dma_wait3A = arith.constant 0 : i32
      %dma_wait3A_517 = tpu.memref_slice %arg2[%dma_wait3A, %add3A] : memref<2x320000xi32, #tpu.memory_space<hbm>> -> memref<2x80xi32, #tpu.memory_space<hbm>>
      %dma_wait3A_518 = arith.constant 0 : i32
      %dma_wait3A_519 = tpu.memref_slice %arg2[%dma_wait3A_518, %add3A] : memref<2x320000xi32, #tpu.memory_space<hbm>> -> memref<2x80xi32, #tpu.memory_space<hbm>>
      tpu.wait_dma2 semaphore(%arg21 : memref<!tpu.dma_semaphore, #tpu.memory_space<semaphore_mem>>) src(%dma_wait3A_519 : memref<2x80xi32, #tpu.memory_space<hbm>>) dst(%arg12 : memref<2x80xi32, #tpu.memory_space<vmem>>)
      %dma_start3A_520 = arith.constant 0 : i32
      %dma_start3A_521 = arith.constant 0 : i32
      %dma_start3A_522 = tpu.memref_slice %arg12[%dma_start3A_520, %dma_start3A_521] : memref<2x80xi32, #tpu.memory_space<vmem>> -> memref<1x80xi32, #tpu.memory_space<vmem>>
      %dma_start3A_523 = tpu.memref_squeeze %dma_start3A_522 : memref<1x80xi32, #tpu.memory_space<vmem>> -> memref<80xi32, #tpu.memory_space<vmem>>
      %dma_start3A_524 = arith.constant 0 : i32
      %dma_start3A_525 = arith.constant 0 : i32
      %dma_start3A_526 = tpu.memref_slice %arg3[%dma_start3A_524, %dma_start3A_525] : memref<10000x16xf32, #tpu.memory_space<hbm>> -> memref<10000x16xf32, #tpu.memory_space<hbm>>
      tpu.enqueue_indirect_dma source(%dma_start3A_526 : memref<10000x16xf32, #tpu.memory_space<hbm>>) target(%arg13 : memref<80x16xf32, #tpu.memory_space<vmem>>) offsets(%dma_start3A_523 : memref<80xi32, #tpu.memory_space<vmem>>) semaphore(%arg23 : memref<!tpu.dma_semaphore, #tpu.memory_space<semaphore_mem>>)
      %dma_start3A_527 = arith.constant 1 : i32
      %dma_start3A_528 = arith.constant 0 : i32
      %dma_start3A_529 = tpu.memref_slice %arg12[%dma_start3A_527, %dma_start3A_528] : memref<2x80xi32, #tpu.memory_space<vmem>> -> memref<1x80xi32, #tpu.memory_space<vmem>>
      %dma_start3A_530 = tpu.memref_squeeze %dma_start3A_529 : memref<1x80xi32, #tpu.memory_space<vmem>> -> memref<80xi32, #tpu.memory_space<vmem>>
      %dma_start3A_531 = arith.constant 0 : i32
      %dma_start3A_532 = arith.constant 0 : i32
      %dma_start3A_533 = tpu.memref_slice %arg3[%dma_start3A_531, %dma_start3A_532] : memref<10000x16xf32, #tpu.memory_space<hbm>> -> memref<10000x16xf32, #tpu.memory_space<hbm>>
      tpu.enqueue_indirect_dma source(%dma_start3A_533 : memref<10000x16xf32, #tpu.memory_space<hbm>>) target(%arg14 : memref<80x16xf32, #tpu.memory_space<vmem>>) offsets(%dma_start3A_530 : memref<80xi32, #tpu.memory_space<vmem>>) semaphore(%arg23 : memref<!tpu.dma_semaphore, #tpu.memory_space<semaphore_mem>>)
      %dma_wait3A_534 = arith.constant 0 : i32
      %dma_wait3A_535 = arith.constant 0 : i32
      %dma_wait3A_536 = tpu.memref_slice %arg12[%dma_wait3A_534, %dma_wait3A_535] : memref<2x80xi32, #tpu.memory_space<vmem>> -> memref<1x80xi32, #tpu.memory_space<vmem>>
      %dma_wait3A_537 = tpu.memref_squeeze %dma_wait3A_536 : memref<1x80xi32, #tpu.memory_space<vmem>> -> memref<80xi32, #tpu.memory_space<vmem>>
      %dma_wait3A_538 = arith.constant 0 : i32
      %dma_wait3A_539 = arith.constant 0 : i32
      %dma_wait3A_540 = tpu.memref_slice %arg3[%dma_wait3A_538, %dma_wait3A_539] : memref<10000x16xf32, #tpu.memory_space<hbm>> -> memref<10000x16xf32, #tpu.memory_space<hbm>>
      tpu.wait_indirect_dma semaphore(%arg23 : memref<!tpu.dma_semaphore, #tpu.memory_space<semaphore_mem>>) src(%dma_wait3A_540 : memref<10000x16xf32, #tpu.memory_space<hbm>>) dst(%arg13 : memref<80x16xf32, #tpu.memory_space<vmem>>)
      %dma_wait3A_541 = arith.constant 1 : i32
      %dma_wait3A_542 = arith.constant 0 : i32
      %dma_wait3A_543 = tpu.memref_slice %arg12[%dma_wait3A_541, %dma_wait3A_542] : memref<2x80xi32, #tpu.memory_space<vmem>> -> memref<1x80xi32, #tpu.memory_space<vmem>>
      %dma_wait3A_544 = tpu.memref_squeeze %dma_wait3A_543 : memref<1x80xi32, #tpu.memory_space<vmem>> -> memref<80xi32, #tpu.memory_space<vmem>>
      %dma_wait3A_545 = arith.constant 0 : i32
      %dma_wait3A_546 = arith.constant 0 : i32
      %dma_wait3A_547 = tpu.memref_slice %arg3[%dma_wait3A_545, %dma_wait3A_546] : memref<10000x16xf32, #tpu.memory_space<hbm>> -> memref<10000x16xf32, #tpu.memory_space<hbm>>
      tpu.wait_indirect_dma semaphore(%arg23 : memref<!tpu.dma_semaphore, #tpu.memory_space<semaphore_mem>>) src(%dma_wait3A_547 : memref<10000x16xf32, #tpu.memory_space<hbm>>) dst(%arg14 : memref<80x16xf32, #tpu.memory_space<vmem>>)
      %dma_wait3A_548 = arith.constant 0 : i32
      %dma_wait3A_549 = tpu.memref_slice %arg4[%add3A, %dma_wait3A_548] : memref<320000x4xf32, #tpu.memory_space<hbm>> -> memref<80x4xf32, #tpu.memory_space<hbm>>
      %dma_wait3A_550 = arith.constant 0 : i32
      %dma_wait3A_551 = tpu.memref_slice %arg4[%add3A, %dma_wait3A_550] : memref<320000x4xf32, #tpu.memory_space<hbm>> -> memref<80x4xf32, #tpu.memory_space<hbm>>
      tpu.wait_dma2 semaphore(%arg22 : memref<!tpu.dma_semaphore, #tpu.memory_space<semaphore_mem>>) src(%dma_wait3A_551 : memref<80x4xf32, #tpu.memory_space<hbm>>) dst(%arg15 : memref<80x4xf32, #tpu.memory_space<vmem>>)
      %add3A_552 = arith.constant 0 : i32
      %add3A_553 = vector.broadcast %add3A_552 : i32 to vector<16xi32>
      %add3A_554 = arith.addi %iota3A, %add3A_553 : vector<16xi32>
      %broadcast_in_dim3A_555 = arith.constant 0 : i32
      %broadcast_in_dim3A_556 = vector.broadcast %broadcast_in_dim3A_555 : i32 to vector<16xi32>
      %broadcast_in_dim3A_557 = arith.constant 4 : i32
      %broadcast_in_dim3A_558 = vector.broadcast %broadcast_in_dim3A_557 : i32 to vector<16xi32>
      %gather3A = tpu.vector_load_idx %arg13[%add3A_554, %broadcast_in_dim3A_556] : memref<80x16xf32, #tpu.memory_space<vmem>>[vector<16xi32>, vector<16xi32>], vector<16xf32>,
      %gather3A_559 = tpu.vector_load_idx %arg14[%add3A_554, %broadcast_in_dim3A_558] : memref<80x16xf32, #tpu.memory_space<vmem>>[vector<16xi32>, vector<16xi32>], vector<16xf32>,
      %add3A_560 = arith.addf %gather3A, %gather3A_559 : vector<16xf32>
      %gather3A_561 = tpu.vector_load_idx %arg15[%add3A_554, %broadcast_in_dim3A_556] : memref<80x4xf32, #tpu.memory_space<vmem>>[vector<16xi32>, vector<16xi32>], vector<16xf32>,
      %add3A_562 = arith.addf %add3A_560, %gather3A_561 : vector<16xf32>
      %ge3A = arith.constant 0.000000e+00 : f32
      %ge3A_563 = vector.broadcast %ge3A : f32 to vector<16xf32>
      %ge3A_564 = arith.cmpf oge, %add3A_562, %ge3A_563 : vector<16xf32>
      %mul3A_565 = arith.constant 2.000000e-01 : f32
      %mul3A_566 = vector.broadcast %mul3A_565 : f32 to vector<16xf32>
      %mul3A_567 = arith.mulf %mul3A_566, %add3A_562 : vector<16xf32>
      %select_n3A = arith.select %ge3A_564, %add3A_562, %mul3A_567 : vector<16xi1>, vector<16xf32>
      %exp3A = math.exp %select_n3A : vector<16xf32>
      tpu.vector_store_idx %arg16[%add3A_554, %broadcast_in_dim3A_556], %exp3A : memref<80x16xf32, #tpu.memory_space<vmem>>[vector<16xi32>, vector<16xi32>], vector<16xf32>,
      %broadcast_in_dim3A_568 = arith.constant 1 : i32
      %broadcast_in_dim3A_569 = vector.broadcast %broadcast_in_dim3A_568 : i32 to vector<16xi32>
      %broadcast_in_dim3A_570 = arith.constant 5 : i32
      %broadcast_in_dim3A_571 = vector.broadcast %broadcast_in_dim3A_570 : i32 to vector<16xi32>
      %gather3A_572 = tpu.vector_load_idx %arg13[%add3A_554, %broadcast_in_dim3A_569] : memref<80x16xf32, #tpu.memory_space<vmem>>[vector<16xi32>, vector<16xi32>], vector<16xf32>,
      %gather3A_573 = tpu.vector_load_idx %arg14[%add3A_554, %broadcast_in_dim3A_571] : memref<80x16xf32, #tpu.memory_space<vmem>>[vector<16xi32>, vector<16xi32>], vector<16xf32>,
      %add3A_574 = arith.addf %gather3A_572, %gather3A_573 : vector<16xf32>
      %gather3A_575 = tpu.vector_load_idx %arg15[%add3A_554, %broadcast_in_dim3A_569] : memref<80x4xf32, #tpu.memory_space<vmem>>[vector<16xi32>, vector<16xi32>], vector<16xf32>,
      %add3A_576 = arith.addf %add3A_574, %gather3A_575 : vector<16xf32>
      %ge3A_577 = arith.constant 0.000000e+00 : f32
      %ge3A_578 = vector.broadcast %ge3A_577 : f32 to vector<16xf32>
      %ge3A_579 = arith.cmpf oge, %add3A_576, %ge3A_578 : vector<16xf32>
      %mul3A_580 = arith.constant 2.000000e-01 : f32
      %mul3A_581 = vector.broadcast %mul3A_580 : f32 to vector<16xf32>
      %mul3A_582 = arith.mulf %mul3A_581, %add3A_576 : vector<16xf32>
      %select_n3A_583 = arith.select %ge3A_579, %add3A_576, %mul3A_582 : vector<16xi1>, vector<16xf32>
      %exp3A_584 = math.exp %select_n3A_583 : vector<16xf32>
      tpu.vector_store_idx %arg16[%add3A_554, %broadcast_in_dim3A_569], %exp3A_584 : memref<80x16xf32, #tpu.memory_space<vmem>>[vector<16xi32>, vector<16xi32>], vector<16xf32>,
      %broadcast_in_dim3A_585 = arith.constant 2 : i32
      %broadcast_in_dim3A_586 = vector.broadcast %broadcast_in_dim3A_585 : i32 to vector<16xi32>
      %broadcast_in_dim3A_587 = arith.constant 6 : i32
      %broadcast_in_dim3A_588 = vector.broadcast %broadcast_in_dim3A_587 : i32 to vector<16xi32>
      %gather3A_589 = tpu.vector_load_idx %arg13[%add3A_554, %broadcast_in_dim3A_586] : memref<80x16xf32, #tpu.memory_space<vmem>>[vector<16xi32>, vector<16xi32>], vector<16xf32>,
      %gather3A_590 = tpu.vector_load_idx %arg14[%add3A_554, %broadcast_in_dim3A_588] : memref<80x16xf32, #tpu.memory_space<vmem>>[vector<16xi32>, vector<16xi32>], vector<16xf32>,
      %add3A_591 = arith.addf %gather3A_589, %gather3A_590 : vector<16xf32>
      %gather3A_592 = tpu.vector_load_idx %arg15[%add3A_554, %broadcast_in_dim3A_586] : memref<80x4xf32, #tpu.memory_space<vmem>>[vector<16xi32>, vector<16xi32>], vector<16xf32>,
      %add3A_593 = arith.addf %add3A_591, %gather3A_592 : vector<16xf32>
      %ge3A_594 = arith.constant 0.000000e+00 : f32
      %ge3A_595 = vector.broadcast %ge3A_594 : f32 to vector<16xf32>
      %ge3A_596 = arith.cmpf oge, %add3A_593, %ge3A_595 : vector<16xf32>
      %mul3A_597 = arith.constant 2.000000e-01 : f32
      %mul3A_598 = vector.broadcast %mul3A_597 : f32 to vector<16xf32>
      %mul3A_599 = arith.mulf %mul3A_598, %add3A_593 : vector<16xf32>
      %select_n3A_600 = arith.select %ge3A_596, %add3A_593, %mul3A_599 : vector<16xi1>, vector<16xf32>
      %exp3A_601 = math.exp %select_n3A_600 : vector<16xf32>
      tpu.vector_store_idx %arg16[%add3A_554, %broadcast_in_dim3A_586], %exp3A_601 : memref<80x16xf32, #tpu.memory_space<vmem>>[vector<16xi32>, vector<16xi32>], vector<16xf32>,
      %broadcast_in_dim3A_602 = arith.constant 3 : i32
      %broadcast_in_dim3A_603 = vector.broadcast %broadcast_in_dim3A_602 : i32 to vector<16xi32>
      %broadcast_in_dim3A_604 = arith.constant 7 : i32
      %broadcast_in_dim3A_605 = vector.broadcast %broadcast_in_dim3A_604 : i32 to vector<16xi32>
      %gather3A_606 = tpu.vector_load_idx %arg13[%add3A_554, %broadcast_in_dim3A_603] : memref<80x16xf32, #tpu.memory_space<vmem>>[vector<16xi32>, vector<16xi32>], vector<16xf32>,
      %gather3A_607 = tpu.vector_load_idx %arg14[%add3A_554, %broadcast_in_dim3A_605] : memref<80x16xf32, #tpu.memory_space<vmem>>[vector<16xi32>, vector<16xi32>], vector<16xf32>,
      %add3A_608 = arith.addf %gather3A_606, %gather3A_607 : vector<16xf32>
      %gather3A_609 = tpu.vector_load_idx %arg15[%add3A_554, %broadcast_in_dim3A_603] : memref<80x4xf32, #tpu.memory_space<vmem>>[vector<16xi32>, vector<16xi32>], vector<16xf32>,
      %add3A_610 = arith.addf %add3A_608, %gather3A_609 : vector<16xf32>
      %ge3A_611 = arith.constant 0.000000e+00 : f32
      %ge3A_612 = vector.broadcast %ge3A_611 : f32 to vector<16xf32>
      %ge3A_613 = arith.cmpf oge, %add3A_610, %ge3A_612 : vector<16xf32>
      %mul3A_614 = arith.constant 2.000000e-01 : f32
      %mul3A_615 = vector.broadcast %mul3A_614 : f32 to vector<16xf32>
      %mul3A_616 = arith.mulf %mul3A_615, %add3A_610 : vector<16xf32>
      %select_n3A_617 = arith.select %ge3A_613, %add3A_610, %mul3A_616 : vector<16xi1>, vector<16xf32>
      %exp3A_618 = math.exp %select_n3A_617 : vector<16xf32>
      tpu.vector_store_idx %arg16[%add3A_554, %broadcast_in_dim3A_603], %exp3A_618 : memref<80x16xf32, #tpu.memory_space<vmem>>[vector<16xi32>, vector<16xi32>], vector<16xf32>,
      %add3A_619 = arith.constant 16 : i32
      %add3A_620 = vector.broadcast %add3A_619 : i32 to vector<16xi32>
      %add3A_621 = arith.addi %iota3A, %add3A_620 : vector<16xi32>
      %broadcast_in_dim3A_622 = arith.constant 0 : i32
      %broadcast_in_dim3A_623 = vector.broadcast %broadcast_in_dim3A_622 : i32 to vector<16xi32>
      %broadcast_in_dim3A_624 = arith.constant 4 : i32
      %broadcast_in_dim3A_625 = vector.broadcast %broadcast_in_dim3A_624 : i32 to vector<16xi32>
      %gather3A_626 = tpu.vector_load_idx %arg13[%add3A_621, %broadcast_in_dim3A_623] : memref<80x16xf32, #tpu.memory_space<vmem>>[vector<16xi32>, vector<16xi32>], vector<16xf32>,
      %gather3A_627 = tpu.vector_load_idx %arg14[%add3A_621, %broadcast_in_dim3A_625] : memref<80x16xf32, #tpu.memory_space<vmem>>[vector<16xi32>, vector<16xi32>], vector<16xf32>,
      %add3A_628 = arith.addf %gather3A_626, %gather3A_627 : vector<16xf32>
      %gather3A_629 = tpu.vector_load_idx %arg15[%add3A_621, %broadcast_in_dim3A_623] : memref<80x4xf32, #tpu.memory_space<vmem>>[vector<16xi32>, vector<16xi32>], vector<16xf32>,
      %add3A_630 = arith.addf %add3A_628, %gather3A_629 : vector<16xf32>
      %ge3A_631 = arith.constant 0.000000e+00 : f32
      %ge3A_632 = vector.broadcast %ge3A_631 : f32 to vector<16xf32>
      %ge3A_633 = arith.cmpf oge, %add3A_630, %ge3A_632 : vector<16xf32>
      %mul3A_634 = arith.constant 2.000000e-01 : f32
      %mul3A_635 = vector.broadcast %mul3A_634 : f32 to vector<16xf32>
      %mul3A_636 = arith.mulf %mul3A_635, %add3A_630 : vector<16xf32>
      %select_n3A_637 = arith.select %ge3A_633, %add3A_630, %mul3A_636 : vector<16xi1>, vector<16xf32>
      %exp3A_638 = math.exp %select_n3A_637 : vector<16xf32>
      tpu.vector_store_idx %arg16[%add3A_621, %broadcast_in_dim3A_623], %exp3A_638 : memref<80x16xf32, #tpu.memory_space<vmem>>[vector<16xi32>, vector<16xi32>], vector<16xf32>,
      %broadcast_in_dim3A_639 = arith.constant 1 : i32
      %broadcast_in_dim3A_640 = vector.broadcast %broadcast_in_dim3A_639 : i32 to vector<16xi32>
      %broadcast_in_dim3A_641 = arith.constant 5 : i32
      %broadcast_in_dim3A_642 = vector.broadcast %broadcast_in_dim3A_641 : i32 to vector<16xi32>
      %gather3A_643 = tpu.vector_load_idx %arg13[%add3A_621, %broadcast_in_dim3A_640] : memref<80x16xf32, #tpu.memory_space<vmem>>[vector<16xi32>, vector<16xi32>], vector<16xf32>,
      %gather3A_644 = tpu.vector_load_idx %arg14[%add3A_621, %broadcast_in_dim3A_642] : memref<80x16xf32, #tpu.memory_space<vmem>>[vector<16xi32>, vector<16xi32>], vector<16xf32>,
      %add3A_645 = arith.addf %gather3A_643, %gather3A_644 : vector<16xf32>
      %gather3A_646 = tpu.vector_load_idx %arg15[%add3A_621, %broadcast_in_dim3A_640] : memref<80x4xf32, #tpu.memory_space<vmem>>[vector<16xi32>, vector<16xi32>], vector<16xf32>,
      %add3A_647 = arith.addf %add3A_645, %gather3A_646 : vector<16xf32>
      %ge3A_648 = arith.constant 0.000000e+00 : f32
      %ge3A_649 = vector.broadcast %ge3A_648 : f32 to vector<16xf32>
      %ge3A_650 = arith.cmpf oge, %add3A_647, %ge3A_649 : vector<16xf32>
      %mul3A_651 = arith.constant 2.000000e-01 : f32
      %mul3A_652 = vector.broadcast %mul3A_651 : f32 to vector<16xf32>
      %mul3A_653 = arith.mulf %mul3A_652, %add3A_647 : vector<16xf32>
      %select_n3A_654 = arith.select %ge3A_650, %add3A_647, %mul3A_653 : vector<16xi1>, vector<16xf32>
      %exp3A_655 = math.exp %select_n3A_654 : vector<16xf32>
      tpu.vector_store_idx %arg16[%add3A_621, %broadcast_in_dim3A_640], %exp3A_655 : memref<80x16xf32, #tpu.memory_space<vmem>>[vector<16xi32>, vector<16xi32>], vector<16xf32>,
      %broadcast_in_dim3A_656 = arith.constant 2 : i32
      %broadcast_in_dim3A_657 = vector.broadcast %broadcast_in_dim3A_656 : i32 to vector<16xi32>
      %broadcast_in_dim3A_658 = arith.constant 6 : i32
      %broadcast_in_dim3A_659 = vector.broadcast %broadcast_in_dim3A_658 : i32 to vector<16xi32>
      %gather3A_660 = tpu.vector_load_idx %arg13[%add3A_621, %broadcast_in_dim3A_657] : memref<80x16xf32, #tpu.memory_space<vmem>>[vector<16xi32>, vector<16xi32>], vector<16xf32>,
      %gather3A_661 = tpu.vector_load_idx %arg14[%add3A_621, %broadcast_in_dim3A_659] : memref<80x16xf32, #tpu.memory_space<vmem>>[vector<16xi32>, vector<16xi32>], vector<16xf32>,
      %add3A_662 = arith.addf %gather3A_660, %gather3A_661 : vector<16xf32>
      %gather3A_663 = tpu.vector_load_idx %arg15[%add3A_621, %broadcast_in_dim3A_657] : memref<80x4xf32, #tpu.memory_space<vmem>>[vector<16xi32>, vector<16xi32>], vector<16xf32>,
      %add3A_664 = arith.addf %add3A_662, %gather3A_663 : vector<16xf32>
      %ge3A_665 = arith.constant 0.000000e+00 : f32
      %ge3A_666 = vector.broadcast %ge3A_665 : f32 to vector<16xf32>
      %ge3A_667 = arith.cmpf oge, %add3A_664, %ge3A_666 : vector<16xf32>
      %mul3A_668 = arith.constant 2.000000e-01 : f32
      %mul3A_669 = vector.broadcast %mul3A_668 : f32 to vector<16xf32>
      %mul3A_670 = arith.mulf %mul3A_669, %add3A_664 : vector<16xf32>
      %select_n3A_671 = arith.select %ge3A_667, %add3A_664, %mul3A_670 : vector<16xi1>, vector<16xf32>
      %exp3A_672 = math.exp %select_n3A_671 : vector<16xf32>
      tpu.vector_store_idx %arg16[%add3A_621, %broadcast_in_dim3A_657], %exp3A_672 : memref<80x16xf32, #tpu.memory_space<vmem>>[vector<16xi32>, vector<16xi32>], vector<16xf32>,
      %broadcast_in_dim3A_673 = arith.constant 3 : i32
      %broadcast_in_dim3A_674 = vector.broadcast %broadcast_in_dim3A_673 : i32 to vector<16xi32>
      %broadcast_in_dim3A_675 = arith.constant 7 : i32
      %broadcast_in_dim3A_676 = vector.broadcast %broadcast_in_dim3A_675 : i32 to vector<16xi32>
      %gather3A_677 = tpu.vector_load_idx %arg13[%add3A_621, %broadcast_in_dim3A_674] : memref<80x16xf32, #tpu.memory_space<vmem>>[vector<16xi32>, vector<16xi32>], vector<16xf32>,
      %gather3A_678 = tpu.vector_load_idx %arg14[%add3A_621, %broadcast_in_dim3A_676] : memref<80x16xf32, #tpu.memory_space<vmem>>[vector<16xi32>, vector<16xi32>], vector<16xf32>,
      %add3A_679 = arith.addf %gather3A_677, %gather3A_678 : vector<16xf32>
      %gather3A_680 = tpu.vector_load_idx %arg15[%add3A_621, %broadcast_in_dim3A_674] : memref<80x4xf32, #tpu.memory_space<vmem>>[vector<16xi32>, vector<16xi32>], vector<16xf32>,
      %add3A_681 = arith.addf %add3A_679, %gather3A_680 : vector<16xf32>
      %ge3A_682 = arith.constant 0.000000e+00 : f32
      %ge3A_683 = vector.broadcast %ge3A_682 : f32 to vector<16xf32>
      %ge3A_684 = arith.cmpf oge, %add3A_681, %ge3A_683 : vector<16xf32>
      %mul3A_685 = arith.constant 2.000000e-01 : f32
      %mul3A_686 = vector.broadcast %mul3A_685 : f32 to vector<16xf32>
      %mul3A_687 = arith.mulf %mul3A_686, %add3A_681 : vector<16xf32>
      %select_n3A_688 = arith.select %ge3A_684, %add3A_681, %mul3A_687 : vector<16xi1>, vector<16xf32>
      %exp3A_689 = math.exp %select_n3A_688 : vector<16xf32>
      tpu.vector_store_idx %arg16[%add3A_621, %broadcast_in_dim3A_674], %exp3A_689 : memref<80x16xf32, #tpu.memory_space<vmem>>[vector<16xi32>, vector<16xi32>], vector<16xf32>,
      %add3A_690 = arith.constant 32 : i32
      %add3A_691 = vector.broadcast %add3A_690 : i32 to vector<16xi32>
      %add3A_692 = arith.addi %iota3A, %add3A_691 : vector<16xi32>
      %broadcast_in_dim3A_693 = arith.constant 0 : i32
      %broadcast_in_dim3A_694 = vector.broadcast %broadcast_in_dim3A_693 : i32 to vector<16xi32>
      %broadcast_in_dim3A_695 = arith.constant 4 : i32
      %broadcast_in_dim3A_696 = vector.broadcast %broadcast_in_dim3A_695 : i32 to vector<16xi32>
      %gather3A_697 = tpu.vector_load_idx %arg13[%add3A_692, %broadcast_in_dim3A_694] : memref<80x16xf32, #tpu.memory_space<vmem>>[vector<16xi32>, vector<16xi32>], vector<16xf32>,
      %gather3A_698 = tpu.vector_load_idx %arg14[%add3A_692, %broadcast_in_dim3A_696] : memref<80x16xf32, #tpu.memory_space<vmem>>[vector<16xi32>, vector<16xi32>], vector<16xf32>,
      %add3A_699 = arith.addf %gather3A_697, %gather3A_698 : vector<16xf32>
      %gather3A_700 = tpu.vector_load_idx %arg15[%add3A_692, %broadcast_in_dim3A_694] : memref<80x4xf32, #tpu.memory_space<vmem>>[vector<16xi32>, vector<16xi32>], vector<16xf32>,
      %add3A_701 = arith.addf %add3A_699, %gather3A_700 : vector<16xf32>
      %ge3A_702 = arith.constant 0.000000e+00 : f32
      %ge3A_703 = vector.broadcast %ge3A_702 : f32 to vector<16xf32>
      %ge3A_704 = arith.cmpf oge, %add3A_701, %ge3A_703 : vector<16xf32>
      %mul3A_705 = arith.constant 2.000000e-01 : f32
      %mul3A_706 = vector.broadcast %mul3A_705 : f32 to vector<16xf32>
      %mul3A_707 = arith.mulf %mul3A_706, %add3A_701 : vector<16xf32>
      %select_n3A_708 = arith.select %ge3A_704, %add3A_701, %mul3A_707 : vector<16xi1>, vector<16xf32>
      %exp3A_709 = math.exp %select_n3A_708 : vector<16xf32>
      tpu.vector_store_idx %arg16[%add3A_692, %broadcast_in_dim3A_694], %exp3A_709 : memref<80x16xf32, #tpu.memory_space<vmem>>[vector<16xi32>, vector<16xi32>], vector<16xf32>,
      %broadcast_in_dim3A_710 = arith.constant 1 : i32
      %broadcast_in_dim3A_711 = vector.broadcast %broadcast_in_dim3A_710 : i32 to vector<16xi32>
      %broadcast_in_dim3A_712 = arith.constant 5 : i32
      %broadcast_in_dim3A_713 = vector.broadcast %broadcast_in_dim3A_712 : i32 to vector<16xi32>
      %gather3A_714 = tpu.vector_load_idx %arg13[%add3A_692, %broadcast_in_dim3A_711] : memref<80x16xf32, #tpu.memory_space<vmem>>[vector<16xi32>, vector<16xi32>], vector<16xf32>,
      %gather3A_715 = tpu.vector_load_idx %arg14[%add3A_692, %broadcast_in_dim3A_713] : memref<80x16xf32, #tpu.memory_space<vmem>>[vector<16xi32>, vector<16xi32>], vector<16xf32>,
      %add3A_716 = arith.addf %gather3A_714, %gather3A_715 : vector<16xf32>
      %gather3A_717 = tpu.vector_load_idx %arg15[%add3A_692, %broadcast_in_dim3A_711] : memref<80x4xf32, #tpu.memory_space<vmem>>[vector<16xi32>, vector<16xi32>], vector<16xf32>,
      %add3A_718 = arith.addf %add3A_716, %gather3A_717 : vector<16xf32>
      %ge3A_719 = arith.constant 0.000000e+00 : f32
      %ge3A_720 = vector.broadcast %ge3A_719 : f32 to vector<16xf32>
      %ge3A_721 = arith.cmpf oge, %add3A_718, %ge3A_720 : vector<16xf32>
      %mul3A_722 = arith.constant 2.000000e-01 : f32
      %mul3A_723 = vector.broadcast %mul3A_722 : f32 to vector<16xf32>
      %mul3A_724 = arith.mulf %mul3A_723, %add3A_718 : vector<16xf32>
      %select_n3A_725 = arith.select %ge3A_721, %add3A_718, %mul3A_724 : vector<16xi1>, vector<16xf32>
      %exp3A_726 = math.exp %select_n3A_725 : vector<16xf32>
      tpu.vector_store_idx %arg16[%add3A_692, %broadcast_in_dim3A_711], %exp3A_726 : memref<80x16xf32, #tpu.memory_space<vmem>>[vector<16xi32>, vector<16xi32>], vector<16xf32>,
      %broadcast_in_dim3A_727 = arith.constant 2 : i32
      %broadcast_in_dim3A_728 = vector.broadcast %broadcast_in_dim3A_727 : i32 to vector<16xi32>
      %broadcast_in_dim3A_729 = arith.constant 6 : i32
      %broadcast_in_dim3A_730 = vector.broadcast %broadcast_in_dim3A_729 : i32 to vector<16xi32>
      %gather3A_731 = tpu.vector_load_idx %arg13[%add3A_692, %broadcast_in_dim3A_728] : memref<80x16xf32, #tpu.memory_space<vmem>>[vector<16xi32>, vector<16xi32>], vector<16xf32>,
      %gather3A_732 = tpu.vector_load_idx %arg14[%add3A_692, %broadcast_in_dim3A_730] : memref<80x16xf32, #tpu.memory_space<vmem>>[vector<16xi32>, vector<16xi32>], vector<16xf32>,
      %add3A_733 = arith.addf %gather3A_731, %gather3A_732 : vector<16xf32>
      %gather3A_734 = tpu.vector_load_idx %arg15[%add3A_692, %broadcast_in_dim3A_728] : memref<80x4xf32, #tpu.memory_space<vmem>>[vector<16xi32>, vector<16xi32>], vector<16xf32>,
      %add3A_735 = arith.addf %add3A_733, %gather3A_734 : vector<16xf32>
      %ge3A_736 = arith.constant 0.000000e+00 : f32
      %ge3A_737 = vector.broadcast %ge3A_736 : f32 to vector<16xf32>
      %ge3A_738 = arith.cmpf oge, %add3A_735, %ge3A_737 : vector<16xf32>
      %mul3A_739 = arith.constant 2.000000e-01 : f32
      %mul3A_740 = vector.broadcast %mul3A_739 : f32 to vector<16xf32>
      %mul3A_741 = arith.mulf %mul3A_740, %add3A_735 : vector<16xf32>
      %select_n3A_742 = arith.select %ge3A_738, %add3A_735, %mul3A_741 : vector<16xi1>, vector<16xf32>
      %exp3A_743 = math.exp %select_n3A_742 : vector<16xf32>
      tpu.vector_store_idx %arg16[%add3A_692, %broadcast_in_dim3A_728], %exp3A_743 : memref<80x16xf32, #tpu.memory_space<vmem>>[vector<16xi32>, vector<16xi32>], vector<16xf32>,
      %broadcast_in_dim3A_744 = arith.constant 3 : i32
      %broadcast_in_dim3A_745 = vector.broadcast %broadcast_in_dim3A_744 : i32 to vector<16xi32>
      %broadcast_in_dim3A_746 = arith.constant 7 : i32
      %broadcast_in_dim3A_747 = vector.broadcast %broadcast_in_dim3A_746 : i32 to vector<16xi32>
      %gather3A_748 = tpu.vector_load_idx %arg13[%add3A_692, %broadcast_in_dim3A_745] : memref<80x16xf32, #tpu.memory_space<vmem>>[vector<16xi32>, vector<16xi32>], vector<16xf32>,
      %gather3A_749 = tpu.vector_load_idx %arg14[%add3A_692, %broadcast_in_dim3A_747] : memref<80x16xf32, #tpu.memory_space<vmem>>[vector<16xi32>, vector<16xi32>], vector<16xf32>,
      %add3A_750 = arith.addf %gather3A_748, %gather3A_749 : vector<16xf32>
      %gather3A_751 = tpu.vector_load_idx %arg15[%add3A_692, %broadcast_in_dim3A_745] : memref<80x4xf32, #tpu.memory_space<vmem>>[vector<16xi32>, vector<16xi32>], vector<16xf32>,
      %add3A_752 = arith.addf %add3A_750, %gather3A_751 : vector<16xf32>
      %ge3A_753 = arith.constant 0.000000e+00 : f32
      %ge3A_754 = vector.broadcast %ge3A_753 : f32 to vector<16xf32>
      %ge3A_755 = arith.cmpf oge, %add3A_752, %ge3A_754 : vector<16xf32>
      %mul3A_756 = arith.constant 2.000000e-01 : f32
      %mul3A_757 = vector.broadcast %mul3A_756 : f32 to vector<16xf32>
      %mul3A_758 = arith.mulf %mul3A_757, %add3A_752 : vector<16xf32>
      %select_n3A_759 = arith.select %ge3A_755, %add3A_752, %mul3A_758 : vector<16xi1>, vector<16xf32>
      %exp3A_760 = math.exp %select_n3A_759 : vector<16xf32>
      tpu.vector_store_idx %arg16[%add3A_692, %broadcast_in_dim3A_745], %exp3A_760 : memref<80x16xf32, #tpu.memory_space<vmem>>[vector<16xi32>, vector<16xi32>], vector<16xf32>,
      %add3A_761 = arith.constant 48 : i32
      %add3A_762 = vector.broadcast %add3A_761 : i32 to vector<16xi32>
      %add3A_763 = arith.addi %iota3A, %add3A_762 : vector<16xi32>
      %broadcast_in_dim3A_764 = arith.constant 0 : i32
      %broadcast_in_dim3A_765 = vector.broadcast %broadcast_in_dim3A_764 : i32 to vector<16xi32>
      %broadcast_in_dim3A_766 = arith.constant 4 : i32
      %broadcast_in_dim3A_767 = vector.broadcast %broadcast_in_dim3A_766 : i32 to vector<16xi32>
      %gather3A_768 = tpu.vector_load_idx %arg13[%add3A_763, %broadcast_in_dim3A_765] : memref<80x16xf32, #tpu.memory_space<vmem>>[vector<16xi32>, vector<16xi32>], vector<16xf32>,
      %gather3A_769 = tpu.vector_load_idx %arg14[%add3A_763, %broadcast_in_dim3A_767] : memref<80x16xf32, #tpu.memory_space<vmem>>[vector<16xi32>, vector<16xi32>], vector<16xf32>,
      %add3A_770 = arith.addf %gather3A_768, %gather3A_769 : vector<16xf32>
      %gather3A_771 = tpu.vector_load_idx %arg15[%add3A_763, %broadcast_in_dim3A_765] : memref<80x4xf32, #tpu.memory_space<vmem>>[vector<16xi32>, vector<16xi32>], vector<16xf32>,
      %add3A_772 = arith.addf %add3A_770, %gather3A_771 : vector<16xf32>
      %ge3A_773 = arith.constant 0.000000e+00 : f32
      %ge3A_774 = vector.broadcast %ge3A_773 : f32 to vector<16xf32>
      %ge3A_775 = arith.cmpf oge, %add3A_772, %ge3A_774 : vector<16xf32>
      %mul3A_776 = arith.constant 2.000000e-01 : f32
      %mul3A_777 = vector.broadcast %mul3A_776 : f32 to vector<16xf32>
      %mul3A_778 = arith.mulf %mul3A_777, %add3A_772 : vector<16xf32>
      %select_n3A_779 = arith.select %ge3A_775, %add3A_772, %mul3A_778 : vector<16xi1>, vector<16xf32>
      %exp3A_780 = math.exp %select_n3A_779 : vector<16xf32>
      tpu.vector_store_idx %arg16[%add3A_763, %broadcast_in_dim3A_765], %exp3A_780 : memref<80x16xf32, #tpu.memory_space<vmem>>[vector<16xi32>, vector<16xi32>], vector<16xf32>,
      %broadcast_in_dim3A_781 = arith.constant 1 : i32
      %broadcast_in_dim3A_782 = vector.broadcast %broadcast_in_dim3A_781 : i32 to vector<16xi32>
      %broadcast_in_dim3A_783 = arith.constant 5 : i32
      %broadcast_in_dim3A_784 = vector.broadcast %broadcast_in_dim3A_783 : i32 to vector<16xi32>
      %gather3A_785 = tpu.vector_load_idx %arg13[%add3A_763, %broadcast_in_dim3A_782] : memref<80x16xf32, #tpu.memory_space<vmem>>[vector<16xi32>, vector<16xi32>], vector<16xf32>,
      %gather3A_786 = tpu.vector_load_idx %arg14[%add3A_763, %broadcast_in_dim3A_784] : memref<80x16xf32, #tpu.memory_space<vmem>>[vector<16xi32>, vector<16xi32>], vector<16xf32>,
      %add3A_787 = arith.addf %gather3A_785, %gather3A_786 : vector<16xf32>
      %gather3A_788 = tpu.vector_load_idx %arg15[%add3A_763, %broadcast_in_dim3A_782] : memref<80x4xf32, #tpu.memory_space<vmem>>[vector<16xi32>, vector<16xi32>], vector<16xf32>,
      %add3A_789 = arith.addf %add3A_787, %gather3A_788 : vector<16xf32>
      %ge3A_790 = arith.constant 0.000000e+00 : f32
      %ge3A_791 = vector.broadcast %ge3A_790 : f32 to vector<16xf32>
      %ge3A_792 = arith.cmpf oge, %add3A_789, %ge3A_791 : vector<16xf32>
      %mul3A_793 = arith.constant 2.000000e-01 : f32
      %mul3A_794 = vector.broadcast %mul3A_793 : f32 to vector<16xf32>
      %mul3A_795 = arith.mulf %mul3A_794, %add3A_789 : vector<16xf32>
      %select_n3A_796 = arith.select %ge3A_792, %add3A_789, %mul3A_795 : vector<16xi1>, vector<16xf32>
      %exp3A_797 = math.exp %select_n3A_796 : vector<16xf32>
      tpu.vector_store_idx %arg16[%add3A_763, %broadcast_in_dim3A_782], %exp3A_797 : memref<80x16xf32, #tpu.memory_space<vmem>>[vector<16xi32>, vector<16xi32>], vector<16xf32>,
      %broadcast_in_dim3A_798 = arith.constant 2 : i32
      %broadcast_in_dim3A_799 = vector.broadcast %broadcast_in_dim3A_798 : i32 to vector<16xi32>
      %broadcast_in_dim3A_800 = arith.constant 6 : i32
      %broadcast_in_dim3A_801 = vector.broadcast %broadcast_in_dim3A_800 : i32 to vector<16xi32>
      %gather3A_802 = tpu.vector_load_idx %arg13[%add3A_763, %broadcast_in_dim3A_799] : memref<80x16xf32, #tpu.memory_space<vmem>>[vector<16xi32>, vector<16xi32>], vector<16xf32>,
      %gather3A_803 = tpu.vector_load_idx %arg14[%add3A_763, %broadcast_in_dim3A_801] : memref<80x16xf32, #tpu.memory_space<vmem>>[vector<16xi32>, vector<16xi32>], vector<16xf32>,
      %add3A_804 = arith.addf %gather3A_802, %gather3A_803 : vector<16xf32>
      %gather3A_805 = tpu.vector_load_idx %arg15[%add3A_763, %broadcast_in_dim3A_799] : memref<80x4xf32, #tpu.memory_space<vmem>>[vector<16xi32>, vector<16xi32>], vector<16xf32>,
      %add3A_806 = arith.addf %add3A_804, %gather3A_805 : vector<16xf32>
      %ge3A_807 = arith.constant 0.000000e+00 : f32
      %ge3A_808 = vector.broadcast %ge3A_807 : f32 to vector<16xf32>
      %ge3A_809 = arith.cmpf oge, %add3A_806, %ge3A_808 : vector<16xf32>
      %mul3A_810 = arith.constant 2.000000e-01 : f32
      %mul3A_811 = vector.broadcast %mul3A_810 : f32 to vector<16xf32>
      %mul3A_812 = arith.mulf %mul3A_811, %add3A_806 : vector<16xf32>
      %select_n3A_813 = arith.select %ge3A_809, %add3A_806, %mul3A_812 : vector<16xi1>, vector<16xf32>
      %exp3A_814 = math.exp %select_n3A_813 : vector<16xf32>
      tpu.vector_store_idx %arg16[%add3A_763, %broadcast_in_dim3A_799], %exp3A_814 : memref<80x16xf32, #tpu.memory_space<vmem>>[vector<16xi32>, vector<16xi32>], vector<16xf32>,
      %broadcast_in_dim3A_815 = arith.constant 3 : i32
      %broadcast_in_dim3A_816 = vector.broadcast %broadcast_in_dim3A_815 : i32 to vector<16xi32>
      %broadcast_in_dim3A_817 = arith.constant 7 : i32
      %broadcast_in_dim3A_818 = vector.broadcast %broadcast_in_dim3A_817 : i32 to vector<16xi32>
      %gather3A_819 = tpu.vector_load_idx %arg13[%add3A_763, %broadcast_in_dim3A_816] : memref<80x16xf32, #tpu.memory_space<vmem>>[vector<16xi32>, vector<16xi32>], vector<16xf32>,
      %gather3A_820 = tpu.vector_load_idx %arg14[%add3A_763, %broadcast_in_dim3A_818] : memref<80x16xf32, #tpu.memory_space<vmem>>[vector<16xi32>, vector<16xi32>], vector<16xf32>,
      %add3A_821 = arith.addf %gather3A_819, %gather3A_820 : vector<16xf32>
      %gather3A_822 = tpu.vector_load_idx %arg15[%add3A_763, %broadcast_in_dim3A_816] : memref<80x4xf32, #tpu.memory_space<vmem>>[vector<16xi32>, vector<16xi32>], vector<16xf32>,
      %add3A_823 = arith.addf %add3A_821, %gather3A_822 : vector<16xf32>
      %ge3A_824 = arith.constant 0.000000e+00 : f32
      %ge3A_825 = vector.broadcast %ge3A_824 : f32 to vector<16xf32>
      %ge3A_826 = arith.cmpf oge, %add3A_823, %ge3A_825 : vector<16xf32>
      %mul3A_827 = arith.constant 2.000000e-01 : f32
      %mul3A_828 = vector.broadcast %mul3A_827 : f32 to vector<16xf32>
      %mul3A_829 = arith.mulf %mul3A_828, %add3A_823 : vector<16xf32>
      %select_n3A_830 = arith.select %ge3A_826, %add3A_823, %mul3A_829 : vector<16xi1>, vector<16xf32>
      %exp3A_831 = math.exp %select_n3A_830 : vector<16xf32>
      tpu.vector_store_idx %arg16[%add3A_763, %broadcast_in_dim3A_816], %exp3A_831 : memref<80x16xf32, #tpu.memory_space<vmem>>[vector<16xi32>, vector<16xi32>], vector<16xf32>,
      %add3A_832 = arith.constant 64 : i32
      %add3A_833 = vector.broadcast %add3A_832 : i32 to vector<16xi32>
      %add3A_834 = arith.addi %iota3A, %add3A_833 : vector<16xi32>
      %broadcast_in_dim3A_835 = arith.constant 0 : i32
      %broadcast_in_dim3A_836 = vector.broadcast %broadcast_in_dim3A_835 : i32 to vector<16xi32>
      %broadcast_in_dim3A_837 = arith.constant 4 : i32
      %broadcast_in_dim3A_838 = vector.broadcast %broadcast_in_dim3A_837 : i32 to vector<16xi32>
      %gather3A_839 = tpu.vector_load_idx %arg13[%add3A_834, %broadcast_in_dim3A_836] : memref<80x16xf32, #tpu.memory_space<vmem>>[vector<16xi32>, vector<16xi32>], vector<16xf32>,
      %gather3A_840 = tpu.vector_load_idx %arg14[%add3A_834, %broadcast_in_dim3A_838] : memref<80x16xf32, #tpu.memory_space<vmem>>[vector<16xi32>, vector<16xi32>], vector<16xf32>,
      %add3A_841 = arith.addf %gather3A_839, %gather3A_840 : vector<16xf32>
      %gather3A_842 = tpu.vector_load_idx %arg15[%add3A_834, %broadcast_in_dim3A_836] : memref<80x4xf32, #tpu.memory_space<vmem>>[vector<16xi32>, vector<16xi32>], vector<16xf32>,
      %add3A_843 = arith.addf %add3A_841, %gather3A_842 : vector<16xf32>
      %ge3A_844 = arith.constant 0.000000e+00 : f32
      %ge3A_845 = vector.broadcast %ge3A_844 : f32 to vector<16xf32>
      %ge3A_846 = arith.cmpf oge, %add3A_843, %ge3A_845 : vector<16xf32>
      %mul3A_847 = arith.constant 2.000000e-01 : f32
      %mul3A_848 = vector.broadcast %mul3A_847 : f32 to vector<16xf32>
      %mul3A_849 = arith.mulf %mul3A_848, %add3A_843 : vector<16xf32>
      %select_n3A_850 = arith.select %ge3A_846, %add3A_843, %mul3A_849 : vector<16xi1>, vector<16xf32>
      %exp3A_851 = math.exp %select_n3A_850 : vector<16xf32>
      tpu.vector_store_idx %arg16[%add3A_834, %broadcast_in_dim3A_836], %exp3A_851 : memref<80x16xf32, #tpu.memory_space<vmem>>[vector<16xi32>, vector<16xi32>], vector<16xf32>,
      %broadcast_in_dim3A_852 = arith.constant 1 : i32
      %broadcast_in_dim3A_853 = vector.broadcast %broadcast_in_dim3A_852 : i32 to vector<16xi32>
      %broadcast_in_dim3A_854 = arith.constant 5 : i32
      %broadcast_in_dim3A_855 = vector.broadcast %broadcast_in_dim3A_854 : i32 to vector<16xi32>
      %gather3A_856 = tpu.vector_load_idx %arg13[%add3A_834, %broadcast_in_dim3A_853] : memref<80x16xf32, #tpu.memory_space<vmem>>[vector<16xi32>, vector<16xi32>], vector<16xf32>,
      %gather3A_857 = tpu.vector_load_idx %arg14[%add3A_834, %broadcast_in_dim3A_855] : memref<80x16xf32, #tpu.memory_space<vmem>>[vector<16xi32>, vector<16xi32>], vector<16xf32>,
      %add3A_858 = arith.addf %gather3A_856, %gather3A_857 : vector<16xf32>
      %gather3A_859 = tpu.vector_load_idx %arg15[%add3A_834, %broadcast_in_dim3A_853] : memref<80x4xf32, #tpu.memory_space<vmem>>[vector<16xi32>, vector<16xi32>], vector<16xf32>,
      %add3A_860 = arith.addf %add3A_858, %gather3A_859 : vector<16xf32>
      %ge3A_861 = arith.constant 0.000000e+00 : f32
      %ge3A_862 = vector.broadcast %ge3A_861 : f32 to vector<16xf32>
      %ge3A_863 = arith.cmpf oge, %add3A_860, %ge3A_862 : vector<16xf32>
      %mul3A_864 = arith.constant 2.000000e-01 : f32
      %mul3A_865 = vector.broadcast %mul3A_864 : f32 to vector<16xf32>
      %mul3A_866 = arith.mulf %mul3A_865, %add3A_860 : vector<16xf32>
      %select_n3A_867 = arith.select %ge3A_863, %add3A_860, %mul3A_866 : vector<16xi1>, vector<16xf32>
      %exp3A_868 = math.exp %select_n3A_867 : vector<16xf32>
      tpu.vector_store_idx %arg16[%add3A_834, %broadcast_in_dim3A_853], %exp3A_868 : memref<80x16xf32, #tpu.memory_space<vmem>>[vector<16xi32>, vector<16xi32>], vector<16xf32>,
      %broadcast_in_dim3A_869 = arith.constant 2 : i32
      %broadcast_in_dim3A_870 = vector.broadcast %broadcast_in_dim3A_869 : i32 to vector<16xi32>
      %broadcast_in_dim3A_871 = arith.constant 6 : i32
      %broadcast_in_dim3A_872 = vector.broadcast %broadcast_in_dim3A_871 : i32 to vector<16xi32>
      %gather3A_873 = tpu.vector_load_idx %arg13[%add3A_834, %broadcast_in_dim3A_870] : memref<80x16xf32, #tpu.memory_space<vmem>>[vector<16xi32>, vector<16xi32>], vector<16xf32>,
      %gather3A_874 = tpu.vector_load_idx %arg14[%add3A_834, %broadcast_in_dim3A_872] : memref<80x16xf32, #tpu.memory_space<vmem>>[vector<16xi32>, vector<16xi32>], vector<16xf32>,
      %add3A_875 = arith.addf %gather3A_873, %gather3A_874 : vector<16xf32>
      %gather3A_876 = tpu.vector_load_idx %arg15[%add3A_834, %broadcast_in_dim3A_870] : memref<80x4xf32, #tpu.memory_space<vmem>>[vector<16xi32>, vector<16xi32>], vector<16xf32>,
      %add3A_877 = arith.addf %add3A_875, %gather3A_876 : vector<16xf32>
      %ge3A_878 = arith.constant 0.000000e+00 : f32
      %ge3A_879 = vector.broadcast %ge3A_878 : f32 to vector<16xf32>
      %ge3A_880 = arith.cmpf oge, %add3A_877, %ge3A_879 : vector<16xf32>
      %mul3A_881 = arith.constant 2.000000e-01 : f32
      %mul3A_882 = vector.broadcast %mul3A_881 : f32 to vector<16xf32>
      %mul3A_883 = arith.mulf %mul3A_882, %add3A_877 : vector<16xf32>
      %select_n3A_884 = arith.select %ge3A_880, %add3A_877, %mul3A_883 : vector<16xi1>, vector<16xf32>
      %exp3A_885 = math.exp %select_n3A_884 : vector<16xf32>
      tpu.vector_store_idx %arg16[%add3A_834, %broadcast_in_dim3A_870], %exp3A_885 : memref<80x16xf32, #tpu.memory_space<vmem>>[vector<16xi32>, vector<16xi32>], vector<16xf32>,
      %broadcast_in_dim3A_886 = arith.constant 3 : i32
      %broadcast_in_dim3A_887 = vector.broadcast %broadcast_in_dim3A_886 : i32 to vector<16xi32>
      %broadcast_in_dim3A_888 = arith.constant 7 : i32
      %broadcast_in_dim3A_889 = vector.broadcast %broadcast_in_dim3A_888 : i32 to vector<16xi32>
      %gather3A_890 = tpu.vector_load_idx %arg13[%add3A_834, %broadcast_in_dim3A_887] : memref<80x16xf32, #tpu.memory_space<vmem>>[vector<16xi32>, vector<16xi32>], vector<16xf32>,
      %gather3A_891 = tpu.vector_load_idx %arg14[%add3A_834, %broadcast_in_dim3A_889] : memref<80x16xf32, #tpu.memory_space<vmem>>[vector<16xi32>, vector<16xi32>], vector<16xf32>,
      %add3A_892 = arith.addf %gather3A_890, %gather3A_891 : vector<16xf32>
      %gather3A_893 = tpu.vector_load_idx %arg15[%add3A_834, %broadcast_in_dim3A_887] : memref<80x4xf32, #tpu.memory_space<vmem>>[vector<16xi32>, vector<16xi32>], vector<16xf32>,
      %add3A_894 = arith.addf %add3A_892, %gather3A_893 : vector<16xf32>
      %ge3A_895 = arith.constant 0.000000e+00 : f32
      %ge3A_896 = vector.broadcast %ge3A_895 : f32 to vector<16xf32>
      %ge3A_897 = arith.cmpf oge, %add3A_894, %ge3A_896 : vector<16xf32>
      %mul3A_898 = arith.constant 2.000000e-01 : f32
      %mul3A_899 = vector.broadcast %mul3A_898 : f32 to vector<16xf32>
      %mul3A_900 = arith.mulf %mul3A_899, %add3A_894 : vector<16xf32>
      %select_n3A_901 = arith.select %ge3A_897, %add3A_894, %mul3A_900 : vector<16xi1>, vector<16xf32>
      %exp3A_902 = math.exp %select_n3A_901 : vector<16xf32>
      tpu.vector_store_idx %arg16[%add3A_834, %broadcast_in_dim3A_887], %exp3A_902 : memref<80x16xf32, #tpu.memory_space<vmem>>[vector<16xi32>, vector<16xi32>], vector<16xf32>,
      %run_scoped3A = arith.constant 1 : i32
      "tpu.region"() ({
        %run_scoped3A_903 = tpu.sem_alloc : memref<!tpu.dma_semaphore, #tpu.memory_space<semaphore_mem>>
        %dma_start3A_904 = arith.constant 0 : i32
        %dma_start3A_905 = tpu.memref_slice %arg12[%run_scoped3A, %dma_start3A_904] : memref<2x80xi32, #tpu.memory_space<vmem>> -> memref<1x80xi32, #tpu.memory_space<vmem>>
        %dma_start3A_906 = tpu.memref_squeeze %dma_start3A_905 : memref<1x80xi32, #tpu.memory_space<vmem>> -> memref<80xi32, #tpu.memory_space<vmem>>
        %dma_start3A_907 = arith.constant 0 : i32
        %dma_start3A_908 = arith.constant 0 : i32
        %dma_start3A_909 = tpu.memref_slice %arg10[%dma_start3A_907, %dma_start3A_908] : memref<10000x16xf32, #tpu.memory_space<vmem_shared>> -> memref<10000x16xf32, #tpu.memory_space<vmem_shared>>
        tpu.enqueue_indirect_dma source(%arg16 : memref<80x16xf32, #tpu.memory_space<vmem>>) target(%dma_start3A_909 : memref<10000x16xf32, #tpu.memory_space<vmem_shared>>) offsets(%dma_start3A_906 : memref<80xi32, #tpu.memory_space<vmem>>) semaphore(%run_scoped3A_903 : memref<!tpu.dma_semaphore, #tpu.memory_space<semaphore_mem>>) {add = true}
        %dma_wait3A_910 = arith.constant 0 : i32
        %dma_wait3A_911 = tpu.memref_slice %arg12[%run_scoped3A, %dma_wait3A_910] : memref<2x80xi32, #tpu.memory_space<vmem>> -> memref<1x80xi32, #tpu.memory_space<vmem>>
        %dma_wait3A_912 = tpu.memref_squeeze %dma_wait3A_911 : memref<1x80xi32, #tpu.memory_space<vmem>> -> memref<80xi32, #tpu.memory_space<vmem>>
        %dma_wait3A_913 = arith.constant 0 : i32
        %dma_wait3A_914 = arith.constant 0 : i32
        %dma_wait3A_915 = tpu.memref_slice %arg10[%dma_wait3A_913, %dma_wait3A_914] : memref<10000x16xf32, #tpu.memory_space<vmem_shared>> -> memref<10000x16xf32, #tpu.memory_space<vmem_shared>>
        tpu.wait_indirect_dma semaphore(%run_scoped3A_903 : memref<!tpu.dma_semaphore, #tpu.memory_space<semaphore_mem>>) src(%arg16 : memref<80x16xf32, #tpu.memory_space<vmem>>) dst(%dma_wait3A_915 : memref<10000x16xf32, #tpu.memory_space<vmem_shared>>)
        tpu.yield
      }) : () -> ()
    }
    %scan3A_487 = arith.constant 250 : i32
    %barrier3A_488 = arith.constant 0 : index
    tpu.barrier barrier_id(%barrier3A_488)
    %scan3A_489 = arith.constant 0 : i32
    %scan3A_490 = arith.constant 0 : i32
    %scan3A_491 = arith.constant 125 : i32
    %scan3A_492 = arith.addi %scan3A_490, %scan3A_491 : i32
    %scan3A_493 = arith.constant 1 : i32
    scf.for %scan3A_505 = %scan3A_490 to %scan3A_492 step %scan3A_493  : i32 {
      %mul3A_506 = arith.constant 160000 : i32
      %mul3A_507 = arith.muli %arg0, %mul3A_506 : i32
      %mul3A_508 = arith.constant 10000 : i32
      %mul3A_509 = arith.muli %arg1, %mul3A_508 : i32
      %add3A = arith.addi %mul3A_507, %mul3A_509 : i32
      %mul3A_510 = arith.constant 80 : i32
      %mul3A_511 = arith.muli %scan3A_505, %mul3A_510 : i32
      %add3A_512 = arith.addi %add3A, %mul3A_511 : i32
      %dma_start3A = arith.constant 0 : i32
      %dma_start3A_513 = tpu.memref_slice %arg2[%dma_start3A, %add3A_512] : memref<2x320000xi32, #tpu.memory_space<hbm>> -> memref<2x80xi32, #tpu.memory_space<hbm>>
      %dma_start3A_514 = arith.constant 0 : i32
      %dma_start3A_515 = tpu.memref_slice %arg2[%dma_start3A_514, %add3A_512] : memref<2x320000xi32, #tpu.memory_space<hbm>> -> memref<2x80xi32, #tpu.memory_space<hbm>>
      tpu.enqueue_dma source(%dma_start3A_515 : memref<2x80xi32, #tpu.memory_space<hbm>>) target(%arg12 : memref<2x80xi32, #tpu.memory_space<vmem>>) target_semaphore(%arg21 : memref<!tpu.dma_semaphore, #tpu.memory_space<semaphore_mem>>)
      %dma_start3A_516 = arith.constant 0 : i32
      %dma_start3A_517 = tpu.memref_slice %arg4[%add3A_512, %dma_start3A_516] : memref<320000x4xf32, #tpu.memory_space<hbm>> -> memref<80x4xf32, #tpu.memory_space<hbm>>
      %dma_start3A_518 = arith.constant 0 : i32
      %dma_start3A_519 = tpu.memref_slice %arg4[%add3A_512, %dma_start3A_518] : memref<320000x4xf32, #tpu.memory_space<hbm>> -> memref<80x4xf32, #tpu.memory_space<hbm>>
      tpu.enqueue_dma source(%dma_start3A_519 : memref<80x4xf32, #tpu.memory_space<hbm>>) target(%arg15 : memref<80x4xf32, #tpu.memory_space<vmem>>) target_semaphore(%arg22 : memref<!tpu.dma_semaphore, #tpu.memory_space<semaphore_mem>>)
      %dma_start3A_520 = arith.constant 0 : i32
      %dma_start3A_521 = tpu.memref_slice %arg6[%add3A_512, %dma_start3A_520] : memref<320000x128xf32, #tpu.memory_space<hbm>> -> memref<80x128xf32, #tpu.memory_space<hbm>>
      %dma_start3A_522 = arith.constant 0 : i32
      %dma_start3A_523 = tpu.memref_slice %arg6[%add3A_512, %dma_start3A_522] : memref<320000x128xf32, #tpu.memory_space<hbm>> -> memref<80x128xf32, #tpu.memory_space<hbm>>
      tpu.enqueue_dma source(%dma_start3A_523 : memref<80x128xf32, #tpu.memory_space<hbm>>) target(%arg20 : memref<80x128xf32, #tpu.memory_space<vmem>>) target_semaphore(%arg22 : memref<!tpu.dma_semaphore, #tpu.memory_space<semaphore_mem>>)
      %dma_wait3A = arith.constant 0 : i32
      %dma_wait3A_524 = tpu.memref_slice %arg2[%dma_wait3A, %add3A_512] : memref<2x320000xi32, #tpu.memory_space<hbm>> -> memref<2x80xi32, #tpu.memory_space<hbm>>
      %dma_wait3A_525 = arith.constant 0 : i32
      %dma_wait3A_526 = tpu.memref_slice %arg2[%dma_wait3A_525, %add3A_512] : memref<2x320000xi32, #tpu.memory_space<hbm>> -> memref<2x80xi32, #tpu.memory_space<hbm>>
      tpu.wait_dma2 semaphore(%arg21 : memref<!tpu.dma_semaphore, #tpu.memory_space<semaphore_mem>>) src(%dma_wait3A_526 : memref<2x80xi32, #tpu.memory_space<hbm>>) dst(%arg12 : memref<2x80xi32, #tpu.memory_space<vmem>>)
      %dma_start3A_527 = arith.constant 0 : i32
      %dma_start3A_528 = arith.constant 0 : i32
      %dma_start3A_529 = tpu.memref_slice %arg12[%dma_start3A_527, %dma_start3A_528] : memref<2x80xi32, #tpu.memory_space<vmem>> -> memref<1x80xi32, #tpu.memory_space<vmem>>
      %dma_start3A_530 = tpu.memref_squeeze %dma_start3A_529 : memref<1x80xi32, #tpu.memory_space<vmem>> -> memref<80xi32, #tpu.memory_space<vmem>>
      %dma_start3A_531 = arith.constant 0 : i32
      %dma_start3A_532 = arith.constant 0 : i32
      %dma_start3A_533 = tpu.memref_slice %arg3[%dma_start3A_531, %dma_start3A_532] : memref<10000x16xf32, #tpu.memory_space<hbm>> -> memref<10000x16xf32, #tpu.memory_space<hbm>>
      tpu.enqueue_indirect_dma source(%dma_start3A_533 : memref<10000x16xf32, #tpu.memory_space<hbm>>) target(%arg13 : memref<80x16xf32, #tpu.memory_space<vmem>>) offsets(%dma_start3A_530 : memref<80xi32, #tpu.memory_space<vmem>>) semaphore(%arg23 : memref<!tpu.dma_semaphore, #tpu.memory_space<semaphore_mem>>)
      %dma_start3A_534 = arith.constant 1 : i32
      %dma_start3A_535 = arith.constant 0 : i32
      %dma_start3A_536 = tpu.memref_slice %arg12[%dma_start3A_534, %dma_start3A_535] : memref<2x80xi32, #tpu.memory_space<vmem>> -> memref<1x80xi32, #tpu.memory_space<vmem>>
      %dma_start3A_537 = tpu.memref_squeeze %dma_start3A_536 : memref<1x80xi32, #tpu.memory_space<vmem>> -> memref<80xi32, #tpu.memory_space<vmem>>
      %dma_start3A_538 = arith.constant 0 : i32
      %dma_start3A_539 = arith.constant 0 : i32
      %dma_start3A_540 = tpu.memref_slice %arg3[%dma_start3A_538, %dma_start3A_539] : memref<10000x16xf32, #tpu.memory_space<hbm>> -> memref<10000x16xf32, #tpu.memory_space<hbm>>
      tpu.enqueue_indirect_dma source(%dma_start3A_540 : memref<10000x16xf32, #tpu.memory_space<hbm>>) target(%arg14 : memref<80x16xf32, #tpu.memory_space<vmem>>) offsets(%dma_start3A_537 : memref<80xi32, #tpu.memory_space<vmem>>) semaphore(%arg23 : memref<!tpu.dma_semaphore, #tpu.memory_space<semaphore_mem>>)
      %dma_start3A_541 = arith.constant 0 : i32
      %dma_start3A_542 = arith.constant 0 : i32
      %dma_start3A_543 = tpu.memref_slice %arg12[%dma_start3A_541, %dma_start3A_542] : memref<2x80xi32, #tpu.memory_space<vmem>> -> memref<1x80xi32, #tpu.memory_space<vmem>>
      %dma_start3A_544 = tpu.memref_squeeze %dma_start3A_543 : memref<1x80xi32, #tpu.memory_space<vmem>> -> memref<80xi32, #tpu.memory_space<vmem>>
      %dma_start3A_545 = arith.constant 0 : i32
      %dma_start3A_546 = arith.constant 0 : i32
      %dma_start3A_547 = tpu.memref_slice %arg5[%dma_start3A_545, %dma_start3A_546] : memref<10000x128xf32, #tpu.memory_space<hbm>> -> memref<10000x128xf32, #tpu.memory_space<hbm>>
      tpu.enqueue_indirect_dma source(%dma_start3A_547 : memref<10000x128xf32, #tpu.memory_space<hbm>>) target(%arg19 : memref<80x128xf32, #tpu.memory_space<vmem>>) offsets(%dma_start3A_544 : memref<80xi32, #tpu.memory_space<vmem>>) semaphore(%arg23 : memref<!tpu.dma_semaphore, #tpu.memory_space<semaphore_mem>>)
      %dma_start3A_548 = arith.constant 1 : i32
      %dma_start3A_549 = arith.constant 0 : i32
      %dma_start3A_550 = tpu.memref_slice %arg12[%dma_start3A_548, %dma_start3A_549] : memref<2x80xi32, #tpu.memory_space<vmem>> -> memref<1x80xi32, #tpu.memory_space<vmem>>
      %dma_start3A_551 = tpu.memref_squeeze %dma_start3A_550 : memref<1x80xi32, #tpu.memory_space<vmem>> -> memref<80xi32, #tpu.memory_space<vmem>>
      %dma_start3A_552 = arith.constant 0 : i32
      %dma_start3A_553 = arith.constant 0 : i32
      %dma_start3A_554 = tpu.memref_slice %arg10[%dma_start3A_552, %dma_start3A_553] : memref<10000x16xf32, #tpu.memory_space<vmem_shared>> -> memref<10000x16xf32, #tpu.memory_space<vmem_shared>>
      tpu.enqueue_indirect_dma source(%dma_start3A_554 : memref<10000x16xf32, #tpu.memory_space<vmem_shared>>) target(%arg18 : memref<80x16xf32, #tpu.memory_space<vmem>>) offsets(%dma_start3A_551 : memref<80xi32, #tpu.memory_space<vmem>>) semaphore(%arg24 : memref<!tpu.dma_semaphore, #tpu.memory_space<semaphore_mem>>)
      %dma_wait3A_555 = arith.constant 0 : i32
      %dma_wait3A_556 = arith.constant 0 : i32
      %dma_wait3A_557 = tpu.memref_slice %arg12[%dma_wait3A_555, %dma_wait3A_556] : memref<2x80xi32, #tpu.memory_space<vmem>> -> memref<1x80xi32, #tpu.memory_space<vmem>>
      %dma_wait3A_558 = tpu.memref_squeeze %dma_wait3A_557 : memref<1x80xi32, #tpu.memory_space<vmem>> -> memref<80xi32, #tpu.memory_space<vmem>>
      %dma_wait3A_559 = arith.constant 0 : i32
      %dma_wait3A_560 = arith.constant 0 : i32
      %dma_wait3A_561 = tpu.memref_slice %arg3[%dma_wait3A_559, %dma_wait3A_560] : memref<10000x16xf32, #tpu.memory_space<hbm>> -> memref<10000x16xf32, #tpu.memory_space<hbm>>
      tpu.wait_indirect_dma semaphore(%arg23 : memref<!tpu.dma_semaphore, #tpu.memory_space<semaphore_mem>>) src(%dma_wait3A_561 : memref<10000x16xf32, #tpu.memory_space<hbm>>) dst(%arg13 : memref<80x16xf32, #tpu.memory_space<vmem>>)
      %dma_wait3A_562 = arith.constant 1 : i32
      %dma_wait3A_563 = arith.constant 0 : i32
      %dma_wait3A_564 = tpu.memref_slice %arg12[%dma_wait3A_562, %dma_wait3A_563] : memref<2x80xi32, #tpu.memory_space<vmem>> -> memref<1x80xi32, #tpu.memory_space<vmem>>
      %dma_wait3A_565 = tpu.memref_squeeze %dma_wait3A_564 : memref<1x80xi32, #tpu.memory_space<vmem>> -> memref<80xi32, #tpu.memory_space<vmem>>
      %dma_wait3A_566 = arith.constant 0 : i32
      %dma_wait3A_567 = arith.constant 0 : i32
      %dma_wait3A_568 = tpu.memref_slice %arg3[%dma_wait3A_566, %dma_wait3A_567] : memref<10000x16xf32, #tpu.memory_space<hbm>> -> memref<10000x16xf32, #tpu.memory_space<hbm>>
      tpu.wait_indirect_dma semaphore(%arg23 : memref<!tpu.dma_semaphore, #tpu.memory_space<semaphore_mem>>) src(%dma_wait3A_568 : memref<10000x16xf32, #tpu.memory_space<hbm>>) dst(%arg14 : memref<80x16xf32, #tpu.memory_space<vmem>>)
      %dma_wait3A_569 = arith.constant 0 : i32
      %dma_wait3A_570 = arith.constant 0 : i32
      %dma_wait3A_571 = tpu.memref_slice %arg12[%dma_wait3A_569, %dma_wait3A_570] : memref<2x80xi32, #tpu.memory_space<vmem>> -> memref<1x80xi32, #tpu.memory_space<vmem>>
      %dma_wait3A_572 = tpu.memref_squeeze %dma_wait3A_571 : memref<1x80xi32, #tpu.memory_space<vmem>> -> memref<80xi32, #tpu.memory_space<vmem>>
      %dma_wait3A_573 = arith.constant 0 : i32
      %dma_wait3A_574 = arith.constant 0 : i32
      %dma_wait3A_575 = tpu.memref_slice %arg5[%dma_wait3A_573, %dma_wait3A_574] : memref<10000x128xf32, #tpu.memory_space<hbm>> -> memref<10000x128xf32, #tpu.memory_space<hbm>>
      tpu.wait_indirect_dma semaphore(%arg23 : memref<!tpu.dma_semaphore, #tpu.memory_space<semaphore_mem>>) src(%dma_wait3A_575 : memref<10000x128xf32, #tpu.memory_space<hbm>>) dst(%arg19 : memref<80x128xf32, #tpu.memory_space<vmem>>)
      %dma_wait3A_576 = arith.constant 1 : i32
      %dma_wait3A_577 = arith.constant 0 : i32
      %dma_wait3A_578 = tpu.memref_slice %arg12[%dma_wait3A_576, %dma_wait3A_577] : memref<2x80xi32, #tpu.memory_space<vmem>> -> memref<1x80xi32, #tpu.memory_space<vmem>>
      %dma_wait3A_579 = tpu.memref_squeeze %dma_wait3A_578 : memref<1x80xi32, #tpu.memory_space<vmem>> -> memref<80xi32, #tpu.memory_space<vmem>>
      %dma_wait3A_580 = arith.constant 0 : i32
      %dma_wait3A_581 = arith.constant 0 : i32
      %dma_wait3A_582 = tpu.memref_slice %arg10[%dma_wait3A_580, %dma_wait3A_581] : memref<10000x16xf32, #tpu.memory_space<vmem_shared>> -> memref<10000x16xf32, #tpu.memory_space<vmem_shared>>
      tpu.wait_indirect_dma semaphore(%arg24 : memref<!tpu.dma_semaphore, #tpu.memory_space<semaphore_mem>>) src(%dma_wait3A_582 : memref<10000x16xf32, #tpu.memory_space<vmem_shared>>) dst(%arg18 : memref<80x16xf32, #tpu.memory_space<vmem>>)
      %dma_wait3A_583 = arith.constant 0 : i32
      %dma_wait3A_584 = tpu.memref_slice %arg4[%add3A_512, %dma_wait3A_583] : memref<320000x4xf32, #tpu.memory_space<hbm>> -> memref<80x4xf32, #tpu.memory_space<hbm>>
      %dma_wait3A_585 = arith.constant 0 : i32
      %dma_wait3A_586 = tpu.memref_slice %arg4[%add3A_512, %dma_wait3A_585] : memref<320000x4xf32, #tpu.memory_space<hbm>> -> memref<80x4xf32, #tpu.memory_space<hbm>>
      tpu.wait_dma2 semaphore(%arg22 : memref<!tpu.dma_semaphore, #tpu.memory_space<semaphore_mem>>) src(%dma_wait3A_586 : memref<80x4xf32, #tpu.memory_space<hbm>>) dst(%arg15 : memref<80x4xf32, #tpu.memory_space<vmem>>)
      %dma_wait3A_587 = arith.constant 0 : i32
      %dma_wait3A_588 = tpu.memref_slice %arg6[%add3A_512, %dma_wait3A_587] : memref<320000x128xf32, #tpu.memory_space<hbm>> -> memref<80x128xf32, #tpu.memory_space<hbm>>
      %dma_wait3A_589 = arith.constant 0 : i32
      %dma_wait3A_590 = tpu.memref_slice %arg6[%add3A_512, %dma_wait3A_589] : memref<320000x128xf32, #tpu.memory_space<hbm>> -> memref<80x128xf32, #tpu.memory_space<hbm>>
      tpu.wait_dma2 semaphore(%arg22 : memref<!tpu.dma_semaphore, #tpu.memory_space<semaphore_mem>>) src(%dma_wait3A_590 : memref<80x128xf32, #tpu.memory_space<hbm>>) dst(%arg20 : memref<80x128xf32, #tpu.memory_space<vmem>>)
      %add3A_591 = arith.constant 0 : i32
      %add3A_592 = vector.broadcast %add3A_591 : i32 to vector<16xi32>
      %add3A_593 = arith.addi %iota3A, %add3A_592 : vector<16xi32>
      %broadcast_in_dim3A_594 = arith.constant 0 : i32
      %broadcast_in_dim3A_595 = vector.broadcast %broadcast_in_dim3A_594 : i32 to vector<16xi32>
      %broadcast_in_dim3A_596 = arith.constant 4 : i32
      %broadcast_in_dim3A_597 = vector.broadcast %broadcast_in_dim3A_596 : i32 to vector<16xi32>
      %gather3A = tpu.vector_load_idx %arg13[%add3A_593, %broadcast_in_dim3A_595] : memref<80x16xf32, #tpu.memory_space<vmem>>[vector<16xi32>, vector<16xi32>], vector<16xf32>,
      %gather3A_598 = tpu.vector_load_idx %arg14[%add3A_593, %broadcast_in_dim3A_597] : memref<80x16xf32, #tpu.memory_space<vmem>>[vector<16xi32>, vector<16xi32>], vector<16xf32>,
      %add3A_599 = arith.addf %gather3A, %gather3A_598 : vector<16xf32>
      %gather3A_600 = tpu.vector_load_idx %arg15[%add3A_593, %broadcast_in_dim3A_595] : memref<80x4xf32, #tpu.memory_space<vmem>>[vector<16xi32>, vector<16xi32>], vector<16xf32>,
      %add3A_601 = arith.addf %add3A_599, %gather3A_600 : vector<16xf32>
      %ge3A = arith.constant 0.000000e+00 : f32
      %ge3A_602 = vector.broadcast %ge3A : f32 to vector<16xf32>
      %ge3A_603 = arith.cmpf oge, %add3A_601, %ge3A_602 : vector<16xf32>
      %mul3A_604 = arith.constant 2.000000e-01 : f32
      %mul3A_605 = vector.broadcast %mul3A_604 : f32 to vector<16xf32>
      %mul3A_606 = arith.mulf %mul3A_605, %add3A_601 : vector<16xf32>
      %select_n3A = arith.select %ge3A_603, %add3A_601, %mul3A_606 : vector<16xi1>, vector<16xf32>
      %exp3A = math.exp %select_n3A : vector<16xf32>
      %gather3A_607 = tpu.vector_load_idx %arg18[%add3A_593, %broadcast_in_dim3A_595] : memref<80x16xf32, #tpu.memory_space<vmem>>[vector<16xi32>, vector<16xi32>], vector<16xf32>,
      %add3A_608 = arith.constant 9.99999971E-10 : f32
      %add3A_609 = vector.broadcast %add3A_608 : f32 to vector<16xf32>
      %add3A_610 = arith.addf %gather3A_607, %add3A_609 : vector<16xf32>
      %div3A = arith.divf %exp3A, %add3A_610 : vector<16xf32>
      tpu.vector_store_idx %arg17[%add3A_593, %broadcast_in_dim3A_595], %div3A : memref<80x4xf32, #tpu.memory_space<vmem>>[vector<16xi32>, vector<16xi32>], vector<16xf32>,
      %broadcast_in_dim3A_611 = arith.constant 1 : i32
      %broadcast_in_dim3A_612 = vector.broadcast %broadcast_in_dim3A_611 : i32 to vector<16xi32>
      %broadcast_in_dim3A_613 = arith.constant 5 : i32
      %broadcast_in_dim3A_614 = vector.broadcast %broadcast_in_dim3A_613 : i32 to vector<16xi32>
      %gather3A_615 = tpu.vector_load_idx %arg13[%add3A_593, %broadcast_in_dim3A_612] : memref<80x16xf32, #tpu.memory_space<vmem>>[vector<16xi32>, vector<16xi32>], vector<16xf32>,
      %gather3A_616 = tpu.vector_load_idx %arg14[%add3A_593, %broadcast_in_dim3A_614] : memref<80x16xf32, #tpu.memory_space<vmem>>[vector<16xi32>, vector<16xi32>], vector<16xf32>,
      %add3A_617 = arith.addf %gather3A_615, %gather3A_616 : vector<16xf32>
      %gather3A_618 = tpu.vector_load_idx %arg15[%add3A_593, %broadcast_in_dim3A_612] : memref<80x4xf32, #tpu.memory_space<vmem>>[vector<16xi32>, vector<16xi32>], vector<16xf32>,
      %add3A_619 = arith.addf %add3A_617, %gather3A_618 : vector<16xf32>
      %ge3A_620 = arith.constant 0.000000e+00 : f32
      %ge3A_621 = vector.broadcast %ge3A_620 : f32 to vector<16xf32>
      %ge3A_622 = arith.cmpf oge, %add3A_619, %ge3A_621 : vector<16xf32>
      %mul3A_623 = arith.constant 2.000000e-01 : f32
      %mul3A_624 = vector.broadcast %mul3A_623 : f32 to vector<16xf32>
      %mul3A_625 = arith.mulf %mul3A_624, %add3A_619 : vector<16xf32>
      %select_n3A_626 = arith.select %ge3A_622, %add3A_619, %mul3A_625 : vector<16xi1>, vector<16xf32>
      %exp3A_627 = math.exp %select_n3A_626 : vector<16xf32>
      %gather3A_628 = tpu.vector_load_idx %arg18[%add3A_593, %broadcast_in_dim3A_612] : memref<80x16xf32, #tpu.memory_space<vmem>>[vector<16xi32>, vector<16xi32>], vector<16xf32>,
      %add3A_629 = arith.constant 9.99999971E-10 : f32
      %add3A_630 = vector.broadcast %add3A_629 : f32 to vector<16xf32>
      %add3A_631 = arith.addf %gather3A_628, %add3A_630 : vector<16xf32>
      %div3A_632 = arith.divf %exp3A_627, %add3A_631 : vector<16xf32>
      tpu.vector_store_idx %arg17[%add3A_593, %broadcast_in_dim3A_612], %div3A_632 : memref<80x4xf32, #tpu.memory_space<vmem>>[vector<16xi32>, vector<16xi32>], vector<16xf32>,
      %broadcast_in_dim3A_633 = arith.constant 2 : i32
      %broadcast_in_dim3A_634 = vector.broadcast %broadcast_in_dim3A_633 : i32 to vector<16xi32>
      %broadcast_in_dim3A_635 = arith.constant 6 : i32
      %broadcast_in_dim3A_636 = vector.broadcast %broadcast_in_dim3A_635 : i32 to vector<16xi32>
      %gather3A_637 = tpu.vector_load_idx %arg13[%add3A_593, %broadcast_in_dim3A_634] : memref<80x16xf32, #tpu.memory_space<vmem>>[vector<16xi32>, vector<16xi32>], vector<16xf32>,
      %gather3A_638 = tpu.vector_load_idx %arg14[%add3A_593, %broadcast_in_dim3A_636] : memref<80x16xf32, #tpu.memory_space<vmem>>[vector<16xi32>, vector<16xi32>], vector<16xf32>,
      %add3A_639 = arith.addf %gather3A_637, %gather3A_638 : vector<16xf32>
      %gather3A_640 = tpu.vector_load_idx %arg15[%add3A_593, %broadcast_in_dim3A_634] : memref<80x4xf32, #tpu.memory_space<vmem>>[vector<16xi32>, vector<16xi32>], vector<16xf32>,
      %add3A_641 = arith.addf %add3A_639, %gather3A_640 : vector<16xf32>
      %ge3A_642 = arith.constant 0.000000e+00 : f32
      %ge3A_643 = vector.broadcast %ge3A_642 : f32 to vector<16xf32>
      %ge3A_644 = arith.cmpf oge, %add3A_641, %ge3A_643 : vector<16xf32>
      %mul3A_645 = arith.constant 2.000000e-01 : f32
      %mul3A_646 = vector.broadcast %mul3A_645 : f32 to vector<16xf32>
      %mul3A_647 = arith.mulf %mul3A_646, %add3A_641 : vector<16xf32>
      %select_n3A_648 = arith.select %ge3A_644, %add3A_641, %mul3A_647 : vector<16xi1>, vector<16xf32>
      %exp3A_649 = math.exp %select_n3A_648 : vector<16xf32>
      %gather3A_650 = tpu.vector_load_idx %arg18[%add3A_593, %broadcast_in_dim3A_634] : memref<80x16xf32, #tpu.memory_space<vmem>>[vector<16xi32>, vector<16xi32>], vector<16xf32>,
      %add3A_651 = arith.constant 9.99999971E-10 : f32
      %add3A_652 = vector.broadcast %add3A_651 : f32 to vector<16xf32>
      %add3A_653 = arith.addf %gather3A_650, %add3A_652 : vector<16xf32>
      %div3A_654 = arith.divf %exp3A_649, %add3A_653 : vector<16xf32>
      tpu.vector_store_idx %arg17[%add3A_593, %broadcast_in_dim3A_634], %div3A_654 : memref<80x4xf32, #tpu.memory_space<vmem>>[vector<16xi32>, vector<16xi32>], vector<16xf32>,
      %broadcast_in_dim3A_655 = arith.constant 3 : i32
      %broadcast_in_dim3A_656 = vector.broadcast %broadcast_in_dim3A_655 : i32 to vector<16xi32>
      %broadcast_in_dim3A_657 = arith.constant 7 : i32
      %broadcast_in_dim3A_658 = vector.broadcast %broadcast_in_dim3A_657 : i32 to vector<16xi32>
      %gather3A_659 = tpu.vector_load_idx %arg13[%add3A_593, %broadcast_in_dim3A_656] : memref<80x16xf32, #tpu.memory_space<vmem>>[vector<16xi32>, vector<16xi32>], vector<16xf32>,
      %gather3A_660 = tpu.vector_load_idx %arg14[%add3A_593, %broadcast_in_dim3A_658] : memref<80x16xf32, #tpu.memory_space<vmem>>[vector<16xi32>, vector<16xi32>], vector<16xf32>,
      %add3A_661 = arith.addf %gather3A_659, %gather3A_660 : vector<16xf32>
      %gather3A_662 = tpu.vector_load_idx %arg15[%add3A_593, %broadcast_in_dim3A_656] : memref<80x4xf32, #tpu.memory_space<vmem>>[vector<16xi32>, vector<16xi32>], vector<16xf32>,
      %add3A_663 = arith.addf %add3A_661, %gather3A_662 : vector<16xf32>
      %ge3A_664 = arith.constant 0.000000e+00 : f32
      %ge3A_665 = vector.broadcast %ge3A_664 : f32 to vector<16xf32>
      %ge3A_666 = arith.cmpf oge, %add3A_663, %ge3A_665 : vector<16xf32>
      %mul3A_667 = arith.constant 2.000000e-01 : f32
      %mul3A_668 = vector.broadcast %mul3A_667 : f32 to vector<16xf32>
      %mul3A_669 = arith.mulf %mul3A_668, %add3A_663 : vector<16xf32>
      %select_n3A_670 = arith.select %ge3A_666, %add3A_663, %mul3A_669 : vector<16xi1>, vector<16xf32>
      %exp3A_671 = math.exp %select_n3A_670 : vector<16xf32>
      %gather3A_672 = tpu.vector_load_idx %arg18[%add3A_593, %broadcast_in_dim3A_656] : memref<80x16xf32, #tpu.memory_space<vmem>>[vector<16xi32>, vector<16xi32>], vector<16xf32>,
      %add3A_673 = arith.constant 9.99999971E-10 : f32
      %add3A_674 = vector.broadcast %add3A_673 : f32 to vector<16xf32>
      %add3A_675 = arith.addf %gather3A_672, %add3A_674 : vector<16xf32>
      %div3A_676 = arith.divf %exp3A_671, %add3A_675 : vector<16xf32>
      tpu.vector_store_idx %arg17[%add3A_593, %broadcast_in_dim3A_656], %div3A_676 : memref<80x4xf32, #tpu.memory_space<vmem>>[vector<16xi32>, vector<16xi32>], vector<16xf32>,
      %add3A_677 = arith.constant 16 : i32
      %add3A_678 = vector.broadcast %add3A_677 : i32 to vector<16xi32>
      %add3A_679 = arith.addi %iota3A, %add3A_678 : vector<16xi32>
      %broadcast_in_dim3A_680 = arith.constant 0 : i32
      %broadcast_in_dim3A_681 = vector.broadcast %broadcast_in_dim3A_680 : i32 to vector<16xi32>
      %broadcast_in_dim3A_682 = arith.constant 4 : i32
      %broadcast_in_dim3A_683 = vector.broadcast %broadcast_in_dim3A_682 : i32 to vector<16xi32>
      %gather3A_684 = tpu.vector_load_idx %arg13[%add3A_679, %broadcast_in_dim3A_681] : memref<80x16xf32, #tpu.memory_space<vmem>>[vector<16xi32>, vector<16xi32>], vector<16xf32>,
      %gather3A_685 = tpu.vector_load_idx %arg14[%add3A_679, %broadcast_in_dim3A_683] : memref<80x16xf32, #tpu.memory_space<vmem>>[vector<16xi32>, vector<16xi32>], vector<16xf32>,
      %add3A_686 = arith.addf %gather3A_684, %gather3A_685 : vector<16xf32>
      %gather3A_687 = tpu.vector_load_idx %arg15[%add3A_679, %broadcast_in_dim3A_681] : memref<80x4xf32, #tpu.memory_space<vmem>>[vector<16xi32>, vector<16xi32>], vector<16xf32>,
      %add3A_688 = arith.addf %add3A_686, %gather3A_687 : vector<16xf32>
      %ge3A_689 = arith.constant 0.000000e+00 : f32
      %ge3A_690 = vector.broadcast %ge3A_689 : f32 to vector<16xf32>
      %ge3A_691 = arith.cmpf oge, %add3A_688, %ge3A_690 : vector<16xf32>
      %mul3A_692 = arith.constant 2.000000e-01 : f32
      %mul3A_693 = vector.broadcast %mul3A_692 : f32 to vector<16xf32>
      %mul3A_694 = arith.mulf %mul3A_693, %add3A_688 : vector<16xf32>
      %select_n3A_695 = arith.select %ge3A_691, %add3A_688, %mul3A_694 : vector<16xi1>, vector<16xf32>
      %exp3A_696 = math.exp %select_n3A_695 : vector<16xf32>
      %gather3A_697 = tpu.vector_load_idx %arg18[%add3A_679, %broadcast_in_dim3A_681] : memref<80x16xf32, #tpu.memory_space<vmem>>[vector<16xi32>, vector<16xi32>], vector<16xf32>,
      %add3A_698 = arith.constant 9.99999971E-10 : f32
      %add3A_699 = vector.broadcast %add3A_698 : f32 to vector<16xf32>
      %add3A_700 = arith.addf %gather3A_697, %add3A_699 : vector<16xf32>
      %div3A_701 = arith.divf %exp3A_696, %add3A_700 : vector<16xf32>
      tpu.vector_store_idx %arg17[%add3A_679, %broadcast_in_dim3A_681], %div3A_701 : memref<80x4xf32, #tpu.memory_space<vmem>>[vector<16xi32>, vector<16xi32>], vector<16xf32>,
      %broadcast_in_dim3A_702 = arith.constant 1 : i32
      %broadcast_in_dim3A_703 = vector.broadcast %broadcast_in_dim3A_702 : i32 to vector<16xi32>
      %broadcast_in_dim3A_704 = arith.constant 5 : i32
      %broadcast_in_dim3A_705 = vector.broadcast %broadcast_in_dim3A_704 : i32 to vector<16xi32>
      %gather3A_706 = tpu.vector_load_idx %arg13[%add3A_679, %broadcast_in_dim3A_703] : memref<80x16xf32, #tpu.memory_space<vmem>>[vector<16xi32>, vector<16xi32>], vector<16xf32>,
      %gather3A_707 = tpu.vector_load_idx %arg14[%add3A_679, %broadcast_in_dim3A_705] : memref<80x16xf32, #tpu.memory_space<vmem>>[vector<16xi32>, vector<16xi32>], vector<16xf32>,
      %add3A_708 = arith.addf %gather3A_706, %gather3A_707 : vector<16xf32>
      %gather3A_709 = tpu.vector_load_idx %arg15[%add3A_679, %broadcast_in_dim3A_703] : memref<80x4xf32, #tpu.memory_space<vmem>>[vector<16xi32>, vector<16xi32>], vector<16xf32>,
      %add3A_710 = arith.addf %add3A_708, %gather3A_709 : vector<16xf32>
      %ge3A_711 = arith.constant 0.000000e+00 : f32
      %ge3A_712 = vector.broadcast %ge3A_711 : f32 to vector<16xf32>
      %ge3A_713 = arith.cmpf oge, %add3A_710, %ge3A_712 : vector<16xf32>
      %mul3A_714 = arith.constant 2.000000e-01 : f32
      %mul3A_715 = vector.broadcast %mul3A_714 : f32 to vector<16xf32>
      %mul3A_716 = arith.mulf %mul3A_715, %add3A_710 : vector<16xf32>
      %select_n3A_717 = arith.select %ge3A_713, %add3A_710, %mul3A_716 : vector<16xi1>, vector<16xf32>
      %exp3A_718 = math.exp %select_n3A_717 : vector<16xf32>
      %gather3A_719 = tpu.vector_load_idx %arg18[%add3A_679, %broadcast_in_dim3A_703] : memref<80x16xf32, #tpu.memory_space<vmem>>[vector<16xi32>, vector<16xi32>], vector<16xf32>,
      %add3A_720 = arith.constant 9.99999971E-10 : f32
      %add3A_721 = vector.broadcast %add3A_720 : f32 to vector<16xf32>
      %add3A_722 = arith.addf %gather3A_719, %add3A_721 : vector<16xf32>
      %div3A_723 = arith.divf %exp3A_718, %add3A_722 : vector<16xf32>
      tpu.vector_store_idx %arg17[%add3A_679, %broadcast_in_dim3A_703], %div3A_723 : memref<80x4xf32, #tpu.memory_space<vmem>>[vector<16xi32>, vector<16xi32>], vector<16xf32>,
      %broadcast_in_dim3A_724 = arith.constant 2 : i32
      %broadcast_in_dim3A_725 = vector.broadcast %broadcast_in_dim3A_724 : i32 to vector<16xi32>
      %broadcast_in_dim3A_726 = arith.constant 6 : i32
      %broadcast_in_dim3A_727 = vector.broadcast %broadcast_in_dim3A_726 : i32 to vector<16xi32>
      %gather3A_728 = tpu.vector_load_idx %arg13[%add3A_679, %broadcast_in_dim3A_725] : memref<80x16xf32, #tpu.memory_space<vmem>>[vector<16xi32>, vector<16xi32>], vector<16xf32>,
      %gather3A_729 = tpu.vector_load_idx %arg14[%add3A_679, %broadcast_in_dim3A_727] : memref<80x16xf32, #tpu.memory_space<vmem>>[vector<16xi32>, vector<16xi32>], vector<16xf32>,
      %add3A_730 = arith.addf %gather3A_728, %gather3A_729 : vector<16xf32>
      %gather3A_731 = tpu.vector_load_idx %arg15[%add3A_679, %broadcast_in_dim3A_725] : memref<80x4xf32, #tpu.memory_space<vmem>>[vector<16xi32>, vector<16xi32>], vector<16xf32>,
      %add3A_732 = arith.addf %add3A_730, %gather3A_731 : vector<16xf32>
      %ge3A_733 = arith.constant 0.000000e+00 : f32
      %ge3A_734 = vector.broadcast %ge3A_733 : f32 to vector<16xf32>
      %ge3A_735 = arith.cmpf oge, %add3A_732, %ge3A_734 : vector<16xf32>
      %mul3A_736 = arith.constant 2.000000e-01 : f32
      %mul3A_737 = vector.broadcast %mul3A_736 : f32 to vector<16xf32>
      %mul3A_738 = arith.mulf %mul3A_737, %add3A_732 : vector<16xf32>
      %select_n3A_739 = arith.select %ge3A_735, %add3A_732, %mul3A_738 : vector<16xi1>, vector<16xf32>
      %exp3A_740 = math.exp %select_n3A_739 : vector<16xf32>
      %gather3A_741 = tpu.vector_load_idx %arg18[%add3A_679, %broadcast_in_dim3A_725] : memref<80x16xf32, #tpu.memory_space<vmem>>[vector<16xi32>, vector<16xi32>], vector<16xf32>,
      %add3A_742 = arith.constant 9.99999971E-10 : f32
      %add3A_743 = vector.broadcast %add3A_742 : f32 to vector<16xf32>
      %add3A_744 = arith.addf %gather3A_741, %add3A_743 : vector<16xf32>
      %div3A_745 = arith.divf %exp3A_740, %add3A_744 : vector<16xf32>
      tpu.vector_store_idx %arg17[%add3A_679, %broadcast_in_dim3A_725], %div3A_745 : memref<80x4xf32, #tpu.memory_space<vmem>>[vector<16xi32>, vector<16xi32>], vector<16xf32>,
      %broadcast_in_dim3A_746 = arith.constant 3 : i32
      %broadcast_in_dim3A_747 = vector.broadcast %broadcast_in_dim3A_746 : i32 to vector<16xi32>
      %broadcast_in_dim3A_748 = arith.constant 7 : i32
      %broadcast_in_dim3A_749 = vector.broadcast %broadcast_in_dim3A_748 : i32 to vector<16xi32>
      %gather3A_750 = tpu.vector_load_idx %arg13[%add3A_679, %broadcast_in_dim3A_747] : memref<80x16xf32, #tpu.memory_space<vmem>>[vector<16xi32>, vector<16xi32>], vector<16xf32>,
      %gather3A_751 = tpu.vector_load_idx %arg14[%add3A_679, %broadcast_in_dim3A_749] : memref<80x16xf32, #tpu.memory_space<vmem>>[vector<16xi32>, vector<16xi32>], vector<16xf32>,
      %add3A_752 = arith.addf %gather3A_750, %gather3A_751 : vector<16xf32>
      %gather3A_753 = tpu.vector_load_idx %arg15[%add3A_679, %broadcast_in_dim3A_747] : memref<80x4xf32, #tpu.memory_space<vmem>>[vector<16xi32>, vector<16xi32>], vector<16xf32>,
      %add3A_754 = arith.addf %add3A_752, %gather3A_753 : vector<16xf32>
      %ge3A_755 = arith.constant 0.000000e+00 : f32
      %ge3A_756 = vector.broadcast %ge3A_755 : f32 to vector<16xf32>
      %ge3A_757 = arith.cmpf oge, %add3A_754, %ge3A_756 : vector<16xf32>
      %mul3A_758 = arith.constant 2.000000e-01 : f32
      %mul3A_759 = vector.broadcast %mul3A_758 : f32 to vector<16xf32>
      %mul3A_760 = arith.mulf %mul3A_759, %add3A_754 : vector<16xf32>
      %select_n3A_761 = arith.select %ge3A_757, %add3A_754, %mul3A_760 : vector<16xi1>, vector<16xf32>
      %exp3A_762 = math.exp %select_n3A_761 : vector<16xf32>
      %gather3A_763 = tpu.vector_load_idx %arg18[%add3A_679, %broadcast_in_dim3A_747] : memref<80x16xf32, #tpu.memory_space<vmem>>[vector<16xi32>, vector<16xi32>], vector<16xf32>,
      %add3A_764 = arith.constant 9.99999971E-10 : f32
      %add3A_765 = vector.broadcast %add3A_764 : f32 to vector<16xf32>
      %add3A_766 = arith.addf %gather3A_763, %add3A_765 : vector<16xf32>
      %div3A_767 = arith.divf %exp3A_762, %add3A_766 : vector<16xf32>
      tpu.vector_store_idx %arg17[%add3A_679, %broadcast_in_dim3A_747], %div3A_767 : memref<80x4xf32, #tpu.memory_space<vmem>>[vector<16xi32>, vector<16xi32>], vector<16xf32>,
      %add3A_768 = arith.constant 32 : i32
      %add3A_769 = vector.broadcast %add3A_768 : i32 to vector<16xi32>
      %add3A_770 = arith.addi %iota3A, %add3A_769 : vector<16xi32>
      %broadcast_in_dim3A_771 = arith.constant 0 : i32
      %broadcast_in_dim3A_772 = vector.broadcast %broadcast_in_dim3A_771 : i32 to vector<16xi32>
      %broadcast_in_dim3A_773 = arith.constant 4 : i32
      %broadcast_in_dim3A_774 = vector.broadcast %broadcast_in_dim3A_773 : i32 to vector<16xi32>
      %gather3A_775 = tpu.vector_load_idx %arg13[%add3A_770, %broadcast_in_dim3A_772] : memref<80x16xf32, #tpu.memory_space<vmem>>[vector<16xi32>, vector<16xi32>], vector<16xf32>,
      %gather3A_776 = tpu.vector_load_idx %arg14[%add3A_770, %broadcast_in_dim3A_774] : memref<80x16xf32, #tpu.memory_space<vmem>>[vector<16xi32>, vector<16xi32>], vector<16xf32>,
      %add3A_777 = arith.addf %gather3A_775, %gather3A_776 : vector<16xf32>
      %gather3A_778 = tpu.vector_load_idx %arg15[%add3A_770, %broadcast_in_dim3A_772] : memref<80x4xf32, #tpu.memory_space<vmem>>[vector<16xi32>, vector<16xi32>], vector<16xf32>,
      %add3A_779 = arith.addf %add3A_777, %gather3A_778 : vector<16xf32>
      %ge3A_780 = arith.constant 0.000000e+00 : f32
      %ge3A_781 = vector.broadcast %ge3A_780 : f32 to vector<16xf32>
      %ge3A_782 = arith.cmpf oge, %add3A_779, %ge3A_781 : vector<16xf32>
      %mul3A_783 = arith.constant 2.000000e-01 : f32
      %mul3A_784 = vector.broadcast %mul3A_783 : f32 to vector<16xf32>
      %mul3A_785 = arith.mulf %mul3A_784, %add3A_779 : vector<16xf32>
      %select_n3A_786 = arith.select %ge3A_782, %add3A_779, %mul3A_785 : vector<16xi1>, vector<16xf32>
      %exp3A_787 = math.exp %select_n3A_786 : vector<16xf32>
      %gather3A_788 = tpu.vector_load_idx %arg18[%add3A_770, %broadcast_in_dim3A_772] : memref<80x16xf32, #tpu.memory_space<vmem>>[vector<16xi32>, vector<16xi32>], vector<16xf32>,
      %add3A_789 = arith.constant 9.99999971E-10 : f32
      %add3A_790 = vector.broadcast %add3A_789 : f32 to vector<16xf32>
      %add3A_791 = arith.addf %gather3A_788, %add3A_790 : vector<16xf32>
      %div3A_792 = arith.divf %exp3A_787, %add3A_791 : vector<16xf32>
      tpu.vector_store_idx %arg17[%add3A_770, %broadcast_in_dim3A_772], %div3A_792 : memref<80x4xf32, #tpu.memory_space<vmem>>[vector<16xi32>, vector<16xi32>], vector<16xf32>,
      %broadcast_in_dim3A_793 = arith.constant 1 : i32
      %broadcast_in_dim3A_794 = vector.broadcast %broadcast_in_dim3A_793 : i32 to vector<16xi32>
      %broadcast_in_dim3A_795 = arith.constant 5 : i32
      %broadcast_in_dim3A_796 = vector.broadcast %broadcast_in_dim3A_795 : i32 to vector<16xi32>
      %gather3A_797 = tpu.vector_load_idx %arg13[%add3A_770, %broadcast_in_dim3A_794] : memref<80x16xf32, #tpu.memory_space<vmem>>[vector<16xi32>, vector<16xi32>], vector<16xf32>,
      %gather3A_798 = tpu.vector_load_idx %arg14[%add3A_770, %broadcast_in_dim3A_796] : memref<80x16xf32, #tpu.memory_space<vmem>>[vector<16xi32>, vector<16xi32>], vector<16xf32>,
      %add3A_799 = arith.addf %gather3A_797, %gather3A_798 : vector<16xf32>
      %gather3A_800 = tpu.vector_load_idx %arg15[%add3A_770, %broadcast_in_dim3A_794] : memref<80x4xf32, #tpu.memory_space<vmem>>[vector<16xi32>, vector<16xi32>], vector<16xf32>,
      %add3A_801 = arith.addf %add3A_799, %gather3A_800 : vector<16xf32>
      %ge3A_802 = arith.constant 0.000000e+00 : f32
      %ge3A_803 = vector.broadcast %ge3A_802 : f32 to vector<16xf32>
      %ge3A_804 = arith.cmpf oge, %add3A_801, %ge3A_803 : vector<16xf32>
      %mul3A_805 = arith.constant 2.000000e-01 : f32
      %mul3A_806 = vector.broadcast %mul3A_805 : f32 to vector<16xf32>
      %mul3A_807 = arith.mulf %mul3A_806, %add3A_801 : vector<16xf32>
      %select_n3A_808 = arith.select %ge3A_804, %add3A_801, %mul3A_807 : vector<16xi1>, vector<16xf32>
      %exp3A_809 = math.exp %select_n3A_808 : vector<16xf32>
      %gather3A_810 = tpu.vector_load_idx %arg18[%add3A_770, %broadcast_in_dim3A_794] : memref<80x16xf32, #tpu.memory_space<vmem>>[vector<16xi32>, vector<16xi32>], vector<16xf32>,
      %add3A_811 = arith.constant 9.99999971E-10 : f32
      %add3A_812 = vector.broadcast %add3A_811 : f32 to vector<16xf32>
      %add3A_813 = arith.addf %gather3A_810, %add3A_812 : vector<16xf32>
      %div3A_814 = arith.divf %exp3A_809, %add3A_813 : vector<16xf32>
      tpu.vector_store_idx %arg17[%add3A_770, %broadcast_in_dim3A_794], %div3A_814 : memref<80x4xf32, #tpu.memory_space<vmem>>[vector<16xi32>, vector<16xi32>], vector<16xf32>,
      %broadcast_in_dim3A_815 = arith.constant 2 : i32
      %broadcast_in_dim3A_816 = vector.broadcast %broadcast_in_dim3A_815 : i32 to vector<16xi32>
      %broadcast_in_dim3A_817 = arith.constant 6 : i32
      %broadcast_in_dim3A_818 = vector.broadcast %broadcast_in_dim3A_817 : i32 to vector<16xi32>
      %gather3A_819 = tpu.vector_load_idx %arg13[%add3A_770, %broadcast_in_dim3A_816] : memref<80x16xf32, #tpu.memory_space<vmem>>[vector<16xi32>, vector<16xi32>], vector<16xf32>,
      %gather3A_820 = tpu.vector_load_idx %arg14[%add3A_770, %broadcast_in_dim3A_818] : memref<80x16xf32, #tpu.memory_space<vmem>>[vector<16xi32>, vector<16xi32>], vector<16xf32>,
      %add3A_821 = arith.addf %gather3A_819, %gather3A_820 : vector<16xf32>
      %gather3A_822 = tpu.vector_load_idx %arg15[%add3A_770, %broadcast_in_dim3A_816] : memref<80x4xf32, #tpu.memory_space<vmem>>[vector<16xi32>, vector<16xi32>], vector<16xf32>,
      %add3A_823 = arith.addf %add3A_821, %gather3A_822 : vector<16xf32>
      %ge3A_824 = arith.constant 0.000000e+00 : f32
      %ge3A_825 = vector.broadcast %ge3A_824 : f32 to vector<16xf32>
      %ge3A_826 = arith.cmpf oge, %add3A_823, %ge3A_825 : vector<16xf32>
      %mul3A_827 = arith.constant 2.000000e-01 : f32
      %mul3A_828 = vector.broadcast %mul3A_827 : f32 to vector<16xf32>
      %mul3A_829 = arith.mulf %mul3A_828, %add3A_823 : vector<16xf32>
      %select_n3A_830 = arith.select %ge3A_826, %add3A_823, %mul3A_829 : vector<16xi1>, vector<16xf32>
      %exp3A_831 = math.exp %select_n3A_830 : vector<16xf32>
      %gather3A_832 = tpu.vector_load_idx %arg18[%add3A_770, %broadcast_in_dim3A_816] : memref<80x16xf32, #tpu.memory_space<vmem>>[vector<16xi32>, vector<16xi32>], vector<16xf32>,
      %add3A_833 = arith.constant 9.99999971E-10 : f32
      %add3A_834 = vector.broadcast %add3A_833 : f32 to vector<16xf32>
      %add3A_835 = arith.addf %gather3A_832, %add3A_834 : vector<16xf32>
      %div3A_836 = arith.divf %exp3A_831, %add3A_835 : vector<16xf32>
      tpu.vector_store_idx %arg17[%add3A_770, %broadcast_in_dim3A_816], %div3A_836 : memref<80x4xf32, #tpu.memory_space<vmem>>[vector<16xi32>, vector<16xi32>], vector<16xf32>,
      %broadcast_in_dim3A_837 = arith.constant 3 : i32
      %broadcast_in_dim3A_838 = vector.broadcast %broadcast_in_dim3A_837 : i32 to vector<16xi32>
      %broadcast_in_dim3A_839 = arith.constant 7 : i32
      %broadcast_in_dim3A_840 = vector.broadcast %broadcast_in_dim3A_839 : i32 to vector<16xi32>
      %gather3A_841 = tpu.vector_load_idx %arg13[%add3A_770, %broadcast_in_dim3A_838] : memref<80x16xf32, #tpu.memory_space<vmem>>[vector<16xi32>, vector<16xi32>], vector<16xf32>,
      %gather3A_842 = tpu.vector_load_idx %arg14[%add3A_770, %broadcast_in_dim3A_840] : memref<80x16xf32, #tpu.memory_space<vmem>>[vector<16xi32>, vector<16xi32>], vector<16xf32>,
      %add3A_843 = arith.addf %gather3A_841, %gather3A_842 : vector<16xf32>
      %gather3A_844 = tpu.vector_load_idx %arg15[%add3A_770, %broadcast_in_dim3A_838] : memref<80x4xf32, #tpu.memory_space<vmem>>[vector<16xi32>, vector<16xi32>], vector<16xf32>,
      %add3A_845 = arith.addf %add3A_843, %gather3A_844 : vector<16xf32>
      %ge3A_846 = arith.constant 0.000000e+00 : f32
      %ge3A_847 = vector.broadcast %ge3A_846 : f32 to vector<16xf32>
      %ge3A_848 = arith.cmpf oge, %add3A_845, %ge3A_847 : vector<16xf32>
      %mul3A_849 = arith.constant 2.000000e-01 : f32
      %mul3A_850 = vector.broadcast %mul3A_849 : f32 to vector<16xf32>
      %mul3A_851 = arith.mulf %mul3A_850, %add3A_845 : vector<16xf32>
      %select_n3A_852 = arith.select %ge3A_848, %add3A_845, %mul3A_851 : vector<16xi1>, vector<16xf32>
      %exp3A_853 = math.exp %select_n3A_852 : vector<16xf32>
      %gather3A_854 = tpu.vector_load_idx %arg18[%add3A_770, %broadcast_in_dim3A_838] : memref<80x16xf32, #tpu.memory_space<vmem>>[vector<16xi32>, vector<16xi32>], vector<16xf32>,
      %add3A_855 = arith.constant 9.99999971E-10 : f32
      %add3A_856 = vector.broadcast %add3A_855 : f32 to vector<16xf32>
      %add3A_857 = arith.addf %gather3A_854, %add3A_856 : vector<16xf32>
      %div3A_858 = arith.divf %exp3A_853, %add3A_857 : vector<16xf32>
      tpu.vector_store_idx %arg17[%add3A_770, %broadcast_in_dim3A_838], %div3A_858 : memref<80x4xf32, #tpu.memory_space<vmem>>[vector<16xi32>, vector<16xi32>], vector<16xf32>,
      %add3A_859 = arith.constant 48 : i32
      %add3A_860 = vector.broadcast %add3A_859 : i32 to vector<16xi32>
      %add3A_861 = arith.addi %iota3A, %add3A_860 : vector<16xi32>
      %broadcast_in_dim3A_862 = arith.constant 0 : i32
      %broadcast_in_dim3A_863 = vector.broadcast %broadcast_in_dim3A_862 : i32 to vector<16xi32>
      %broadcast_in_dim3A_864 = arith.constant 4 : i32
      %broadcast_in_dim3A_865 = vector.broadcast %broadcast_in_dim3A_864 : i32 to vector<16xi32>
      %gather3A_866 = tpu.vector_load_idx %arg13[%add3A_861, %broadcast_in_dim3A_863] : memref<80x16xf32, #tpu.memory_space<vmem>>[vector<16xi32>, vector<16xi32>], vector<16xf32>,
      %gather3A_867 = tpu.vector_load_idx %arg14[%add3A_861, %broadcast_in_dim3A_865] : memref<80x16xf32, #tpu.memory_space<vmem>>[vector<16xi32>, vector<16xi32>], vector<16xf32>,
      %add3A_868 = arith.addf %gather3A_866, %gather3A_867 : vector<16xf32>
      %gather3A_869 = tpu.vector_load_idx %arg15[%add3A_861, %broadcast_in_dim3A_863] : memref<80x4xf32, #tpu.memory_space<vmem>>[vector<16xi32>, vector<16xi32>], vector<16xf32>,
      %add3A_870 = arith.addf %add3A_868, %gather3A_869 : vector<16xf32>
      %ge3A_871 = arith.constant 0.000000e+00 : f32
      %ge3A_872 = vector.broadcast %ge3A_871 : f32 to vector<16xf32>
      %ge3A_873 = arith.cmpf oge, %add3A_870, %ge3A_872 : vector<16xf32>
      %mul3A_874 = arith.constant 2.000000e-01 : f32
      %mul3A_875 = vector.broadcast %mul3A_874 : f32 to vector<16xf32>
      %mul3A_876 = arith.mulf %mul3A_875, %add3A_870 : vector<16xf32>
      %select_n3A_877 = arith.select %ge3A_873, %add3A_870, %mul3A_876 : vector<16xi1>, vector<16xf32>
      %exp3A_878 = math.exp %select_n3A_877 : vector<16xf32>
      %gather3A_879 = tpu.vector_load_idx %arg18[%add3A_861, %broadcast_in_dim3A_863] : memref<80x16xf32, #tpu.memory_space<vmem>>[vector<16xi32>, vector<16xi32>], vector<16xf32>,
      %add3A_880 = arith.constant 9.99999971E-10 : f32
      %add3A_881 = vector.broadcast %add3A_880 : f32 to vector<16xf32>
      %add3A_882 = arith.addf %gather3A_879, %add3A_881 : vector<16xf32>
      %div3A_883 = arith.divf %exp3A_878, %add3A_882 : vector<16xf32>
      tpu.vector_store_idx %arg17[%add3A_861, %broadcast_in_dim3A_863], %div3A_883 : memref<80x4xf32, #tpu.memory_space<vmem>>[vector<16xi32>, vector<16xi32>], vector<16xf32>,
      %broadcast_in_dim3A_884 = arith.constant 1 : i32
      %broadcast_in_dim3A_885 = vector.broadcast %broadcast_in_dim3A_884 : i32 to vector<16xi32>
      %broadcast_in_dim3A_886 = arith.constant 5 : i32
      %broadcast_in_dim3A_887 = vector.broadcast %broadcast_in_dim3A_886 : i32 to vector<16xi32>
      %gather3A_888 = tpu.vector_load_idx %arg13[%add3A_861, %broadcast_in_dim3A_885] : memref<80x16xf32, #tpu.memory_space<vmem>>[vector<16xi32>, vector<16xi32>], vector<16xf32>,
      %gather3A_889 = tpu.vector_load_idx %arg14[%add3A_861, %broadcast_in_dim3A_887] : memref<80x16xf32, #tpu.memory_space<vmem>>[vector<16xi32>, vector<16xi32>], vector<16xf32>,
      %add3A_890 = arith.addf %gather3A_888, %gather3A_889 : vector<16xf32>
      %gather3A_891 = tpu.vector_load_idx %arg15[%add3A_861, %broadcast_in_dim3A_885] : memref<80x4xf32, #tpu.memory_space<vmem>>[vector<16xi32>, vector<16xi32>], vector<16xf32>,
      %add3A_892 = arith.addf %add3A_890, %gather3A_891 : vector<16xf32>
      %ge3A_893 = arith.constant 0.000000e+00 : f32
      %ge3A_894 = vector.broadcast %ge3A_893 : f32 to vector<16xf32>
      %ge3A_895 = arith.cmpf oge, %add3A_892, %ge3A_894 : vector<16xf32>
      %mul3A_896 = arith.constant 2.000000e-01 : f32
      %mul3A_897 = vector.broadcast %mul3A_896 : f32 to vector<16xf32>
      %mul3A_898 = arith.mulf %mul3A_897, %add3A_892 : vector<16xf32>
      %select_n3A_899 = arith.select %ge3A_895, %add3A_892, %mul3A_898 : vector<16xi1>, vector<16xf32>
      %exp3A_900 = math.exp %select_n3A_899 : vector<16xf32>
      %gather3A_901 = tpu.vector_load_idx %arg18[%add3A_861, %broadcast_in_dim3A_885] : memref<80x16xf32, #tpu.memory_space<vmem>>[vector<16xi32>, vector<16xi32>], vector<16xf32>,
      %add3A_902 = arith.constant 9.99999971E-10 : f32
      %add3A_903 = vector.broadcast %add3A_902 : f32 to vector<16xf32>
      %add3A_904 = arith.addf %gather3A_901, %add3A_903 : vector<16xf32>
      %div3A_905 = arith.divf %exp3A_900, %add3A_904 : vector<16xf32>
      tpu.vector_store_idx %arg17[%add3A_861, %broadcast_in_dim3A_885], %div3A_905 : memref<80x4xf32, #tpu.memory_space<vmem>>[vector<16xi32>, vector<16xi32>], vector<16xf32>,
      %broadcast_in_dim3A_906 = arith.constant 2 : i32
      %broadcast_in_dim3A_907 = vector.broadcast %broadcast_in_dim3A_906 : i32 to vector<16xi32>
      %broadcast_in_dim3A_908 = arith.constant 6 : i32
      %broadcast_in_dim3A_909 = vector.broadcast %broadcast_in_dim3A_908 : i32 to vector<16xi32>
      %gather3A_910 = tpu.vector_load_idx %arg13[%add3A_861, %broadcast_in_dim3A_907] : memref<80x16xf32, #tpu.memory_space<vmem>>[vector<16xi32>, vector<16xi32>], vector<16xf32>,
      %gather3A_911 = tpu.vector_load_idx %arg14[%add3A_861, %broadcast_in_dim3A_909] : memref<80x16xf32, #tpu.memory_space<vmem>>[vector<16xi32>, vector<16xi32>], vector<16xf32>,
      %add3A_912 = arith.addf %gather3A_910, %gather3A_911 : vector<16xf32>
      %gather3A_913 = tpu.vector_load_idx %arg15[%add3A_861, %broadcast_in_dim3A_907] : memref<80x4xf32, #tpu.memory_space<vmem>>[vector<16xi32>, vector<16xi32>], vector<16xf32>,
      %add3A_914 = arith.addf %add3A_912, %gather3A_913 : vector<16xf32>
      %ge3A_915 = arith.constant 0.000000e+00 : f32
      %ge3A_916 = vector.broadcast %ge3A_915 : f32 to vector<16xf32>
      %ge3A_917 = arith.cmpf oge, %add3A_914, %ge3A_916 : vector<16xf32>
      %mul3A_918 = arith.constant 2.000000e-01 : f32
      %mul3A_919 = vector.broadcast %mul3A_918 : f32 to vector<16xf32>
      %mul3A_920 = arith.mulf %mul3A_919, %add3A_914 : vector<16xf32>
      %select_n3A_921 = arith.select %ge3A_917, %add3A_914, %mul3A_920 : vector<16xi1>, vector<16xf32>
      %exp3A_922 = math.exp %select_n3A_921 : vector<16xf32>
      %gather3A_923 = tpu.vector_load_idx %arg18[%add3A_861, %broadcast_in_dim3A_907] : memref<80x16xf32, #tpu.memory_space<vmem>>[vector<16xi32>, vector<16xi32>], vector<16xf32>,
      %add3A_924 = arith.constant 9.99999971E-10 : f32
      %add3A_925 = vector.broadcast %add3A_924 : f32 to vector<16xf32>
      %add3A_926 = arith.addf %gather3A_923, %add3A_925 : vector<16xf32>
      %div3A_927 = arith.divf %exp3A_922, %add3A_926 : vector<16xf32>
      tpu.vector_store_idx %arg17[%add3A_861, %broadcast_in_dim3A_907], %div3A_927 : memref<80x4xf32, #tpu.memory_space<vmem>>[vector<16xi32>, vector<16xi32>], vector<16xf32>,
      %broadcast_in_dim3A_928 = arith.constant 3 : i32
      %broadcast_in_dim3A_929 = vector.broadcast %broadcast_in_dim3A_928 : i32 to vector<16xi32>
      %broadcast_in_dim3A_930 = arith.constant 7 : i32
      %broadcast_in_dim3A_931 = vector.broadcast %broadcast_in_dim3A_930 : i32 to vector<16xi32>
      %gather3A_932 = tpu.vector_load_idx %arg13[%add3A_861, %broadcast_in_dim3A_929] : memref<80x16xf32, #tpu.memory_space<vmem>>[vector<16xi32>, vector<16xi32>], vector<16xf32>,
      %gather3A_933 = tpu.vector_load_idx %arg14[%add3A_861, %broadcast_in_dim3A_931] : memref<80x16xf32, #tpu.memory_space<vmem>>[vector<16xi32>, vector<16xi32>], vector<16xf32>,
      %add3A_934 = arith.addf %gather3A_932, %gather3A_933 : vector<16xf32>
      %gather3A_935 = tpu.vector_load_idx %arg15[%add3A_861, %broadcast_in_dim3A_929] : memref<80x4xf32, #tpu.memory_space<vmem>>[vector<16xi32>, vector<16xi32>], vector<16xf32>,
      %add3A_936 = arith.addf %add3A_934, %gather3A_935 : vector<16xf32>
      %ge3A_937 = arith.constant 0.000000e+00 : f32
      %ge3A_938 = vector.broadcast %ge3A_937 : f32 to vector<16xf32>
      %ge3A_939 = arith.cmpf oge, %add3A_936, %ge3A_938 : vector<16xf32>
      %mul3A_940 = arith.constant 2.000000e-01 : f32
      %mul3A_941 = vector.broadcast %mul3A_940 : f32 to vector<16xf32>
      %mul3A_942 = arith.mulf %mul3A_941, %add3A_936 : vector<16xf32>
      %select_n3A_943 = arith.select %ge3A_939, %add3A_936, %mul3A_942 : vector<16xi1>, vector<16xf32>
      %exp3A_944 = math.exp %select_n3A_943 : vector<16xf32>
      %gather3A_945 = tpu.vector_load_idx %arg18[%add3A_861, %broadcast_in_dim3A_929] : memref<80x16xf32, #tpu.memory_space<vmem>>[vector<16xi32>, vector<16xi32>], vector<16xf32>,
      %add3A_946 = arith.constant 9.99999971E-10 : f32
      %add3A_947 = vector.broadcast %add3A_946 : f32 to vector<16xf32>
      %add3A_948 = arith.addf %gather3A_945, %add3A_947 : vector<16xf32>
      %div3A_949 = arith.divf %exp3A_944, %add3A_948 : vector<16xf32>
      tpu.vector_store_idx %arg17[%add3A_861, %broadcast_in_dim3A_929], %div3A_949 : memref<80x4xf32, #tpu.memory_space<vmem>>[vector<16xi32>, vector<16xi32>], vector<16xf32>,
      %add3A_950 = arith.constant 64 : i32
      %add3A_951 = vector.broadcast %add3A_950 : i32 to vector<16xi32>
      %add3A_952 = arith.addi %iota3A, %add3A_951 : vector<16xi32>
      %broadcast_in_dim3A_953 = arith.constant 0 : i32
      %broadcast_in_dim3A_954 = vector.broadcast %broadcast_in_dim3A_953 : i32 to vector<16xi32>
      %broadcast_in_dim3A_955 = arith.constant 4 : i32
      %broadcast_in_dim3A_956 = vector.broadcast %broadcast_in_dim3A_955 : i32 to vector<16xi32>
      %gather3A_957 = tpu.vector_load_idx %arg13[%add3A_952, %broadcast_in_dim3A_954] : memref<80x16xf32, #tpu.memory_space<vmem>>[vector<16xi32>, vector<16xi32>], vector<16xf32>,
      %gather3A_958 = tpu.vector_load_idx %arg14[%add3A_952, %broadcast_in_dim3A_956] : memref<80x16xf32, #tpu.memory_space<vmem>>[vector<16xi32>, vector<16xi32>], vector<16xf32>,
      %add3A_959 = arith.addf %gather3A_957, %gather3A_958 : vector<16xf32>
      %gather3A_960 = tpu.vector_load_idx %arg15[%add3A_952, %broadcast_in_dim3A_954] : memref<80x4xf32, #tpu.memory_space<vmem>>[vector<16xi32>, vector<16xi32>], vector<16xf32>,
      %add3A_961 = arith.addf %add3A_959, %gather3A_960 : vector<16xf32>
      %ge3A_962 = arith.constant 0.000000e+00 : f32
      %ge3A_963 = vector.broadcast %ge3A_962 : f32 to vector<16xf32>
      %ge3A_964 = arith.cmpf oge, %add3A_961, %ge3A_963 : vector<16xf32>
      %mul3A_965 = arith.constant 2.000000e-01 : f32
      %mul3A_966 = vector.broadcast %mul3A_965 : f32 to vector<16xf32>
      %mul3A_967 = arith.mulf %mul3A_966, %add3A_961 : vector<16xf32>
      %select_n3A_968 = arith.select %ge3A_964, %add3A_961, %mul3A_967 : vector<16xi1>, vector<16xf32>
      %exp3A_969 = math.exp %select_n3A_968 : vector<16xf32>
      %gather3A_970 = tpu.vector_load_idx %arg18[%add3A_952, %broadcast_in_dim3A_954] : memref<80x16xf32, #tpu.memory_space<vmem>>[vector<16xi32>, vector<16xi32>], vector<16xf32>,
      %add3A_971 = arith.constant 9.99999971E-10 : f32
      %add3A_972 = vector.broadcast %add3A_971 : f32 to vector<16xf32>
      %add3A_973 = arith.addf %gather3A_970, %add3A_972 : vector<16xf32>
      %div3A_974 = arith.divf %exp3A_969, %add3A_973 : vector<16xf32>
      tpu.vector_store_idx %arg17[%add3A_952, %broadcast_in_dim3A_954], %div3A_974 : memref<80x4xf32, #tpu.memory_space<vmem>>[vector<16xi32>, vector<16xi32>], vector<16xf32>,
      %broadcast_in_dim3A_975 = arith.constant 1 : i32
      %broadcast_in_dim3A_976 = vector.broadcast %broadcast_in_dim3A_975 : i32 to vector<16xi32>
      %broadcast_in_dim3A_977 = arith.constant 5 : i32
      %broadcast_in_dim3A_978 = vector.broadcast %broadcast_in_dim3A_977 : i32 to vector<16xi32>
      %gather3A_979 = tpu.vector_load_idx %arg13[%add3A_952, %broadcast_in_dim3A_976] : memref<80x16xf32, #tpu.memory_space<vmem>>[vector<16xi32>, vector<16xi32>], vector<16xf32>,
      %gather3A_980 = tpu.vector_load_idx %arg14[%add3A_952, %broadcast_in_dim3A_978] : memref<80x16xf32, #tpu.memory_space<vmem>>[vector<16xi32>, vector<16xi32>], vector<16xf32>,
      %add3A_981 = arith.addf %gather3A_979, %gather3A_980 : vector<16xf32>
      %gather3A_982 = tpu.vector_load_idx %arg15[%add3A_952, %broadcast_in_dim3A_976] : memref<80x4xf32, #tpu.memory_space<vmem>>[vector<16xi32>, vector<16xi32>], vector<16xf32>,
      %add3A_983 = arith.addf %add3A_981, %gather3A_982 : vector<16xf32>
      %ge3A_984 = arith.constant 0.000000e+00 : f32
      %ge3A_985 = vector.broadcast %ge3A_984 : f32 to vector<16xf32>
      %ge3A_986 = arith.cmpf oge, %add3A_983, %ge3A_985 : vector<16xf32>
      %mul3A_987 = arith.constant 2.000000e-01 : f32
      %mul3A_988 = vector.broadcast %mul3A_987 : f32 to vector<16xf32>
      %mul3A_989 = arith.mulf %mul3A_988, %add3A_983 : vector<16xf32>
      %select_n3A_990 = arith.select %ge3A_986, %add3A_983, %mul3A_989 : vector<16xi1>, vector<16xf32>
      %exp3A_991 = math.exp %select_n3A_990 : vector<16xf32>
      %gather3A_992 = tpu.vector_load_idx %arg18[%add3A_952, %broadcast_in_dim3A_976] : memref<80x16xf32, #tpu.memory_space<vmem>>[vector<16xi32>, vector<16xi32>], vector<16xf32>,
      %add3A_993 = arith.constant 9.99999971E-10 : f32
      %add3A_994 = vector.broadcast %add3A_993 : f32 to vector<16xf32>
      %add3A_995 = arith.addf %gather3A_992, %add3A_994 : vector<16xf32>
      %div3A_996 = arith.divf %exp3A_991, %add3A_995 : vector<16xf32>
      tpu.vector_store_idx %arg17[%add3A_952, %broadcast_in_dim3A_976], %div3A_996 : memref<80x4xf32, #tpu.memory_space<vmem>>[vector<16xi32>, vector<16xi32>], vector<16xf32>,
      %broadcast_in_dim3A_997 = arith.constant 2 : i32
      %broadcast_in_dim3A_998 = vector.broadcast %broadcast_in_dim3A_997 : i32 to vector<16xi32>
      %broadcast_in_dim3A_999 = arith.constant 6 : i32
      %broadcast_in_dim3A_1000 = vector.broadcast %broadcast_in_dim3A_999 : i32 to vector<16xi32>
      %gather3A_1001 = tpu.vector_load_idx %arg13[%add3A_952, %broadcast_in_dim3A_998] : memref<80x16xf32, #tpu.memory_space<vmem>>[vector<16xi32>, vector<16xi32>], vector<16xf32>,
      %gather3A_1002 = tpu.vector_load_idx %arg14[%add3A_952, %broadcast_in_dim3A_1000] : memref<80x16xf32, #tpu.memory_space<vmem>>[vector<16xi32>, vector<16xi32>], vector<16xf32>,
      %add3A_1003 = arith.addf %gather3A_1001, %gather3A_1002 : vector<16xf32>
      %gather3A_1004 = tpu.vector_load_idx %arg15[%add3A_952, %broadcast_in_dim3A_998] : memref<80x4xf32, #tpu.memory_space<vmem>>[vector<16xi32>, vector<16xi32>], vector<16xf32>,
      %add3A_1005 = arith.addf %add3A_1003, %gather3A_1004 : vector<16xf32>
      %ge3A_1006 = arith.constant 0.000000e+00 : f32
      %ge3A_1007 = vector.broadcast %ge3A_1006 : f32 to vector<16xf32>
      %ge3A_1008 = arith.cmpf oge, %add3A_1005, %ge3A_1007 : vector<16xf32>
      %mul3A_1009 = arith.constant 2.000000e-01 : f32
      %mul3A_1010 = vector.broadcast %mul3A_1009 : f32 to vector<16xf32>
      %mul3A_1011 = arith.mulf %mul3A_1010, %add3A_1005 : vector<16xf32>
      %select_n3A_1012 = arith.select %ge3A_1008, %add3A_1005, %mul3A_1011 : vector<16xi1>, vector<16xf32>
      %exp3A_1013 = math.exp %select_n3A_1012 : vector<16xf32>
      %gather3A_1014 = tpu.vector_load_idx %arg18[%add3A_952, %broadcast_in_dim3A_998] : memref<80x16xf32, #tpu.memory_space<vmem>>[vector<16xi32>, vector<16xi32>], vector<16xf32>,
      %add3A_1015 = arith.constant 9.99999971E-10 : f32
      %add3A_1016 = vector.broadcast %add3A_1015 : f32 to vector<16xf32>
      %add3A_1017 = arith.addf %gather3A_1014, %add3A_1016 : vector<16xf32>
      %div3A_1018 = arith.divf %exp3A_1013, %add3A_1017 : vector<16xf32>
      tpu.vector_store_idx %arg17[%add3A_952, %broadcast_in_dim3A_998], %div3A_1018 : memref<80x4xf32, #tpu.memory_space<vmem>>[vector<16xi32>, vector<16xi32>], vector<16xf32>,
      %broadcast_in_dim3A_1019 = arith.constant 3 : i32
      %broadcast_in_dim3A_1020 = vector.broadcast %broadcast_in_dim3A_1019 : i32 to vector<16xi32>
      %broadcast_in_dim3A_1021 = arith.constant 7 : i32
      %broadcast_in_dim3A_1022 = vector.broadcast %broadcast_in_dim3A_1021 : i32 to vector<16xi32>
      %gather3A_1023 = tpu.vector_load_idx %arg13[%add3A_952, %broadcast_in_dim3A_1020] : memref<80x16xf32, #tpu.memory_space<vmem>>[vector<16xi32>, vector<16xi32>], vector<16xf32>,
      %gather3A_1024 = tpu.vector_load_idx %arg14[%add3A_952, %broadcast_in_dim3A_1022] : memref<80x16xf32, #tpu.memory_space<vmem>>[vector<16xi32>, vector<16xi32>], vector<16xf32>,
      %add3A_1025 = arith.addf %gather3A_1023, %gather3A_1024 : vector<16xf32>
      %gather3A_1026 = tpu.vector_load_idx %arg15[%add3A_952, %broadcast_in_dim3A_1020] : memref<80x4xf32, #tpu.memory_space<vmem>>[vector<16xi32>, vector<16xi32>], vector<16xf32>,
      %add3A_1027 = arith.addf %add3A_1025, %gather3A_1026 : vector<16xf32>
      %ge3A_1028 = arith.constant 0.000000e+00 : f32
      %ge3A_1029 = vector.broadcast %ge3A_1028 : f32 to vector<16xf32>
      %ge3A_1030 = arith.cmpf oge, %add3A_1027, %ge3A_1029 : vector<16xf32>
      %mul3A_1031 = arith.constant 2.000000e-01 : f32
      %mul3A_1032 = vector.broadcast %mul3A_1031 : f32 to vector<16xf32>
      %mul3A_1033 = arith.mulf %mul3A_1032, %add3A_1027 : vector<16xf32>
      %select_n3A_1034 = arith.select %ge3A_1030, %add3A_1027, %mul3A_1033 : vector<16xi1>, vector<16xf32>
      %exp3A_1035 = math.exp %select_n3A_1034 : vector<16xf32>
      %gather3A_1036 = tpu.vector_load_idx %arg18[%add3A_952, %broadcast_in_dim3A_1020] : memref<80x16xf32, #tpu.memory_space<vmem>>[vector<16xi32>, vector<16xi32>], vector<16xf32>,
      %add3A_1037 = arith.constant 9.99999971E-10 : f32
      %add3A_1038 = vector.broadcast %add3A_1037 : f32 to vector<16xf32>
      %add3A_1039 = arith.addf %gather3A_1036, %add3A_1038 : vector<16xf32>
      %div3A_1040 = arith.divf %exp3A_1035, %add3A_1039 : vector<16xf32>
      tpu.vector_store_idx %arg17[%add3A_952, %broadcast_in_dim3A_1020], %div3A_1040 : memref<80x4xf32, #tpu.memory_space<vmem>>[vector<16xi32>, vector<16xi32>], vector<16xf32>,
      %scan3A_1041 = arith.constant 0 : i32
      %scan3A_1042 = arith.constant 0 : i32
      %scan3A_1043 = arith.constant 80 : i32
      %scan3A_1044 = arith.addi %scan3A_1042, %scan3A_1043 : i32
      %scan3A_1045 = arith.constant 4 : i32
      scf.for %scan3A_1047 = %scan3A_1042 to %scan3A_1044 step %scan3A_1045  : i32 {
        %broadcast_in_dim3A_1048 = vector.broadcast %scan3A_1047 : i32 to vector<16xi32>
        %broadcast_in_dim3A_1049 = arith.constant 0 : i32
        %broadcast_in_dim3A_1050 = vector.broadcast %broadcast_in_dim3A_1049 : i32 to vector<16xi32>
        %gather3A_1051 = tpu.vector_load_idx %arg17[%broadcast_in_dim3A_1048, %broadcast_in_dim3A_1050] : memref<80x4xf32, #tpu.memory_space<vmem>>[vector<16xi32>, vector<16xi32>], vector<16xf32>,
        %get3A = arith.index_cast %scan3A_1047 : i32 to index
        %get3A_1052 = arith.constant 0 : index
        %get3A_1053 = tpu.vector_load %arg19[%get3A, %get3A_1052] {strides = array<i32>} : memref<80x128xf32, #tpu.memory_space<vmem>>, vector<16xf32>,
        %get3A_1054 = arith.index_cast %scan3A_1047 : i32 to index
        %get3A_1055 = arith.constant 0 : index
        %get3A_1056 = tpu.vector_load %arg20[%get3A_1054, %get3A_1055] {strides = array<i32>} : memref<80x128xf32, #tpu.memory_space<vmem>>, vector<16xf32>,
        %add3A_1057 = arith.addf %get3A_1053, %get3A_1056 : vector<16xf32>
        %mul3A_1058 = arith.mulf %add3A_1057, %gather3A_1051 : vector<16xf32>
        %swap3A_1059 = arith.index_cast %scan3A_1047 : i32 to index
        %swap3A_1060 = arith.constant 0 : index
        %swap3A_1061 = tpu.vector_load %arg19[%swap3A_1059, %swap3A_1060] {strides = array<i32>} : memref<80x128xf32, #tpu.memory_space<vmem>>, vector<16xf32>,
        tpu.vector_store %arg19[%swap3A_1059, %swap3A_1060], %mul3A_1058 {strides = array<i32>} : memref<80x128xf32, #tpu.memory_space<vmem>>, vector<16xf32>,
        %get3A_1062 = arith.index_cast %scan3A_1047 : i32 to index
        %get3A_1063 = arith.constant 16 : index
        %get3A_1064 = tpu.vector_load %arg19[%get3A_1062, %get3A_1063] {strides = array<i32>} : memref<80x128xf32, #tpu.memory_space<vmem>>, vector<16xf32>,
        %get3A_1065 = arith.index_cast %scan3A_1047 : i32 to index
        %get3A_1066 = arith.constant 16 : index
        %get3A_1067 = tpu.vector_load %arg20[%get3A_1065, %get3A_1066] {strides = array<i32>} : memref<80x128xf32, #tpu.memory_space<vmem>>, vector<16xf32>,
        %add3A_1068 = arith.addf %get3A_1064, %get3A_1067 : vector<16xf32>
        %mul3A_1069 = arith.mulf %add3A_1068, %gather3A_1051 : vector<16xf32>
        %swap3A_1070 = arith.index_cast %scan3A_1047 : i32 to index
        %swap3A_1071 = arith.constant 16 : index
        %swap3A_1072 = tpu.vector_load %arg19[%swap3A_1070, %swap3A_1071] {strides = array<i32>} : memref<80x128xf32, #tpu.memory_space<vmem>>, vector<16xf32>,
        tpu.vector_store %arg19[%swap3A_1070, %swap3A_1071], %mul3A_1069 {strides = array<i32>} : memref<80x128xf32, #tpu.memory_space<vmem>>, vector<16xf32>,
        %broadcast_in_dim3A_1073 = arith.constant 1 : i32
        %broadcast_in_dim3A_1074 = vector.broadcast %broadcast_in_dim3A_1073 : i32 to vector<16xi32>
        %gather3A_1075 = tpu.vector_load_idx %arg17[%broadcast_in_dim3A_1048, %broadcast_in_dim3A_1074] : memref<80x4xf32, #tpu.memory_space<vmem>>[vector<16xi32>, vector<16xi32>], vector<16xf32>,
        %get3A_1076 = arith.index_cast %scan3A_1047 : i32 to index
        %get3A_1077 = arith.constant 32 : index
        %get3A_1078 = tpu.vector_load %arg19[%get3A_1076, %get3A_1077] {strides = array<i32>} : memref<80x128xf32, #tpu.memory_space<vmem>>, vector<16xf32>,
        %get3A_1079 = arith.index_cast %scan3A_1047 : i32 to index
        %get3A_1080 = arith.constant 32 : index
        %get3A_1081 = tpu.vector_load %arg20[%get3A_1079, %get3A_1080] {strides = array<i32>} : memref<80x128xf32, #tpu.memory_space<vmem>>, vector<16xf32>,
        %add3A_1082 = arith.addf %get3A_1078, %get3A_1081 : vector<16xf32>
        %mul3A_1083 = arith.mulf %add3A_1082, %gather3A_1075 : vector<16xf32>
        %swap3A_1084 = arith.index_cast %scan3A_1047 : i32 to index
        %swap3A_1085 = arith.constant 32 : index
        %swap3A_1086 = tpu.vector_load %arg19[%swap3A_1084, %swap3A_1085] {strides = array<i32>} : memref<80x128xf32, #tpu.memory_space<vmem>>, vector<16xf32>,
        tpu.vector_store %arg19[%swap3A_1084, %swap3A_1085], %mul3A_1083 {strides = array<i32>} : memref<80x128xf32, #tpu.memory_space<vmem>>, vector<16xf32>,
        %get3A_1087 = arith.index_cast %scan3A_1047 : i32 to index
        %get3A_1088 = arith.constant 48 : index
        %get3A_1089 = tpu.vector_load %arg19[%get3A_1087, %get3A_1088] {strides = array<i32>} : memref<80x128xf32, #tpu.memory_space<vmem>>, vector<16xf32>,
        %get3A_1090 = arith.index_cast %scan3A_1047 : i32 to index
        %get3A_1091 = arith.constant 48 : index
        %get3A_1092 = tpu.vector_load %arg20[%get3A_1090, %get3A_1091] {strides = array<i32>} : memref<80x128xf32, #tpu.memory_space<vmem>>, vector<16xf32>,
        %add3A_1093 = arith.addf %get3A_1089, %get3A_1092 : vector<16xf32>
        %mul3A_1094 = arith.mulf %add3A_1093, %gather3A_1075 : vector<16xf32>
        %swap3A_1095 = arith.index_cast %scan3A_1047 : i32 to index
        %swap3A_1096 = arith.constant 48 : index
        %swap3A_1097 = tpu.vector_load %arg19[%swap3A_1095, %swap3A_1096] {strides = array<i32>} : memref<80x128xf32, #tpu.memory_space<vmem>>, vector<16xf32>,
        tpu.vector_store %arg19[%swap3A_1095, %swap3A_1096], %mul3A_1094 {strides = array<i32>} : memref<80x128xf32, #tpu.memory_space<vmem>>, vector<16xf32>,
        %broadcast_in_dim3A_1098 = arith.constant 2 : i32
        %broadcast_in_dim3A_1099 = vector.broadcast %broadcast_in_dim3A_1098 : i32 to vector<16xi32>
        %gather3A_1100 = tpu.vector_load_idx %arg17[%broadcast_in_dim3A_1048, %broadcast_in_dim3A_1099] : memref<80x4xf32, #tpu.memory_space<vmem>>[vector<16xi32>, vector<16xi32>], vector<16xf32>,
        %get3A_1101 = arith.index_cast %scan3A_1047 : i32 to index
        %get3A_1102 = arith.constant 64 : index
        %get3A_1103 = tpu.vector_load %arg19[%get3A_1101, %get3A_1102] {strides = array<i32>} : memref<80x128xf32, #tpu.memory_space<vmem>>, vector<16xf32>,
        %get3A_1104 = arith.index_cast %scan3A_1047 : i32 to index
        %get3A_1105 = arith.constant 64 : index
        %get3A_1106 = tpu.vector_load %arg20[%get3A_1104, %get3A_1105] {strides = array<i32>} : memref<80x128xf32, #tpu.memory_space<vmem>>, vector<16xf32>,
        %add3A_1107 = arith.addf %get3A_1103, %get3A_1106 : vector<16xf32>
        %mul3A_1108 = arith.mulf %add3A_1107, %gather3A_1100 : vector<16xf32>
        %swap3A_1109 = arith.index_cast %scan3A_1047 : i32 to index
        %swap3A_1110 = arith.constant 64 : index
        %swap3A_1111 = tpu.vector_load %arg19[%swap3A_1109, %swap3A_1110] {strides = array<i32>} : memref<80x128xf32, #tpu.memory_space<vmem>>, vector<16xf32>,
        tpu.vector_store %arg19[%swap3A_1109, %swap3A_1110], %mul3A_1108 {strides = array<i32>} : memref<80x128xf32, #tpu.memory_space<vmem>>, vector<16xf32>,
        %get3A_1112 = arith.index_cast %scan3A_1047 : i32 to index
        %get3A_1113 = arith.constant 80 : index
        %get3A_1114 = tpu.vector_load %arg19[%get3A_1112, %get3A_1113] {strides = array<i32>} : memref<80x128xf32, #tpu.memory_space<vmem>>, vector<16xf32>,
        %get3A_1115 = arith.index_cast %scan3A_1047 : i32 to index
        %get3A_1116 = arith.constant 80 : index
        %get3A_1117 = tpu.vector_load %arg20[%get3A_1115, %get3A_1116] {strides = array<i32>} : memref<80x128xf32, #tpu.memory_space<vmem>>, vector<16xf32>,
        %add3A_1118 = arith.addf %get3A_1114, %get3A_1117 : vector<16xf32>
        %mul3A_1119 = arith.mulf %add3A_1118, %gather3A_1100 : vector<16xf32>
        %swap3A_1120 = arith.index_cast %scan3A_1047 : i32 to index
        %swap3A_1121 = arith.constant 80 : index
        %swap3A_1122 = tpu.vector_load %arg19[%swap3A_1120, %swap3A_1121] {strides = array<i32>} : memref<80x128xf32, #tpu.memory_space<vmem>>, vector<16xf32>,
        tpu.vector_store %arg19[%swap3A_1120, %swap3A_1121], %mul3A_1119 {strides = array<i32>} : memref<80x128xf32, #tpu.memory_space<vmem>>, vector<16xf32>,
        %broadcast_in_dim3A_1123 = arith.constant 3 : i32
        %broadcast_in_dim3A_1124 = vector.broadcast %broadcast_in_dim3A_1123 : i32 to vector<16xi32>
        %gather3A_1125 = tpu.vector_load_idx %arg17[%broadcast_in_dim3A_1048, %broadcast_in_dim3A_1124] : memref<80x4xf32, #tpu.memory_space<vmem>>[vector<16xi32>, vector<16xi32>], vector<16xf32>,
        %get3A_1126 = arith.index_cast %scan3A_1047 : i32 to index
        %get3A_1127 = arith.constant 96 : index
        %get3A_1128 = tpu.vector_load %arg19[%get3A_1126, %get3A_1127] {strides = array<i32>} : memref<80x128xf32, #tpu.memory_space<vmem>>, vector<16xf32>,
        %get3A_1129 = arith.index_cast %scan3A_1047 : i32 to index
        %get3A_1130 = arith.constant 96 : index
        %get3A_1131 = tpu.vector_load %arg20[%get3A_1129, %get3A_1130] {strides = array<i32>} : memref<80x128xf32, #tpu.memory_space<vmem>>, vector<16xf32>,
        %add3A_1132 = arith.addf %get3A_1128, %get3A_1131 : vector<16xf32>
        %mul3A_1133 = arith.mulf %add3A_1132, %gather3A_1125 : vector<16xf32>
        %swap3A_1134 = arith.index_cast %scan3A_1047 : i32 to index
        %swap3A_1135 = arith.constant 96 : index
        %swap3A_1136 = tpu.vector_load %arg19[%swap3A_1134, %swap3A_1135] {strides = array<i32>} : memref<80x128xf32, #tpu.memory_space<vmem>>, vector<16xf32>,
        tpu.vector_store %arg19[%swap3A_1134, %swap3A_1135], %mul3A_1133 {strides = array<i32>} : memref<80x128xf32, #tpu.memory_space<vmem>>, vector<16xf32>,
        %get3A_1137 = arith.index_cast %scan3A_1047 : i32 to index
        %get3A_1138 = arith.constant 112 : index
        %get3A_1139 = tpu.vector_load %arg19[%get3A_1137, %get3A_1138] {strides = array<i32>} : memref<80x128xf32, #tpu.memory_space<vmem>>, vector<16xf32>,
        %get3A_1140 = arith.index_cast %scan3A_1047 : i32 to index
        %get3A_1141 = arith.constant 112 : index
        %get3A_1142 = tpu.vector_load %arg20[%get3A_1140, %get3A_1141] {strides = array<i32>} : memref<80x128xf32, #tpu.memory_space<vmem>>, vector<16xf32>,
        %add3A_1143 = arith.addf %get3A_1139, %get3A_1142 : vector<16xf32>
        %mul3A_1144 = arith.mulf %add3A_1143, %gather3A_1125 : vector<16xf32>
        %swap3A_1145 = arith.index_cast %scan3A_1047 : i32 to index
        %swap3A_1146 = arith.constant 112 : index
        %swap3A_1147 = tpu.vector_load %arg19[%swap3A_1145, %swap3A_1146] {strides = array<i32>} : memref<80x128xf32, #tpu.memory_space<vmem>>, vector<16xf32>,
        tpu.vector_store %arg19[%swap3A_1145, %swap3A_1146], %mul3A_1144 {strides = array<i32>} : memref<80x128xf32, #tpu.memory_space<vmem>>, vector<16xf32>,
        %scan3A_1148 = arith.constant 1 : i32
        %scan3A_1149 = arith.addi %scan3A_1047, %scan3A_1148 : i32
        %broadcast_in_dim3A_1150 = vector.broadcast %scan3A_1149 : i32 to vector<16xi32>
        %broadcast_in_dim3A_1151 = arith.constant 0 : i32
        %broadcast_in_dim3A_1152 = vector.broadcast %broadcast_in_dim3A_1151 : i32 to vector<16xi32>
        %gather3A_1153 = tpu.vector_load_idx %arg17[%broadcast_in_dim3A_1150, %broadcast_in_dim3A_1152] : memref<80x4xf32, #tpu.memory_space<vmem>>[vector<16xi32>, vector<16xi32>], vector<16xf32>,
        %get3A_1154 = arith.index_cast %scan3A_1149 : i32 to index
        %get3A_1155 = arith.constant 0 : index
        %get3A_1156 = tpu.vector_load %arg19[%get3A_1154, %get3A_1155] {strides = array<i32>} : memref<80x128xf32, #tpu.memory_space<vmem>>, vector<16xf32>,
        %get3A_1157 = arith.index_cast %scan3A_1149 : i32 to index
        %get3A_1158 = arith.constant 0 : index
        %get3A_1159 = tpu.vector_load %arg20[%get3A_1157, %get3A_1158] {strides = array<i32>} : memref<80x128xf32, #tpu.memory_space<vmem>>, vector<16xf32>,
        %add3A_1160 = arith.addf %get3A_1156, %get3A_1159 : vector<16xf32>
        %mul3A_1161 = arith.mulf %add3A_1160, %gather3A_1153 : vector<16xf32>
        %swap3A_1162 = arith.index_cast %scan3A_1149 : i32 to index
        %swap3A_1163 = arith.constant 0 : index
        %swap3A_1164 = tpu.vector_load %arg19[%swap3A_1162, %swap3A_1163] {strides = array<i32>} : memref<80x128xf32, #tpu.memory_space<vmem>>, vector<16xf32>,
        tpu.vector_store %arg19[%swap3A_1162, %swap3A_1163], %mul3A_1161 {strides = array<i32>} : memref<80x128xf32, #tpu.memory_space<vmem>>, vector<16xf32>,
        %get3A_1165 = arith.index_cast %scan3A_1149 : i32 to index
        %get3A_1166 = arith.constant 16 : index
        %get3A_1167 = tpu.vector_load %arg19[%get3A_1165, %get3A_1166] {strides = array<i32>} : memref<80x128xf32, #tpu.memory_space<vmem>>, vector<16xf32>,
        %get3A_1168 = arith.index_cast %scan3A_1149 : i32 to index
        %get3A_1169 = arith.constant 16 : index
        %get3A_1170 = tpu.vector_load %arg20[%get3A_1168, %get3A_1169] {strides = array<i32>} : memref<80x128xf32, #tpu.memory_space<vmem>>, vector<16xf32>,
        %add3A_1171 = arith.addf %get3A_1167, %get3A_1170 : vector<16xf32>
        %mul3A_1172 = arith.mulf %add3A_1171, %gather3A_1153 : vector<16xf32>
        %swap3A_1173 = arith.index_cast %scan3A_1149 : i32 to index
        %swap3A_1174 = arith.constant 16 : index
        %swap3A_1175 = tpu.vector_load %arg19[%swap3A_1173, %swap3A_1174] {strides = array<i32>} : memref<80x128xf32, #tpu.memory_space<vmem>>, vector<16xf32>,
        tpu.vector_store %arg19[%swap3A_1173, %swap3A_1174], %mul3A_1172 {strides = array<i32>} : memref<80x128xf32, #tpu.memory_space<vmem>>, vector<16xf32>,
        %broadcast_in_dim3A_1176 = arith.constant 1 : i32
        %broadcast_in_dim3A_1177 = vector.broadcast %broadcast_in_dim3A_1176 : i32 to vector<16xi32>
        %gather3A_1178 = tpu.vector_load_idx %arg17[%broadcast_in_dim3A_1150, %broadcast_in_dim3A_1177] : memref<80x4xf32, #tpu.memory_space<vmem>>[vector<16xi32>, vector<16xi32>], vector<16xf32>,
        %get3A_1179 = arith.index_cast %scan3A_1149 : i32 to index
        %get3A_1180 = arith.constant 32 : index
        %get3A_1181 = tpu.vector_load %arg19[%get3A_1179, %get3A_1180] {strides = array<i32>} : memref<80x128xf32, #tpu.memory_space<vmem>>, vector<16xf32>,
        %get3A_1182 = arith.index_cast %scan3A_1149 : i32 to index
        %get3A_1183 = arith.constant 32 : index
        %get3A_1184 = tpu.vector_load %arg20[%get3A_1182, %get3A_1183] {strides = array<i32>} : memref<80x128xf32, #tpu.memory_space<vmem>>, vector<16xf32>,
        %add3A_1185 = arith.addf %get3A_1181, %get3A_1184 : vector<16xf32>
        %mul3A_1186 = arith.mulf %add3A_1185, %gather3A_1178 : vector<16xf32>
        %swap3A_1187 = arith.index_cast %scan3A_1149 : i32 to index
        %swap3A_1188 = arith.constant 32 : index
        %swap3A_1189 = tpu.vector_load %arg19[%swap3A_1187, %swap3A_1188] {strides = array<i32>} : memref<80x128xf32, #tpu.memory_space<vmem>>, vector<16xf32>,
        tpu.vector_store %arg19[%swap3A_1187, %swap3A_1188], %mul3A_1186 {strides = array<i32>} : memref<80x128xf32, #tpu.memory_space<vmem>>, vector<16xf32>,
        %get3A_1190 = arith.index_cast %scan3A_1149 : i32 to index
        %get3A_1191 = arith.constant 48 : index
        %get3A_1192 = tpu.vector_load %arg19[%get3A_1190, %get3A_1191] {strides = array<i32>} : memref<80x128xf32, #tpu.memory_space<vmem>>, vector<16xf32>,
        %get3A_1193 = arith.index_cast %scan3A_1149 : i32 to index
        %get3A_1194 = arith.constant 48 : index
        %get3A_1195 = tpu.vector_load %arg20[%get3A_1193, %get3A_1194] {strides = array<i32>} : memref<80x128xf32, #tpu.memory_space<vmem>>, vector<16xf32>,
        %add3A_1196 = arith.addf %get3A_1192, %get3A_1195 : vector<16xf32>
        %mul3A_1197 = arith.mulf %add3A_1196, %gather3A_1178 : vector<16xf32>
        %swap3A_1198 = arith.index_cast %scan3A_1149 : i32 to index
        %swap3A_1199 = arith.constant 48 : index
        %swap3A_1200 = tpu.vector_load %arg19[%swap3A_1198, %swap3A_1199] {strides = array<i32>} : memref<80x128xf32, #tpu.memory_space<vmem>>, vector<16xf32>,
        tpu.vector_store %arg19[%swap3A_1198, %swap3A_1199], %mul3A_1197 {strides = array<i32>} : memref<80x128xf32, #tpu.memory_space<vmem>>, vector<16xf32>,
        %broadcast_in_dim3A_1201 = arith.constant 2 : i32
        %broadcast_in_dim3A_1202 = vector.broadcast %broadcast_in_dim3A_1201 : i32 to vector<16xi32>
        %gather3A_1203 = tpu.vector_load_idx %arg17[%broadcast_in_dim3A_1150, %broadcast_in_dim3A_1202] : memref<80x4xf32, #tpu.memory_space<vmem>>[vector<16xi32>, vector<16xi32>], vector<16xf32>,
        %get3A_1204 = arith.index_cast %scan3A_1149 : i32 to index
        %get3A_1205 = arith.constant 64 : index
        %get3A_1206 = tpu.vector_load %arg19[%get3A_1204, %get3A_1205] {strides = array<i32>} : memref<80x128xf32, #tpu.memory_space<vmem>>, vector<16xf32>,
        %get3A_1207 = arith.index_cast %scan3A_1149 : i32 to index
        %get3A_1208 = arith.constant 64 : index
        %get3A_1209 = tpu.vector_load %arg20[%get3A_1207, %get3A_1208] {strides = array<i32>} : memref<80x128xf32, #tpu.memory_space<vmem>>, vector<16xf32>,
        %add3A_1210 = arith.addf %get3A_1206, %get3A_1209 : vector<16xf32>
        %mul3A_1211 = arith.mulf %add3A_1210, %gather3A_1203 : vector<16xf32>
        %swap3A_1212 = arith.index_cast %scan3A_1149 : i32 to index
        %swap3A_1213 = arith.constant 64 : index
        %swap3A_1214 = tpu.vector_load %arg19[%swap3A_1212, %swap3A_1213] {strides = array<i32>} : memref<80x128xf32, #tpu.memory_space<vmem>>, vector<16xf32>,
        tpu.vector_store %arg19[%swap3A_1212, %swap3A_1213], %mul3A_1211 {strides = array<i32>} : memref<80x128xf32, #tpu.memory_space<vmem>>, vector<16xf32>,
        %get3A_1215 = arith.index_cast %scan3A_1149 : i32 to index
        %get3A_1216 = arith.constant 80 : index
        %get3A_1217 = tpu.vector_load %arg19[%get3A_1215, %get3A_1216] {strides = array<i32>} : memref<80x128xf32, #tpu.memory_space<vmem>>, vector<16xf32>,
        %get3A_1218 = arith.index_cast %scan3A_1149 : i32 to index
        %get3A_1219 = arith.constant 80 : index
        %get3A_1220 = tpu.vector_load %arg20[%get3A_1218, %get3A_1219] {strides = array<i32>} : memref<80x128xf32, #tpu.memory_space<vmem>>, vector<16xf32>,
        %add3A_1221 = arith.addf %get3A_1217, %get3A_1220 : vector<16xf32>
        %mul3A_1222 = arith.mulf %add3A_1221, %gather3A_1203 : vector<16xf32>
        %swap3A_1223 = arith.index_cast %scan3A_1149 : i32 to index
        %swap3A_1224 = arith.constant 80 : index
        %swap3A_1225 = tpu.vector_load %arg19[%swap3A_1223, %swap3A_1224] {strides = array<i32>} : memref<80x128xf32, #tpu.memory_space<vmem>>, vector<16xf32>,
        tpu.vector_store %arg19[%swap3A_1223, %swap3A_1224], %mul3A_1222 {strides = array<i32>} : memref<80x128xf32, #tpu.memory_space<vmem>>, vector<16xf32>,
        %broadcast_in_dim3A_1226 = arith.constant 3 : i32
        %broadcast_in_dim3A_1227 = vector.broadcast %broadcast_in_dim3A_1226 : i32 to vector<16xi32>
        %gather3A_1228 = tpu.vector_load_idx %arg17[%broadcast_in_dim3A_1150, %broadcast_in_dim3A_1227] : memref<80x4xf32, #tpu.memory_space<vmem>>[vector<16xi32>, vector<16xi32>], vector<16xf32>,
        %get3A_1229 = arith.index_cast %scan3A_1149 : i32 to index
        %get3A_1230 = arith.constant 96 : index
        %get3A_1231 = tpu.vector_load %arg19[%get3A_1229, %get3A_1230] {strides = array<i32>} : memref<80x128xf32, #tpu.memory_space<vmem>>, vector<16xf32>,
        %get3A_1232 = arith.index_cast %scan3A_1149 : i32 to index
        %get3A_1233 = arith.constant 96 : index
        %get3A_1234 = tpu.vector_load %arg20[%get3A_1232, %get3A_1233] {strides = array<i32>} : memref<80x128xf32, #tpu.memory_space<vmem>>, vector<16xf32>,
        %add3A_1235 = arith.addf %get3A_1231, %get3A_1234 : vector<16xf32>
        %mul3A_1236 = arith.mulf %add3A_1235, %gather3A_1228 : vector<16xf32>
        %swap3A_1237 = arith.index_cast %scan3A_1149 : i32 to index
        %swap3A_1238 = arith.constant 96 : index
        %swap3A_1239 = tpu.vector_load %arg19[%swap3A_1237, %swap3A_1238] {strides = array<i32>} : memref<80x128xf32, #tpu.memory_space<vmem>>, vector<16xf32>,
        tpu.vector_store %arg19[%swap3A_1237, %swap3A_1238], %mul3A_1236 {strides = array<i32>} : memref<80x128xf32, #tpu.memory_space<vmem>>, vector<16xf32>,
        %get3A_1240 = arith.index_cast %scan3A_1149 : i32 to index
        %get3A_1241 = arith.constant 112 : index
        %get3A_1242 = tpu.vector_load %arg19[%get3A_1240, %get3A_1241] {strides = array<i32>} : memref<80x128xf32, #tpu.memory_space<vmem>>, vector<16xf32>,
        %get3A_1243 = arith.index_cast %scan3A_1149 : i32 to index
        %get3A_1244 = arith.constant 112 : index
        %get3A_1245 = tpu.vector_load %arg20[%get3A_1243, %get3A_1244] {strides = array<i32>} : memref<80x128xf32, #tpu.memory_space<vmem>>, vector<16xf32>,
        %add3A_1246 = arith.addf %get3A_1242, %get3A_1245 : vector<16xf32>
        %mul3A_1247 = arith.mulf %add3A_1246, %gather3A_1228 : vector<16xf32>
        %swap3A_1248 = arith.index_cast %scan3A_1149 : i32 to index
        %swap3A_1249 = arith.constant 112 : index
        %swap3A_1250 = tpu.vector_load %arg19[%swap3A_1248, %swap3A_1249] {strides = array<i32>} : memref<80x128xf32, #tpu.memory_space<vmem>>, vector<16xf32>,
        tpu.vector_store %arg19[%swap3A_1248, %swap3A_1249], %mul3A_1247 {strides = array<i32>} : memref<80x128xf32, #tpu.memory_space<vmem>>, vector<16xf32>,
        %scan3A_1251 = arith.constant 2 : i32
        %scan3A_1252 = arith.addi %scan3A_1047, %scan3A_1251 : i32
        %broadcast_in_dim3A_1253 = vector.broadcast %scan3A_1252 : i32 to vector<16xi32>
        %broadcast_in_dim3A_1254 = arith.constant 0 : i32
        %broadcast_in_dim3A_1255 = vector.broadcast %broadcast_in_dim3A_1254 : i32 to vector<16xi32>
        %gather3A_1256 = tpu.vector_load_idx %arg17[%broadcast_in_dim3A_1253, %broadcast_in_dim3A_1255] : memref<80x4xf32, #tpu.memory_space<vmem>>[vector<16xi32>, vector<16xi32>], vector<16xf32>,
        %get3A_1257 = arith.index_cast %scan3A_1252 : i32 to index
        %get3A_1258 = arith.constant 0 : index
        %get3A_1259 = tpu.vector_load %arg19[%get3A_1257, %get3A_1258] {strides = array<i32>} : memref<80x128xf32, #tpu.memory_space<vmem>>, vector<16xf32>,
        %get3A_1260 = arith.index_cast %scan3A_1252 : i32 to index
        %get3A_1261 = arith.constant 0 : index
        %get3A_1262 = tpu.vector_load %arg20[%get3A_1260, %get3A_1261] {strides = array<i32>} : memref<80x128xf32, #tpu.memory_space<vmem>>, vector<16xf32>,
        %add3A_1263 = arith.addf %get3A_1259, %get3A_1262 : vector<16xf32>
        %mul3A_1264 = arith.mulf %add3A_1263, %gather3A_1256 : vector<16xf32>
        %swap3A_1265 = arith.index_cast %scan3A_1252 : i32 to index
        %swap3A_1266 = arith.constant 0 : index
        %swap3A_1267 = tpu.vector_load %arg19[%swap3A_1265, %swap3A_1266] {strides = array<i32>} : memref<80x128xf32, #tpu.memory_space<vmem>>, vector<16xf32>,
        tpu.vector_store %arg19[%swap3A_1265, %swap3A_1266], %mul3A_1264 {strides = array<i32>} : memref<80x128xf32, #tpu.memory_space<vmem>>, vector<16xf32>,
        %get3A_1268 = arith.index_cast %scan3A_1252 : i32 to index
        %get3A_1269 = arith.constant 16 : index
        %get3A_1270 = tpu.vector_load %arg19[%get3A_1268, %get3A_1269] {strides = array<i32>} : memref<80x128xf32, #tpu.memory_space<vmem>>, vector<16xf32>,
        %get3A_1271 = arith.index_cast %scan3A_1252 : i32 to index
        %get3A_1272 = arith.constant 16 : index
        %get3A_1273 = tpu.vector_load %arg20[%get3A_1271, %get3A_1272] {strides = array<i32>} : memref<80x128xf32, #tpu.memory_space<vmem>>, vector<16xf32>,
        %add3A_1274 = arith.addf %get3A_1270, %get3A_1273 : vector<16xf32>
        %mul3A_1275 = arith.mulf %add3A_1274, %gather3A_1256 : vector<16xf32>
        %swap3A_1276 = arith.index_cast %scan3A_1252 : i32 to index
        %swap3A_1277 = arith.constant 16 : index
        %swap3A_1278 = tpu.vector_load %arg19[%swap3A_1276, %swap3A_1277] {strides = array<i32>} : memref<80x128xf32, #tpu.memory_space<vmem>>, vector<16xf32>,
        tpu.vector_store %arg19[%swap3A_1276, %swap3A_1277], %mul3A_1275 {strides = array<i32>} : memref<80x128xf32, #tpu.memory_space<vmem>>, vector<16xf32>,
        %broadcast_in_dim3A_1279 = arith.constant 1 : i32
        %broadcast_in_dim3A_1280 = vector.broadcast %broadcast_in_dim3A_1279 : i32 to vector<16xi32>
        %gather3A_1281 = tpu.vector_load_idx %arg17[%broadcast_in_dim3A_1253, %broadcast_in_dim3A_1280] : memref<80x4xf32, #tpu.memory_space<vmem>>[vector<16xi32>, vector<16xi32>], vector<16xf32>,
        %get3A_1282 = arith.index_cast %scan3A_1252 : i32 to index
        %get3A_1283 = arith.constant 32 : index
        %get3A_1284 = tpu.vector_load %arg19[%get3A_1282, %get3A_1283] {strides = array<i32>} : memref<80x128xf32, #tpu.memory_space<vmem>>, vector<16xf32>,
        %get3A_1285 = arith.index_cast %scan3A_1252 : i32 to index
        %get3A_1286 = arith.constant 32 : index
        %get3A_1287 = tpu.vector_load %arg20[%get3A_1285, %get3A_1286] {strides = array<i32>} : memref<80x128xf32, #tpu.memory_space<vmem>>, vector<16xf32>,
        %add3A_1288 = arith.addf %get3A_1284, %get3A_1287 : vector<16xf32>
        %mul3A_1289 = arith.mulf %add3A_1288, %gather3A_1281 : vector<16xf32>
        %swap3A_1290 = arith.index_cast %scan3A_1252 : i32 to index
        %swap3A_1291 = arith.constant 32 : index
        %swap3A_1292 = tpu.vector_load %arg19[%swap3A_1290, %swap3A_1291] {strides = array<i32>} : memref<80x128xf32, #tpu.memory_space<vmem>>, vector<16xf32>,
        tpu.vector_store %arg19[%swap3A_1290, %swap3A_1291], %mul3A_1289 {strides = array<i32>} : memref<80x128xf32, #tpu.memory_space<vmem>>, vector<16xf32>,
        %get3A_1293 = arith.index_cast %scan3A_1252 : i32 to index
        %get3A_1294 = arith.constant 48 : index
        %get3A_1295 = tpu.vector_load %arg19[%get3A_1293, %get3A_1294] {strides = array<i32>} : memref<80x128xf32, #tpu.memory_space<vmem>>, vector<16xf32>,
        %get3A_1296 = arith.index_cast %scan3A_1252 : i32 to index
        %get3A_1297 = arith.constant 48 : index
        %get3A_1298 = tpu.vector_load %arg20[%get3A_1296, %get3A_1297] {strides = array<i32>} : memref<80x128xf32, #tpu.memory_space<vmem>>, vector<16xf32>,
        %add3A_1299 = arith.addf %get3A_1295, %get3A_1298 : vector<16xf32>
        %mul3A_1300 = arith.mulf %add3A_1299, %gather3A_1281 : vector<16xf32>
        %swap3A_1301 = arith.index_cast %scan3A_1252 : i32 to index
        %swap3A_1302 = arith.constant 48 : index
        %swap3A_1303 = tpu.vector_load %arg19[%swap3A_1301, %swap3A_1302] {strides = array<i32>} : memref<80x128xf32, #tpu.memory_space<vmem>>, vector<16xf32>,
        tpu.vector_store %arg19[%swap3A_1301, %swap3A_1302], %mul3A_1300 {strides = array<i32>} : memref<80x128xf32, #tpu.memory_space<vmem>>, vector<16xf32>,
        %broadcast_in_dim3A_1304 = arith.constant 2 : i32
        %broadcast_in_dim3A_1305 = vector.broadcast %broadcast_in_dim3A_1304 : i32 to vector<16xi32>
        %gather3A_1306 = tpu.vector_load_idx %arg17[%broadcast_in_dim3A_1253, %broadcast_in_dim3A_1305] : memref<80x4xf32, #tpu.memory_space<vmem>>[vector<16xi32>, vector<16xi32>], vector<16xf32>,
        %get3A_1307 = arith.index_cast %scan3A_1252 : i32 to index
        %get3A_1308 = arith.constant 64 : index
        %get3A_1309 = tpu.vector_load %arg19[%get3A_1307, %get3A_1308] {strides = array<i32>} : memref<80x128xf32, #tpu.memory_space<vmem>>, vector<16xf32>,
        %get3A_1310 = arith.index_cast %scan3A_1252 : i32 to index
        %get3A_1311 = arith.constant 64 : index
        %get3A_1312 = tpu.vector_load %arg20[%get3A_1310, %get3A_1311] {strides = array<i32>} : memref<80x128xf32, #tpu.memory_space<vmem>>, vector<16xf32>,
        %add3A_1313 = arith.addf %get3A_1309, %get3A_1312 : vector<16xf32>
        %mul3A_1314 = arith.mulf %add3A_1313, %gather3A_1306 : vector<16xf32>
        %swap3A_1315 = arith.index_cast %scan3A_1252 : i32 to index
        %swap3A_1316 = arith.constant 64 : index
        %swap3A_1317 = tpu.vector_load %arg19[%swap3A_1315, %swap3A_1316] {strides = array<i32>} : memref<80x128xf32, #tpu.memory_space<vmem>>, vector<16xf32>,
        tpu.vector_store %arg19[%swap3A_1315, %swap3A_1316], %mul3A_1314 {strides = array<i32>} : memref<80x128xf32, #tpu.memory_space<vmem>>, vector<16xf32>,
        %get3A_1318 = arith.index_cast %scan3A_1252 : i32 to index
        %get3A_1319 = arith.constant 80 : index
        %get3A_1320 = tpu.vector_load %arg19[%get3A_1318, %get3A_1319] {strides = array<i32>} : memref<80x128xf32, #tpu.memory_space<vmem>>, vector<16xf32>,
        %get3A_1321 = arith.index_cast %scan3A_1252 : i32 to index
        %get3A_1322 = arith.constant 80 : index
        %get3A_1323 = tpu.vector_load %arg20[%get3A_1321, %get3A_1322] {strides = array<i32>} : memref<80x128xf32, #tpu.memory_space<vmem>>, vector<16xf32>,
        %add3A_1324 = arith.addf %get3A_1320, %get3A_1323 : vector<16xf32>
        %mul3A_1325 = arith.mulf %add3A_1324, %gather3A_1306 : vector<16xf32>
        %swap3A_1326 = arith.index_cast %scan3A_1252 : i32 to index
        %swap3A_1327 = arith.constant 80 : index
        %swap3A_1328 = tpu.vector_load %arg19[%swap3A_1326, %swap3A_1327] {strides = array<i32>} : memref<80x128xf32, #tpu.memory_space<vmem>>, vector<16xf32>,
        tpu.vector_store %arg19[%swap3A_1326, %swap3A_1327], %mul3A_1325 {strides = array<i32>} : memref<80x128xf32, #tpu.memory_space<vmem>>, vector<16xf32>,
        %broadcast_in_dim3A_1329 = arith.constant 3 : i32
        %broadcast_in_dim3A_1330 = vector.broadcast %broadcast_in_dim3A_1329 : i32 to vector<16xi32>
        %gather3A_1331 = tpu.vector_load_idx %arg17[%broadcast_in_dim3A_1253, %broadcast_in_dim3A_1330] : memref<80x4xf32, #tpu.memory_space<vmem>>[vector<16xi32>, vector<16xi32>], vector<16xf32>,
        %get3A_1332 = arith.index_cast %scan3A_1252 : i32 to index
        %get3A_1333 = arith.constant 96 : index
        %get3A_1334 = tpu.vector_load %arg19[%get3A_1332, %get3A_1333] {strides = array<i32>} : memref<80x128xf32, #tpu.memory_space<vmem>>, vector<16xf32>,
        %get3A_1335 = arith.index_cast %scan3A_1252 : i32 to index
        %get3A_1336 = arith.constant 96 : index
        %get3A_1337 = tpu.vector_load %arg20[%get3A_1335, %get3A_1336] {strides = array<i32>} : memref<80x128xf32, #tpu.memory_space<vmem>>, vector<16xf32>,
        %add3A_1338 = arith.addf %get3A_1334, %get3A_1337 : vector<16xf32>
        %mul3A_1339 = arith.mulf %add3A_1338, %gather3A_1331 : vector<16xf32>
        %swap3A_1340 = arith.index_cast %scan3A_1252 : i32 to index
        %swap3A_1341 = arith.constant 96 : index
        %swap3A_1342 = tpu.vector_load %arg19[%swap3A_1340, %swap3A_1341] {strides = array<i32>} : memref<80x128xf32, #tpu.memory_space<vmem>>, vector<16xf32>,
        tpu.vector_store %arg19[%swap3A_1340, %swap3A_1341], %mul3A_1339 {strides = array<i32>} : memref<80x128xf32, #tpu.memory_space<vmem>>, vector<16xf32>,
        %get3A_1343 = arith.index_cast %scan3A_1252 : i32 to index
        %get3A_1344 = arith.constant 112 : index
        %get3A_1345 = tpu.vector_load %arg19[%get3A_1343, %get3A_1344] {strides = array<i32>} : memref<80x128xf32, #tpu.memory_space<vmem>>, vector<16xf32>,
        %get3A_1346 = arith.index_cast %scan3A_1252 : i32 to index
        %get3A_1347 = arith.constant 112 : index
        %get3A_1348 = tpu.vector_load %arg20[%get3A_1346, %get3A_1347] {strides = array<i32>} : memref<80x128xf32, #tpu.memory_space<vmem>>, vector<16xf32>,
        %add3A_1349 = arith.addf %get3A_1345, %get3A_1348 : vector<16xf32>
        %mul3A_1350 = arith.mulf %add3A_1349, %gather3A_1331 : vector<16xf32>
        %swap3A_1351 = arith.index_cast %scan3A_1252 : i32 to index
        %swap3A_1352 = arith.constant 112 : index
        %swap3A_1353 = tpu.vector_load %arg19[%swap3A_1351, %swap3A_1352] {strides = array<i32>} : memref<80x128xf32, #tpu.memory_space<vmem>>, vector<16xf32>,
        tpu.vector_store %arg19[%swap3A_1351, %swap3A_1352], %mul3A_1350 {strides = array<i32>} : memref<80x128xf32, #tpu.memory_space<vmem>>, vector<16xf32>,
        %scan3A_1354 = arith.constant 3 : i32
        %scan3A_1355 = arith.addi %scan3A_1047, %scan3A_1354 : i32
        %broadcast_in_dim3A_1356 = vector.broadcast %scan3A_1355 : i32 to vector<16xi32>
        %broadcast_in_dim3A_1357 = arith.constant 0 : i32
        %broadcast_in_dim3A_1358 = vector.broadcast %broadcast_in_dim3A_1357 : i32 to vector<16xi32>
        %gather3A_1359 = tpu.vector_load_idx %arg17[%broadcast_in_dim3A_1356, %broadcast_in_dim3A_1358] : memref<80x4xf32, #tpu.memory_space<vmem>>[vector<16xi32>, vector<16xi32>], vector<16xf32>,
        %get3A_1360 = arith.index_cast %scan3A_1355 : i32 to index
        %get3A_1361 = arith.constant 0 : index
        %get3A_1362 = tpu.vector_load %arg19[%get3A_1360, %get3A_1361] {strides = array<i32>} : memref<80x128xf32, #tpu.memory_space<vmem>>, vector<16xf32>,
        %get3A_1363 = arith.index_cast %scan3A_1355 : i32 to index
        %get3A_1364 = arith.constant 0 : index
        %get3A_1365 = tpu.vector_load %arg20[%get3A_1363, %get3A_1364] {strides = array<i32>} : memref<80x128xf32, #tpu.memory_space<vmem>>, vector<16xf32>,
        %add3A_1366 = arith.addf %get3A_1362, %get3A_1365 : vector<16xf32>
        %mul3A_1367 = arith.mulf %add3A_1366, %gather3A_1359 : vector<16xf32>
        %swap3A_1368 = arith.index_cast %scan3A_1355 : i32 to index
        %swap3A_1369 = arith.constant 0 : index
        %swap3A_1370 = tpu.vector_load %arg19[%swap3A_1368, %swap3A_1369] {strides = array<i32>} : memref<80x128xf32, #tpu.memory_space<vmem>>, vector<16xf32>,
        tpu.vector_store %arg19[%swap3A_1368, %swap3A_1369], %mul3A_1367 {strides = array<i32>} : memref<80x128xf32, #tpu.memory_space<vmem>>, vector<16xf32>,
        %get3A_1371 = arith.index_cast %scan3A_1355 : i32 to index
        %get3A_1372 = arith.constant 16 : index
        %get3A_1373 = tpu.vector_load %arg19[%get3A_1371, %get3A_1372] {strides = array<i32>} : memref<80x128xf32, #tpu.memory_space<vmem>>, vector<16xf32>,
        %get3A_1374 = arith.index_cast %scan3A_1355 : i32 to index
        %get3A_1375 = arith.constant 16 : index
        %get3A_1376 = tpu.vector_load %arg20[%get3A_1374, %get3A_1375] {strides = array<i32>} : memref<80x128xf32, #tpu.memory_space<vmem>>, vector<16xf32>,
        %add3A_1377 = arith.addf %get3A_1373, %get3A_1376 : vector<16xf32>
        %mul3A_1378 = arith.mulf %add3A_1377, %gather3A_1359 : vector<16xf32>
        %swap3A_1379 = arith.index_cast %scan3A_1355 : i32 to index
        %swap3A_1380 = arith.constant 16 : index
        %swap3A_1381 = tpu.vector_load %arg19[%swap3A_1379, %swap3A_1380] {strides = array<i32>} : memref<80x128xf32, #tpu.memory_space<vmem>>, vector<16xf32>,
        tpu.vector_store %arg19[%swap3A_1379, %swap3A_1380], %mul3A_1378 {strides = array<i32>} : memref<80x128xf32, #tpu.memory_space<vmem>>, vector<16xf32>,
        %broadcast_in_dim3A_1382 = arith.constant 1 : i32
        %broadcast_in_dim3A_1383 = vector.broadcast %broadcast_in_dim3A_1382 : i32 to vector<16xi32>
        %gather3A_1384 = tpu.vector_load_idx %arg17[%broadcast_in_dim3A_1356, %broadcast_in_dim3A_1383] : memref<80x4xf32, #tpu.memory_space<vmem>>[vector<16xi32>, vector<16xi32>], vector<16xf32>,
        %get3A_1385 = arith.index_cast %scan3A_1355 : i32 to index
        %get3A_1386 = arith.constant 32 : index
        %get3A_1387 = tpu.vector_load %arg19[%get3A_1385, %get3A_1386] {strides = array<i32>} : memref<80x128xf32, #tpu.memory_space<vmem>>, vector<16xf32>,
        %get3A_1388 = arith.index_cast %scan3A_1355 : i32 to index
        %get3A_1389 = arith.constant 32 : index
        %get3A_1390 = tpu.vector_load %arg20[%get3A_1388, %get3A_1389] {strides = array<i32>} : memref<80x128xf32, #tpu.memory_space<vmem>>, vector<16xf32>,
        %add3A_1391 = arith.addf %get3A_1387, %get3A_1390 : vector<16xf32>
        %mul3A_1392 = arith.mulf %add3A_1391, %gather3A_1384 : vector<16xf32>
        %swap3A_1393 = arith.index_cast %scan3A_1355 : i32 to index
        %swap3A_1394 = arith.constant 32 : index
        %swap3A_1395 = tpu.vector_load %arg19[%swap3A_1393, %swap3A_1394] {strides = array<i32>} : memref<80x128xf32, #tpu.memory_space<vmem>>, vector<16xf32>,
        tpu.vector_store %arg19[%swap3A_1393, %swap3A_1394], %mul3A_1392 {strides = array<i32>} : memref<80x128xf32, #tpu.memory_space<vmem>>, vector<16xf32>,
        %get3A_1396 = arith.index_cast %scan3A_1355 : i32 to index
        %get3A_1397 = arith.constant 48 : index
        %get3A_1398 = tpu.vector_load %arg19[%get3A_1396, %get3A_1397] {strides = array<i32>} : memref<80x128xf32, #tpu.memory_space<vmem>>, vector<16xf32>,
        %get3A_1399 = arith.index_cast %scan3A_1355 : i32 to index
        %get3A_1400 = arith.constant 48 : index
        %get3A_1401 = tpu.vector_load %arg20[%get3A_1399, %get3A_1400] {strides = array<i32>} : memref<80x128xf32, #tpu.memory_space<vmem>>, vector<16xf32>,
        %add3A_1402 = arith.addf %get3A_1398, %get3A_1401 : vector<16xf32>
        %mul3A_1403 = arith.mulf %add3A_1402, %gather3A_1384 : vector<16xf32>
        %swap3A_1404 = arith.index_cast %scan3A_1355 : i32 to index
        %swap3A_1405 = arith.constant 48 : index
        %swap3A_1406 = tpu.vector_load %arg19[%swap3A_1404, %swap3A_1405] {strides = array<i32>} : memref<80x128xf32, #tpu.memory_space<vmem>>, vector<16xf32>,
        tpu.vector_store %arg19[%swap3A_1404, %swap3A_1405], %mul3A_1403 {strides = array<i32>} : memref<80x128xf32, #tpu.memory_space<vmem>>, vector<16xf32>,
        %broadcast_in_dim3A_1407 = arith.constant 2 : i32
        %broadcast_in_dim3A_1408 = vector.broadcast %broadcast_in_dim3A_1407 : i32 to vector<16xi32>
        %gather3A_1409 = tpu.vector_load_idx %arg17[%broadcast_in_dim3A_1356, %broadcast_in_dim3A_1408] : memref<80x4xf32, #tpu.memory_space<vmem>>[vector<16xi32>, vector<16xi32>], vector<16xf32>,
        %get3A_1410 = arith.index_cast %scan3A_1355 : i32 to index
        %get3A_1411 = arith.constant 64 : index
        %get3A_1412 = tpu.vector_load %arg19[%get3A_1410, %get3A_1411] {strides = array<i32>} : memref<80x128xf32, #tpu.memory_space<vmem>>, vector<16xf32>,
        %get3A_1413 = arith.index_cast %scan3A_1355 : i32 to index
        %get3A_1414 = arith.constant 64 : index
        %get3A_1415 = tpu.vector_load %arg20[%get3A_1413, %get3A_1414] {strides = array<i32>} : memref<80x128xf32, #tpu.memory_space<vmem>>, vector<16xf32>,
        %add3A_1416 = arith.addf %get3A_1412, %get3A_1415 : vector<16xf32>
        %mul3A_1417 = arith.mulf %add3A_1416, %gather3A_1409 : vector<16xf32>
        %swap3A_1418 = arith.index_cast %scan3A_1355 : i32 to index
        %swap3A_1419 = arith.constant 64 : index
        %swap3A_1420 = tpu.vector_load %arg19[%swap3A_1418, %swap3A_1419] {strides = array<i32>} : memref<80x128xf32, #tpu.memory_space<vmem>>, vector<16xf32>,
        tpu.vector_store %arg19[%swap3A_1418, %swap3A_1419], %mul3A_1417 {strides = array<i32>} : memref<80x128xf32, #tpu.memory_space<vmem>>, vector<16xf32>,
        %get3A_1421 = arith.index_cast %scan3A_1355 : i32 to index
        %get3A_1422 = arith.constant 80 : index
        %get3A_1423 = tpu.vector_load %arg19[%get3A_1421, %get3A_1422] {strides = array<i32>} : memref<80x128xf32, #tpu.memory_space<vmem>>, vector<16xf32>,
        %get3A_1424 = arith.index_cast %scan3A_1355 : i32 to index
        %get3A_1425 = arith.constant 80 : index
        %get3A_1426 = tpu.vector_load %arg20[%get3A_1424, %get3A_1425] {strides = array<i32>} : memref<80x128xf32, #tpu.memory_space<vmem>>, vector<16xf32>,
        %add3A_1427 = arith.addf %get3A_1423, %get3A_1426 : vector<16xf32>
        %mul3A_1428 = arith.mulf %add3A_1427, %gather3A_1409 : vector<16xf32>
        %swap3A_1429 = arith.index_cast %scan3A_1355 : i32 to index
        %swap3A_1430 = arith.constant 80 : index
        %swap3A_1431 = tpu.vector_load %arg19[%swap3A_1429, %swap3A_1430] {strides = array<i32>} : memref<80x128xf32, #tpu.memory_space<vmem>>, vector<16xf32>,
        tpu.vector_store %arg19[%swap3A_1429, %swap3A_1430], %mul3A_1428 {strides = array<i32>} : memref<80x128xf32, #tpu.memory_space<vmem>>, vector<16xf32>,
        %broadcast_in_dim3A_1432 = arith.constant 3 : i32
        %broadcast_in_dim3A_1433 = vector.broadcast %broadcast_in_dim3A_1432 : i32 to vector<16xi32>
        %gather3A_1434 = tpu.vector_load_idx %arg17[%broadcast_in_dim3A_1356, %broadcast_in_dim3A_1433] : memref<80x4xf32, #tpu.memory_space<vmem>>[vector<16xi32>, vector<16xi32>], vector<16xf32>,
        %get3A_1435 = arith.index_cast %scan3A_1355 : i32 to index
        %get3A_1436 = arith.constant 96 : index
        %get3A_1437 = tpu.vector_load %arg19[%get3A_1435, %get3A_1436] {strides = array<i32>} : memref<80x128xf32, #tpu.memory_space<vmem>>, vector<16xf32>,
        %get3A_1438 = arith.index_cast %scan3A_1355 : i32 to index
        %get3A_1439 = arith.constant 96 : index
        %get3A_1440 = tpu.vector_load %arg20[%get3A_1438, %get3A_1439] {strides = array<i32>} : memref<80x128xf32, #tpu.memory_space<vmem>>, vector<16xf32>,
        %add3A_1441 = arith.addf %get3A_1437, %get3A_1440 : vector<16xf32>
        %mul3A_1442 = arith.mulf %add3A_1441, %gather3A_1434 : vector<16xf32>
        %swap3A_1443 = arith.index_cast %scan3A_1355 : i32 to index
        %swap3A_1444 = arith.constant 96 : index
        %swap3A_1445 = tpu.vector_load %arg19[%swap3A_1443, %swap3A_1444] {strides = array<i32>} : memref<80x128xf32, #tpu.memory_space<vmem>>, vector<16xf32>,
        tpu.vector_store %arg19[%swap3A_1443, %swap3A_1444], %mul3A_1442 {strides = array<i32>} : memref<80x128xf32, #tpu.memory_space<vmem>>, vector<16xf32>,
        %get3A_1446 = arith.index_cast %scan3A_1355 : i32 to index
        %get3A_1447 = arith.constant 112 : index
        %get3A_1448 = tpu.vector_load %arg19[%get3A_1446, %get3A_1447] {strides = array<i32>} : memref<80x128xf32, #tpu.memory_space<vmem>>, vector<16xf32>,
        %get3A_1449 = arith.index_cast %scan3A_1355 : i32 to index
        %get3A_1450 = arith.constant 112 : index
        %get3A_1451 = tpu.vector_load %arg20[%get3A_1449, %get3A_1450] {strides = array<i32>} : memref<80x128xf32, #tpu.memory_space<vmem>>, vector<16xf32>,
        %add3A_1452 = arith.addf %get3A_1448, %get3A_1451 : vector<16xf32>
        %mul3A_1453 = arith.mulf %add3A_1452, %gather3A_1434 : vector<16xf32>
        %swap3A_1454 = arith.index_cast %scan3A_1355 : i32 to index
        %swap3A_1455 = arith.constant 112 : index
        %swap3A_1456 = tpu.vector_load %arg19[%swap3A_1454, %swap3A_1455] {strides = array<i32>} : memref<80x128xf32, #tpu.memory_space<vmem>>, vector<16xf32>,
        tpu.vector_store %arg19[%swap3A_1454, %swap3A_1455], %mul3A_1453 {strides = array<i32>} : memref<80x128xf32, #tpu.memory_space<vmem>>, vector<16xf32>,
      }
      %scan3A_1046 = arith.constant 80 : i32
      %run_scoped3A = arith.constant 1 : i32
      "tpu.region"() ({
        %run_scoped3A_1047 = tpu.sem_alloc : memref<!tpu.dma_semaphore, #tpu.memory_space<semaphore_mem>>
        %dma_start3A_1048 = arith.constant 0 : i32
        %dma_start3A_1049 = tpu.memref_slice %arg12[%run_scoped3A, %dma_start3A_1048] : memref<2x80xi32, #tpu.memory_space<vmem>> -> memref<1x80xi32, #tpu.memory_space<vmem>>
        %dma_start3A_1050 = tpu.memref_squeeze %dma_start3A_1049 : memref<1x80xi32, #tpu.memory_space<vmem>> -> memref<80xi32, #tpu.memory_space<vmem>>
        %dma_start3A_1051 = arith.constant 0 : i32
        %dma_start3A_1052 = arith.constant 0 : i32
        %dma_start3A_1053 = tpu.memref_slice %arg11[%dma_start3A_1051, %dma_start3A_1052] : memref<10000x128xf32, #tpu.memory_space<vmem_shared>> -> memref<10000x128xf32, #tpu.memory_space<vmem_shared>>
        tpu.enqueue_indirect_dma source(%arg19 : memref<80x128xf32, #tpu.memory_space<vmem>>) target(%dma_start3A_1053 : memref<10000x128xf32, #tpu.memory_space<vmem_shared>>) offsets(%dma_start3A_1050 : memref<80xi32, #tpu.memory_space<vmem>>) semaphore(%run_scoped3A_1047 : memref<!tpu.dma_semaphore, #tpu.memory_space<semaphore_mem>>) {add = true}
        %dma_wait3A_1054 = arith.constant 0 : i32
        %dma_wait3A_1055 = tpu.memref_slice %arg12[%run_scoped3A, %dma_wait3A_1054] : memref<2x80xi32, #tpu.memory_space<vmem>> -> memref<1x80xi32, #tpu.memory_space<vmem>>
        %dma_wait3A_1056 = tpu.memref_squeeze %dma_wait3A_1055 : memref<1x80xi32, #tpu.memory_space<vmem>> -> memref<80xi32, #tpu.memory_space<vmem>>
        %dma_wait3A_1057 = arith.constant 0 : i32
        %dma_wait3A_1058 = arith.constant 0 : i32
        %dma_wait3A_1059 = tpu.memref_slice %arg11[%dma_wait3A_1057, %dma_wait3A_1058] : memref<10000x128xf32, #tpu.memory_space<vmem_shared>> -> memref<10000x128xf32, #tpu.memory_space<vmem_shared>>
        tpu.wait_indirect_dma semaphore(%run_scoped3A_1047 : memref<!tpu.dma_semaphore, #tpu.memory_space<semaphore_mem>>) src(%arg19 : memref<80x128xf32, #tpu.memory_space<vmem>>) dst(%dma_wait3A_1059 : memref<10000x128xf32, #tpu.memory_space<vmem_shared>>)
        tpu.yield
      }) : () -> ()
    }
    %scan3A_494 = arith.constant 125 : i32
    %barrier3A_495 = arith.constant 0 : index
    tpu.barrier barrier_id(%barrier3A_495)
    %mul3A_496 = arith.constant 624 : i32
    %mul3A_497 = arith.muli %arg1, %mul3A_496 : i32
    %mul3A_498 = arith.constant 624 : i32
    %mul3A_499 = arith.muli %arg1, %mul3A_498 : i32
    "tpu.region"() ({
      %run_scoped3A = tpu.sem_alloc : memref<!tpu.dma_semaphore, #tpu.memory_space<semaphore_mem>>
      %dma_start3A = arith.constant 0 : i32
      %dma_start3A_505 = tpu.memref_slice %arg9[%arg0, %mul3A_499, %dma_start3A] : memref<2x10000x128xf32, #tpu.memory_space<hbm>> -> memref<1x624x128xf32, #tpu.memory_space<hbm>>
      %dma_start3A_506 = tpu.memref_squeeze %dma_start3A_505 : memref<1x624x128xf32, #tpu.memory_space<hbm>> -> memref<624x128xf32, #tpu.memory_space<hbm>>
      %dma_start3A_507 = arith.constant 0 : i32
      %dma_start3A_508 = tpu.memref_slice %arg11[%mul3A_497, %dma_start3A_507] : memref<10000x128xf32, #tpu.memory_space<vmem_shared>> -> memref<624x128xf32, #tpu.memory_space<vmem_shared>>
      tpu.enqueue_dma source(%dma_start3A_508 : memref<624x128xf32, #tpu.memory_space<vmem_shared>>) target(%dma_start3A_506 : memref<624x128xf32, #tpu.memory_space<hbm>>) target_semaphore(%run_scoped3A : memref<!tpu.dma_semaphore, #tpu.memory_space<semaphore_mem>>)
      %dma_wait3A = arith.constant 0 : i32
      %dma_wait3A_509 = tpu.memref_slice %arg9[%arg0, %mul3A_499, %dma_wait3A] : memref<2x10000x128xf32, #tpu.memory_space<hbm>> -> memref<1x624x128xf32, #tpu.memory_space<hbm>>
      %dma_wait3A_510 = tpu.memref_squeeze %dma_wait3A_509 : memref<1x624x128xf32, #tpu.memory_space<hbm>> -> memref<624x128xf32, #tpu.memory_space<hbm>>
      %dma_wait3A_511 = arith.constant 0 : i32
      %dma_wait3A_512 = tpu.memref_slice %arg11[%mul3A_497, %dma_wait3A_511] : memref<10000x128xf32, #tpu.memory_space<vmem_shared>> -> memref<624x128xf32, #tpu.memory_space<vmem_shared>>
      tpu.wait_dma2 semaphore(%run_scoped3A : memref<!tpu.dma_semaphore, #tpu.memory_space<semaphore_mem>>) src(%dma_wait3A_512 : memref<624x128xf32, #tpu.memory_space<vmem_shared>>) dst(%dma_wait3A_510 : memref<624x128xf32, #tpu.memory_space<hbm>>)
      tpu.yield
    }) : () -> ()
    %eq3A_500 = arith.constant 0 : i32
    %eq3A_501 = arith.cmpi eq, %arg1, %eq3A_500 : i32
    %convert_element_type3A_502 = arith.extui %eq3A_501 : i1 to i32
    %cond3A_503 = arith.constant 0 : i32
    %cond3A_504 = arith.cmpi ne, %convert_element_type3A_502, %cond3A_503 : i32
    scf.if %cond3A_504 {
      "tpu.region"() ({
        %run_scoped3A = tpu.sem_alloc : memref<!tpu.dma_semaphore, #tpu.memory_space<semaphore_mem>>
        %dma_start3A = arith.constant 9984 : i32
        %dma_start3A_505 = arith.constant 0 : i32
        %dma_start3A_506 = tpu.memref_slice %arg9[%arg0, %dma_start3A, %dma_start3A_505] : memref<2x10000x128xf32, #tpu.memory_space<hbm>> -> memref<1x16x128xf32, #tpu.memory_space<hbm>>
        %dma_start3A_507 = tpu.memref_squeeze %dma_start3A_506 : memref<1x16x128xf32, #tpu.memory_space<hbm>> -> memref<16x128xf32, #tpu.memory_space<hbm>>
        %dma_start3A_508 = arith.constant 9984 : i32
        %dma_start3A_509 = arith.constant 0 : i32
        %dma_start3A_510 = tpu.memref_slice %arg11[%dma_start3A_508, %dma_start3A_509] : memref<10000x128xf32, #tpu.memory_space<vmem_shared>> -> memref<16x128xf32, #tpu.memory_space<vmem_shared>>
        tpu.enqueue_dma source(%dma_start3A_510 : memref<16x128xf32, #tpu.memory_space<vmem_shared>>) target(%dma_start3A_507 : memref<16x128xf32, #tpu.memory_space<hbm>>) target_semaphore(%run_scoped3A : memref<!tpu.dma_semaphore, #tpu.memory_space<semaphore_mem>>)
        %dma_wait3A = arith.constant 9984 : i32
        %dma_wait3A_511 = arith.constant 0 : i32
        %dma_wait3A_512 = tpu.memref_slice %arg9[%arg0, %dma_wait3A, %dma_wait3A_511] : memref<2x10000x128xf32, #tpu.memory_space<hbm>> -> memref<1x16x128xf32, #tpu.memory_space<hbm>>
        %dma_wait3A_513 = tpu.memref_squeeze %dma_wait3A_512 : memref<1x16x128xf32, #tpu.memory_space<hbm>> -> memref<16x128xf32, #tpu.memory_space<hbm>>
        %dma_wait3A_514 = arith.constant 9984 : i32
        %dma_wait3A_515 = arith.constant 0 : i32
        %dma_wait3A_516 = tpu.memref_slice %arg11[%dma_wait3A_514, %dma_wait3A_515] : memref<10000x128xf32, #tpu.memory_space<vmem_shared>> -> memref<16x128xf32, #tpu.memory_space<vmem_shared>>
        tpu.wait_dma2 semaphore(%run_scoped3A : memref<!tpu.dma_semaphore, #tpu.memory_space<semaphore_mem>>) src(%dma_wait3A_516 : memref<16x128xf32, #tpu.memory_space<vmem_shared>>) dst(%dma_wait3A_513 : memref<16x128xf32, #tpu.memory_space<hbm>>)
        tpu.yield
      }) : () -> ()
    } else {
    }
    return
  }
}

module attributes {stable_mosaic.version = 14 : i64} {
  func.func @_node_body(%arg0: i32, %arg1: memref<1000x128xf32, #tpu.memory_space<vmem>>, %arg2: memref<128x128xf32, #tpu.memory_space<vmem>>, %arg3: memref<128x8xf32, #tpu.memory_space<vmem>>, %arg4: memref<1000x128xf32, #tpu.memory_space<vmem>>, %arg5: memref<1000x8xf32, #tpu.memory_space<vmem>>) attributes {dimension_semantics = [#tpu.dimension_semantics<arbitrary>], iteration_bounds = array<i64: 10>, scalar_prefetch = 0 : i64, scratch_operands = 0 : i64, tpu.core_type = #tpu.core_type<tc>, window_params = [{transform_indices = @transform_0, window_bounds = array<i64: 1000, 128>}, {pipeline_mode = #tpu.pipeline_mode<synchronous>, transform_indices = @transform_1, window_bounds = array<i64: 128, 128>}, {pipeline_mode = #tpu.pipeline_mode<synchronous>, transform_indices = @transform_2, window_bounds = array<i64: 128, 8>}, {transform_indices = @transform_3, window_bounds = array<i64: 1000, 128>}, {transform_indices = @transform_4, window_bounds = array<i64: 1000, 8>}]} {
    %get3A = arith.constant 0 : index
    %get3A_0 = arith.constant 0 : index
    %get3A_1 = vector.load %arg1[%get3A, %get3A_0] : memref<1000x128xf32, #tpu.memory_space<vmem>>, vector<1000x128xf32>
    %get3A_2 = arith.constant 0 : index
    %get3A_3 = arith.constant 0 : index
    %get3A_4 = vector.load %arg2[%get3A_2, %get3A_3] : memref<128x128xf32, #tpu.memory_space<vmem>>, vector<128x128xf32>
    %dot_general3A = arith.constant dense<0.000000e+00> : vector<1000x128xf32>
    %dot_general3A_5 = tpu.matmul %get3A_1, %get3A_4, %dot_general3A {dimension_numbers = #tpu.dot_dimension_numbers<[1], [0], [0], [1], [0, 0, 1, 1], [], []>, transpose_lhs_hint = false} : vector<1000x128xf32>, vector<128x128xf32>, vector<1000x128xf32> -> vector<1000x128xf32>
    %swap3A = arith.constant 0 : index
    %swap3A_6 = arith.constant 0 : index
    %swap3A_7 = vector.load %arg4[%swap3A, %swap3A_6] : memref<1000x128xf32, #tpu.memory_space<vmem>>, vector<1000x128xf32>
    tpu.vector_store %arg4[%swap3A, %swap3A_6], %dot_general3A_5 {strides = array<i32>} : memref<1000x128xf32, #tpu.memory_space<vmem>>, vector<1000x128xf32>,
    %get3A_8 = arith.constant 0 : index
    %get3A_9 = arith.constant 0 : index
    %get3A_10 = vector.load %arg3[%get3A_8, %get3A_9] : memref<128x8xf32, #tpu.memory_space<vmem>>, vector<128x8xf32>
    %dot_general3A_11 = arith.constant dense<0.000000e+00> : vector<1000x8xf32>
    %dot_general3A_12 = tpu.matmul %get3A_1, %get3A_10, %dot_general3A_11 {dimension_numbers = #tpu.dot_dimension_numbers<[1], [0], [0], [1], [0, 0, 1, 1], [], []>, transpose_lhs_hint = false} : vector<1000x128xf32>, vector<128x8xf32>, vector<1000x8xf32> -> vector<1000x8xf32>
    %swap3A_13 = arith.constant 0 : index
    %swap3A_14 = arith.constant 0 : index
    %swap3A_15 = vector.load %arg5[%swap3A_13, %swap3A_14] : memref<1000x8xf32, #tpu.memory_space<vmem>>, vector<1000x8xf32>
    tpu.vector_store %arg5[%swap3A_13, %swap3A_14], %dot_general3A_12 {strides = array<i32>} : memref<1000x8xf32, #tpu.memory_space<vmem>>, vector<1000x8xf32>,
    return
  }
  func.func @transform_0(%arg0: i32) -> (i32, i32) {
    %c0_i32 = arith.constant 0 : i32
    %c0_i32_0 = arith.constant 0 : i32
    return %arg0, %c0_i32 : i32, i32
  }
  func.func @transform_1(%arg0: i32) -> (i32, i32) {
    %c0_i32 = arith.constant 0 : i32
    %c0_i32_0 = arith.constant 0 : i32
    %c0_i32_1 = arith.constant 0 : i32
    return %c0_i32, %c0_i32_0 : i32, i32
  }
  func.func @transform_2(%arg0: i32) -> (i32, i32) {
    %c0_i32 = arith.constant 0 : i32
    %c0_i32_0 = arith.constant 0 : i32
    %c0_i32_1 = arith.constant 0 : i32
    return %c0_i32, %c0_i32_0 : i32, i32
  }
  func.func @transform_3(%arg0: i32) -> (i32, i32) {
    %c0_i32 = arith.constant 0 : i32
    %c0_i32_0 = arith.constant 0 : i32
    return %arg0, %c0_i32 : i32, i32
  }
  func.func @transform_4(%arg0: i32) -> (i32, i32) {
    %c0_i32 = arith.constant 0 : i32
    %c0_i32_0 = arith.constant 0 : i32
    return %arg0, %c0_i32 : i32, i32
  }
}

module attributes {stable_mosaic.version = 14 : i64} {
  func.func @_edge_body(%arg0: i32, %arg1: memref<4000x16xf32, #tpu.memory_space<vmem>>, %arg2: memref<16x128xf32, #tpu.memory_space<vmem>>, %arg3: memref<16x8xf32, #tpu.memory_space<vmem>>, %arg4: memref<4000x128xf32, #tpu.memory_space<vmem>>, %arg5: memref<4000x8xf32, #tpu.memory_space<vmem>>) attributes {dimension_semantics = [#tpu.dimension_semantics<arbitrary>], iteration_bounds = array<i64: 80>, scalar_prefetch = 0 : i64, scratch_operands = 0 : i64, tpu.core_type = #tpu.core_type<tc>, window_params = [{transform_indices = @transform_0, window_bounds = array<i64: 4000, 16>}, {pipeline_mode = #tpu.pipeline_mode<synchronous>, transform_indices = @transform_1, window_bounds = array<i64: 16, 128>}, {pipeline_mode = #tpu.pipeline_mode<synchronous>, transform_indices = @transform_2, window_bounds = array<i64: 16, 8>}, {transform_indices = @transform_3, window_bounds = array<i64: 4000, 128>}, {transform_indices = @transform_4, window_bounds = array<i64: 4000, 8>}]} {
    %get3A = arith.constant 0 : index
    %get3A_0 = arith.constant 0 : index
    %get3A_1 = vector.load %arg1[%get3A, %get3A_0] : memref<4000x16xf32, #tpu.memory_space<vmem>>, vector<4000x16xf32>
    %get3A_2 = arith.constant 0 : index
    %get3A_3 = arith.constant 0 : index
    %get3A_4 = vector.load %arg2[%get3A_2, %get3A_3] : memref<16x128xf32, #tpu.memory_space<vmem>>, vector<16x128xf32>
    %dot_general3A = arith.constant dense<0.000000e+00> : vector<4000x128xf32>
    %dot_general3A_5 = tpu.matmul %get3A_1, %get3A_4, %dot_general3A {dimension_numbers = #tpu.dot_dimension_numbers<[1], [0], [0], [1], [0, 0, 1, 1], [], []>, transpose_lhs_hint = false} : vector<4000x16xf32>, vector<16x128xf32>, vector<4000x128xf32> -> vector<4000x128xf32>
    %swap3A = arith.constant 0 : index
    %swap3A_6 = arith.constant 0 : index
    %swap3A_7 = vector.load %arg4[%swap3A, %swap3A_6] : memref<4000x128xf32, #tpu.memory_space<vmem>>, vector<4000x128xf32>
    tpu.vector_store %arg4[%swap3A, %swap3A_6], %dot_general3A_5 {strides = array<i32>} : memref<4000x128xf32, #tpu.memory_space<vmem>>, vector<4000x128xf32>,
    %get3A_8 = arith.constant 0 : index
    %get3A_9 = arith.constant 0 : index
    %get3A_10 = vector.load %arg3[%get3A_8, %get3A_9] : memref<16x8xf32, #tpu.memory_space<vmem>>, vector<16x8xf32>
    %dot_general3A_11 = arith.constant dense<0.000000e+00> : vector<4000x8xf32>
    %dot_general3A_12 = tpu.matmul %get3A_1, %get3A_10, %dot_general3A_11 {dimension_numbers = #tpu.dot_dimension_numbers<[1], [0], [0], [1], [0, 0, 1, 1], [], []>, transpose_lhs_hint = false} : vector<4000x16xf32>, vector<16x8xf32>, vector<4000x8xf32> -> vector<4000x8xf32>
    %swap3A_13 = arith.constant 0 : index
    %swap3A_14 = arith.constant 0 : index
    %swap3A_15 = vector.load %arg5[%swap3A_13, %swap3A_14] : memref<4000x8xf32, #tpu.memory_space<vmem>>, vector<4000x8xf32>
    tpu.vector_store %arg5[%swap3A_13, %swap3A_14], %dot_general3A_12 {strides = array<i32>} : memref<4000x8xf32, #tpu.memory_space<vmem>>, vector<4000x8xf32>,
    return
  }
  func.func @transform_0(%arg0: i32) -> (i32, i32) {
    %c0_i32 = arith.constant 0 : i32
    %c0_i32_0 = arith.constant 0 : i32
    return %arg0, %c0_i32 : i32, i32
  }
  func.func @transform_1(%arg0: i32) -> (i32, i32) {
    %c0_i32 = arith.constant 0 : i32
    %c0_i32_0 = arith.constant 0 : i32
    %c0_i32_1 = arith.constant 0 : i32
    return %c0_i32, %c0_i32_0 : i32, i32
  }
  func.func @transform_2(%arg0: i32) -> (i32, i32) {
    %c0_i32 = arith.constant 0 : i32
    %c0_i32_0 = arith.constant 0 : i32
    %c0_i32_1 = arith.constant 0 : i32
    return %c0_i32, %c0_i32_0 : i32, i32
  }
  func.func @transform_3(%arg0: i32) -> (i32, i32) {
    %c0_i32 = arith.constant 0 : i32
    %c0_i32_0 = arith.constant 0 : i32
    return %arg0, %c0_i32 : i32, i32
  }
  func.func @transform_4(%arg0: i32) -> (i32, i32) {
    %c0_i32 = arith.constant 0 : i32
    %c0_i32_0 = arith.constant 0 : i32
    return %arg0, %c0_i32 : i32, i32
  }
}

module attributes {stable_mosaic.version = 14 : i64} {
  func.func @_final_body(%arg0: i32, %arg1: memref<2x1000x128xf32, #tpu.memory_space<vmem>>, %arg2: memref<1x128xf32, #tpu.memory_space<vmem>>, %arg3: memref<1x128xf32, #tpu.memory_space<vmem>>, %arg4: memref<1x128xf32, #tpu.memory_space<vmem>>, %arg5: memref<1000x128xf32, #tpu.memory_space<vmem>>) attributes {dimension_semantics = [#tpu.dimension_semantics<arbitrary>], iteration_bounds = array<i64: 10>, scalar_prefetch = 0 : i64, scratch_operands = 0 : i64, tpu.core_type = #tpu.core_type<tc>, window_params = [{transform_indices = @transform_0, window_bounds = array<i64: 2, 1000, 128>}, {pipeline_mode = #tpu.pipeline_mode<synchronous>, transform_indices = @transform_1, window_bounds = array<i64: 1, 128>}, {pipeline_mode = #tpu.pipeline_mode<synchronous>, transform_indices = @transform_2, window_bounds = array<i64: 1, 128>}, {pipeline_mode = #tpu.pipeline_mode<synchronous>, transform_indices = @transform_3, window_bounds = array<i64: 1, 128>}, {transform_indices = @transform_4, window_bounds = array<i64: 1000, 128>}]} {
    %get3A = arith.constant 0 : index
    %get3A_0 = arith.constant 0 : index
    %get3A_1 = arith.constant 0 : index
    %get3A_2 = vector.load %arg1[%get3A, %get3A_0, %get3A_1] : memref<2x1000x128xf32, #tpu.memory_space<vmem>>, vector<1x1000x128xf32>
    %get3A_3 = vector.shape_cast %get3A_2 : vector<1x1000x128xf32> to vector<1000x128xf32>
    %get3A_4 = arith.constant 1 : index
    %get3A_5 = arith.constant 0 : index
    %get3A_6 = arith.constant 0 : index
    %get3A_7 = vector.load %arg1[%get3A_4, %get3A_5, %get3A_6] : memref<2x1000x128xf32, #tpu.memory_space<vmem>>, vector<1x1000x128xf32>
    %get3A_8 = vector.shape_cast %get3A_7 : vector<1x1000x128xf32> to vector<1000x128xf32>
    %add3A = arith.addf %get3A_3, %get3A_8 : vector<1000x128xf32>
    %get3A_9 = arith.constant 0 : index
    %get3A_10 = arith.constant 0 : index
    %get3A_11 = vector.load %arg2[%get3A_9, %get3A_10] : memref<1x128xf32, #tpu.memory_space<vmem>>, vector<1x128xf32>
    %add3A_12 = vector.broadcast %get3A_11 : vector<1x128xf32> to vector<1000x128xf32>
    %add3A_13 = arith.addf %add3A, %add3A_12 : vector<1000x128xf32>
    %reduce_sum3A = arith.constant dense<0.000000e+00> : vector<1000xf32>
    %reduce_sum3A_14 = vector.multi_reduction <add>, %add3A_13, %reduce_sum3A [1] : vector<1000x128xf32> to vector<1000xf32>
    %broadcast_in_dim3A = vector.shape_cast %reduce_sum3A_14 : vector<1000xf32> to vector<1000x1xf32>
    %div3A = arith.constant 1.280000e+02 : f32
    %div3A_15 = vector.broadcast %div3A : f32 to vector<1000x1xf32>
    %div3A_16 = arith.divf %broadcast_in_dim3A, %div3A_15 : vector<1000x1xf32>
    %sub3A = vector.broadcast %div3A_16 : vector<1000x1xf32> to vector<1000x128xf32>
    %sub3A_17 = arith.subf %add3A_13, %sub3A : vector<1000x128xf32>
    %integer_pow3A = arith.mulf %sub3A_17, %sub3A_17 : vector<1000x128xf32>
    %reduce_sum3A_18 = arith.constant dense<0.000000e+00> : vector<1000xf32>
    %reduce_sum3A_19 = vector.multi_reduction <add>, %integer_pow3A, %reduce_sum3A_18 [1] : vector<1000x128xf32> to vector<1000xf32>
    %broadcast_in_dim3A_20 = vector.shape_cast %reduce_sum3A_19 : vector<1000xf32> to vector<1000x1xf32>
    %div3A_21 = arith.constant 1.280000e+02 : f32
    %div3A_22 = vector.broadcast %div3A_21 : f32 to vector<1000x1xf32>
    %div3A_23 = arith.divf %broadcast_in_dim3A_20, %div3A_22 : vector<1000x1xf32>
    %sub3A_24 = vector.broadcast %div3A_16 : vector<1000x1xf32> to vector<1000x128xf32>
    %sub3A_25 = arith.subf %add3A_13, %sub3A_24 : vector<1000x128xf32>
    %add3A_26 = arith.constant 9.99999974E-6 : f32
    %add3A_27 = vector.broadcast %add3A_26 : f32 to vector<1000x1xf32>
    %add3A_28 = arith.addf %div3A_23, %add3A_27 : vector<1000x1xf32>
    %rsqrt3A = math.rsqrt %add3A_28 : vector<1000x1xf32>
    %mul3A = vector.broadcast %rsqrt3A : vector<1000x1xf32> to vector<1000x128xf32>
    %mul3A_29 = arith.mulf %sub3A_25, %mul3A : vector<1000x128xf32>
    %get3A_30 = arith.constant 0 : index
    %get3A_31 = arith.constant 0 : index
    %get3A_32 = vector.load %arg3[%get3A_30, %get3A_31] : memref<1x128xf32, #tpu.memory_space<vmem>>, vector<1x128xf32>
    %mul3A_33 = vector.broadcast %get3A_32 : vector<1x128xf32> to vector<1000x128xf32>
    %mul3A_34 = arith.mulf %mul3A_29, %mul3A_33 : vector<1000x128xf32>
    %get3A_35 = arith.constant 0 : index
    %get3A_36 = arith.constant 0 : index
    %get3A_37 = vector.load %arg4[%get3A_35, %get3A_36] : memref<1x128xf32, #tpu.memory_space<vmem>>, vector<1x128xf32>
    %add3A_38 = vector.broadcast %get3A_37 : vector<1x128xf32> to vector<1000x128xf32>
    %add3A_39 = arith.addf %mul3A_34, %add3A_38 : vector<1000x128xf32>
    %swap3A = arith.constant 0 : index
    %swap3A_40 = arith.constant 0 : index
    %swap3A_41 = vector.load %arg5[%swap3A, %swap3A_40] : memref<1000x128xf32, #tpu.memory_space<vmem>>, vector<1000x128xf32>
    tpu.vector_store %arg5[%swap3A, %swap3A_40], %add3A_39 {strides = array<i32>} : memref<1000x128xf32, #tpu.memory_space<vmem>>, vector<1000x128xf32>,
    return
  }
  func.func @transform_0(%arg0: i32) -> (i32, i32, i32) {
    %c0_i32 = arith.constant 0 : i32
    %c0_i32_0 = arith.constant 0 : i32
    %c0_i32_1 = arith.constant 0 : i32
    return %c0_i32, %arg0, %c0_i32_0 : i32, i32, i32
  }
  func.func @transform_1(%arg0: i32) -> (i32, i32) {
    %c0_i32 = arith.constant 0 : i32
    %c0_i32_0 = arith.constant 0 : i32
    %c0_i32_1 = arith.constant 0 : i32
    return %c0_i32, %c0_i32_0 : i32, i32
  }
  func.func @transform_2(%arg0: i32) -> (i32, i32) {
    %c0_i32 = arith.constant 0 : i32
    %c0_i32_0 = arith.constant 0 : i32
    %c0_i32_1 = arith.constant 0 : i32
    return %c0_i32, %c0_i32_0 : i32, i32
  }
  func.func @transform_3(%arg0: i32) -> (i32, i32) {
    %c0_i32 = arith.constant 0 : i32
    %c0_i32_0 = arith.constant 0 : i32
    %c0_i32_1 = arith.constant 0 : i32
    return %c0_i32, %c0_i32_0 : i32, i32
  }
  func.func @transform_4(%arg0: i32) -> (i32, i32) {
    %c0_i32 = arith.constant 0 : i32
    %c0_i32_0 = arith.constant 0 : i32
    return %arg0, %c0_i32 : i32, i32
  }
}

</mosaic_0001>

<sc_bundles>
// kernel: kernel.6.cloned.1.call-start
scs
__scs_entry_jumppad:
0x0: {  	(pc) =	sbr.rel $0x88, $3  }
0x1: {  	(tag) =	ssettag $0x0;
	lr =	simm.s32 $0x1  }
0x2: {  	[smem:$0x3F99] =	sst lr;
	_ =	strace $0xD0000000  }
0x3: {  	_ = 	snop  }
0x4: {  	_ = 	snop  }
0x5: {  	_ = 	snop  }
0x6: {  	_ = 	snop  }
0x7: {  	_ = 	snop  }
__scs_overlays_trampoline_lowered:
0x8: {  	[smem:$0x3FA8] =	sst s0  }
0x9: {  	[smem:$0x3FA9] =	sst s1  }
0xa: {  	[smem:$0x3FAA] =	sst s2  }
0xb: {  	[smem:$0x3FAB] =	sst s3  }
0xc: {  	[smem:$0x3FAC] =	sst s4  }
0xd: {  	[smem:$0x3FAD] =	sst s5  }
0xe: {  	[smem:$0x3FAE] =	sst s6  }
0xf: {  	[smem:$0x3FAF] =	sst s7  }
0x10: {  	[smem:$0x3FB0] =	sst s8  }
0x11: {  	[smem:$0x3FB1] =	sst s9;
	s0 =	simm.s32 @!p0 $0x0  }
0x12: {  	s1 =	sld [smem:$0x3F97];
	s0 =	simm.s32 @p0 $0x1  }
0x13: {  	[smem:$0x3FB2] =	sst s0;
	s0 =	simm.s32 @!p1 $0x0  }
0x14: {  	s2 =	sld [smem:$0x3F96];
	s0 =	simm.s32 @p1 $0x1  }
0x15: {  	[smem:$0x3FB3] =	sst s0;
	s0 =	simm.s32 @!p2 $0x0  }
0x16: {  	s3 =	sld [smem:$0x3FDB];
	s0 =	simm.s32 @p2 $0x1  }
0x17: {  	s4 =	simm.s32 $0x1BF5;
	[smem:$0x3FB5] =	sst s0  }
0x18: {  	s0 =	sld [smem:$0x3F98];
	_ =	swait.ge [sflag:s4], $0x0  }
0x19: {  	s7 =	sld [smem:$0x3F99]  }
0x1a: {  	s8 =	sadd.s32 $0xFFFFE003, lr  }
0x1b: {  	s9 =	sadd.s32 $0xFFFFFEF7, lr;
	s5 =	simm.s32 $0xFFFFFFFF;
	p2 =	slt.u32 s8, $0xFFFFF086  }
0x1c: {  	p1 =	slt.u32 s9, $0xF7A;
	s5 =	simm.s32 @!p2 $0x0  }
0x1d: {  	s5 =	simm.s32 @p1 $0x1;
	p0 =	seq.s32 s7, s2  }
0x1e: {  	s7 =	smul.u32 @!p0 $0xF7A, s2;
	p2 =	seq.s32 @!p0 s5, $0x0  }
0x1f: {  	s9 =	smul.u32 $0xF7A, s1;
	s8 =	simm.s32 @!p0 $0x1BF5;
	p2 =	por !p2, p0  }
0x20: {  	[sflag:s8] =	ssyncset.s32 @!p0 $0xFFFFF086;
	s6 =	sadd.s32 @!p0 s3, s7;
	s7 =	simm.s32 @!p0 $0x108  }
0x21: {  	s3 =	sadd.s32 s3, s9;
	s6 =	sadd.s32 @!p0 $0x88, s6;
	s7 =	simm.s32 @p2 $0x1082  }
0x22: {  	[simem:s7], [sflag:s8] =	dma.local @!p0 [hbm:s6], $0xF7A  }
0x23: {  	s9 =	sor.u32 $0xD0000000, s2;
	s6 =	simm.s32 $0x108;
	_ =	swait.ge @!p0 [sflag:s8], $0x0  }
0x24: {  	s3 =	sadd.s32 $0x88, s3;
	s6 =	simm.s32 @!p1 $0x1082;
	[sflag:s4] =	ssyncset.s32 $0xFFFFF086  }
0x25: {  	[simem:s6], [sflag:s4] =	dma.local [hbm:s3], $0xF7A  }
0x26: {  	[smem:$0x3F99] =	sst s1;
	(tag) =	ssettag s2;
	_ =	strace s9  }
0x27: {  	s1 =	sld [smem:$0x3FA9]  }
0x28: {  	s2 =	sld [smem:$0x3FAA]  }
0x29: {  	s4 =	sld [smem:$0x3FAC]  }
0x2a: {  	p0 =	seq.s32 s5, $0x0;
	s5 =	sld [smem:$0x3FAD]  }
0x2b: {  	s6 =	sld [smem:$0x3FAE]  }
0x2c: {  	s7 =	sld [smem:$0x3FAF]  }
0x2d: {  	s3 =	simm.s32 $0x108;
	s8 =	sld [smem:$0x3FB0]  }
0x2e: {  	s3 =	simm.s32 @!p0 $0x1082;
	s9 =	sld [smem:$0x3FB1]  }
0x2f: {  	lr =	sadd.s32 s0, s3;
	s0 =	sld [smem:$0x3FA8]  }
0x30: {  	s3 =	sld [smem:$0x3FAB]  }
0x31: {  	[smem:$0x3FB4] =	sst s10  }
0x32: {  	s10 =	sld [smem:$0x3FB2];
	_ =	sdelay $0x3  }
0x33: {  	p0 =	seq.s32 s10, $0x1;
	s10 =	sld [smem:$0x3FB4];
	_ =	sdelay $0x3  }
0x34: {  	[smem:$0x3FB4] =	sst s10  }
0x35: {  	s10 =	sld [smem:$0x3FB3];
	_ =	sdelay $0x3  }
0x36: {  	p1 =	seq.s32 s10, $0x1;
	s10 =	sld [smem:$0x3FB4];
	_ =	sdelay $0x3  }
0x37: {  	[smem:$0x3FB4] =	sst s10  }
0x38: {  	s10 =	sld [smem:$0x3FB5]  }
0x39: {  	_ = 	snop;
	(pc) =	sbr.ind lr, $3  }
0x3a: {  	_ = 	snop  }
0x3b: {  	_ = 	snop  }
0x3c: {  	p2 =	seq.s32 s10, $0x1;
	s10 =	sld [smem:$0x3FB4]  }
0x3d: {  	_ =	shalt  }
0x3e: {  	_ =	shalt  }
0x3f: {  	_ =	shalt  }
0x40: {  	_ =	shalt  }
0x41: {  	_ =	shalt  }
0x42: {  	_ =	shalt  }
0x43: {  	_ =	shalt  }
0x44: {  	_ =	shalt  }
0x45: {  	_ =	shalt  }
0x46: {  	_ =	shalt  }
0x47: {  	_ =	shalt  }
0x48: {  	_ =	shalt  }
0x49: {  	_ =	shalt  }
0x4a: {  	_ =	shalt  }
0x4b: {  	_ =	shalt  }
0x4c: {  	_ =	shalt  }
0x4d: {  	_ =	shalt  }
0x4e: {  	_ =	shalt  }
0x4f: {  	_ =	shalt  }
0x50: {  	_ =	shalt  }
0x51: {  	_ =	shalt  }
0x52: {  	_ =	shalt  }
0x53: {  	_ =	shalt  }
0x54: {  	_ =	shalt  }
0x55: {  	_ =	shalt  }
0x56: {  	_ =	shalt  }
0x57: {  	_ =	shalt  }
0x58: {  	_ =	shalt  }
0x59: {  	_ =	shalt  }
0x5a: {  	_ =	shalt  }
0x5b: {  	_ =	shalt  }
0x5c: {  	_ =	shalt  }
0x5d: {  	_ =	shalt  }
0x5e: {  	_ =	shalt  }
0x5f: {  	_ =	shalt  }
0x60: {  	_ =	shalt  }
0x61: {  	_ =	shalt  }
0x62: {  	_ =	shalt  }
0x63: {  	_ =	shalt  }
0x64: {  	_ =	shalt  }
0x65: {  	_ =	shalt  }
0x66: {  	_ =	shalt  }
0x67: {  	_ =	shalt  }
0x68: {  	_ =	shalt  }
0x69: {  	_ =	shalt  }
0x6a: {  	_ =	shalt  }
0x6b: {  	_ =	shalt  }
0x6c: {  	_ =	shalt  }
0x6d: {  	_ =	shalt  }
0x6e: {  	_ =	shalt  }
0x6f: {  	_ =	shalt  }
0x70: {  	_ =	shalt  }
0x71: {  	_ =	shalt  }
0x72: {  	_ =	shalt  }
0x73: {  	_ =	shalt  }
0x74: {  	_ =	shalt  }
0x75: {  	_ =	shalt  }
0x76: {  	_ =	shalt  }
0x77: {  	_ =	shalt  }
0x78: {  	_ =	shalt  }
0x79: {  	_ =	shalt  }
0x7a: {  	_ =	shalt  }
0x7b: {  	_ =	shalt  }
0x7c: {  	_ =	shalt  }
0x7d: {  	_ =	shalt  }
0x7e: {  	_ =	shalt  }
0x7f: {  	_ =	shalt  }
0x80: {  	_ =	shalt  }
0x81: {  	_ =	shalt  }
0x82: {  	_ =	shalt  }
0x83: {  	_ =	shalt  }
0x84: {  	_ =	shalt  }
0x85: {  	_ =	shalt  }
0x86: {  	_ =	shalt  }
0x87: {  	_ =	shalt  }
.Lfunc_end0:
.L_simem_size_0:
called_computation_lowered:
.L_overlay_start_0:
0x88: {  	s2 =	sld [smem:$0x3FD9]  }
0x89: {  	s3 =	sld [smem:$0x3FFE];
	_ =	sdelay $0x1  }
0x8a: {  	s1 =	srdreg.scid  }
0x8b: {  	s0 =	sand.u32 $0x1, s1  }
0x8c: {  	s17 =	sshll.u32 s0, $0xA;
	s2 =	sadd.s32 s3, s2  }
0x8d: {  	s2 =	sadd.s32 s2, s17  }
0x8e: {  	[smem:$0x3FC0] =	sst s2  }
0x8f: {  	_ = 	snop  }
0x90: {  	s2 =	sld [smem:$0x3FD0];
	(tm) =	ssettm $0x1  }
0x91: {  	s18 =	sld [smem:$0x3FFB];
	_ =	sdelay $0x3  }
0x92: {  	_ =	strace s18  }
0x93: {  	s3 =	sld [smem:$0x3FFC];
	_ =	sdelay $0x3  }
0x94: {  	_ =	strace s3  }
0x95: {  	s3 =	sld [smem:$0x3FFD];
	_ =	sdelay $0x3  }
0x96: {  	_ =	strace s3  }
0x97: {  	_ =	strace $0x8FFFFFFF  }
0x98: {  	s19 =	sld [smem:$0x3FDB];
	_ =	sdelay $0x1  }
0x99: {  	s4 =	simm.s32 $_scs_section_size  }
0x9a: {  	s5 =	simm.s32 $_size__tile_overlayer_lowered;
	s6 =	simm.s32 $_tile_overlayer_lowered  }
0x9b: {  	s22 =	simm.s32 $0x1BFF;
	s21 =	sshll.u32 s6, $0x1;
	s3 =	sadd.s32 s4, s19  }
0x9c: {  	s7 =	simm.s32 $0x0;
	s20 =	sshll.u32 s5, $0x1;
	s5 =	sadd.s32 s21, s3  }
0x9d: {  	[timem:s7], [sflag:s22] =	dma.local [hbm:s5], s20  }
0x9e: {  	_ =	swait.ge [sflag:s22], s20  }
0x9f: {  	s4 =	ssub.s32 $0x0, s20;
	[sflag:s22] =	ssyncset.done $0x0  }
0xa0: {  	[sflag:s22] =	ssyncadd.s32 s4;
	_ =	sdelay $0x1  }
0xa1: {  	s23 =	simm.s32 $0x1B8B  }
0xa2: {  	_ =	swait.ge [sflag:s23], $0x1  }
0xa3: {  	[sflag:s23] =	ssyncset.done $0x0  }
0xa4: {  	s25 =	simm.s32 $0x1B8E;
	s24 =	sld [smem:$0x3FFE];
	[sflag:s23] =	ssyncadd.s32 $0xFFFFFFFF  }
0xa5: {  	s26 =	simm.s32 $execute0_lowered;
	[smem:$0x3FD2] =	sst s25  }
0xa6: {  	s5 =	sshll.u32 s26, $0x1;
	_ =	strace $0x80000046;
	[dreg:$0x1] =	wrdreg $0xFFFFFFFF  }
0xa7: {  	s28 =	simm.s32 $_size_execute0_lowered;
	s3 =	sadd.s32 s3, s5;
	[dreg:$0x0] =	wrdreg $0x0  }
0xa8: {  	s5 =	sshll.u32 s28, $0x1;
	[dreg:$0x2] =	wrdreg s3  }
0xa9: {  	[dreg:$0x3] =	wrdreg s5  }
0xaa: {  	[dreg:$0x4] =	wrdreg $0xC0  }
0xab: {  	_ =	task [dreg:s7], $0x5FFFF  }
0xac: {  	[dreg:$0x1] =	wrdreg $0xFFFFFFFF  }
0xad: {  	[dreg:$0x0] =	wrdreg $0x60  }
0xae: {  	[dreg:$0x2] =	wrdreg s24  }
0xaf: {  	[dreg:$0x3] =	wrdreg s2  }
0xb0: {  	[dreg:$0x4] =	wrdreg $0x0  }
0xb1: {  	[dreg:$0x5] =	wrdreg $0x27100  }
0xb2: {  	[dreg:$0x6] =	wrdreg $0x9  }
0xb3: {  	_ =	task.clear_ibuf [dreg:s7], $0x7FFFF;
	_ =	strace $0x90000046  }
0xb4: {  	s29 =	simm.s32 $0x9;
	_ =	strace $0x80000048  }
0xb5: {  	_ =	swait.ge [sflag:s29], $0x1  }
0xb6: {  	[sflag:s29] =	ssyncadd.s32 $0xFFFFFFFF  }
0xb7: {  	_ =	strace $0x90000048  }
0xb8: {  	_ =	sfence  }
0xb9: {  	s30 =	sld [smem:$0x0];
	_ =	sdelay $0x2  }
0xba: {  	s31 =	sshll.u32 s1, $0xD;
	s1 =	sshrl.u32 s1, $0x2  }
0xbb: {  	s3 =	sand.u32 $0x4000, s31;
	s1 =	sadd.s32 s1, s30  }
0xbc: {  	s0 =	sor.u32 s3, s0;
	s1 =	sshll.u32 s1, $0x11  }
0xbd: {  	s0 =	sor.u32 s1, s0  }
0xbe: {  	s0 =	sadd.s32 $0x8F2B, s0  }
0xbf: {  	[sflag:s0] =	ssyncadd.remote.s32 $0x1  }
0xc0: {  	_ =	sfence.sel $0xFFFF  }
0xc1: {  	[dreg:$0x0] =	wrdreg $0xFFFFFFFF;
	(pc) =	sbr.abs _section_cstart, $3  }
0xc2: {  	[dreg:$0x1] =	wrdreg $0xFFFFFFFF  }
0xc3: {  	_ =	task.clear_ibuf [dreg:s7], $0x2FFFF;
	_ =	strace $0x9FFFFFFF  }
0xc4: {  	(tm) =	ssettm $0x7FFFFFFF  }
0xc5: {  	_ =	shalt  }
tec
execute0_lowered:
.L_overlay_start_1:
0x0: {  	(tag) =	ssettag $0x1  }
0x1: {  	s0 =	rddreg [dreg:$0x0]  }
0x2: {  	s15 =	rddreg [dreg:$0x2]  }
0x3: {  	s8 =	rddreg [dreg:$0x3];
	s21 =	simm.s32 $0x0;
	s25 =	srdreg.scid  }
0x4: {  	s26 =	stileid.u32;
	s29 =	simm.s32 $0x16030;
	s30 =	simm.s32 $0x15FE0  }
0x5: {  	s31 =	simm.s32 $0x16530;
	[smem:$0x7FF] =	sst s21;
	s16 =	sadd.s32 $0x536E00, s0  }
0x6: {  	v1 =	vlaneseq.u32;
	s28 =	simm.s32 $0x1;
	s7 =	sadd.s32 $0x4E8C00, s0;
	s1 =	sadd.s32 $0x9CAC00, s0  }
0x7: {  	v0 =	vmul.u32 $0x10, v1;
	s6 =	sadd.s32 $0x1C00, s0;
	s3 =	sadd.s32 $0x54A800, s0;
	s4 =	smul.u32 $0x9C00, s26  }
0x8: {  	v1 =	vmul.u32 $0x8, v1;
	s2 =	sadd.s32 $0x54D000, s0;
	s0 =	sadd.s32 $0x54D600, s0;
	s9 =	smul.u32 $0x13800, s26  }
0x9: {  	s10 =	sshll.u32 s26, $0x6;
	s11 =	smul.u32 $0x2710, s26;
	s12 =	sadd.s32 $0x27000, s15;
	v3 =	vor.u32 $0x4, v0  }
0xa: {  	s14 =	smul.u32 $0x4E20, s26;
	_ =	strace $0x80000047;
	[dreg:$0x5] =	wrdreg s1;
	v4 =	vor.u32 $0x1, v0;
	v5 =	vor.u32 $0x5, v0;
	v6 =	vor.u32 $0x1, v1  }
0xb: {  	s22 =	smul.u32 $0x9C4, s26;
	p0 =	sne.s32 s26, $0x0;
	[dreg:$0x6] =	wrdreg s2;
	v7 =	vor.u32 $0x2, v0;
	v8 =	vor.u32 $0x6, v0;
	v9 =	vor.u32 $0x2, v1  }
0xc: {  	s1 =	sand.u32 $0x1, s25;
	[dreg:$0x7] =	wrdreg s3;
	s13 =	sor.u32 $0x1C05, s10;
	v10 =	vor.u32 $0x3, v0;
	v11 =	vor.u32 $0x7, v0;
	v12 =	vor.u32 $0x3, v1  }
0xd: {  	s17 =	ssub.s32 $0x2, s1;
	v13 =	vor.u32 $0x100, v0;
	v14 =	vor.u32 $0x104, v0;
	v15 =	vor.u32 $0x80, v1;
	s4 =	sshrl.u32 s4, $0x2;
	s18 =	smul.u32 $0x27100, s1  }
0xe: {  	v16 =	vor.u32 $0x101, v0;
	v17 =	vor.u32 $0x105, v0;
	v18 =	vor.u32 $0x81, v1;
	s19 =	sadd.s32 s9, s8;
	s1 =	smul.u32 $0x138800, s1;
	s8 =	sadd.s32 $0x138000, s8  }
0xf: {  	v19 =	vor.u32 $0x102, v0;
	v20 =	vor.u32 $0x106, v0;
	v21 =	vor.u32 $0x82, v1;
	s25 =	sadd.s32 s14, s7;
	s14 =	simm.s32 $0x16CB0;
	[dreg:$0x9] =	wrdreg s8  }
0x10: {  	v22 =	vor.u32 $0x103, v0;
	v23 =	vor.u32 $0x107, v0;
	v24 =	vor.u32 $0x83, v1;
	s5 =	sshrl.u32 s17, $0x1;
	s4 =	sadd.s32 s4, s15;
	[dreg:$0xe] =	wrdreg s25  }
0x11: {  	v25 =	vor.u32 $0x200, v0;
	v26 =	vor.u32 $0x204, v0;
	v27 =	vor.u32 $0x100, v1;
	s25 =	simm.s32 $0x15F90;
	s3 =	ssub.s32 s17, s5;
	s5 =	sadd.s32 s11, s18  }
0x12: {  	v28 =	vor.u32 $0x201, v0;
	v29 =	vor.u32 $0x205, v0;
	v30 =	vor.u32 $0x101, v1;
	s20 =	sadd.s32 s9, s1;
	s1 =	sshrl.u32 s1, $0x3;
	s18 =	sadd.s32 s22, s16  }
0x13: {  	v31 =	vor.u32 $0x202, v0;
	v32 =	vor.u32 $0x206, v0;
	v33 =	vor.u32 $0x102, v1;
	s26 =	sshrl.u32 s4, $0x3;
	s4 =	sshrl.u32 s19, $0x3;
	s19 =	simm.s32 $0x17430  }
0x14: {  	v34 =	vor.u32 $0x203, v0;
	v35 =	vor.u32 $0x207, v0;
	v36 =	vor.u32 $0x103, v1;
	s22 =	simm.s32 $0x4;
	s17 =	simm.s32 $0x171B0;
	[dreg:$0xa] =	wrdreg s5  }
0x15: {  	v37 =	vor.u32 $0x300, v0;
	v38 =	vor.u32 $0x304, v0;
	v39 =	vor.u32 $0x180, v1;
	s5 =	sshrl.u32 s20, $0x3;
	s1 =	sadd.s32 s0, s1;
	s24 =	smax.u32 s3, $0x1  }
0x16: {  	v40 =	vor.u32 $0x301, v0;
	v41 =	vor.u32 $0x305, v0;
	v42 =	vor.u32 $0x181, v1;
	s3 =	smov.u32 s13;
	s13 =	smov.u32 s7;
	[dreg:$0xf] =	wrdreg s26  }
0x17: {  	v43 =	vor.u32 $0x302, v0;
	v44 =	vor.u32 $0x306, v0;
	v45 =	vor.u32 $0x182, v1;
	s7 =	smov.u32 s16;
	s20 =	simm.s32 $0x5;
	[dreg:$0x10] =	wrdreg s4  }
0x18: {  	v46 =	vor.u32 $0x303, v0;
	v47 =	vor.u32 $0x307, v0;
	v48 =	vor.u32 $0x183, v1;
	s26 =	simm.s32 $0x16A30;
	s16 =	simm.s32 $0x17930;
	[dreg:$0xd] =	wrdreg s24  }
0x19: {  	v49 =	vor.u32 $0x400, v0;
	v50 =	vor.u32 $0x404, v0;
	v51 =	vor.u32 $0x200, v1;
	s0 =	sadd.s32 s0, s5;
	s23 =	sadd.s32 $0x27000, s1;
	[dreg:$0x8] =	wrdreg s3  }
0x1a: {  	v52 =	vor.u32 $0x401, v0;
	v53 =	vor.u32 $0x405, v0;
	v54 =	vor.u32 $0x201, v1;
	s24 =	simm.s32 $0x4E200;
	s5 =	simm.s32 $0x0;
	[dreg:$0xb] =	wrdreg s0  }
0x1b: {  	v55 =	vor.u32 $0x402, v0;
	v56 =	vor.u32 $0x406, v0;
	v57 =	vor.u32 $0x202, v1;
	[dreg:$0xc] =	wrdreg s23;
	s0 =	sshrl.u32 @!p0 s12, $0x3;
	s23 =	simm.s32 $0x50  }
0x1c: {  	v58 =	vor.u32 $0x403, v0;
	v59 =	vor.u32 $0x407, v0;
	v60 =	vor.u32 $0x203, v1;
	s12 =	simm.s32 $0x2;
	[dreg:$0x11] =	wrdreg s0;
	s0 =	simm.s32 $0x3  }
.LBB2_1:
0x1d: {  	[dreg:$0x12] =	wrdreg s5  }
0x1e: {  	s1 =	rddreg [dreg:$0x6]  }
0x1f: {  	s2 =	rddreg [dreg:$0xf]  }
0x20: {  	[spmem:s2], [sflag:s3] =	dma.local [hbm:s1], $0x4E0  }
0x21: {  	_ =	swait.ge [sflag:s20], $0x4E0  }
0x22: {  	[sflag:s20] =	ssyncset.done $0x0  }
0x23: {  	s2 =	rddreg [dreg:$0x7];
	[sflag:s20] =	ssyncadd.s32 $0xFFFFFB20  }
0x24: {  	[spmem:s4], [sflag:s3] =	dma.local [hbm:s2], $0x2700  }
0x25: {  	_ =	swait.ge [sflag:s20], $0x2700  }
0x26: {  	[sflag:s20] =	ssyncset.done $0x0  }
0x27: {  	s4 =	rddreg [dreg:$0x11];
	[sflag:s20] =	ssyncadd.s32 $0xFFFFD900  }
0x28: {  	[spmem:s4], [sflag:s3] =	dma.local @!p0 [hbm:s1], $0x20  }
0x29: {  	s1 =	simm.s32 @!p0 $0x5  }
0x2a: {  	_ =	swait.ge @!p0 [sflag:s1], $0x20  }
0x2b: {  	s4 =	rddreg [dreg:$0x9]  }
0x2c: {  	[sflag:s1] =	ssyncset.done @!p0 $0x0;
	s4 =	sshrl.u32 @!p0 s4, $0x3  }
0x2d: {  	[sflag:s1] =	ssyncadd.s32 @!p0 $0xFFFFFFE0;
	[dreg:$0x13] =	wrdreg s4  }
0x2e: {  	[spmem:s4], [sflag:s3] =	dma.local @!p0 [hbm:s2], $0x100  }
0x2f: {  	_ =	swait.ge @!p0 [sflag:s1], $0x100  }
0x30: {  	[sflag:s1] =	ssyncset.done @!p0 $0x0  }
0x31: {  	[sflag:s1] =	ssyncadd.s32 @!p0 $0xFFFFFF00  }
0x32: {  	v2 =	vimm.f32 $0.0e+00;
	[bflag:$0x0] =	sbarrier.arrive $0xFFFF  }
0x33: {  	[tilespmem:$0x16CB0] =	vst v2  }
0x34: {  	[tilespmem:$0x16CC0] =	vst v2  }
0x35: {  	[tilespmem:$0x16CD0] =	vst v2  }
0x36: {  	[tilespmem:$0x16CE0] =	vst v2  }
0x37: {  	[tilespmem:$0x16CF0] =	vst v2  }
0x38: {  	[tilespmem:$0x16D00] =	vst v2  }
0x39: {  	[tilespmem:$0x16D10] =	vst v2  }
0x3a: {  	[tilespmem:$0x16D20] =	vst v2  }
0x3b: {  	[tilespmem:$0x16D30] =	vst v2  }
0x3c: {  	[tilespmem:$0x16D40] =	vst v2  }
0x3d: {  	[tilespmem:$0x16D50] =	vst v2  }
0x3e: {  	[tilespmem:$0x16D60] =	vst v2  }
0x3f: {  	[tilespmem:$0x16D70] =	vst v2  }
0x40: {  	[tilespmem:$0x16D80] =	vst v2  }
0x41: {  	[tilespmem:$0x16D90] =	vst v2  }
0x42: {  	[tilespmem:$0x16DA0] =	vst v2  }
0x43: {  	[tilespmem:$0x16DB0] =	vst v2  }
0x44: {  	[tilespmem:$0x16DC0] =	vst v2  }
0x45: {  	[tilespmem:$0x16DD0] =	vst v2  }
0x46: {  	[tilespmem:$0x16DE0] =	vst v2  }
0x47: {  	[tilespmem:$0x16DF0] =	vst v2  }
0x48: {  	[tilespmem:$0x16E00] =	vst v2  }
0x49: {  	[tilespmem:$0x16E10] =	vst v2  }
0x4a: {  	[tilespmem:$0x16E20] =	vst v2  }
0x4b: {  	[tilespmem:$0x16E30] =	vst v2  }
0x4c: {  	[tilespmem:$0x16E40] =	vst v2  }
0x4d: {  	[tilespmem:$0x16E50] =	vst v2  }
0x4e: {  	[tilespmem:$0x16E60] =	vst v2  }
0x4f: {  	[tilespmem:$0x16E70] =	vst v2  }
0x50: {  	[tilespmem:$0x16E80] =	vst v2  }
0x51: {  	[tilespmem:$0x16E90] =	vst v2  }
0x52: {  	[tilespmem:$0x16EA0] =	vst v2  }
0x53: {  	[tilespmem:$0x16EB0] =	vst v2  }
0x54: {  	[tilespmem:$0x16EC0] =	vst v2  }
0x55: {  	[tilespmem:$0x16ED0] =	vst v2  }
0x56: {  	[tilespmem:$0x16EE0] =	vst v2  }
0x57: {  	[tilespmem:$0x16EF0] =	vst v2  }
0x58: {  	[tilespmem:$0x16F00] =	vst v2  }
0x59: {  	[tilespmem:$0x16F10] =	vst v2  }
0x5a: {  	[tilespmem:$0x16F20] =	vst v2  }
0x5b: {  	[tilespmem:$0x16F30] =	vst v2  }
0x5c: {  	[tilespmem:$0x16F40] =	vst v2  }
0x5d: {  	[tilespmem:$0x16F50] =	vst v2  }
0x5e: {  	[tilespmem:$0x16F60] =	vst v2  }
0x5f: {  	[tilespmem:$0x16F70] =	vst v2  }
0x60: {  	[tilespmem:$0x16F80] =	vst v2  }
0x61: {  	[tilespmem:$0x16F90] =	vst v2  }
0x62: {  	[tilespmem:$0x16FA0] =	vst v2  }
0x63: {  	[tilespmem:$0x16FB0] =	vst v2  }
0x64: {  	[tilespmem:$0x16FC0] =	vst v2  }
0x65: {  	[tilespmem:$0x16FD0] =	vst v2  }
0x66: {  	[tilespmem:$0x16FE0] =	vst v2  }
0x67: {  	[tilespmem:$0x16FF0] =	vst v2  }
0x68: {  	[tilespmem:$0x17000] =	vst v2  }
0x69: {  	[tilespmem:$0x17010] =	vst v2  }
0x6a: {  	[tilespmem:$0x17020] =	vst v2  }
0x6b: {  	[tilespmem:$0x17030] =	vst v2  }
0x6c: {  	[tilespmem:$0x17040] =	vst v2  }
0x6d: {  	[tilespmem:$0x17050] =	vst v2  }
0x6e: {  	[tilespmem:$0x17060] =	vst v2  }
0x6f: {  	[tilespmem:$0x17070] =	vst v2  }
0x70: {  	[tilespmem:$0x17080] =	vst v2  }
0x71: {  	[tilespmem:$0x17090] =	vst v2  }
0x72: {  	[tilespmem:$0x170A0] =	vst v2  }
0x73: {  	[tilespmem:$0x170B0] =	vst v2  }
0x74: {  	[tilespmem:$0x170C0] =	vst v2  }
0x75: {  	[tilespmem:$0x170D0] =	vst v2  }
0x76: {  	[tilespmem:$0x170E0] =	vst v2  }
0x77: {  	[tilespmem:$0x170F0] =	vst v2  }
0x78: {  	[tilespmem:$0x17100] =	vst v2  }
0x79: {  	[tilespmem:$0x17110] =	vst v2  }
0x7a: {  	[tilespmem:$0x17120] =	vst v2  }
0x7b: {  	[tilespmem:$0x17130] =	vst v2  }
0x7c: {  	[tilespmem:$0x17140] =	vst v2  }
0x7d: {  	[tilespmem:$0x17150] =	vst v2  }
0x7e: {  	[tilespmem:$0x17160] =	vst v2  }
0x7f: {  	[tilespmem:$0x17170] =	vst v2  }
0x80: {  	[tilespmem:$0x17180] =	vst v2  }
0x81: {  	[tilespmem:$0x17190] =	vst v2  }
0x82: {  	s2 =	simm.s32 $0x0;
	[tilespmem:$0x171A0] =	vst v2;
	s1 =	rddreg [dreg:$0xe]  }
.LBB2_2:
0x83: {  	s3 =	sadd.s32 s2, s18  }
0x84: {  	[tilespmem:s25], [sflag:$0x1] =	stream.strided.gather [hbm4b:s3+s23], $0xA0, s24, s23, $0x38;
	[tilespmem:$0x1C930] =	vst v63  }
0x85: {  	_ = 	snop  }
0x86: {  	[tilespmem:s26], [sflag:$0x2] =	stream.linear.gather [hbm4b:s1+s21], $0x280, $0x38;
	[tilespmem:$0x1C930] =	vst v63  }
0x87: {  	_ =	swait.ge [sflag:s28], $0xA0  }
0x88: {  	[sflag:s28] =	ssyncset.done $0x0  }
0x89: {  	[sflag:s28] =	ssyncadd.s32 $0xFFFFFF60  }
0x8a: {  	[tilespmem:s29], [sflag:$0x3] =	stream.indirect.gather [hbm4b:s6+s23], $0x10, s25, s23, $0xb8;
	[tilespmem:$0x1C930] =	vst v63  }
0x8b: {  	_ = 	snop  }
0x8c: {  	[tilespmem:s31], [sflag:$0x3] =	stream.indirect.gather [hbm4b:s6+s23], $0x10, s30, s23, $0xb8;
	[tilespmem:$0x1C930] =	vst v63  }
0x8d: {  	_ =	swait.ge [sflag:s0], $0x500  }
0x8e: {  	[sflag:s0] =	ssyncset.done $0x0  }
0x8f: {  	[sflag:s0] =	ssyncadd.s32 $0xFFFFFB00  }
0x90: {  	_ =	swait.ge [sflag:s0], $0x500  }
0x91: {  	[sflag:s0] =	ssyncset.done $0x0  }
0x92: {  	[sflag:s0] =	ssyncadd.s32 $0xFFFFFB00  }
0x93: {  	_ =	swait.ge [sflag:s12], $0x280  }
0x94: {  	[sflag:s12] =	ssyncset.done $0x0  }
0x95: {  	[sflag:s12] =	ssyncadd.s32 $0xFFFFFD80  }
0x96: {  	v61 =	vld.idx.msk [tilespmem:v0+s29+$0x0], $0xffff  }
0x97: {  	v62 =	vld.idx.msk [tilespmem:v3+s31+$0x0], $0xffff;
	_ =	sdelay $0x1  }
0x98: {  	v63 =	vld.idx.msk [tilespmem:v1+s26+$0x0], $0xffff;
	_ =	sdelay $0x2  }
0x99: {  	v61 =	vadd.f32 v62, v61;
	_ =	sdelay $0x1  }
0x9a: {  	v61 =	vadd.f32 v63, v61;
	_ =	sdelay $0x1  }
0x9b: {  	v62 =	vmul.f32 $2.000000030e-01, v61  }
0x9c: {  	vm0 =	vge.f32 v61, $0.0e+00  }
0x9d: {  	v61 =	vsel vm0, v61, v62  }
0x9e: {  	v61 =	vmul.f32 $1.442695020e+00, v61;
	_ =	sdelay $0x1  }
0x9f: {  	(erf) = vpow2.f32 v61;
	_ =	sdelay $0x8  }
0xa0: {  	v61 =	vpop (erf)  }
0xa1: {  	[tilespmem:v0+s14+$0x0] =	vst.idx.msk $0xffff, v61  }
0xa2: {  	v61 =	vld.idx.msk [tilespmem:v4+s29+$0x0], $0xffff  }
0xa3: {  	v62 =	vld.idx.msk [tilespmem:v5+s31+$0x0], $0xffff;
	_ =	sdelay $0x1  }
0xa4: {  	v63 =	vld.idx.msk [tilespmem:v6+s26+$0x0], $0xffff;
	_ =	sdelay $0x2  }
0xa5: {  	v61 =	vadd.f32 v62, v61;
	_ =	sdelay $0x1  }
0xa6: {  	v61 =	vadd.f32 v63, v61;
	_ =	sdelay $0x1  }
0xa7: {  	v62 =	vmul.f32 $2.000000030e-01, v61  }
0xa8: {  	vm9 =	vge.f32 v61, $0.0e+00  }
0xa9: {  	v61 =	vsel vm9, v61, v62  }
0xaa: {  	v61 =	vmul.f32 $1.442695020e+00, v61;
	_ =	sdelay $0x1  }
0xab: {  	(erf) = vpow2.f32 v61;
	_ =	sdelay $0x8  }
0xac: {  	v61 =	vpop (erf)  }
0xad: {  	[tilespmem:v4+s14+$0x0] =	vst.idx.msk $0xffff, v61  }
0xae: {  	v61 =	vld.idx.msk [tilespmem:v7+s29+$0x0], $0xffff  }
0xaf: {  	v62 =	vld.idx.msk [tilespmem:v8+s31+$0x0], $0xffff;
	_ =	sdelay $0x1  }
0xb0: {  	v63 =	vld.idx.msk [tilespmem:v9+s26+$0x0], $0xffff;
	_ =	sdelay $0x2  }
0xb1: {  	v61 =	vadd.f32 v62, v61;
	_ =	sdelay $0x1  }
0xb2: {  	v61 =	vadd.f32 v63, v61;
	_ =	sdelay $0x1  }
0xb3: {  	v62 =	vmul.f32 $2.000000030e-01, v61  }
0xb4: {  	vm10 =	vge.f32 v61, $0.0e+00  }
0xb5: {  	v61 =	vsel vm10, v61, v62  }
0xb6: {  	v61 =	vmul.f32 $1.442695020e+00, v61;
	_ =	sdelay $0x1  }
0xb7: {  	(erf) = vpow2.f32 v61;
	_ =	sdelay $0x8  }
0xb8: {  	v61 =	vpop (erf)  }
0xb9: {  	[tilespmem:v7+s14+$0x0] =	vst.idx.msk $0xffff, v61  }
0xba: {  	v61 =	vld.idx.msk [tilespmem:v10+s29+$0x0], $0xffff  }
0xbb: {  	v62 =	vld.idx.msk [tilespmem:v11+s31+$0x0], $0xffff;
	_ =	sdelay $0x1  }
0xbc: {  	v63 =	vld.idx.msk [tilespmem:v12+s26+$0x0], $0xffff;
	_ =	sdelay $0x2  }
0xbd: {  	v61 =	vadd.f32 v62, v61;
	_ =	sdelay $0x1  }
0xbe: {  	v61 =	vadd.f32 v63, v61;
	_ =	sdelay $0x1  }
0xbf: {  	v62 =	vmul.f32 $2.000000030e-01, v61  }
0xc0: {  	vm11 =	vge.f32 v61, $0.0e+00  }
0xc1: {  	v61 =	vsel vm11, v61, v62  }
0xc2: {  	v61 =	vmul.f32 $1.442695020e+00, v61;
	_ =	sdelay $0x1  }
0xc3: {  	(erf) = vpow2.f32 v61;
	_ =	sdelay $0x8  }
0xc4: {  	v61 =	vpop (erf)  }
0xc5: {  	[tilespmem:v10+s14+$0x0] =	vst.idx.msk $0xffff, v61  }
0xc6: {  	v61 =	vld.idx.msk [tilespmem:v13+s29+$0x0], $0xffff  }
0xc7: {  	v62 =	vld.idx.msk [tilespmem:v14+s31+$0x0], $0xffff;
	_ =	sdelay $0x1  }
0xc8: {  	v63 =	vld.idx.msk [tilespmem:v15+s26+$0x0], $0xffff;
	_ =	sdelay $0x2  }
0xc9: {  	v61 =	vadd.f32 v62, v61;
	_ =	sdelay $0x1  }
0xca: {  	v61 =	vadd.f32 v63, v61;
	_ =	sdelay $0x1  }
0xcb: {  	v62 =	vmul.f32 $2.000000030e-01, v61  }
0xcc: {  	vm12 =	vge.f32 v61, $0.0e+00  }
0xcd: {  	v61 =	vsel vm12, v61, v62  }
0xce: {  	v61 =	vmul.f32 $1.442695020e+00, v61;
	_ =	sdelay $0x1  }
0xcf: {  	(erf) = vpow2.f32 v61;
	_ =	sdelay $0x8  }
0xd0: {  	v61 =	vpop (erf)  }
0xd1: {  	[tilespmem:v13+s14+$0x0] =	vst.idx.msk $0xffff, v61  }
0xd2: {  	v61 =	vld.idx.msk [tilespmem:v16+s29+$0x0], $0xffff  }
0xd3: {  	v62 =	vld.idx.msk [tilespmem:v17+s31+$0x0], $0xffff;
	_ =	sdelay $0x1  }
0xd4: {  	v63 =	vld.idx.msk [tilespmem:v18+s26+$0x0], $0xffff;
	_ =	sdelay $0x2  }
0xd5: {  	v61 =	vadd.f32 v62, v61;
	_ =	sdelay $0x1  }
0xd6: {  	v61 =	vadd.f32 v63, v61;
	_ =	sdelay $0x1  }
0xd7: {  	v62 =	vmul.f32 $2.000000030e-01, v61  }
0xd8: {  	vm13 =	vge.f32 v61, $0.0e+00  }
0xd9: {  	v61 =	vsel vm13, v61, v62  }
0xda: {  	v61 =	vmul.f32 $1.442695020e+00, v61;
	_ =	sdelay $0x1  }
0xdb: {  	(erf) = vpow2.f32 v61;
	_ =	sdelay $0x8  }
0xdc: {  	v61 =	vpop (erf)  }
0xdd: {  	[tilespmem:v16+s14+$0x0] =	vst.idx.msk $0xffff, v61  }
0xde: {  	v61 =	vld.idx.msk [tilespmem:v19+s29+$0x0], $0xffff  }
0xdf: {  	v62 =	vld.idx.msk [tilespmem:v20+s31+$0x0], $0xffff;
	_ =	sdelay $0x1  }
0xe0: {  	v63 =	vld.idx.msk [tilespmem:v21+s26+$0x0], $0xffff;
	_ =	sdelay $0x2  }
0xe1: {  	v61 =	vadd.f32 v62, v61;
	_ =	sdelay $0x1  }
0xe2: {  	v61 =	vadd.f32 v63, v61;
	_ =	sdelay $0x1  }
0xe3: {  	v62 =	vmul.f32 $2.000000030e-01, v61  }
0xe4: {  	vm14 =	vge.f32 v61, $0.0e+00  }
0xe5: {  	v61 =	vsel vm14, v61, v62  }
0xe6: {  	v61 =	vmul.f32 $1.442695020e+00, v61;
	_ =	sdelay $0x1  }
0xe7: {  	(erf) = vpow2.f32 v61;
	_ =	sdelay $0x8  }
0xe8: {  	v61 =	vpop (erf)  }
0xe9: {  	[tilespmem:v19+s14+$0x0] =	vst.idx.msk $0xffff, v61  }
0xea: {  	v61 =	vld.idx.msk [tilespmem:v22+s29+$0x0], $0xffff  }
0xeb: {  	v62 =	vld.idx.msk [tilespmem:v23+s31+$0x0], $0xffff;
	_ =	sdelay $0x1  }
0xec: {  	v63 =	vld.idx.msk [tilespmem:v24+s26+$0x0], $0xffff;
	_ =	sdelay $0x2  }
0xed: {  	v61 =	vadd.f32 v62, v61;
	_ =	sdelay $0x1  }
0xee: {  	v61 =	vadd.f32 v63, v61;
	_ =	sdelay $0x1  }
0xef: {  	v62 =	vmul.f32 $2.000000030e-01, v61  }
0xf0: {  	vm15 =	vge.f32 v61, $0.0e+00  }
0xf1: {  	v61 =	vsel vm15, v61, v62  }
0xf2: {  	v61 =	vmul.f32 $1.442695020e+00, v61;
	_ =	sdelay $0x1  }
0xf3: {  	(erf) = vpow2.f32 v61;
	_ =	sdelay $0x8  }
0xf4: {  	v61 =	vpop (erf)  }
0xf5: {  	[tilespmem:v22+s14+$0x0] =	vst.idx.msk $0xffff, v61  }
0xf6: {  	v61 =	vld.idx.msk [tilespmem:v25+s29+$0x0], $0xffff  }
0xf7: {  	v62 =	vld.idx.msk [tilespmem:v26+s31+$0x0], $0xffff;
	_ =	sdelay $0x1  }
0xf8: {  	v63 =	vld.idx.msk [tilespmem:v27+s26+$0x0], $0xffff;
	_ =	sdelay $0x2  }
0xf9: {  	v61 =	vadd.f32 v62, v61;
	_ =	sdelay $0x1  }
0xfa: {  	v61 =	vadd.f32 v63, v61;
	_ =	sdelay $0x1  }
0xfb: {  	v62 =	vmul.f32 $2.000000030e-01, v61  }
0xfc: {  	vm4 =	vge.f32 v61, $0.0e+00  }
0xfd: {  	v61 =	vsel vm4, v61, v62  }
0xfe: {  	v61 =	vmul.f32 $1.442695020e+00, v61;
	_ =	sdelay $0x1  }
0xff: {  	(erf) = vpow2.f32 v61;
	_ =	sdelay $0x8  }
0x100: {  	v61 =	vpop (erf)  }
0x101: {  	[tilespmem:v25+s14+$0x0] =	vst.idx.msk $0xffff, v61  }
0x102: {  	v61 =	vld.idx.msk [tilespmem:v28+s29+$0x0], $0xffff  }
0x103: {  	v62 =	vld.idx.msk [tilespmem:v29+s31+$0x0], $0xffff;
	_ =	sdelay $0x1  }
0x104: {  	v63 =	vld.idx.msk [tilespmem:v30+s26+$0x0], $0xffff;
	_ =	sdelay $0x2  }
0x105: {  	v61 =	vadd.f32 v62, v61;
	_ =	sdelay $0x1  }
0x106: {  	v61 =	vadd.f32 v63, v61;
	_ =	sdelay $0x1  }
0x107: {  	v62 =	vmul.f32 $2.000000030e-01, v61  }
0x108: {  	vm5 =	vge.f32 v61, $0.0e+00  }
0x109: {  	v61 =	vsel vm5, v61, v62  }
0x10a: {  	v61 =	vmul.f32 $1.442695020e+00, v61;
	_ =	sdelay $0x1  }
0x10b: {  	(erf) = vpow2.f32 v61;
	_ =	sdelay $0x8  }
0x10c: {  	v61 =	vpop (erf)  }
0x10d: {  	[tilespmem:v28+s14+$0x0] =	vst.idx.msk $0xffff, v61  }
0x10e: {  	v61 =	vld.idx.msk [tilespmem:v31+s29+$0x0], $0xffff  }
0x10f: {  	v62 =	vld.idx.msk [tilespmem:v32+s31+$0x0], $0xffff;
	_ =	sdelay $0x1  }
0x110: {  	v63 =	vld.idx.msk [tilespmem:v33+s26+$0x0], $0xffff;
	_ =	sdelay $0x2  }
0x111: {  	v61 =	vadd.f32 v62, v61;
	_ =	sdelay $0x1  }
0x112: {  	v61 =	vadd.f32 v63, v61;
	_ =	sdelay $0x1  }
0x113: {  	v62 =	vmul.f32 $2.000000030e-01, v61  }
0x114: {  	vm6 =	vge.f32 v61, $0.0e+00  }
0x115: {  	v61 =	vsel vm6, v61, v62  }
0x116: {  	v61 =	vmul.f32 $1.442695020e+00, v61;
	_ =	sdelay $0x1  }
0x117: {  	(erf) = vpow2.f32 v61;
	_ =	sdelay $0x8  }
0x118: {  	v61 =	vpop (erf)  }
0x119: {  	[tilespmem:v31+s14+$0x0] =	vst.idx.msk $0xffff, v61  }
0x11a: {  	v61 =	vld.idx.msk [tilespmem:v34+s29+$0x0], $0xffff  }
0x11b: {  	v62 =	vld.idx.msk [tilespmem:v35+s31+$0x0], $0xffff;
	_ =	sdelay $0x1  }
0x11c: {  	v63 =	vld.idx.msk [tilespmem:v36+s26+$0x0], $0xffff;
	_ =	sdelay $0x2  }
0x11d: {  	v61 =	vadd.f32 v62, v61;
	_ =	sdelay $0x1  }
0x11e: {  	v61 =	vadd.f32 v63, v61;
	_ =	sdelay $0x1  }
0x11f: {  	v62 =	vmul.f32 $2.000000030e-01, v61  }
0x120: {  	vm7 =	vge.f32 v61, $0.0e+00  }
0x121: {  	v61 =	vsel vm7, v61, v62  }
0x122: {  	v61 =	vmul.f32 $1.442695020e+00, v61;
	_ =	sdelay $0x1  }
0x123: {  	(erf) = vpow2.f32 v61;
	_ =	sdelay $0x8  }
0x124: {  	v61 =	vpop (erf)  }
0x125: {  	[tilespmem:v34+s14+$0x0] =	vst.idx.msk $0xffff, v61  }
0x126: {  	v61 =	vld.idx.msk [tilespmem:v37+s29+$0x0], $0xffff  }
0x127: {  	v62 =	vld.idx.msk [tilespmem:v38+s31+$0x0], $0xffff;
	_ =	sdelay $0x1  }
0x128: {  	v63 =	vld.idx.msk [tilespmem:v39+s26+$0x0], $0xffff;
	_ =	sdelay $0x2  }
0x129: {  	v61 =	vadd.f32 v62, v61;
	_ =	sdelay $0x1  }
0x12a: {  	v61 =	vadd.f32 v63, v61;
	_ =	sdelay $0x1  }
0x12b: {  	v62 =	vmul.f32 $2.000000030e-01, v61  }
0x12c: {  	vm8 =	vge.f32 v61, $0.0e+00  }
0x12d: {  	v61 =	vsel vm8, v61, v62  }
0x12e: {  	v61 =	vmul.f32 $1.442695020e+00, v61;
	_ =	sdelay $0x1  }
0x12f: {  	(erf) = vpow2.f32 v61;
	_ =	sdelay $0x8  }
0x130: {  	v61 =	vpop (erf)  }
0x131: {  	[tilespmem:v37+s14+$0x0] =	vst.idx.msk $0xffff, v61  }
0x132: {  	v61 =	vld.idx.msk [tilespmem:v40+s29+$0x0], $0xffff  }
0x133: {  	v62 =	vld.idx.msk [tilespmem:v41+s31+$0x0], $0xffff;
	_ =	sdelay $0x1  }
0x134: {  	v63 =	vld.idx.msk [tilespmem:v42+s26+$0x0], $0xffff;
	_ =	sdelay $0x2  }
0x135: {  	v61 =	vadd.f32 v62, v61;
	_ =	sdelay $0x1  }
0x136: {  	v61 =	vadd.f32 v63, v61;
	_ =	sdelay $0x1  }
0x137: {  	v62 =	vmul.f32 $2.000000030e-01, v61  }
0x138: {  	vm9 =	vge.f32 v61, $0.0e+00  }
0x139: {  	v61 =	vsel vm9, v61, v62  }
0x13a: {  	v61 =	vmul.f32 $1.442695020e+00, v61;
	_ =	sdelay $0x1  }
0x13b: {  	(erf) = vpow2.f32 v61;
	_ =	sdelay $0x8  }
0x13c: {  	v61 =	vpop (erf)  }
0x13d: {  	[tilespmem:v40+s14+$0x0] =	vst.idx.msk $0xffff, v61  }
0x13e: {  	v61 =	vld.idx.msk [tilespmem:v43+s29+$0x0], $0xffff  }
0x13f: {  	v62 =	vld.idx.msk [tilespmem:v44+s31+$0x0], $0xffff;
	_ =	sdelay $0x1  }
0x140: {  	v63 =	vld.idx.msk [tilespmem:v45+s26+$0x0], $0xffff;
	_ =	sdelay $0x2  }
0x141: {  	v61 =	vadd.f32 v62, v61;
	_ =	sdelay $0x1  }
0x142: {  	v61 =	vadd.f32 v63, v61;
	_ =	sdelay $0x1  }
0x143: {  	v62 =	vmul.f32 $2.000000030e-01, v61  }
0x144: {  	vm10 =	vge.f32 v61, $0.0e+00  }
0x145: {  	v61 =	vsel vm10, v61, v62  }
0x146: {  	v61 =	vmul.f32 $1.442695020e+00, v61;
	_ =	sdelay $0x1  }
0x147: {  	(erf) = vpow2.f32 v61;
	_ =	sdelay $0x8  }
0x148: {  	v61 =	vpop (erf)  }
0x149: {  	[tilespmem:v43+s14+$0x0] =	vst.idx.msk $0xffff, v61  }
0x14a: {  	v61 =	vld.idx.msk [tilespmem:v46+s29+$0x0], $0xffff  }
0x14b: {  	v62 =	vld.idx.msk [tilespmem:v47+s31+$0x0], $0xffff;
	_ =	sdelay $0x1  }
0x14c: {  	v63 =	vld.idx.msk [tilespmem:v48+s26+$0x0], $0xffff;
	_ =	sdelay $0x2  }
0x14d: {  	v61 =	vadd.f32 v62, v61;
	_ =	sdelay $0x1  }
0x14e: {  	v61 =	vadd.f32 v63, v61;
	_ =	sdelay $0x1  }
0x14f: {  	v62 =	vmul.f32 $2.000000030e-01, v61  }
0x150: {  	vm11 =	vge.f32 v61, $0.0e+00  }
0x151: {  	v61 =	vsel vm11, v61, v62  }
0x152: {  	v61 =	vmul.f32 $1.442695020e+00, v61;
	_ =	sdelay $0x1  }
0x153: {  	(erf) = vpow2.f32 v61;
	_ =	sdelay $0x8  }
0x154: {  	v61 =	vpop (erf)  }
0x155: {  	[tilespmem:v46+s14+$0x0] =	vst.idx.msk $0xffff, v61  }
0x156: {  	v61 =	vld.idx.msk [tilespmem:v49+s29+$0x0], $0xffff  }
0x157: {  	v62 =	vld.idx.msk [tilespmem:v50+s31+$0x0], $0xffff;
	_ =	sdelay $0x1  }
0x158: {  	v63 =	vld.idx.msk [tilespmem:v51+s26+$0x0], $0xffff;
	_ =	sdelay $0x2  }
0x159: {  	v61 =	vadd.f32 v62, v61;
	_ =	sdelay $0x1  }
0x15a: {  	v61 =	vadd.f32 v63, v61;
	_ =	sdelay $0x1  }
0x15b: {  	v62 =	vmul.f32 $2.000000030e-01, v61  }
0x15c: {  	vm12 =	vge.f32 v61, $0.0e+00  }
0x15d: {  	v61 =	vsel vm12, v61, v62  }
0x15e: {  	v61 =	vmul.f32 $1.442695020e+00, v61;
	_ =	sdelay $0x1  }
0x15f: {  	(erf) = vpow2.f32 v61;
	_ =	sdelay $0x8  }
0x160: {  	v61 =	vpop (erf)  }
0x161: {  	[tilespmem:v49+s14+$0x0] =	vst.idx.msk $0xffff, v61  }
0x162: {  	v61 =	vld.idx.msk [tilespmem:v52+s29+$0x0], $0xffff  }
0x163: {  	v62 =	vld.idx.msk [tilespmem:v53+s31+$0x0], $0xffff;
	_ =	sdelay $0x1  }
0x164: {  	v63 =	vld.idx.msk [tilespmem:v54+s26+$0x0], $0xffff;
	_ =	sdelay $0x2  }
0x165: {  	v61 =	vadd.f32 v62, v61;
	_ =	sdelay $0x1  }
0x166: {  	v61 =	vadd.f32 v63, v61;
	_ =	sdelay $0x1  }
0x167: {  	v62 =	vmul.f32 $2.000000030e-01, v61  }
0x168: {  	vm13 =	vge.f32 v61, $0.0e+00  }
0x169: {  	v61 =	vsel vm13, v61, v62  }
0x16a: {  	v61 =	vmul.f32 $1.442695020e+00, v61;
	_ =	sdelay $0x1  }
0x16b: {  	(erf) = vpow2.f32 v61;
	_ =	sdelay $0x8  }
0x16c: {  	v61 =	vpop (erf)  }
0x16d: {  	[tilespmem:v52+s14+$0x0] =	vst.idx.msk $0xffff, v61  }
0x16e: {  	v61 =	vld.idx.msk [tilespmem:v55+s29+$0x0], $0xffff  }
0x16f: {  	v62 =	vld.idx.msk [tilespmem:v56+s31+$0x0], $0xffff;
	_ =	sdelay $0x1  }
0x170: {  	v63 =	vld.idx.msk [tilespmem:v57+s26+$0x0], $0xffff;
	_ =	sdelay $0x2  }
0x171: {  	v61 =	vadd.f32 v62, v61;
	_ =	sdelay $0x1  }
0x172: {  	v61 =	vadd.f32 v63, v61;
	_ =	sdelay $0x1  }
0x173: {  	v62 =	vmul.f32 $2.000000030e-01, v61  }
0x174: {  	vm14 =	vge.f32 v61, $0.0e+00  }
0x175: {  	v61 =	vsel vm14, v61, v62  }
0x176: {  	v61 =	vmul.f32 $1.442695020e+00, v61;
	_ =	sdelay $0x1  }
0x177: {  	(erf) = vpow2.f32 v61;
	_ =	sdelay $0x8  }
0x178: {  	v61 =	vpop (erf)  }
0x179: {  	[tilespmem:v55+s14+$0x0] =	vst.idx.msk $0xffff, v61  }
0x17a: {  	v61 =	vld.idx.msk [tilespmem:v58+s29+$0x0], $0xffff  }
0x17b: {  	v62 =	vld.idx.msk [tilespmem:v59+s31+$0x0], $0xffff;
	_ =	sdelay $0x1  }
0x17c: {  	v63 =	vld.idx.msk [tilespmem:v60+s26+$0x0], $0xffff;
	_ =	sdelay $0x2  }
0x17d: {  	v61 =	vadd.f32 v62, v61;
	_ =	sdelay $0x1  }
0x17e: {  	v61 =	vadd.f32 v63, v61;
	_ =	sdelay $0x1  }
0x17f: {  	v62 =	vmul.f32 $2.000000030e-01, v61  }
0x180: {  	vm15 =	vge.f32 v61, $0.0e+00  }
0x181: {  	v61 =	vsel vm15, v61, v62  }
0x182: {  	v61 =	vmul.f32 $1.442695020e+00, v61;
	_ =	sdelay $0x1  }
0x183: {  	(erf) = vpow2.f32 v61;
	_ =	sdelay $0x8  }
0x184: {  	p1 =	sne.s32 s2, $0x9BA;
	v61 =	vpop (erf)  }
.Ltmp0:
0x185: {  	[tilespmem:v58+s14+$0x0] =	vst.idx.msk $0xffff, v61;
	(pc) =	sbr.rel @p1 .LBB2_2-.Ltmp0, $4  }
0x186: {  	[spmem:s15] =	stream.indirect.scatter.add.f32 [tilespmem:s14], [sflag:$0x5], $0x10, s30, s23, $0xb8;
	[tilespmem:$0x1C930] =	vst v63  }
0x187: {  	_ =	swait.ge [sflag:s20], $0x500  }
0x188: {  	[sflag:s20] =	ssyncset.done $0x0  }
0x189: {  	s2 =	sadd.s32 $0xA, s2;
	s1 =	sadd.s32 $0x50, s1;
	[sflag:s20] =	ssyncadd.s32 $0xFFFFFB00  }
0x18a: {  	[bflag:$0x0] =	sbarrier.arrive $0xFFFF;
	s21 =	simm.s32 $0x0;
	s10 =	simm.s32 $0x0  }
.LBB2_4:
0x18b: {  	s1 =	smul.u32 $0x50, s10  }
0x18c: {  	s2 =	rddreg [dreg:$0xa]  }
0x18d: {  	s1 =	sadd.s32 s1, s2  }
0x18e: {  	s2 =	sshrl.u32 s1, $0x3  }
0x18f: {  	s2 =	sadd.s32 s7, s2  }
0x190: {  	[tilespmem:s25], [sflag:$0x1] =	stream.strided.gather [hbm4b:s2+s23], $0xA0, s24, s23, $0x38;
	[tilespmem:$0x1C930] =	vst v63  }
0x191: {  	s8 =	rddreg [dreg:$0x5];
	s5 =	sadd.s32 s13, s1;
	s1 =	sshll.u32 s1, $0x4  }
0x192: {  	[tilespmem:s26], [sflag:$0x2] =	stream.linear.gather [hbm4b:s5+s21], $0x280, $0x38;
	[tilespmem:$0x1C930] =	vst v63  }
0x193: {  	s9 =	simm.s32 $0x1A130;
	s1 =	sadd.s32 s8, s1  }
0x194: {  	[tilespmem:s9], [sflag:$0x2] =	stream.linear.gather [hbm4b:s1+s21], $0x2800, $0x38;
	[tilespmem:$0x1C930] =	vst v63  }
0x195: {  	_ =	swait.ge [sflag:s28], $0xA0  }
0x196: {  	[sflag:s28] =	ssyncset.done $0x0  }
0x197: {  	[sflag:s28] =	ssyncadd.s32 $0xFFFFFF60  }
0x198: {  	[tilespmem:s29], [sflag:$0x3] =	stream.indirect.gather [hbm4b:s6+s23], $0x10, s25, s23, $0xb8;
	[tilespmem:$0x1C930] =	vst v63  }
0x199: {  	_ = 	snop  }
0x19a: {  	[tilespmem:s31], [sflag:$0x3] =	stream.indirect.gather [hbm4b:s6+s23], $0x10, s30, s23, $0xb8;
	[tilespmem:$0x1C930] =	vst v63  }
0x19b: {  	s11 =	rddreg [dreg:$0x1]  }
0x19c: {  	[tilespmem:s16], [sflag:$0x3] =	stream.indirect.gather [hbm4b:s11+s23], $0x80, s25, s23, $0xb8;
	[tilespmem:$0x1C930] =	vst v63  }
0x19d: {  	_ = 	snop  }
0x19e: {  	[tilespmem:s19], [sflag:$0x4] =	stream.indirect.gather [spmem:s15], $0x10, s30, s23, $0xb8;
	[tilespmem:$0x1C930] =	vst v63  }
0x19f: {  	_ =	swait.ge [sflag:s0], $0x500  }
0x1a0: {  	[sflag:s0] =	ssyncset.done $0x0  }
0x1a1: {  	[sflag:s0] =	ssyncadd.s32 $0xFFFFFB00  }
0x1a2: {  	_ =	swait.ge [sflag:s0], $0x500  }
0x1a3: {  	[sflag:s0] =	ssyncset.done $0x0  }
0x1a4: {  	[sflag:s0] =	ssyncadd.s32 $0xFFFFFB00  }
0x1a5: {  	_ =	swait.ge [sflag:s0], $0x2800  }
0x1a6: {  	[sflag:s0] =	ssyncset.done $0x0  }
0x1a7: {  	[sflag:s0] =	ssyncadd.s32 $0xFFFFD800  }
0x1a8: {  	_ =	swait.ge [sflag:s22], $0x500  }
0x1a9: {  	[sflag:s22] =	ssyncset.done $0x0  }
0x1aa: {  	[sflag:s22] =	ssyncadd.s32 $0xFFFFFB00  }
0x1ab: {  	_ =	swait.ge [sflag:s12], $0x280  }
0x1ac: {  	[sflag:s12] =	ssyncset.done $0x0  }
0x1ad: {  	[sflag:s12] =	ssyncadd.s32 $0xFFFFFD80  }
0x1ae: {  	_ =	swait.ge [sflag:s12], $0x2800  }
0x1af: {  	[sflag:s12] =	ssyncset.done $0x0  }
0x1b0: {  	[sflag:s12] =	ssyncadd.s32 $0xFFFFD800  }
0x1b1: {  	v61 =	vld.idx.msk [tilespmem:v0+s29+$0x0], $0xffff  }
0x1b2: {  	v62 =	vld.idx.msk [tilespmem:v3+s31+$0x0], $0xffff;
	_ =	sdelay $0x1  }
0x1b3: {  	v63 =	vld.idx.msk [tilespmem:v1+s26+$0x0], $0xffff;
	_ =	sdelay $0x2  }
0x1b4: {  	v61 =	vadd.f32 v62, v61;
	_ =	sdelay $0x1  }
0x1b5: {  	v61 =	vadd.f32 v63, v61  }
0x1b6: {  	v62 =	vld.idx.msk [tilespmem:v0+s19+$0x0], $0xffff  }
0x1b7: {  	v63 =	vmul.f32 $2.000000030e-01, v61  }
0x1b8: {  	vm0 =	vge.f32 v61, $0.0e+00  }
0x1b9: {  	v61 =	vsel vm0, v61, v63  }
0x1ba: {  	v61 =	vmul.f32 $1.442695020e+00, v61  }
0x1bb: {  	v62 =	vadd.f32 $9.999999710e-10, v62  }
0x1bc: {  	(erf) = vpow2.f32 v61  }
0x1bd: {  	(erf) = vrcp.f32 v62;
	_ =	sdelay $0x7  }
0x1be: {  	v61 =	vpop (erf)  }
0x1bf: {  	v62 =	vpop (erf)  }
0x1c0: {  	v61 =	vmul.f32 v61, v62;
	_ =	sdelay $0x1  }
0x1c1: {  	[tilespmem:v1+s17+$0x0] =	vst.idx.msk $0xffff, v61  }
0x1c2: {  	v61 =	vld.idx.msk [tilespmem:v4+s29+$0x0], $0xffff  }
0x1c3: {  	v62 =	vld.idx.msk [tilespmem:v5+s31+$0x0], $0xffff;
	_ =	sdelay $0x1  }
0x1c4: {  	v63 =	vld.idx.msk [tilespmem:v6+s26+$0x0], $0xffff;
	_ =	sdelay $0x2  }
0x1c5: {  	v61 =	vadd.f32 v62, v61;
	_ =	sdelay $0x1  }
0x1c6: {  	v61 =	vadd.f32 v63, v61  }
0x1c7: {  	v62 =	vld.idx.msk [tilespmem:v4+s19+$0x0], $0xffff  }
0x1c8: {  	v63 =	vmul.f32 $2.000000030e-01, v61  }
0x1c9: {  	vm9 =	vge.f32 v61, $0.0e+00  }
0x1ca: {  	v61 =	vsel vm9, v61, v63  }
0x1cb: {  	v61 =	vmul.f32 $1.442695020e+00, v61  }
0x1cc: {  	v62 =	vadd.f32 $9.999999710e-10, v62  }
0x1cd: {  	(erf) = vpow2.f32 v61  }
0x1ce: {  	(erf) = vrcp.f32 v62;
	_ =	sdelay $0x7  }
0x1cf: {  	v61 =	vpop (erf)  }
0x1d0: {  	v62 =	vpop (erf)  }
0x1d1: {  	v61 =	vmul.f32 v61, v62;
	_ =	sdelay $0x1  }
0x1d2: {  	[tilespmem:v6+s17+$0x0] =	vst.idx.msk $0xffff, v61  }
0x1d3: {  	v61 =	vld.idx.msk [tilespmem:v7+s29+$0x0], $0xffff  }
0x1d4: {  	v62 =	vld.idx.msk [tilespmem:v8+s31+$0x0], $0xffff;
	_ =	sdelay $0x1  }
0x1d5: {  	v63 =	vld.idx.msk [tilespmem:v9+s26+$0x0], $0xffff;
	_ =	sdelay $0x2  }
0x1d6: {  	v61 =	vadd.f32 v62, v61;
	_ =	sdelay $0x1  }
0x1d7: {  	v61 =	vadd.f32 v63, v61  }
0x1d8: {  	v62 =	vld.idx.msk [tilespmem:v7+s19+$0x0], $0xffff  }
0x1d9: {  	v63 =	vmul.f32 $2.000000030e-01, v61  }
0x1da: {  	vm10 =	vge.f32 v61, $0.0e+00  }
0x1db: {  	v61 =	vsel vm10, v61, v63  }
0x1dc: {  	v61 =	vmul.f32 $1.442695020e+00, v61  }
0x1dd: {  	v62 =	vadd.f32 $9.999999710e-10, v62  }
0x1de: {  	(erf) = vpow2.f32 v61  }
0x1df: {  	(erf) = vrcp.f32 v62;
	_ =	sdelay $0x7  }
0x1e0: {  	v61 =	vpop (erf)  }
0x1e1: {  	v62 =	vpop (erf)  }
0x1e2: {  	v61 =	vmul.f32 v61, v62;
	_ =	sdelay $0x1  }
0x1e3: {  	[tilespmem:v9+s17+$0x0] =	vst.idx.msk $0xffff, v61  }
0x1e4: {  	v61 =	vld.idx.msk [tilespmem:v10+s29+$0x0], $0xffff  }
0x1e5: {  	v62 =	vld.idx.msk [tilespmem:v11+s31+$0x0], $0xffff;
	_ =	sdelay $0x1  }
0x1e6: {  	v63 =	vld.idx.msk [tilespmem:v12+s26+$0x0], $0xffff;
	_ =	sdelay $0x2  }
0x1e7: {  	v61 =	vadd.f32 v62, v61;
	_ =	sdelay $0x1  }
0x1e8: {  	v61 =	vadd.f32 v63, v61  }
0x1e9: {  	v62 =	vld.idx.msk [tilespmem:v10+s19+$0x0], $0xffff  }
0x1ea: {  	v63 =	vmul.f32 $2.000000030e-01, v61  }
0x1eb: {  	vm11 =	vge.f32 v61, $0.0e+00  }
0x1ec: {  	v61 =	vsel vm11, v61, v63  }
0x1ed: {  	v61 =	vmul.f32 $1.442695020e+00, v61  }
0x1ee: {  	v62 =	vadd.f32 $9.999999710e-10, v62  }
0x1ef: {  	(erf) = vpow2.f32 v61  }
0x1f0: {  	(erf) = vrcp.f32 v62;
	_ =	sdelay $0x7  }
0x1f1: {  	v61 =	vpop (erf)  }
0x1f2: {  	v62 =	vpop (erf)  }
0x1f3: {  	v61 =	vmul.f32 v61, v62;
	_ =	sdelay $0x1  }
0x1f4: {  	[tilespmem:v12+s17+$0x0] =	vst.idx.msk $0xffff, v61  }
0x1f5: {  	v61 =	vld.idx.msk [tilespmem:v13+s29+$0x0], $0xffff  }
0x1f6: {  	v62 =	vld.idx.msk [tilespmem:v14+s31+$0x0], $0xffff;
	_ =	sdelay $0x1  }
0x1f7: {  	v63 =	vld.idx.msk [tilespmem:v15+s26+$0x0], $0xffff;
	_ =	sdelay $0x2  }
0x1f8: {  	v61 =	vadd.f32 v62, v61;
	_ =	sdelay $0x1  }
0x1f9: {  	v61 =	vadd.f32 v63, v61  }
0x1fa: {  	v62 =	vld.idx.msk [tilespmem:v13+s19+$0x0], $0xffff  }
0x1fb: {  	v63 =	vmul.f32 $2.000000030e-01, v61  }
0x1fc: {  	vm12 =	vge.f32 v61, $0.0e+00  }
0x1fd: {  	v61 =	vsel vm12, v61, v63  }
0x1fe: {  	v61 =	vmul.f32 $1.442695020e+00, v61  }
0x1ff: {  	v62 =	vadd.f32 $9.999999710e-10, v62  }
0x200: {  	(erf) = vpow2.f32 v61  }
0x201: {  	(erf) = vrcp.f32 v62;
	_ =	sdelay $0x7  }
0x202: {  	v61 =	vpop (erf)  }
0x203: {  	v62 =	vpop (erf)  }
0x204: {  	v61 =	vmul.f32 v61, v62;
	_ =	sdelay $0x1  }
0x205: {  	[tilespmem:v15+s17+$0x0] =	vst.idx.msk $0xffff, v61  }
0x206: {  	v61 =	vld.idx.msk [tilespmem:v16+s29+$0x0], $0xffff  }
0x207: {  	v62 =	vld.idx.msk [tilespmem:v17+s31+$0x0], $0xffff;
	_ =	sdelay $0x1  }
0x208: {  	v63 =	vld.idx.msk [tilespmem:v18+s26+$0x0], $0xffff;
	_ =	sdelay $0x2  }
0x209: {  	v61 =	vadd.f32 v62, v61;
	_ =	sdelay $0x1  }
0x20a: {  	v61 =	vadd.f32 v63, v61  }
0x20b: {  	v62 =	vld.idx.msk [tilespmem:v16+s19+$0x0], $0xffff  }
0x20c: {  	v63 =	vmul.f32 $2.000000030e-01, v61  }
0x20d: {  	vm13 =	vge.f32 v61, $0.0e+00  }
0x20e: {  	v61 =	vsel vm13, v61, v63  }
0x20f: {  	v61 =	vmul.f32 $1.442695020e+00, v61  }
0x210: {  	v62 =	vadd.f32 $9.999999710e-10, v62  }
0x211: {  	(erf) = vpow2.f32 v61  }
0x212: {  	(erf) = vrcp.f32 v62;
	_ =	sdelay $0x7  }
0x213: {  	v61 =	vpop (erf)  }
0x214: {  	v62 =	vpop (erf)  }
0x215: {  	v61 =	vmul.f32 v61, v62;
	_ =	sdelay $0x1  }
0x216: {  	[tilespmem:v18+s17+$0x0] =	vst.idx.msk $0xffff, v61  }
0x217: {  	v61 =	vld.idx.msk [tilespmem:v19+s29+$0x0], $0xffff  }
0x218: {  	v62 =	vld.idx.msk [tilespmem:v20+s31+$0x0], $0xffff;
	_ =	sdelay $0x1  }
0x219: {  	v63 =	vld.idx.msk [tilespmem:v21+s26+$0x0], $0xffff;
	_ =	sdelay $0x2  }
0x21a: {  	v61 =	vadd.f32 v62, v61;
	_ =	sdelay $0x1  }
0x21b: {  	v61 =	vadd.f32 v63, v61  }
0x21c: {  	v62 =	vld.idx.msk [tilespmem:v19+s19+$0x0], $0xffff  }
0x21d: {  	v63 =	vmul.f32 $2.000000030e-01, v61  }
0x21e: {  	vm14 =	vge.f32 v61, $0.0e+00  }
0x21f: {  	v61 =	vsel vm14, v61, v63  }
0x220: {  	v61 =	vmul.f32 $1.442695020e+00, v61  }
0x221: {  	v62 =	vadd.f32 $9.999999710e-10, v62  }
0x222: {  	(erf) = vpow2.f32 v61  }
0x223: {  	(erf) = vrcp.f32 v62;
	_ =	sdelay $0x7  }
0x224: {  	v61 =	vpop (erf)  }
0x225: {  	v62 =	vpop (erf)  }
0x226: {  	v61 =	vmul.f32 v61, v62;
	_ =	sdelay $0x1  }
0x227: {  	[tilespmem:v21+s17+$0x0] =	vst.idx.msk $0xffff, v61  }
0x228: {  	v61 =	vld.idx.msk [tilespmem:v22+s29+$0x0], $0xffff  }
0x229: {  	v62 =	vld.idx.msk [tilespmem:v23+s31+$0x0], $0xffff;
	_ =	sdelay $0x1  }
0x22a: {  	v63 =	vld.idx.msk [tilespmem:v24+s26+$0x0], $0xffff;
	_ =	sdelay $0x2  }
0x22b: {  	v61 =	vadd.f32 v62, v61;
	_ =	sdelay $0x1  }
0x22c: {  	v61 =	vadd.f32 v63, v61  }
0x22d: {  	v62 =	vld.idx.msk [tilespmem:v22+s19+$0x0], $0xffff  }
0x22e: {  	v63 =	vmul.f32 $2.000000030e-01, v61  }
0x22f: {  	vm15 =	vge.f32 v61, $0.0e+00  }
0x230: {  	v61 =	vsel vm15, v61, v63  }
0x231: {  	v61 =	vmul.f32 $1.442695020e+00, v61  }
0x232: {  	v62 =	vadd.f32 $9.999999710e-10, v62  }
0x233: {  	(erf) = vpow2.f32 v61  }
0x234: {  	(erf) = vrcp.f32 v62;
	_ =	sdelay $0x7  }
0x235: {  	v61 =	vpop (erf)  }
0x236: {  	v62 =	vpop (erf)  }
0x237: {  	v61 =	vmul.f32 v61, v62;
	_ =	sdelay $0x1  }
0x238: {  	[tilespmem:v24+s17+$0x0] =	vst.idx.msk $0xffff, v61  }
0x239: {  	v61 =	vld.idx.msk [tilespmem:v25+s29+$0x0], $0xffff  }
0x23a: {  	v62 =	vld.idx.msk [tilespmem:v26+s31+$0x0], $0xffff;
	_ =	sdelay $0x1  }
0x23b: {  	v63 =	vld.idx.msk [tilespmem:v27+s26+$0x0], $0xffff;
	_ =	sdelay $0x2  }
0x23c: {  	v61 =	vadd.f32 v62, v61;
	_ =	sdelay $0x1  }
0x23d: {  	v61 =	vadd.f32 v63, v61  }
0x23e: {  	v62 =	vld.idx.msk [tilespmem:v25+s19+$0x0], $0xffff  }
0x23f: {  	v63 =	vmul.f32 $2.000000030e-01, v61  }
0x240: {  	vm4 =	vge.f32 v61, $0.0e+00  }
0x241: {  	v61 =	vsel vm4, v61, v63  }
0x242: {  	v61 =	vmul.f32 $1.442695020e+00, v61  }
0x243: {  	v62 =	vadd.f32 $9.999999710e-10, v62  }
0x244: {  	(erf) = vpow2.f32 v61  }
0x245: {  	(erf) = vrcp.f32 v62;
	_ =	sdelay $0x7  }
0x246: {  	v61 =	vpop (erf)  }
0x247: {  	v62 =	vpop (erf)  }
0x248: {  	v61 =	vmul.f32 v61, v62;
	_ =	sdelay $0x1  }
0x249: {  	[tilespmem:v27+s17+$0x0] =	vst.idx.msk $0xffff, v61  }
0x24a: {  	v61 =	vld.idx.msk [tilespmem:v28+s29+$0x0], $0xffff  }
0x24b: {  	v62 =	vld.idx.msk [tilespmem:v29+s31+$0x0], $0xffff;
	_ =	sdelay $0x1  }
0x24c: {  	v63 =	vld.idx.msk [tilespmem:v30+s26+$0x0], $0xffff;
	_ =	sdelay $0x2  }
0x24d: {  	v61 =	vadd.f32 v62, v61;
	_ =	sdelay $0x1  }
0x24e: {  	v61 =	vadd.f32 v63, v61  }
0x24f: {  	v62 =	vld.idx.msk [tilespmem:v28+s19+$0x0], $0xffff  }
0x250: {  	v63 =	vmul.f32 $2.000000030e-01, v61  }
0x251: {  	vm5 =	vge.f32 v61, $0.0e+00  }
0x252: {  	v61 =	vsel vm5, v61, v63  }
0x253: {  	v61 =	vmul.f32 $1.442695020e+00, v61  }
0x254: {  	v62 =	vadd.f32 $9.999999710e-10, v62  }
0x255: {  	(erf) = vpow2.f32 v61  }
0x256: {  	(erf) = vrcp.f32 v62;
	_ =	sdelay $0x7  }
0x257: {  	v61 =	vpop (erf)  }
0x258: {  	v62 =	vpop (erf)  }
0x259: {  	v61 =	vmul.f32 v61, v62;
	_ =	sdelay $0x1  }
0x25a: {  	[tilespmem:v30+s17+$0x0] =	vst.idx.msk $0xffff, v61  }
0x25b: {  	v61 =	vld.idx.msk [tilespmem:v31+s29+$0x0], $0xffff  }
0x25c: {  	v62 =	vld.idx.msk [tilespmem:v32+s31+$0x0], $0xffff;
	_ =	sdelay $0x1  }
0x25d: {  	v63 =	vld.idx.msk [tilespmem:v33+s26+$0x0], $0xffff;
	_ =	sdelay $0x2  }
0x25e: {  	v61 =	vadd.f32 v62, v61;
	_ =	sdelay $0x1  }
0x25f: {  	v61 =	vadd.f32 v63, v61  }
0x260: {  	v62 =	vld.idx.msk [tilespmem:v31+s19+$0x0], $0xffff  }
0x261: {  	v63 =	vmul.f32 $2.000000030e-01, v61  }
0x262: {  	vm6 =	vge.f32 v61, $0.0e+00  }
0x263: {  	v61 =	vsel vm6, v61, v63  }
0x264: {  	v61 =	vmul.f32 $1.442695020e+00, v61  }
0x265: {  	v62 =	vadd.f32 $9.999999710e-10, v62  }
0x266: {  	(erf) = vpow2.f32 v61  }
0x267: {  	(erf) = vrcp.f32 v62;
	_ =	sdelay $0x7  }
0x268: {  	v61 =	vpop (erf)  }
0x269: {  	v62 =	vpop (erf)  }
0x26a: {  	v61 =	vmul.f32 v61, v62;
	_ =	sdelay $0x1  }
0x26b: {  	[tilespmem:v33+s17+$0x0] =	vst.idx.msk $0xffff, v61  }
0x26c: {  	v61 =	vld.idx.msk [tilespmem:v34+s29+$0x0], $0xffff  }
0x26d: {  	v62 =	vld.idx.msk [tilespmem:v35+s31+$0x0], $0xffff;
	_ =	sdelay $0x1  }
0x26e: {  	v63 =	vld.idx.msk [tilespmem:v36+s26+$0x0], $0xffff;
	_ =	sdelay $0x2  }
0x26f: {  	v61 =	vadd.f32 v62, v61;
	_ =	sdelay $0x1  }
0x270: {  	v61 =	vadd.f32 v63, v61  }
0x271: {  	v62 =	vld.idx.msk [tilespmem:v34+s19+$0x0], $0xffff  }
0x272: {  	v63 =	vmul.f32 $2.000000030e-01, v61  }
0x273: {  	vm7 =	vge.f32 v61, $0.0e+00  }
0x274: {  	v61 =	vsel vm7, v61, v63  }
0x275: {  	v61 =	vmul.f32 $1.442695020e+00, v61  }
0x276: {  	v62 =	vadd.f32 $9.999999710e-10, v62  }
0x277: {  	(erf) = vpow2.f32 v61  }
0x278: {  	(erf) = vrcp.f32 v62;
	_ =	sdelay $0x7  }
0x279: {  	v61 =	vpop (erf)  }
0x27a: {  	v62 =	vpop (erf)  }
0x27b: {  	v61 =	vmul.f32 v61, v62;
	_ =	sdelay $0x1  }
0x27c: {  	[tilespmem:v36+s17+$0x0] =	vst.idx.msk $0xffff, v61  }
0x27d: {  	v61 =	vld.idx.msk [tilespmem:v37+s29+$0x0], $0xffff  }
0x27e: {  	v62 =	vld.idx.msk [tilespmem:v38+s31+$0x0], $0xffff;
	_ =	sdelay $0x1  }
0x27f: {  	v63 =	vld.idx.msk [tilespmem:v39+s26+$0x0], $0xffff;
	_ =	sdelay $0x2  }
0x280: {  	v61 =	vadd.f32 v62, v61;
	_ =	sdelay $0x1  }
0x281: {  	v61 =	vadd.f32 v63, v61  }
0x282: {  	v62 =	vld.idx.msk [tilespmem:v37+s19+$0x0], $0xffff  }
0x283: {  	v63 =	vmul.f32 $2.000000030e-01, v61  }
0x284: {  	vm8 =	vge.f32 v61, $0.0e+00  }
0x285: {  	v61 =	vsel vm8, v61, v63  }
0x286: {  	v61 =	vmul.f32 $1.442695020e+00, v61  }
0x287: {  	v62 =	vadd.f32 $9.999999710e-10, v62  }
0x288: {  	(erf) = vpow2.f32 v61  }
0x289: {  	(erf) = vrcp.f32 v62;
	_ =	sdelay $0x7  }
0x28a: {  	v61 =	vpop (erf)  }
0x28b: {  	v62 =	vpop (erf)  }
0x28c: {  	v61 =	vmul.f32 v61, v62;
	_ =	sdelay $0x1  }
0x28d: {  	[tilespmem:v39+s17+$0x0] =	vst.idx.msk $0xffff, v61  }
0x28e: {  	v61 =	vld.idx.msk [tilespmem:v40+s29+$0x0], $0xffff  }
0x28f: {  	v62 =	vld.idx.msk [tilespmem:v41+s31+$0x0], $0xffff;
	_ =	sdelay $0x1  }
0x290: {  	v63 =	vld.idx.msk [tilespmem:v42+s26+$0x0], $0xffff;
	_ =	sdelay $0x2  }
0x291: {  	v61 =	vadd.f32 v62, v61;
	_ =	sdelay $0x1  }
0x292: {  	v61 =	vadd.f32 v63, v61  }
0x293: {  	v62 =	vld.idx.msk [tilespmem:v40+s19+$0x0], $0xffff  }
0x294: {  	v63 =	vmul.f32 $2.000000030e-01, v61  }
0x295: {  	vm9 =	vge.f32 v61, $0.0e+00  }
0x296: {  	v61 =	vsel vm9, v61, v63  }
0x297: {  	v61 =	vmul.f32 $1.442695020e+00, v61  }
0x298: {  	v62 =	vadd.f32 $9.999999710e-10, v62  }
0x299: {  	(erf) = vpow2.f32 v61  }
0x29a: {  	(erf) = vrcp.f32 v62;
	_ =	sdelay $0x7  }
0x29b: {  	v61 =	vpop (erf)  }
0x29c: {  	v62 =	vpop (erf)  }
0x29d: {  	v61 =	vmul.f32 v61, v62;
	_ =	sdelay $0x1  }
0x29e: {  	[tilespmem:v42+s17+$0x0] =	vst.idx.msk $0xffff, v61  }
0x29f: {  	v61 =	vld.idx.msk [tilespmem:v43+s29+$0x0], $0xffff  }
0x2a0: {  	v62 =	vld.idx.msk [tilespmem:v44+s31+$0x0], $0xffff;
	_ =	sdelay $0x1  }
0x2a1: {  	v63 =	vld.idx.msk [tilespmem:v45+s26+$0x0], $0xffff;
	_ =	sdelay $0x2  }
0x2a2: {  	v61 =	vadd.f32 v62, v61;
	_ =	sdelay $0x1  }
0x2a3: {  	v61 =	vadd.f32 v63, v61  }
0x2a4: {  	v62 =	vld.idx.msk [tilespmem:v43+s19+$0x0], $0xffff  }
0x2a5: {  	v63 =	vmul.f32 $2.000000030e-01, v61  }
0x2a6: {  	vm10 =	vge.f32 v61, $0.0e+00  }
0x2a7: {  	v61 =	vsel vm10, v61, v63  }
0x2a8: {  	v61 =	vmul.f32 $1.442695020e+00, v61  }
0x2a9: {  	v62 =	vadd.f32 $9.999999710e-10, v62  }
0x2aa: {  	(erf) = vpow2.f32 v61  }
0x2ab: {  	(erf) = vrcp.f32 v62;
	_ =	sdelay $0x7  }
0x2ac: {  	v61 =	vpop (erf)  }
0x2ad: {  	v62 =	vpop (erf)  }
0x2ae: {  	v61 =	vmul.f32 v61, v62;
	_ =	sdelay $0x1  }
0x2af: {  	[tilespmem:v45+s17+$0x0] =	vst.idx.msk $0xffff, v61  }
0x2b0: {  	v61 =	vld.idx.msk [tilespmem:v46+s29+$0x0], $0xffff  }
0x2b1: {  	v62 =	vld.idx.msk [tilespmem:v47+s31+$0x0], $0xffff;
	_ =	sdelay $0x1  }
0x2b2: {  	v63 =	vld.idx.msk [tilespmem:v48+s26+$0x0], $0xffff;
	_ =	sdelay $0x2  }
0x2b3: {  	v61 =	vadd.f32 v62, v61;
	_ =	sdelay $0x1  }
0x2b4: {  	v61 =	vadd.f32 v63, v61  }
0x2b5: {  	v62 =	vld.idx.msk [tilespmem:v46+s19+$0x0], $0xffff  }
0x2b6: {  	v63 =	vmul.f32 $2.000000030e-01, v61  }
0x2b7: {  	vm11 =	vge.f32 v61, $0.0e+00  }
0x2b8: {  	v61 =	vsel vm11, v61, v63  }
0x2b9: {  	v61 =	vmul.f32 $1.442695020e+00, v61  }
0x2ba: {  	v62 =	vadd.f32 $9.999999710e-10, v62  }
0x2bb: {  	(erf) = vpow2.f32 v61  }
0x2bc: {  	(erf) = vrcp.f32 v62;
	_ =	sdelay $0x7  }
0x2bd: {  	v61 =	vpop (erf)  }
0x2be: {  	v62 =	vpop (erf)  }
0x2bf: {  	v61 =	vmul.f32 v61, v62;
	_ =	sdelay $0x1  }
0x2c0: {  	[tilespmem:v48+s17+$0x0] =	vst.idx.msk $0xffff, v61  }
0x2c1: {  	v61 =	vld.idx.msk [tilespmem:v49+s29+$0x0], $0xffff  }
0x2c2: {  	v62 =	vld.idx.msk [tilespmem:v50+s31+$0x0], $0xffff;
	_ =	sdelay $0x1  }
0x2c3: {  	v63 =	vld.idx.msk [tilespmem:v51+s26+$0x0], $0xffff;
	_ =	sdelay $0x2  }
0x2c4: {  	v61 =	vadd.f32 v62, v61;
	_ =	sdelay $0x1  }
0x2c5: {  	v61 =	vadd.f32 v63, v61  }
0x2c6: {  	v62 =	vld.idx.msk [tilespmem:v49+s19+$0x0], $0xffff  }
0x2c7: {  	v63 =	vmul.f32 $2.000000030e-01, v61  }
0x2c8: {  	vm12 =	vge.f32 v61, $0.0e+00  }
0x2c9: {  	v61 =	vsel vm12, v61, v63  }
0x2ca: {  	v61 =	vmul.f32 $1.442695020e+00, v61  }
0x2cb: {  	v62 =	vadd.f32 $9.999999710e-10, v62  }
0x2cc: {  	(erf) = vpow2.f32 v61  }
0x2cd: {  	(erf) = vrcp.f32 v62;
	_ =	sdelay $0x7  }
0x2ce: {  	v61 =	vpop (erf)  }
0x2cf: {  	v62 =	vpop (erf)  }
0x2d0: {  	v61 =	vmul.f32 v61, v62;
	_ =	sdelay $0x1  }
0x2d1: {  	[tilespmem:v51+s17+$0x0] =	vst.idx.msk $0xffff, v61  }
0x2d2: {  	v61 =	vld.idx.msk [tilespmem:v52+s29+$0x0], $0xffff  }
0x2d3: {  	v62 =	vld.idx.msk [tilespmem:v53+s31+$0x0], $0xffff;
	_ =	sdelay $0x1  }
0x2d4: {  	v63 =	vld.idx.msk [tilespmem:v54+s26+$0x0], $0xffff;
	_ =	sdelay $0x2  }
0x2d5: {  	v61 =	vadd.f32 v62, v61;
	_ =	sdelay $0x1  }
0x2d6: {  	v61 =	vadd.f32 v63, v61  }
0x2d7: {  	v62 =	vld.idx.msk [tilespmem:v52+s19+$0x0], $0xffff  }
0x2d8: {  	v63 =	vmul.f32 $2.000000030e-01, v61  }
0x2d9: {  	vm13 =	vge.f32 v61, $0.0e+00  }
0x2da: {  	v61 =	vsel vm13, v61, v63  }
0x2db: {  	v61 =	vmul.f32 $1.442695020e+00, v61  }
0x2dc: {  	v62 =	vadd.f32 $9.999999710e-10, v62  }
0x2dd: {  	(erf) = vpow2.f32 v61  }
0x2de: {  	(erf) = vrcp.f32 v62;
	_ =	sdelay $0x7  }
0x2df: {  	v61 =	vpop (erf)  }
0x2e0: {  	v62 =	vpop (erf)  }
0x2e1: {  	v61 =	vmul.f32 v61, v62;
	_ =	sdelay $0x1  }
0x2e2: {  	[tilespmem:v54+s17+$0x0] =	vst.idx.msk $0xffff, v61  }
0x2e3: {  	v61 =	vld.idx.msk [tilespmem:v55+s29+$0x0], $0xffff  }
0x2e4: {  	v62 =	vld.idx.msk [tilespmem:v56+s31+$0x0], $0xffff;
	_ =	sdelay $0x1  }
0x2e5: {  	v63 =	vld.idx.msk [tilespmem:v57+s26+$0x0], $0xffff;
	_ =	sdelay $0x2  }
0x2e6: {  	v61 =	vadd.f32 v62, v61;
	_ =	sdelay $0x1  }
0x2e7: {  	v61 =	vadd.f32 v63, v61  }
0x2e8: {  	v62 =	vld.idx.msk [tilespmem:v55+s19+$0x0], $0xffff  }
0x2e9: {  	v63 =	vmul.f32 $2.000000030e-01, v61  }
0x2ea: {  	vm14 =	vge.f32 v61, $0.0e+00  }
0x2eb: {  	v61 =	vsel vm14, v61, v63  }
0x2ec: {  	v61 =	vmul.f32 $1.442695020e+00, v61  }
0x2ed: {  	v62 =	vadd.f32 $9.999999710e-10, v62  }
0x2ee: {  	(erf) = vpow2.f32 v61  }
0x2ef: {  	(erf) = vrcp.f32 v62;
	_ =	sdelay $0x7  }
0x2f0: {  	v61 =	vpop (erf)  }
0x2f1: {  	v62 =	vpop (erf)  }
0x2f2: {  	v61 =	vmul.f32 v61, v62;
	_ =	sdelay $0x1  }
0x2f3: {  	[tilespmem:v57+s17+$0x0] =	vst.idx.msk $0xffff, v61  }
0x2f4: {  	v61 =	vld.idx.msk [tilespmem:v58+s29+$0x0], $0xffff  }
0x2f5: {  	v62 =	vld.idx.msk [tilespmem:v59+s31+$0x0], $0xffff;
	_ =	sdelay $0x1  }
0x2f6: {  	v63 =	vld.idx.msk [tilespmem:v60+s26+$0x0], $0xffff;
	_ =	sdelay $0x2  }
0x2f7: {  	v61 =	vadd.f32 v62, v61;
	_ =	sdelay $0x1  }
0x2f8: {  	v61 =	vadd.f32 v63, v61  }
0x2f9: {  	v62 =	vld.idx.msk [tilespmem:v58+s19+$0x0], $0xffff  }
0x2fa: {  	v63 =	vmul.f32 $2.000000030e-01, v61  }
0x2fb: {  	vm15 =	vge.f32 v61, $0.0e+00  }
0x2fc: {  	v61 =	vsel vm15, v61, v63  }
0x2fd: {  	v61 =	vmul.f32 $1.442695020e+00, v61  }
0x2fe: {  	v62 =	vadd.f32 $9.999999710e-10, v62  }
0x2ff: {  	(erf) = vpow2.f32 v61  }
0x300: {  	(erf) = vrcp.f32 v62;
	_ =	sdelay $0x7  }
0x301: {  	v61 =	vpop (erf)  }
0x302: {  	v62 =	vpop (erf)  }
0x303: {  	s2 =	simm.s32 $0x0;
	v61 =	vmul.f32 v61, v62  }
0x304: {  	v62 =	vmov s2  }
0x305: {  	s9 =	simm.s32 $0x17A30;
	[tilespmem:v60+s17+$0x0] =	vst.idx.msk $0xffff, v61  }
0x306: {  	s11 =	simm.s32 $0x1A230;
	v61 =	vld [tilespmem:s9+$0xFFFFFF00]  }
0x307: {  	v63 =	vld [tilespmem:s11+$0xFFFFFF00];
	_ =	sdelay $0x1  }
0x308: {  	v2 =	vld.idx.msk [tilespmem:v62+s17+$0x0], $0xffff;
	_ =	sdelay $0x2  }
0x309: {  	v61 =	vadd.f32 v63, v61;
	_ =	sdelay $0x1  }
0x30a: {  	v61 =	vmul.f32 v61, v2;
	_ =	sdelay $0x1  }
0x30b: {  	[tilespmem:s9+$0xFFFFFF00] =	vst v61;
	v61 =	vld [tilespmem:s9+$0xFFFFFF10]  }
0x30c: {  	v63 =	vld [tilespmem:s11+$0xFFFFFF10];
	_ =	sdelay $0x4  }
0x30d: {  	v61 =	vadd.f32 v63, v61;
	_ =	sdelay $0x1  }
0x30e: {  	v2 =	vmul.f32 v61, v2;
	v61 =	vor.u32 $0x1, v62;
	_ =	sdelay $0x1  }
0x30f: {  	[tilespmem:s9+$0xFFFFFF10] =	vst v2;
	v2 =	vld [tilespmem:s9+$0xFFFFFF20]  }
0x310: {  	v63 =	vld [tilespmem:s11+$0xFFFFFF20];
	_ =	sdelay $0x1  }
0x311: {  	v61 =	vld.idx.msk [tilespmem:v61+s17+$0x0], $0xffff;
	_ =	sdelay $0x2  }
0x312: {  	v2 =	vadd.f32 v63, v2;
	_ =	sdelay $0x1  }
0x313: {  	v2 =	vmul.f32 v2, v61;
	_ =	sdelay $0x1  }
0x314: {  	[tilespmem:s9+$0xFFFFFF20] =	vst v2;
	v2 =	vld [tilespmem:s9+$0xFFFFFF30]  }
0x315: {  	v63 =	vld [tilespmem:s11+$0xFFFFFF30];
	_ =	sdelay $0x4  }
0x316: {  	v2 =	vadd.f32 v63, v2;
	_ =	sdelay $0x1  }
0x317: {  	v2 =	vmul.f32 v2, v61;
	v61 =	vor.u32 $0x2, v62;
	_ =	sdelay $0x1  }
0x318: {  	[tilespmem:s9+$0xFFFFFF30] =	vst v2;
	v2 =	vld [tilespmem:s9+$0xFFFFFF40]  }
0x319: {  	v63 =	vld [tilespmem:s11+$0xFFFFFF40];
	_ =	sdelay $0x1  }
0x31a: {  	v61 =	vld.idx.msk [tilespmem:v61+s17+$0x0], $0xffff;
	_ =	sdelay $0x2  }
0x31b: {  	v2 =	vadd.f32 v63, v2;
	_ =	sdelay $0x1  }
0x31c: {  	v2 =	vmul.f32 v2, v61;
	_ =	sdelay $0x1  }
0x31d: {  	[tilespmem:s9+$0xFFFFFF40] =	vst v2;
	v2 =	vld [tilespmem:s9+$0xFFFFFF50]  }
0x31e: {  	v63 =	vld [tilespmem:s11+$0xFFFFFF50];
	_ =	sdelay $0x4  }
0x31f: {  	v2 =	vadd.f32 v63, v2;
	_ =	sdelay $0x1  }
0x320: {  	v2 =	vmul.f32 v2, v61;
	v61 =	vor.u32 $0x3, v62;
	_ =	sdelay $0x1  }
0x321: {  	[tilespmem:s9+$0xFFFFFF50] =	vst v2;
	v2 =	vld [tilespmem:s9+$0xFFFFFF60]  }
0x322: {  	v62 =	vld [tilespmem:s11+$0xFFFFFF60];
	_ =	sdelay $0x1  }
0x323: {  	v61 =	vld.idx.msk [tilespmem:v61+s17+$0x0], $0xffff;
	_ =	sdelay $0x2  }
0x324: {  	v2 =	vadd.f32 v62, v2;
	_ =	sdelay $0x1  }
0x325: {  	v2 =	vmul.f32 v2, v61;
	_ =	sdelay $0x1  }
0x326: {  	[tilespmem:s9+$0xFFFFFF60] =	vst v2;
	v2 =	vld [tilespmem:s9+$0xFFFFFF70]  }
0x327: {  	v62 =	vld [tilespmem:s11+$0xFFFFFF70];
	_ =	sdelay $0x4  }
0x328: {  	v2 =	vadd.f32 v62, v2  }
0x329: {  	s3 =	simm.s32 $0x8  }
0x32a: {  	v2 =	vmul.f32 v2, v61;
	v61 =	vmov s3;
	_ =	sdelay $0x1  }
0x32b: {  	[tilespmem:s9+$0xFFFFFF70] =	vst v2;
	v2 =	vld [tilespmem:s9+$0xFFFFFF80]  }
0x32c: {  	v62 =	vld [tilespmem:s11+$0xFFFFFF80];
	_ =	sdelay $0x1  }
0x32d: {  	v63 =	vld.idx.msk [tilespmem:v61+s17+$0x0], $0xffff;
	_ =	sdelay $0x2  }
0x32e: {  	v2 =	vadd.f32 v62, v2;
	_ =	sdelay $0x1  }
0x32f: {  	v2 =	vmul.f32 v2, v63;
	_ =	sdelay $0x1  }
0x330: {  	[tilespmem:s9+$0xFFFFFF80] =	vst v2;
	v2 =	vld [tilespmem:s9+$0xFFFFFF90]  }
0x331: {  	v62 =	vld [tilespmem:s11+$0xFFFFFF90];
	_ =	sdelay $0x4  }
0x332: {  	v2 =	vadd.f32 v62, v2;
	_ =	sdelay $0x1  }
0x333: {  	v62 =	vor.u32 $0x1, v61;
	v2 =	vmul.f32 v2, v63;
	_ =	sdelay $0x1  }
0x334: {  	[tilespmem:s9+$0xFFFFFF90] =	vst v2;
	v2 =	vld [tilespmem:s9+$0xFFFFFFA0]  }
0x335: {  	v63 =	vld [tilespmem:s11+$0xFFFFFFA0];
	_ =	sdelay $0x1  }
0x336: {  	v62 =	vld.idx.msk [tilespmem:v62+s17+$0x0], $0xffff;
	_ =	sdelay $0x2  }
0x337: {  	v2 =	vadd.f32 v63, v2;
	_ =	sdelay $0x1  }
0x338: {  	v2 =	vmul.f32 v2, v62;
	_ =	sdelay $0x1  }
0x339: {  	[tilespmem:s9+$0xFFFFFFA0] =	vst v2;
	v2 =	vld [tilespmem:s9+$0xFFFFFFB0]  }
0x33a: {  	v63 =	vld [tilespmem:s11+$0xFFFFFFB0];
	_ =	sdelay $0x4  }
0x33b: {  	v2 =	vadd.f32 v63, v2;
	_ =	sdelay $0x1  }
0x33c: {  	v2 =	vmul.f32 v2, v62;
	v62 =	vor.u32 $0x2, v61;
	_ =	sdelay $0x1  }
0x33d: {  	[tilespmem:s9+$0xFFFFFFB0] =	vst v2;
	v2 =	vld [tilespmem:s9+$0xFFFFFFC0]  }
0x33e: {  	v63 =	vld [tilespmem:s11+$0xFFFFFFC0];
	_ =	sdelay $0x1  }
0x33f: {  	v62 =	vld.idx.msk [tilespmem:v62+s17+$0x0], $0xffff;
	_ =	sdelay $0x2  }
0x340: {  	v2 =	vadd.f32 v63, v2;
	_ =	sdelay $0x1  }
0x341: {  	v2 =	vmul.f32 v2, v62;
	_ =	sdelay $0x1  }
0x342: {  	[tilespmem:s9+$0xFFFFFFC0] =	vst v2;
	v2 =	vld [tilespmem:s9+$0xFFFFFFD0]  }
0x343: {  	v63 =	vld [tilespmem:s11+$0xFFFFFFD0];
	_ =	sdelay $0x4  }
0x344: {  	v2 =	vadd.f32 v63, v2;
	_ =	sdelay $0x1  }
0x345: {  	v61 =	vor.u32 $0x3, v61;
	v2 =	vmul.f32 v2, v62;
	_ =	sdelay $0x1  }
0x346: {  	[tilespmem:s9+$0xFFFFFFD0] =	vst v2;
	v2 =	vld [tilespmem:s9+$0xFFFFFFE0]  }
0x347: {  	v62 =	vld [tilespmem:s11+$0xFFFFFFE0];
	_ =	sdelay $0x1  }
0x348: {  	v61 =	vld.idx.msk [tilespmem:v61+s17+$0x0], $0xffff;
	_ =	sdelay $0x2  }
0x349: {  	v2 =	vadd.f32 v62, v2;
	_ =	sdelay $0x1  }
0x34a: {  	v2 =	vmul.f32 v2, v61;
	_ =	sdelay $0x1  }
0x34b: {  	[tilespmem:s9+$0xFFFFFFE0] =	vst v2;
	v2 =	vld [tilespmem:s9+$0xFFFFFFF0]  }
0x34c: {  	v62 =	vld [tilespmem:s11+$0xFFFFFFF0];
	_ =	sdelay $0x4  }
0x34d: {  	v2 =	vadd.f32 v62, v2  }
0x34e: {  	s4 =	simm.s32 $0x10  }
0x34f: {  	v2 =	vmul.f32 v2, v61;
	v61 =	vmov s4;
	_ =	sdelay $0x1  }
0x350: {  	[tilespmem:s9+$0xFFFFFFF0] =	vst v2;
	v2 =	vld [tilespmem:s9+$0x0]  }
0x351: {  	v62 =	vld [tilespmem:s11+$0x0];
	_ =	sdelay $0x1  }
0x352: {  	v63 =	vld.idx.msk [tilespmem:v61+s17+$0x0], $0xffff;
	_ =	sdelay $0x2  }
0x353: {  	v2 =	vadd.f32 v62, v2;
	_ =	sdelay $0x1  }
0x354: {  	v2 =	vmul.f32 v2, v63;
	_ =	sdelay $0x1  }
0x355: {  	[tilespmem:s9+$0x0] =	vst v2;
	v2 =	vld [tilespmem:s9+$0x10]  }
0x356: {  	v62 =	vld [tilespmem:s11+$0x10];
	_ =	sdelay $0x4  }
0x357: {  	v2 =	vadd.f32 v62, v2;
	_ =	sdelay $0x1  }
0x358: {  	v62 =	vor.u32 $0x1, v61;
	v2 =	vmul.f32 v2, v63;
	_ =	sdelay $0x1  }
0x359: {  	[tilespmem:s9+$0x10] =	vst v2;
	v2 =	vld [tilespmem:s9+$0x20]  }
0x35a: {  	v63 =	vld [tilespmem:s11+$0x20];
	_ =	sdelay $0x1  }
0x35b: {  	v62 =	vld.idx.msk [tilespmem:v62+s17+$0x0], $0xffff;
	_ =	sdelay $0x2  }
0x35c: {  	v2 =	vadd.f32 v63, v2;
	_ =	sdelay $0x1  }
0x35d: {  	v2 =	vmul.f32 v2, v62;
	_ =	sdelay $0x1  }
0x35e: {  	[tilespmem:s9+$0x20] =	vst v2;
	v2 =	vld [tilespmem:s9+$0x30]  }
0x35f: {  	v63 =	vld [tilespmem:s11+$0x30];
	_ =	sdelay $0x4  }
0x360: {  	v2 =	vadd.f32 v63, v2;
	_ =	sdelay $0x1  }
0x361: {  	v2 =	vmul.f32 v2, v62;
	v62 =	vor.u32 $0x2, v61;
	_ =	sdelay $0x1  }
0x362: {  	[tilespmem:s9+$0x30] =	vst v2;
	v2 =	vld [tilespmem:s9+$0x40]  }
0x363: {  	v63 =	vld [tilespmem:s11+$0x40];
	_ =	sdelay $0x1  }
0x364: {  	v62 =	vld.idx.msk [tilespmem:v62+s17+$0x0], $0xffff;
	_ =	sdelay $0x2  }
0x365: {  	v2 =	vadd.f32 v63, v2;
	_ =	sdelay $0x1  }
0x366: {  	v2 =	vmul.f32 v2, v62;
	_ =	sdelay $0x1  }
0x367: {  	[tilespmem:s9+$0x40] =	vst v2;
	v2 =	vld [tilespmem:s9+$0x50]  }
0x368: {  	v63 =	vld [tilespmem:s11+$0x50];
	_ =	sdelay $0x4  }
0x369: {  	v2 =	vadd.f32 v63, v2;
	_ =	sdelay $0x1  }
0x36a: {  	v61 =	vor.u32 $0x3, v61;
	v2 =	vmul.f32 v2, v62;
	_ =	sdelay $0x1  }
0x36b: {  	[tilespmem:s9+$0x50] =	vst v2;
	v2 =	vld [tilespmem:s9+$0x60]  }
0x36c: {  	v62 =	vld [tilespmem:s11+$0x60];
	_ =	sdelay $0x1  }
0x36d: {  	v61 =	vld.idx.msk [tilespmem:v61+s17+$0x0], $0xffff;
	_ =	sdelay $0x2  }
0x36e: {  	v2 =	vadd.f32 v62, v2;
	_ =	sdelay $0x1  }
0x36f: {  	v2 =	vmul.f32 v2, v61;
	_ =	sdelay $0x1  }
0x370: {  	[tilespmem:s9+$0x60] =	vst v2;
	v2 =	vld [tilespmem:s9+$0x70]  }
0x371: {  	v62 =	vld [tilespmem:s11+$0x70];
	_ =	sdelay $0x4  }
0x372: {  	v2 =	vadd.f32 v62, v2  }
0x373: {  	s5 =	simm.s32 $0x18  }
0x374: {  	v2 =	vmul.f32 v2, v61;
	v61 =	vmov s5;
	_ =	sdelay $0x1  }
0x375: {  	[tilespmem:s9+$0x70] =	vst v2;
	v2 =	vld [tilespmem:s9+$0x80]  }
0x376: {  	v62 =	vld [tilespmem:s11+$0x80];
	_ =	sdelay $0x1  }
0x377: {  	v63 =	vld.idx.msk [tilespmem:v61+s17+$0x0], $0xffff;
	_ =	sdelay $0x2  }
0x378: {  	v2 =	vadd.f32 v62, v2;
	_ =	sdelay $0x1  }
0x379: {  	v2 =	vmul.f32 v2, v63;
	_ =	sdelay $0x1  }
0x37a: {  	[tilespmem:s9+$0x80] =	vst v2;
	v2 =	vld [tilespmem:s9+$0x90]  }
0x37b: {  	v62 =	vld [tilespmem:s11+$0x90];
	_ =	sdelay $0x4  }
0x37c: {  	v2 =	vadd.f32 v62, v2;
	_ =	sdelay $0x1  }
0x37d: {  	v62 =	vor.u32 $0x1, v61;
	v2 =	vmul.f32 v2, v63;
	_ =	sdelay $0x1  }
0x37e: {  	[tilespmem:s9+$0x90] =	vst v2;
	v2 =	vld [tilespmem:s9+$0xA0]  }
0x37f: {  	v63 =	vld [tilespmem:s11+$0xA0];
	_ =	sdelay $0x1  }
0x380: {  	v62 =	vld.idx.msk [tilespmem:v62+s17+$0x0], $0xffff;
	_ =	sdelay $0x2  }
0x381: {  	v2 =	vadd.f32 v63, v2;
	_ =	sdelay $0x1  }
0x382: {  	v2 =	vmul.f32 v2, v62;
	_ =	sdelay $0x1  }
0x383: {  	[tilespmem:s9+$0xA0] =	vst v2;
	v2 =	vld [tilespmem:s9+$0xB0]  }
0x384: {  	v63 =	vld [tilespmem:s11+$0xB0];
	_ =	sdelay $0x4  }
0x385: {  	v2 =	vadd.f32 v63, v2;
	_ =	sdelay $0x1  }
0x386: {  	v2 =	vmul.f32 v2, v62;
	v62 =	vor.u32 $0x2, v61;
	_ =	sdelay $0x1  }
0x387: {  	[tilespmem:s9+$0xB0] =	vst v2;
	v2 =	vld [tilespmem:s9+$0xC0]  }
0x388: {  	v63 =	vld [tilespmem:s11+$0xC0];
	_ =	sdelay $0x1  }
0x389: {  	v62 =	vld.idx.msk [tilespmem:v62+s17+$0x0], $0xffff;
	_ =	sdelay $0x2  }
0x38a: {  	v2 =	vadd.f32 v63, v2;
	_ =	sdelay $0x1  }
0x38b: {  	v2 =	vmul.f32 v2, v62;
	_ =	sdelay $0x1  }
0x38c: {  	[tilespmem:s9+$0xC0] =	vst v2;
	v2 =	vld [tilespmem:s9+$0xD0]  }
0x38d: {  	v63 =	vld [tilespmem:s11+$0xD0];
	_ =	sdelay $0x4  }
0x38e: {  	v2 =	vadd.f32 v63, v2;
	_ =	sdelay $0x1  }
0x38f: {  	v61 =	vor.u32 $0x3, v61;
	v2 =	vmul.f32 v2, v62;
	_ =	sdelay $0x1  }
0x390: {  	[tilespmem:s9+$0xD0] =	vst v2;
	v2 =	vld [tilespmem:s9+$0xE0]  }
0x391: {  	v62 =	vld [tilespmem:s11+$0xE0];
	_ =	sdelay $0x1  }
0x392: {  	v63 =	vld.idx.msk [tilespmem:v61+s17+$0x0], $0xffff;
	_ =	sdelay $0x2  }
0x393: {  	v2 =	vadd.f32 v62, v2;
	_ =	sdelay $0x1  }
0x394: {  	v2 =	vmul.f32 v2, v63;
	_ =	sdelay $0x1  }
0x395: {  	[tilespmem:s9+$0xE0] =	vst v2;
	v2 =	vld [tilespmem:s9+$0xF0]  }
0x396: {  	v61 =	vld [tilespmem:s11+$0xF0];
	_ =	sdelay $0x4  }
0x397: {  	s8 =	smov.u32 s15;
	s15 =	simm.s32 $0x20;
	v2 =	vadd.f32 v61, v2  }
0x398: {  	s1 =	simm.s32 $0x17C30;
	s2 =	simm.s32 $0x30;
	v61 =	vmov s15  }
0x399: {  	s3 =	simm.s32 $0x38;
	s4 =	simm.s32 $0x8;
	s5 =	simm.s32 $0x28;
	v62 =	vmul.f32 v2, v63  }
.LBB2_5:
0x39a: {  	p1 =	slt.u32 s4, $0x4C;
	s11 =	sadd.s32 $0x200, s11  }
0x39b: {  	v2 =	vld [tilespmem:s1+$0xFFFFFF00];
	[tilespmem:s9+$0xF0] =	vst v62;
	s15 =	smov.u32 s4;
	s4 =	sadd.s32 $0x4, s4;
	s9 =	smov.u32 s1  }
0x39c: {  	v62 =	vld [tilespmem:s11+$0xFFFFFF00]  }
0x39d: {  	v63 =	vld.idx.msk [tilespmem:v61+s17+$0x0], $0xffff;
	_ =	sdelay $0x3  }
0x39e: {  	v2 =	vadd.f32 v62, v2;
	_ =	sdelay $0x1  }
0x39f: {  	v2 =	vmul.f32 v2, v63;
	_ =	sdelay $0x1  }
0x3a0: {  	[tilespmem:s1+$0xFFFFFF00] =	vst v2;
	v2 =	vld [tilespmem:s1+$0xFFFFFF10]  }
0x3a1: {  	v62 =	vld [tilespmem:s11+$0xFFFFFF10];
	_ =	sdelay $0x4  }
0x3a2: {  	v2 =	vadd.f32 v62, v2  }
0x3a3: {  	v62 =	vor.u32 $0x1, v61  }
0x3a4: {  	v2 =	vmul.f32 v2, v63;
	_ =	sdelay $0x1  }
0x3a5: {  	[tilespmem:s1+$0xFFFFFF10] =	vst v2;
	v2 =	vld [tilespmem:s1+$0xFFFFFF20]  }
0x3a6: {  	v63 =	vld [tilespmem:s11+$0xFFFFFF20]  }
0x3a7: {  	v62 =	vld.idx.msk [tilespmem:v62+s17+$0x0], $0xffff;
	_ =	sdelay $0x3  }
0x3a8: {  	v2 =	vadd.f32 v63, v2;
	_ =	sdelay $0x1  }
0x3a9: {  	v2 =	vmul.f32 v2, v62;
	_ =	sdelay $0x1  }
0x3aa: {  	[tilespmem:s1+$0xFFFFFF20] =	vst v2;
	v2 =	vld [tilespmem:s1+$0xFFFFFF30]  }
0x3ab: {  	v63 =	vld [tilespmem:s11+$0xFFFFFF30];
	_ =	sdelay $0x4  }
0x3ac: {  	v2 =	vadd.f32 v63, v2  }
0x3ad: {  	v63 =	vor.u32 $0x2, v61  }
0x3ae: {  	v2 =	vmul.f32 v2, v62;
	_ =	sdelay $0x1  }
0x3af: {  	[tilespmem:s1+$0xFFFFFF30] =	vst v2;
	v2 =	vld [tilespmem:s1+$0xFFFFFF40]  }
0x3b0: {  	v62 =	vld [tilespmem:s11+$0xFFFFFF40]  }
0x3b1: {  	v63 =	vld.idx.msk [tilespmem:v63+s17+$0x0], $0xffff;
	_ =	sdelay $0x3  }
0x3b2: {  	v2 =	vadd.f32 v62, v2;
	_ =	sdelay $0x1  }
0x3b3: {  	v2 =	vmul.f32 v2, v63;
	_ =	sdelay $0x1  }
0x3b4: {  	[tilespmem:s1+$0xFFFFFF40] =	vst v2;
	v2 =	vld [tilespmem:s1+$0xFFFFFF50]  }
0x3b5: {  	v62 =	vld [tilespmem:s11+$0xFFFFFF50];
	_ =	sdelay $0x4  }
0x3b6: {  	v2 =	vadd.f32 v62, v2  }
0x3b7: {  	v61 =	vor.u32 $0x3, v61  }
0x3b8: {  	v2 =	vmul.f32 v2, v63;
	_ =	sdelay $0x1  }
0x3b9: {  	[tilespmem:s1+$0xFFFFFF50] =	vst v2;
	v2 =	vld [tilespmem:s1+$0xFFFFFF60]  }
0x3ba: {  	v62 =	vld [tilespmem:s11+$0xFFFFFF60]  }
0x3bb: {  	v61 =	vld.idx.msk [tilespmem:v61+s17+$0x0], $0xffff;
	_ =	sdelay $0x3  }
0x3bc: {  	v2 =	vadd.f32 v62, v2;
	_ =	sdelay $0x1  }
0x3bd: {  	v2 =	vmul.f32 v2, v61;
	_ =	sdelay $0x1  }
0x3be: {  	[tilespmem:s1+$0xFFFFFF60] =	vst v2;
	v2 =	vld [tilespmem:s1+$0xFFFFFF70]  }
0x3bf: {  	v62 =	vld [tilespmem:s11+$0xFFFFFF70];
	_ =	sdelay $0x4  }
0x3c0: {  	v2 =	vadd.f32 v62, v2  }
0x3c1: {  	v62 =	vmov s5  }
0x3c2: {  	v2 =	vmul.f32 v2, v61;
	_ =	sdelay $0x1  }
0x3c3: {  	[tilespmem:s1+$0xFFFFFF70] =	vst v2;
	v2 =	vld [tilespmem:s1+$0xFFFFFF80]  }
0x3c4: {  	v61 =	vld [tilespmem:s11+$0xFFFFFF80]  }
0x3c5: {  	v63 =	vld.idx.msk [tilespmem:v62+s17+$0x0], $0xffff;
	_ =	sdelay $0x3  }
0x3c6: {  	v2 =	vadd.f32 v61, v2;
	_ =	sdelay $0x1  }
0x3c7: {  	v2 =	vmul.f32 v2, v63;
	_ =	sdelay $0x1  }
0x3c8: {  	[tilespmem:s1+$0xFFFFFF80] =	vst v2;
	v2 =	vld [tilespmem:s1+$0xFFFFFF90]  }
0x3c9: {  	v61 =	vld [tilespmem:s11+$0xFFFFFF90];
	_ =	sdelay $0x4  }
0x3ca: {  	v2 =	vadd.f32 v61, v2  }
0x3cb: {  	v61 =	vor.u32 $0x1, v62  }
0x3cc: {  	v2 =	vmul.f32 v2, v63;
	_ =	sdelay $0x1  }
0x3cd: {  	[tilespmem:s1+$0xFFFFFF90] =	vst v2;
	v2 =	vld [tilespmem:s1+$0xFFFFFFA0]  }
0x3ce: {  	v63 =	vld [tilespmem:s11+$0xFFFFFFA0]  }
0x3cf: {  	v61 =	vld.idx.msk [tilespmem:v61+s17+$0x0], $0xffff;
	_ =	sdelay $0x3  }
0x3d0: {  	v2 =	vadd.f32 v63, v2;
	_ =	sdelay $0x1  }
0x3d1: {  	v2 =	vmul.f32 v2, v61;
	_ =	sdelay $0x1  }
0x3d2: {  	[tilespmem:s1+$0xFFFFFFA0] =	vst v2;
	v2 =	vld [tilespmem:s1+$0xFFFFFFB0]  }
0x3d3: {  	v63 =	vld [tilespmem:s11+$0xFFFFFFB0];
	_ =	sdelay $0x4  }
0x3d4: {  	v2 =	vadd.f32 v63, v2  }
0x3d5: {  	v63 =	vor.u32 $0x2, v62  }
0x3d6: {  	v2 =	vmul.f32 v2, v61;
	_ =	sdelay $0x1  }
0x3d7: {  	[tilespmem:s1+$0xFFFFFFB0] =	vst v2;
	v2 =	vld [tilespmem:s1+$0xFFFFFFC0]  }
0x3d8: {  	v61 =	vld [tilespmem:s11+$0xFFFFFFC0]  }
0x3d9: {  	v63 =	vld.idx.msk [tilespmem:v63+s17+$0x0], $0xffff;
	_ =	sdelay $0x3  }
0x3da: {  	v2 =	vadd.f32 v61, v2;
	_ =	sdelay $0x1  }
0x3db: {  	v2 =	vmul.f32 v2, v63;
	_ =	sdelay $0x1  }
0x3dc: {  	[tilespmem:s1+$0xFFFFFFC0] =	vst v2;
	v2 =	vld [tilespmem:s1+$0xFFFFFFD0]  }
0x3dd: {  	v61 =	vld [tilespmem:s11+$0xFFFFFFD0];
	_ =	sdelay $0x4  }
0x3de: {  	v2 =	vadd.f32 v61, v2  }
0x3df: {  	v61 =	vor.u32 $0x3, v62  }
0x3e0: {  	v2 =	vmul.f32 v2, v63;
	_ =	sdelay $0x1  }
0x3e1: {  	[tilespmem:s1+$0xFFFFFFD0] =	vst v2;
	v2 =	vld [tilespmem:s1+$0xFFFFFFE0]  }
0x3e2: {  	v62 =	vld [tilespmem:s11+$0xFFFFFFE0]  }
0x3e3: {  	v61 =	vld.idx.msk [tilespmem:v61+s17+$0x0], $0xffff;
	_ =	sdelay $0x3  }
0x3e4: {  	v2 =	vadd.f32 v62, v2;
	_ =	sdelay $0x1  }
0x3e5: {  	v2 =	vmul.f32 v2, v61;
	_ =	sdelay $0x1  }
0x3e6: {  	[tilespmem:s1+$0xFFFFFFE0] =	vst v2;
	v2 =	vld [tilespmem:s1+$0xFFFFFFF0]  }
0x3e7: {  	v62 =	vld [tilespmem:s11+$0xFFFFFFF0];
	_ =	sdelay $0x4  }
0x3e8: {  	v2 =	vadd.f32 v62, v2  }
0x3e9: {  	v62 =	vmov s2  }
0x3ea: {  	v2 =	vmul.f32 v2, v61;
	_ =	sdelay $0x1  }
0x3eb: {  	[tilespmem:s1+$0xFFFFFFF0] =	vst v2;
	v2 =	vld [tilespmem:s1+$0x0]  }
0x3ec: {  	v61 =	vld [tilespmem:s11+$0x0]  }
0x3ed: {  	v63 =	vld.idx.msk [tilespmem:v62+s17+$0x0], $0xffff;
	_ =	sdelay $0x3  }
0x3ee: {  	v2 =	vadd.f32 v61, v2;
	_ =	sdelay $0x1  }
0x3ef: {  	v2 =	vmul.f32 v2, v63;
	_ =	sdelay $0x1  }
0x3f0: {  	[tilespmem:s1+$0x0] =	vst v2;
	v2 =	vld [tilespmem:s1+$0x10]  }
0x3f1: {  	v61 =	vld [tilespmem:s11+$0x10];
	_ =	sdelay $0x4  }
0x3f2: {  	v2 =	vadd.f32 v61, v2  }
0x3f3: {  	v61 =	vor.u32 $0x1, v62  }
0x3f4: {  	v2 =	vmul.f32 v2, v63;
	_ =	sdelay $0x1  }
0x3f5: {  	[tilespmem:s1+$0x10] =	vst v2;
	v2 =	vld [tilespmem:s1+$0x20]  }
0x3f6: {  	v63 =	vld [tilespmem:s11+$0x20]  }
0x3f7: {  	v61 =	vld.idx.msk [tilespmem:v61+s17+$0x0], $0xffff;
	_ =	sdelay $0x3  }
0x3f8: {  	v2 =	vadd.f32 v63, v2;
	_ =	sdelay $0x1  }
0x3f9: {  	v2 =	vmul.f32 v2, v61;
	_ =	sdelay $0x1  }
0x3fa: {  	[tilespmem:s1+$0x20] =	vst v2;
	v2 =	vld [tilespmem:s1+$0x30]  }
0x3fb: {  	v63 =	vld [tilespmem:s11+$0x30];
	_ =	sdelay $0x4  }
0x3fc: {  	v2 =	vadd.f32 v63, v2  }
0x3fd: {  	v63 =	vor.u32 $0x2, v62  }
0x3fe: {  	v2 =	vmul.f32 v2, v61;
	_ =	sdelay $0x1  }
0x3ff: {  	[tilespmem:s1+$0x30] =	vst v2;
	v2 =	vld [tilespmem:s1+$0x40]  }
0x400: {  	v61 =	vld [tilespmem:s11+$0x40]  }
0x401: {  	v63 =	vld.idx.msk [tilespmem:v63+s17+$0x0], $0xffff;
	_ =	sdelay $0x3  }
0x402: {  	v2 =	vadd.f32 v61, v2;
	_ =	sdelay $0x1  }
0x403: {  	v2 =	vmul.f32 v2, v63;
	_ =	sdelay $0x1  }
0x404: {  	[tilespmem:s1+$0x40] =	vst v2;
	v2 =	vld [tilespmem:s1+$0x50]  }
0x405: {  	v61 =	vld [tilespmem:s11+$0x50];
	_ =	sdelay $0x4  }
0x406: {  	v2 =	vadd.f32 v61, v2  }
0x407: {  	v61 =	vor.u32 $0x3, v62  }
0x408: {  	v2 =	vmul.f32 v2, v63;
	_ =	sdelay $0x1  }
0x409: {  	[tilespmem:s1+$0x50] =	vst v2;
	v2 =	vld [tilespmem:s1+$0x60]  }
0x40a: {  	v62 =	vld [tilespmem:s11+$0x60]  }
0x40b: {  	v61 =	vld.idx.msk [tilespmem:v61+s17+$0x0], $0xffff;
	_ =	sdelay $0x3  }
0x40c: {  	v2 =	vadd.f32 v62, v2;
	_ =	sdelay $0x1  }
0x40d: {  	v2 =	vmul.f32 v2, v61;
	_ =	sdelay $0x1  }
0x40e: {  	[tilespmem:s1+$0x60] =	vst v2;
	v2 =	vld [tilespmem:s1+$0x70]  }
0x40f: {  	v62 =	vld [tilespmem:s11+$0x70];
	_ =	sdelay $0x4  }
0x410: {  	v2 =	vadd.f32 v62, v2  }
0x411: {  	v62 =	vmov s3  }
0x412: {  	v2 =	vmul.f32 v2, v61;
	_ =	sdelay $0x1  }
0x413: {  	[tilespmem:s1+$0x70] =	vst v2;
	v2 =	vld [tilespmem:s1+$0x80]  }
0x414: {  	v61 =	vld [tilespmem:s11+$0x80]  }
0x415: {  	v63 =	vld.idx.msk [tilespmem:v62+s17+$0x0], $0xffff;
	_ =	sdelay $0x3  }
0x416: {  	v2 =	vadd.f32 v61, v2;
	_ =	sdelay $0x1  }
0x417: {  	v2 =	vmul.f32 v2, v63;
	_ =	sdelay $0x1  }
0x418: {  	[tilespmem:s1+$0x80] =	vst v2;
	v2 =	vld [tilespmem:s1+$0x90]  }
0x419: {  	v61 =	vld [tilespmem:s11+$0x90];
	_ =	sdelay $0x4  }
0x41a: {  	v2 =	vadd.f32 v61, v2  }
0x41b: {  	v61 =	vor.u32 $0x1, v62  }
0x41c: {  	v2 =	vmul.f32 v2, v63;
	_ =	sdelay $0x1  }
0x41d: {  	[tilespmem:s1+$0x90] =	vst v2;
	v2 =	vld [tilespmem:s1+$0xA0]  }
0x41e: {  	v63 =	vld [tilespmem:s11+$0xA0]  }
0x41f: {  	v61 =	vld.idx.msk [tilespmem:v61+s17+$0x0], $0xffff;
	_ =	sdelay $0x3  }
0x420: {  	v2 =	vadd.f32 v63, v2;
	_ =	sdelay $0x1  }
0x421: {  	v2 =	vmul.f32 v2, v61;
	_ =	sdelay $0x1  }
0x422: {  	[tilespmem:s1+$0xA0] =	vst v2;
	v2 =	vld [tilespmem:s1+$0xB0]  }
0x423: {  	v63 =	vld [tilespmem:s11+$0xB0];
	_ =	sdelay $0x4  }
0x424: {  	v2 =	vadd.f32 v63, v2  }
0x425: {  	v63 =	vor.u32 $0x2, v62  }
0x426: {  	v2 =	vmul.f32 v2, v61;
	_ =	sdelay $0x1  }
0x427: {  	[tilespmem:s1+$0xB0] =	vst v2;
	v2 =	vld [tilespmem:s1+$0xC0]  }
0x428: {  	v61 =	vld [tilespmem:s11+$0xC0]  }
0x429: {  	v63 =	vld.idx.msk [tilespmem:v63+s17+$0x0], $0xffff;
	_ =	sdelay $0x3  }
0x42a: {  	v2 =	vadd.f32 v61, v2;
	_ =	sdelay $0x1  }
0x42b: {  	v2 =	vmul.f32 v2, v63;
	_ =	sdelay $0x1  }
0x42c: {  	[tilespmem:s1+$0xC0] =	vst v2;
	v2 =	vld [tilespmem:s1+$0xD0]  }
0x42d: {  	v61 =	vld [tilespmem:s11+$0xD0];
	_ =	sdelay $0x4  }
0x42e: {  	v2 =	vadd.f32 v61, v2  }
0x42f: {  	v61 =	vor.u32 $0x3, v62  }
0x430: {  	v2 =	vmul.f32 v2, v63;
	_ =	sdelay $0x1  }
0x431: {  	[tilespmem:s1+$0xD0] =	vst v2;
	v2 =	vld [tilespmem:s1+$0xE0]  }
0x432: {  	v62 =	vld [tilespmem:s11+$0xE0]  }
0x433: {  	v63 =	vld.idx.msk [tilespmem:v61+s17+$0x0], $0xffff;
	_ =	sdelay $0x3  }
0x434: {  	v2 =	vadd.f32 v62, v2;
	_ =	sdelay $0x1  }
0x435: {  	v2 =	vmul.f32 v2, v63;
	_ =	sdelay $0x1  }
0x436: {  	[tilespmem:s1+$0xE0] =	vst v2;
	v2 =	vld [tilespmem:s1+$0xF0]  }
0x437: {  	v61 =	vld [tilespmem:s11+$0xF0];
	_ =	sdelay $0x3  }
.Ltmp1:
0x438: {  	(pc) =	sbr.rel @p1 .LBB2_5-.Ltmp1, $4  }
0x439: {  	s3 =	sshll.u32 s15, $0x3;
	v2 =	vadd.f32 v61, v2  }
0x43a: {  	s5 =	sadd.s32 $0x8, s3;
	s2 =	sadd.s32 $0x10, s3;
	v61 =	vmov s3;
	s3 =	sadd.s32 $0x18, s3  }
0x43b: {  	v62 =	vmul.f32 v2, v63  }
0x43c: {  	s1 =	sadd.s32 $0x200, s1  }
0x43d: {  	_ = 	snop  }
0x43e: {  	v2 =	vld [tilespmem:s1+$0xFFFFFF00];
	[tilespmem:s9+$0xF0] =	vst v62;
	s4 =	sadd.s32 $0x200, s11  }
0x43f: {  	v62 =	vld [tilespmem:s4+$0xFFFFFF00];
	_ =	sdelay $0x1  }
0x440: {  	v63 =	vld.idx.msk [tilespmem:v61+s17+$0x0], $0xffff;
	_ =	sdelay $0x2  }
0x441: {  	v2 =	vadd.f32 v62, v2;
	_ =	sdelay $0x1  }
0x442: {  	v2 =	vmul.f32 v2, v63;
	_ =	sdelay $0x1  }
0x443: {  	[tilespmem:s1+$0xFFFFFF00] =	vst v2;
	v2 =	vld [tilespmem:s1+$0xFFFFFF10]  }
0x444: {  	v62 =	vld [tilespmem:s4+$0xFFFFFF10];
	_ =	sdelay $0x4  }
0x445: {  	v2 =	vadd.f32 v62, v2;
	_ =	sdelay $0x1  }
0x446: {  	v62 =	vor.u32 $0x1, v61;
	v2 =	vmul.f32 v2, v63;
	_ =	sdelay $0x1  }
0x447: {  	[tilespmem:s1+$0xFFFFFF10] =	vst v2;
	v2 =	vld [tilespmem:s1+$0xFFFFFF20]  }
0x448: {  	v63 =	vld [tilespmem:s4+$0xFFFFFF20];
	_ =	sdelay $0x1  }
0x449: {  	v62 =	vld.idx.msk [tilespmem:v62+s17+$0x0], $0xffff;
	_ =	sdelay $0x2  }
0x44a: {  	v2 =	vadd.f32 v63, v2;
	_ =	sdelay $0x1  }
0x44b: {  	v2 =	vmul.f32 v2, v62;
	_ =	sdelay $0x1  }
0x44c: {  	[tilespmem:s1+$0xFFFFFF20] =	vst v2;
	v2 =	vld [tilespmem:s1+$0xFFFFFF30]  }
0x44d: {  	v63 =	vld [tilespmem:s4+$0xFFFFFF30];
	_ =	sdelay $0x4  }
0x44e: {  	v2 =	vadd.f32 v63, v2;
	_ =	sdelay $0x1  }
0x44f: {  	v2 =	vmul.f32 v2, v62;
	v62 =	vor.u32 $0x2, v61;
	_ =	sdelay $0x1  }
0x450: {  	[tilespmem:s1+$0xFFFFFF30] =	vst v2;
	v2 =	vld [tilespmem:s1+$0xFFFFFF40]  }
0x451: {  	v63 =	vld [tilespmem:s4+$0xFFFFFF40];
	_ =	sdelay $0x1  }
0x452: {  	v62 =	vld.idx.msk [tilespmem:v62+s17+$0x0], $0xffff;
	_ =	sdelay $0x2  }
0x453: {  	v2 =	vadd.f32 v63, v2;
	_ =	sdelay $0x1  }
0x454: {  	v2 =	vmul.f32 v2, v62;
	_ =	sdelay $0x1  }
0x455: {  	[tilespmem:s1+$0xFFFFFF40] =	vst v2;
	v2 =	vld [tilespmem:s1+$0xFFFFFF50]  }
0x456: {  	v63 =	vld [tilespmem:s4+$0xFFFFFF50];
	_ =	sdelay $0x4  }
0x457: {  	v2 =	vadd.f32 v63, v2;
	_ =	sdelay $0x1  }
0x458: {  	v61 =	vor.u32 $0x3, v61;
	v2 =	vmul.f32 v2, v62;
	_ =	sdelay $0x1  }
0x459: {  	[tilespmem:s1+$0xFFFFFF50] =	vst v2;
	v2 =	vld [tilespmem:s1+$0xFFFFFF60]  }
0x45a: {  	v62 =	vld [tilespmem:s4+$0xFFFFFF60];
	_ =	sdelay $0x1  }
0x45b: {  	v61 =	vld.idx.msk [tilespmem:v61+s17+$0x0], $0xffff;
	_ =	sdelay $0x2  }
0x45c: {  	v2 =	vadd.f32 v62, v2;
	_ =	sdelay $0x1  }
0x45d: {  	v2 =	vmul.f32 v2, v61;
	_ =	sdelay $0x1  }
0x45e: {  	[tilespmem:s1+$0xFFFFFF60] =	vst v2;
	v2 =	vld [tilespmem:s1+$0xFFFFFF70]  }
0x45f: {  	v62 =	vld [tilespmem:s4+$0xFFFFFF70];
	_ =	sdelay $0x4  }
0x460: {  	v2 =	vadd.f32 v62, v2;
	_ =	sdelay $0x1  }
0x461: {  	v2 =	vmul.f32 v2, v61;
	v61 =	vmov s5;
	_ =	sdelay $0x1  }
0x462: {  	[tilespmem:s1+$0xFFFFFF70] =	vst v2;
	v2 =	vld [tilespmem:s1+$0xFFFFFF80]  }
0x463: {  	v62 =	vld [tilespmem:s4+$0xFFFFFF80];
	_ =	sdelay $0x1  }
0x464: {  	v63 =	vld.idx.msk [tilespmem:v61+s17+$0x0], $0xffff;
	_ =	sdelay $0x2  }
0x465: {  	v2 =	vadd.f32 v62, v2;
	_ =	sdelay $0x1  }
0x466: {  	v2 =	vmul.f32 v2, v63;
	_ =	sdelay $0x1  }
0x467: {  	[tilespmem:s1+$0xFFFFFF80] =	vst v2;
	v2 =	vld [tilespmem:s1+$0xFFFFFF90]  }
0x468: {  	v62 =	vld [tilespmem:s4+$0xFFFFFF90];
	_ =	sdelay $0x4  }
0x469: {  	v2 =	vadd.f32 v62, v2;
	_ =	sdelay $0x1  }
0x46a: {  	v62 =	vor.u32 $0x1, v61;
	v2 =	vmul.f32 v2, v63;
	_ =	sdelay $0x1  }
0x46b: {  	[tilespmem:s1+$0xFFFFFF90] =	vst v2;
	v2 =	vld [tilespmem:s1+$0xFFFFFFA0]  }
0x46c: {  	v63 =	vld [tilespmem:s4+$0xFFFFFFA0];
	_ =	sdelay $0x1  }
0x46d: {  	v62 =	vld.idx.msk [tilespmem:v62+s17+$0x0], $0xffff;
	_ =	sdelay $0x2  }
0x46e: {  	v2 =	vadd.f32 v63, v2;
	_ =	sdelay $0x1  }
0x46f: {  	v2 =	vmul.f32 v2, v62;
	_ =	sdelay $0x1  }
0x470: {  	[tilespmem:s1+$0xFFFFFFA0] =	vst v2;
	v2 =	vld [tilespmem:s1+$0xFFFFFFB0]  }
0x471: {  	v63 =	vld [tilespmem:s4+$0xFFFFFFB0];
	_ =	sdelay $0x4  }
0x472: {  	v2 =	vadd.f32 v63, v2;
	_ =	sdelay $0x1  }
0x473: {  	v2 =	vmul.f32 v2, v62;
	v62 =	vor.u32 $0x2, v61;
	_ =	sdelay $0x1  }
0x474: {  	[tilespmem:s1+$0xFFFFFFB0] =	vst v2;
	v2 =	vld [tilespmem:s1+$0xFFFFFFC0]  }
0x475: {  	v63 =	vld [tilespmem:s4+$0xFFFFFFC0];
	_ =	sdelay $0x1  }
0x476: {  	v62 =	vld.idx.msk [tilespmem:v62+s17+$0x0], $0xffff;
	_ =	sdelay $0x2  }
0x477: {  	v2 =	vadd.f32 v63, v2;
	_ =	sdelay $0x1  }
0x478: {  	v2 =	vmul.f32 v2, v62;
	_ =	sdelay $0x1  }
0x479: {  	[tilespmem:s1+$0xFFFFFFC0] =	vst v2;
	v2 =	vld [tilespmem:s1+$0xFFFFFFD0]  }
0x47a: {  	v63 =	vld [tilespmem:s4+$0xFFFFFFD0];
	_ =	sdelay $0x4  }
0x47b: {  	v2 =	vadd.f32 v63, v2;
	_ =	sdelay $0x1  }
0x47c: {  	v61 =	vor.u32 $0x3, v61;
	v2 =	vmul.f32 v2, v62;
	_ =	sdelay $0x1  }
0x47d: {  	[tilespmem:s1+$0xFFFFFFD0] =	vst v2;
	v2 =	vld [tilespmem:s1+$0xFFFFFFE0]  }
0x47e: {  	v62 =	vld [tilespmem:s4+$0xFFFFFFE0];
	_ =	sdelay $0x1  }
0x47f: {  	v61 =	vld.idx.msk [tilespmem:v61+s17+$0x0], $0xffff;
	_ =	sdelay $0x2  }
0x480: {  	v2 =	vadd.f32 v62, v2;
	_ =	sdelay $0x1  }
0x481: {  	v2 =	vmul.f32 v2, v61;
	_ =	sdelay $0x1  }
0x482: {  	[tilespmem:s1+$0xFFFFFFE0] =	vst v2;
	v2 =	vld [tilespmem:s1+$0xFFFFFFF0]  }
0x483: {  	v62 =	vld [tilespmem:s4+$0xFFFFFFF0];
	_ =	sdelay $0x4  }
0x484: {  	v2 =	vadd.f32 v62, v2;
	_ =	sdelay $0x1  }
0x485: {  	v2 =	vmul.f32 v2, v61;
	v61 =	vmov s2;
	_ =	sdelay $0x1  }
0x486: {  	[tilespmem:s1+$0xFFFFFFF0] =	vst v2;
	v2 =	vld [tilespmem:s1+$0x0]  }
0x487: {  	v62 =	vld [tilespmem:s4+$0x0];
	_ =	sdelay $0x1  }
0x488: {  	v63 =	vld.idx.msk [tilespmem:v61+s17+$0x0], $0xffff;
	_ =	sdelay $0x2  }
0x489: {  	v2 =	vadd.f32 v62, v2;
	_ =	sdelay $0x1  }
0x48a: {  	v2 =	vmul.f32 v2, v63;
	_ =	sdelay $0x1  }
0x48b: {  	[tilespmem:s1+$0x0] =	vst v2;
	v2 =	vld [tilespmem:s1+$0x10]  }
0x48c: {  	v62 =	vld [tilespmem:s4+$0x10];
	_ =	sdelay $0x4  }
0x48d: {  	v2 =	vadd.f32 v62, v2;
	_ =	sdelay $0x1  }
0x48e: {  	v62 =	vor.u32 $0x1, v61;
	v2 =	vmul.f32 v2, v63;
	_ =	sdelay $0x1  }
0x48f: {  	[tilespmem:s1+$0x10] =	vst v2;
	v2 =	vld [tilespmem:s1+$0x20]  }
0x490: {  	v63 =	vld [tilespmem:s4+$0x20];
	_ =	sdelay $0x1  }
0x491: {  	v62 =	vld.idx.msk [tilespmem:v62+s17+$0x0], $0xffff;
	_ =	sdelay $0x2  }
0x492: {  	v2 =	vadd.f32 v63, v2;
	_ =	sdelay $0x1  }
0x493: {  	v2 =	vmul.f32 v2, v62;
	_ =	sdelay $0x1  }
0x494: {  	[tilespmem:s1+$0x20] =	vst v2;
	v2 =	vld [tilespmem:s1+$0x30]  }
0x495: {  	v63 =	vld [tilespmem:s4+$0x30];
	_ =	sdelay $0x4  }
0x496: {  	v2 =	vadd.f32 v63, v2;
	_ =	sdelay $0x1  }
0x497: {  	v2 =	vmul.f32 v2, v62;
	v62 =	vor.u32 $0x2, v61;
	_ =	sdelay $0x1  }
0x498: {  	[tilespmem:s1+$0x30] =	vst v2;
	v2 =	vld [tilespmem:s1+$0x40]  }
0x499: {  	v63 =	vld [tilespmem:s4+$0x40];
	_ =	sdelay $0x1  }
0x49a: {  	v62 =	vld.idx.msk [tilespmem:v62+s17+$0x0], $0xffff;
	_ =	sdelay $0x2  }
0x49b: {  	v2 =	vadd.f32 v63, v2;
	_ =	sdelay $0x1  }
0x49c: {  	v2 =	vmul.f32 v2, v62;
	_ =	sdelay $0x1  }
0x49d: {  	[tilespmem:s1+$0x40] =	vst v2;
	v2 =	vld [tilespmem:s1+$0x50]  }
0x49e: {  	v63 =	vld [tilespmem:s4+$0x50];
	_ =	sdelay $0x4  }
0x49f: {  	v2 =	vadd.f32 v63, v2;
	_ =	sdelay $0x1  }
0x4a0: {  	v61 =	vor.u32 $0x3, v61;
	v2 =	vmul.f32 v2, v62;
	_ =	sdelay $0x1  }
0x4a1: {  	[tilespmem:s1+$0x50] =	vst v2;
	v2 =	vld [tilespmem:s1+$0x60]  }
0x4a2: {  	v62 =	vld [tilespmem:s4+$0x60];
	_ =	sdelay $0x1  }
0x4a3: {  	v61 =	vld.idx.msk [tilespmem:v61+s17+$0x0], $0xffff;
	_ =	sdelay $0x2  }
0x4a4: {  	v2 =	vadd.f32 v62, v2;
	_ =	sdelay $0x1  }
0x4a5: {  	v2 =	vmul.f32 v2, v61;
	_ =	sdelay $0x1  }
0x4a6: {  	[tilespmem:s1+$0x60] =	vst v2;
	v2 =	vld [tilespmem:s1+$0x70]  }
0x4a7: {  	v62 =	vld [tilespmem:s4+$0x70];
	_ =	sdelay $0x4  }
0x4a8: {  	v2 =	vadd.f32 v62, v2;
	_ =	sdelay $0x1  }
0x4a9: {  	v2 =	vmul.f32 v2, v61;
	v61 =	vmov s3;
	_ =	sdelay $0x1  }
0x4aa: {  	[tilespmem:s1+$0x70] =	vst v2;
	v2 =	vld [tilespmem:s1+$0x80]  }
0x4ab: {  	v62 =	vld [tilespmem:s4+$0x80];
	_ =	sdelay $0x1  }
0x4ac: {  	v63 =	vld.idx.msk [tilespmem:v61+s17+$0x0], $0xffff;
	_ =	sdelay $0x2  }
0x4ad: {  	v2 =	vadd.f32 v62, v2;
	_ =	sdelay $0x1  }
0x4ae: {  	v2 =	vmul.f32 v2, v63;
	_ =	sdelay $0x1  }
0x4af: {  	[tilespmem:s1+$0x80] =	vst v2;
	v2 =	vld [tilespmem:s1+$0x90]  }
0x4b0: {  	v62 =	vld [tilespmem:s4+$0x90];
	_ =	sdelay $0x4  }
0x4b1: {  	v2 =	vadd.f32 v62, v2;
	_ =	sdelay $0x1  }
0x4b2: {  	v62 =	vor.u32 $0x1, v61;
	v2 =	vmul.f32 v2, v63;
	_ =	sdelay $0x1  }
0x4b3: {  	[tilespmem:s1+$0x90] =	vst v2;
	v2 =	vld [tilespmem:s1+$0xA0]  }
0x4b4: {  	v63 =	vld [tilespmem:s4+$0xA0];
	_ =	sdelay $0x1  }
0x4b5: {  	v62 =	vld.idx.msk [tilespmem:v62+s17+$0x0], $0xffff;
	_ =	sdelay $0x2  }
0x4b6: {  	v2 =	vadd.f32 v63, v2;
	_ =	sdelay $0x1  }
0x4b7: {  	v2 =	vmul.f32 v2, v62;
	_ =	sdelay $0x1  }
0x4b8: {  	[tilespmem:s1+$0xA0] =	vst v2;
	v2 =	vld [tilespmem:s1+$0xB0]  }
0x4b9: {  	v63 =	vld [tilespmem:s4+$0xB0];
	_ =	sdelay $0x4  }
0x4ba: {  	v2 =	vadd.f32 v63, v2;
	_ =	sdelay $0x1  }
0x4bb: {  	v2 =	vmul.f32 v2, v62;
	v62 =	vor.u32 $0x2, v61;
	_ =	sdelay $0x1  }
0x4bc: {  	[tilespmem:s1+$0xB0] =	vst v2;
	v2 =	vld [tilespmem:s1+$0xC0]  }
0x4bd: {  	v63 =	vld [tilespmem:s4+$0xC0];
	_ =	sdelay $0x1  }
0x4be: {  	v62 =	vld.idx.msk [tilespmem:v62+s17+$0x0], $0xffff;
	_ =	sdelay $0x2  }
0x4bf: {  	v2 =	vadd.f32 v63, v2;
	_ =	sdelay $0x1  }
0x4c0: {  	v2 =	vmul.f32 v2, v62;
	_ =	sdelay $0x1  }
0x4c1: {  	[tilespmem:s1+$0xC0] =	vst v2;
	v2 =	vld [tilespmem:s1+$0xD0]  }
0x4c2: {  	v63 =	vld [tilespmem:s4+$0xD0];
	_ =	sdelay $0x4  }
0x4c3: {  	v2 =	vadd.f32 v63, v2;
	_ =	sdelay $0x1  }
0x4c4: {  	v61 =	vor.u32 $0x3, v61;
	v2 =	vmul.f32 v2, v62;
	_ =	sdelay $0x1  }
0x4c5: {  	[tilespmem:s1+$0xD0] =	vst v2;
	v2 =	vld [tilespmem:s1+$0xE0]  }
0x4c6: {  	v62 =	vld [tilespmem:s4+$0xE0];
	_ =	sdelay $0x1  }
0x4c7: {  	v61 =	vld.idx.msk [tilespmem:v61+s17+$0x0], $0xffff;
	_ =	sdelay $0x2  }
0x4c8: {  	v2 =	vadd.f32 v62, v2;
	_ =	sdelay $0x1  }
0x4c9: {  	v2 =	vmul.f32 v2, v61;
	_ =	sdelay $0x1  }
0x4ca: {  	[tilespmem:s1+$0xE0] =	vst v2;
	v2 =	vld [tilespmem:s1+$0xF0]  }
0x4cb: {  	v62 =	vld [tilespmem:s4+$0xF0];
	_ =	sdelay $0x4  }
0x4cc: {  	v2 =	vadd.f32 v62, v2;
	_ =	sdelay $0x1  }
0x4cd: {  	s10 =	sadd.s32 $0x1, s10;
	v2 =	vmul.f32 v2, v61  }
0x4ce: {  	p1 =	sne.s32 s10, $0x7D  }
.Ltmp2:
0x4cf: {  	s15 =	rddreg [dreg:$0x3];
	[tilespmem:s1+$0xF0] =	vst v2;
	(pc) =	sbr.rel @p1 .LBB2_4-.Ltmp2, $4  }
0x4d0: {  	[spmem:s15] =	stream.indirect.scatter.add.f32 [tilespmem:s16], [sflag:$0x5], $0x80, s30, s23, $0xb8;
	[tilespmem:$0x1C930] =	vst v63  }
0x4d1: {  	_ =	swait.ge [sflag:s20], $0x2800  }
0x4d2: {  	[sflag:s20] =	ssyncset.done $0x0  }
0x4d3: {  	s15 =	smov.u32 s8;
	[sflag:s20] =	ssyncadd.s32 $0xFFFFD800  }
0x4d4: {  	[bflag:$0x0] =	sbarrier.arrive $0xFFFF  }
0x4d5: {  	s3 =	rddreg [dreg:$0x8]  }
0x4d6: {  	s1 =	rddreg [dreg:$0xb]  }
0x4d7: {  	s4 =	rddreg [dreg:$0x10]  }
0x4d8: {  	[hbm:s1], [sflag:s3] =	dma.local [spmem:s4], $0x2700  }
0x4d9: {  	_ =	swait.ge [sflag:s20], $0x2700  }
0x4da: {  	[sflag:s20] =	ssyncset.done $0x0;
	s1 =	rddreg [dreg:$0xc]  }
0x4db: {  	s2 =	rddreg [dreg:$0x13];
	[sflag:s20] =	ssyncadd.s32 $0xFFFFD900  }
0x4dc: {  	[hbm:s1], [sflag:s3] =	dma.local @!p0 [spmem:s2], $0x100  }
0x4dd: {  	s1 =	simm.s32 @!p0 $0x5  }
0x4de: {  	_ =	swait.ge @!p0 [sflag:s1], $0x100  }
0x4df: {  	s5 =	rddreg [dreg:$0x12]  }
0x4e0: {  	s21 =	rddreg [dreg:$0xd];
	s5 =	sadd.s32 $0x1, s5  }
0x4e1: {  	p1 =	sne.s32 s5, s21  }
.Ltmp3:
0x4e2: {  	_ = 	snop;
	(pc) =	sbr.rel @p1 .LBB2_1-.Ltmp3, $3  }
0x4e3: {  	_ =	sdelay $0x1  }
0x4e4: {  	[sflag:s1] =	ssyncset.done @!p0 $0x0  }
0x4e5: {  	[sflag:s1] =	ssyncadd.s32 @!p0 $0xFFFFFF00;
	s21 =	simm.s32 $0x0  }
0x4e6: {  	_ =	sfence.sel $0x180000  }
0x4e7: {  	[bflag:$0x0] =	sbarrier.arrive $0xFFFF  }
0x4e8: {  	_ =	strace $0x90000047  }
0x4e9: {  	[bflag:$0x2] =	sbarrier.arrive $0xFFFF  }
0x4ea: {  	s0 =	rddreg [dreg:$0x4]  }
0x4eb: {  	s0 =	sadd.s32 @!p0 $0x100000, s0  }
0x4ec: {  	[sflag:s0] =	ssyncadd.tile.s32 @!p0 $0x1;
	_ =	shalt  }
.Lfunc_end2:
_tile_overlayer_lowered:
.L_overlay_start_2:
0x4ed: {  	(tag) =	ssettag $0x2  }
0x4ee: {  	s0 =	rddreg [dreg:$0x0];
	s2 =	stileid.u32  }
0x4ef: {  	s1 =	rddreg [dreg:$0x1];
	p0 =	sne.s32 s2, $0x0  }
0x4f0: {  	s3 =	rddreg [dreg:$0x2];
	[bflag:$0x3] =	sbarrier.arrive $0xFFFF;
	s2 =	simm.s32 @!p0 $0x1C05  }
0x4f1: {  	[timem:s3], [sflag:s2] =	dma.local @!p0 [hbm:s0], s1  }
0x4f2: {  	s0 =	simm.s32 @!p0 $0x5  }
0x4f3: {  	_ =	swait.ge @!p0 [sflag:s0], s1  }
0x4f4: {  	s1 =	ssub.s32 @!p0 $0x0, s1;
	[sflag:s0] =	ssyncset.done @!p0 $0x0  }
0x4f5: {  	[sflag:s0] =	ssyncadd.s32 @!p0 s1  }
0x4f6: {  	[bflag:$0x3] =	sbarrier.arrive $0xFFFF  }
0x4f7: {  	_ =	shalt  }

</sc_bundles>
